<compile_context>
chip_gen: v7x
topology: tpu7x:2x2x1
jax: 0.10.2.dev20260603
libtpu: 0.0.44.dev20260713+nightly
codegen_flags: <defaults>
</compile_context>

<pallas_src>
import functools

import jax
import jax.numpy as jnp
from jax import lax
from jax.experimental import pallas as pl
from jax.experimental.pallas import tpu as pltpu
from jax.experimental.pallas import tpu_sc as plsc

F32 = jnp.float32
I32 = jnp.int32
H = 128
_NG = 2500
NW = 32
CH = 80
_GRAN = NW * CH


def _silu(x):
    return x * jax.nn.sigmoid(x)


def _ln(h, g, b):
    mu = jnp.mean(h, axis=-1, keepdims=True)
    var = jnp.mean((h - mu) ** 2, axis=-1, keepdims=True)
    return (h - mu) * lax.rsqrt(var + 1e-5) * g + b


def _pick_rows(n, cap=2048):
    best = None
    for cand in range(8, min(n, cap) + 1, 8):
        if n % cand == 0:
            best = cand
    return best if best is not None else n


def _mm(a, b):
    return jnp.dot(a, b, preferred_element_type=F32)



def _rowwise(fn, xs, ws, out_widths, R=None):
    E = xs[0].shape[0]
    if R is None:
        R = _pick_rows(E)
    grid = (E // R,)
    nx, nw = len(xs), len(ws)
    in_specs = [pl.BlockSpec((R, x.shape[1]), lambda i: (i, 0)) for x in xs]
    in_specs += [pl.BlockSpec(w.shape, lambda i: (0, 0)) for w in ws]
    out_specs = [pl.BlockSpec((R, wd), lambda i: (i, 0)) for wd in out_widths]
    out_shape = [jax.ShapeDtypeStruct((E, wd), F32) for wd in out_widths]

    def body(*refs):
        xr = [r[...] for r in refs[:nx]]
        wr = [r[...] for r in refs[nx:nx + nw]]
        outs = fn(*xr, *wr)
        if not isinstance(outs, tuple):
            outs = (outs,)
        for o_ref, o in zip(refs[nx + nw:], outs):
            o_ref[...] = o

    return pl.pallas_call(body, grid=grid, in_specs=in_specs,
                          out_specs=out_specs, out_shape=out_shape)(*xs, *ws)


def _ffb_weights(p):
    ws = [p["W1"], p["b1"].reshape(1, -1), p["W2"], p["b2"].reshape(1, -1)]
    if "g" in p:
        ws += [p["g"].reshape(1, -1), p["beta"].reshape(1, -1)]
    return ws


def _ffb(x, p, act=_silu):
    has_ln = "g" in p

    def fn(xv, w1, b1, w2, b2, *rest):
        h = act(_mm(xv, w1) + b1)
        h = _mm(h, w2) + b2
        if has_ln:
            h = _ln(h, rest[0], rest[1])
        return h

    return _rowwise(fn, [x], _ffb_weights(p), [p["W2"].shape[1]])[0]


def _edge_weights(p):
    w1 = p["W1"]
    return [w1[:H], w1[H:2 * H], w1[2 * H:], p["b1"].reshape(1, -1),
            p["W2"], p["b2"].reshape(1, -1),
            p["g"].reshape(1, -1), p["beta"].reshape(1, -1)]


def _edge_mlp_embed(ns, nr, ef_raw, pe_, p):
    def fn(a, b, x, ew1, eb1, ew2, eb2, eg, ebeta,
           w1a, w1b, w1c, b1, w2, b2, g, beta):
        e = _ln(_mm(_silu(_mm(x, ew1) + eb1), ew2) + eb2, eg, ebeta)
        h = _silu(_mm(a, w1a) + _mm(b, w1b) + _mm(e, w1c) + b1)
        return _ln(_mm(h, w2) + b2, g, beta)

    ws = _ffb_weights(pe_) + _edge_weights(p)
    return _rowwise(fn, [ns, nr, ef_raw], ws, [H])[0]


def _proc_edge_mlp(ns, nr, pe, p):
    def fn(a, b, c, w1a, w1b, w1c, b1, w2, b2, g, beta):
        h = _silu(_mm(a, w1a) + _mm(b, w1b) + _mm(c, w1c) + b1)
        ne = _ln(_mm(h, w2) + b2, g, beta)
        return ne, c + ne

    return _rowwise(fn, [ns, nr, pe], _edge_weights(p), [H, H])


def _node2_weights(p):
    w1 = p["W1"]
    return [w1[:H], w1[H:], p["b1"].reshape(1, -1), p["W2"],
            p["b2"].reshape(1, -1), p["g"].reshape(1, -1),
            p["beta"].reshape(1, -1)]


def _enc_node(n0, p0, p1, cnt, pn, po):
    def fn(nv, a0, a1, cv, w1a, w1b, b1, w2, b2, g, beta,
           w1o, b1o, w2o, b2o):
        agg = (a0 + a1) / jnp.maximum(cv, 1.0)
        h = _silu(_mm(nv, w1a) + _mm(agg, w1b) + b1)
        v = nv + _ln(_mm(h, w2) + b2, g, beta)
        h2 = _silu(_mm(v, w1o) + b1o)
        return _mm(h2, w2o) + b2o

    ws = _node2_weights(pn) + [po["W1"], po["b1"].reshape(1, -1),
                               po["W2"], po["b2"].reshape(1, -1)]
    return _rowwise(fn, [n0, p0, p1, cnt], ws, [H])[0]


def _proc_node(nl, p0, p1, cnt, pn):
    def fn(nv, a0, a1, cv, w1a, w1b, b1, w2, b2, g, beta):
        agg = (a0 + a1) / jnp.maximum(cv, 1.0)
        h = _silu(_mm(nv, w1a) + _mm(agg, w1b) + b1)
        return nv + _ln(_mm(h, w2) + b2, g, beta)

    return _rowwise(fn, [nl, p0, p1, cnt], _node2_weights(pn), [H])[0]


def _dec_node(n, p0, p1, cnt, pn, po):
    dout = po["W2"].shape[1]

    def fn(nv, a0, a1, cv, w1a, w1b, b1, w2, b2, g, beta,
           w1o, b1o, w2o, b2o):
        agg = (a0 + a1) / jnp.maximum(cv, 1.0)
        h = _silu(_mm(nv, w1a) + _mm(agg, w1b) + b1)
        nn2 = _ln(_mm(h, w2) + b2, g, beta)
        h2 = jax.nn.sigmoid(_mm(nn2, w1o) + b1o)
        return _mm(h2, w2o) + b2o

    ws = _node2_weights(pn) + [po["W1"], po["b1"].reshape(1, -1),
                               po["W2"], po["b2"].reshape(1, -1)]
    return _rowwise(fn, [n, p0, p1, cnt], ws, [dout])[0]



def _sc_mesh():
    return plsc.VectorSubcoreMesh(core_axis_name="c", subcore_axis_name="s")


def _sc_gather_pair(t1, i1_3d, t2, i2_3d):
    nch = i1_3d.shape[1]
    rows = nch * CH
    E = NW * rows
    G2 = nch // 2
    tail = nch % 2 == 1
    i1f = i1_3d.reshape(-1)
    i2f = i2_3d.reshape(-1)

    scratch = [pltpu.VMEM((CH,), I32) for _ in range(4)]
    scratch += [pltpu.VMEM((CH, H), F32) for _ in range(4)]
    scratch += [pltpu.SemaphoreType.DMA] * 6

    @functools.partial(
        pl.kernel, mesh=_sc_mesh(),
        out_type=(jax.ShapeDtypeStruct((E, H), F32),
                  jax.ShapeDtypeStruct((E, H), F32)),
        scratch_types=scratch,
    )
    def k(t1r, i1r, t2r, i2r, o1r, o2r, *rest):
        iv1 = rest[0:2]
        iv2 = rest[2:4]
        gb1 = rest[4:6]
        gb2 = rest[6:8]
        smv = rest[8:10]
        smg = rest[10:12]
        smw = rest[12:14]
        wid = lax.axis_index("s") * 2 + lax.axis_index("c")
        base0 = wid * rows

        def fire_i(p, c):
            off = base0 + c * CH
            pltpu.async_copy(i1r.at[pl.ds(off, CH)], iv1[p], smv[p])
            pltpu.async_copy(i2r.at[pl.ds(off, CH)], iv2[p], smv[p])

        def wait_i(p):
            pltpu.make_async_copy(i1r.at[pl.ds(base0, CH)], iv1[p],
                                  smv[p]).wait()
            pltpu.make_async_copy(i2r.at[pl.ds(base0, CH)], iv2[p],
                                  smv[p]).wait()

        def fire_g(p):
            pltpu.async_copy(t1r.at[iv1[p]], gb1[p], smg[p])
            pltpu.async_copy(t2r.at[iv2[p]], gb2[p], smg[p])

        def wait_g(p):
            pltpu.make_async_copy(t1r.at[iv1[p]], gb1[p], smg[p]).wait()
            pltpu.make_async_copy(t2r.at[iv2[p]], gb2[p], smg[p]).wait()

        def fire_w(p, c):
            off = base0 + c * CH
            pltpu.async_copy(gb1[p], o1r.at[pl.ds(off, CH)], smw[p])
            pltpu.async_copy(gb2[p], o2r.at[pl.ds(off, CH)], smw[p])

        def wait_w(p):
            pltpu.make_async_copy(gb1[p], o1r.at[pl.ds(base0, CH)],
                                  smw[p]).wait()
            pltpu.make_async_copy(gb2[p], o2r.at[pl.ds(base0, CH)],
                                  smw[p]).wait()

        fire_i(0, 0)

        def body(i, carry):
            a = 2 * i
            wait_i(0)
            fire_i(1, a + 1)
            fire_g(0)
            wait_g(0)
            fire_w(0, a)
            wait_i(1)

            @pl.when(i > 0)
            def _():
                wait_w(1)

            fire_g(1)

            @pl.when(i + 1 < G2)
            def _():
                fire_i(0, a + 2)

            wait_g(1)
            fire_w(1, a + 1)
            wait_w(0)
            return carry

        lax.fori_loop(0, G2, body, 0)
        wait_w(1)
        if tail:
            c = nch - 1
            fire_i(0, c)
            wait_i(0)
            fire_g(0)
            wait_g(0)
            fire_w(0, c)
            wait_w(0)

    return k(t1, i1f, t2, i2f)


def _sc_scatter(vals, idx_flat, npad):
    E = idx_flat.shape[0]
    rows = E // NW
    nch = rows // CH
    assert vals.shape[0] == E and npad % 128 == 0, (vals.shape, E, npad)
    G2 = nch // 2
    tail = nch % 2 == 1
    zr = npad // 16
    zrows = jnp.zeros((zr, H), F32)
    ones = jnp.ones((CH, H), F32)

    scratch = [pltpu.VMEM((CH, H), F32) for _ in range(2)]
    scratch += [pltpu.VMEM((CH,), I32) for _ in range(2)]
    scratch += [pltpu.VMEM((CH, H), F32)]
    scratch += [pltpu.VMEM_SHARED((npad, H), F32)]
    scratch += [pltpu.SemaphoreType.DMA] * 4

    @functools.partial(
        pl.kernel, mesh=_sc_mesh(),
        out_type=(jax.ShapeDtypeStruct((2, npad, H), F32),
                  jax.ShapeDtypeStruct((2, npad, H), F32)),
        scratch_types=scratch,
    )
    def k(valsr, idxr, zrr, onesr, sumsr, cntr, *rest):
        vb = rest[0:2]
        ivc = rest[2:4]
        ob = rest[4]
        acc = rest[5]
        smv = rest[6:8]
        sma = rest[8:10]
        cid = lax.axis_index("c")
        sid = lax.axis_index("s")
        wid = sid * 2 + cid
        base0 = wid * rows

        def zero_acc():
            pltpu.sync_copy(zrr, acc.at[pl.ds(sid * zr, zr)])

        def fire_v(p, c, with_vals):
            off = base0 + c * CH
            if with_vals:
                pltpu.async_copy(valsr.at[pl.ds(off, CH)], vb[p], smv[p])
            pltpu.async_copy(idxr.at[pl.ds(off, CH)], ivc[p], smv[p])

        def wait_v(p, with_vals):
            if with_vals:
                pltpu.make_async_copy(valsr.at[pl.ds(base0, CH)], vb[p],
                                      smv[p]).wait()
            pltpu.make_async_copy(idxr.at[pl.ds(base0, CH)], ivc[p],
                                  smv[p]).wait()

        def fire_a(p, src):
            pltpu.async_copy(src, acc.at[ivc[p]], sma[p], add=True)

        def wait_a(p, src):
            pltpu.make_async_copy(src, acc.at[ivc[p]], sma[p]).wait()

        def phase(with_vals, outr):
            zero_acc()
            plsc.subcore_barrier()
            src = (lambda p: vb[p]) if with_vals else (lambda p: ob)
            fire_v(0, 0, with_vals)

            def body(i, carry):
                a = 2 * i
                wait_v(0, with_vals)
                fire_v(1, a + 1, with_vals)
                fire_a(0, src(0))
                wait_v(1, with_vals)
                wait_a(0, src(0))

                @pl.when(i + 1 < G2)
                def _():
                    fire_v(0, a + 2, with_vals)

                fire_a(1, src(1))
                wait_a(1, src(1))
                return carry

            lax.fori_loop(0, G2, body, 0)
            if tail:
                c = nch - 1
                fire_v(0, c, with_vals)
                wait_v(0, with_vals)
                fire_a(0, src(0))
                wait_a(0, src(0))
            plsc.subcore_barrier()
            pltpu.sync_copy(acc.at[pl.ds(sid * zr, zr)],
                            outr.at[cid, pl.ds(sid * zr, zr)])

        pltpu.sync_copy(onesr, ob)
        phase(True, sumsr)
        plsc.subcore_barrier()
        phase(False, cntr)

    return k(vals, idx_flat, zrows, ones)


def _unpack_counts(cntp, n):
    return cntp[0, :n, :1] + cntp[1, :n, :1]


def _pad_to(x, n, value):
    if x.shape[0] == n:
        return x
    pad = [(0, n - x.shape[0])] + [(0, 0)] * (x.ndim - 1)
    return jnp.pad(x, pad, constant_values=value)


def _idx3(col, ep, fill=None):
    e = col.shape[0]
    if e != ep:
        if fill is None:
            col = jnp.concatenate(
                [col, (jnp.arange(ep - e, dtype=col.dtype) % _NG)])
        else:
            col = _pad_to(col, ep, fill)
    return col.reshape(NW, ep // (NW * CH), CH)



def kernel(pc2g_edge_idx, pc2g_edge_features, pc2g_node_features,
           g2g_edge_idx, g2g_edge_features, g2pc_edge_idx, g2pc_edge_features,
           params):
    NPC = pc2g_node_features.shape[0]
    NG = _NG
    NGP = ((NG + 1 + 127) // 128) * 128
    NPCP = ((NPC + 1 + 127) // 128) * 128
    E1 = pc2g_edge_idx.shape[0]
    E2 = g2g_edge_idx.shape[0]
    E3 = g2pc_edge_idx.shape[0]
    E1P = ((E1 + _GRAN - 1) // _GRAN) * _GRAN
    E2P = ((E2 + _GRAN - 1) // _GRAN) * _GRAN
    E3P = ((E3 + _GRAN - 1) // _GRAN) * _GRAN
    gmod = globals()
    gather_pair = gmod["_sc_gather_pair"]
    scatter = gmod["_sc_scatter"]

    enc, proc, dec = params["enc"], params["proc"], params["dec"]

    ef1 = _pad_to(pc2g_edge_features, E1P, 0.0)
    n_full = _ffb(_pad_to(pc2g_node_features, NPCP, 0.0), enc["embed_node"])
    s1g = _idx3(pc2g_edge_idx[:, 0], E1P)
    r1g = _idx3(pc2g_edge_idx[:, 1], E1P)
    r1f = _pad_to(pc2g_edge_idx[:, 1], E1P, NG)
    ns, nr = gather_pair(n_full, s1g, n_full, r1g)
    e2 = _edge_mlp_embed(ns, nr, ef1, enc["embed_edge"], enc["gn_edge"])
    sums, cntp1 = scatter(e2, r1f, NGP)
    n_lat = _enc_node(n_full[:NGP], sums[0], sums[1],
                      _unpack_counts(cntp1, NGP),
                      enc["gn_node"], enc["out"])

    pe = _ffb(_pad_to(g2g_edge_features, E2P, 0.0), proc["embed_edge"])
    s2g = _idx3(g2g_edge_idx[:, 0], E2P)
    r2g = _idx3(g2g_edge_idx[:, 1], E2P)
    r2f = _pad_to(g2g_edge_idx[:, 1], E2P, NG)

    def round_fn(carry, gp):
        nl, pev = carry
        ns2, nr2 = gather_pair(nl, s2g, nl, r2g)
        ne, pev = _proc_edge_mlp(ns2, nr2, pev, gp["edge"])
        sums2, cntp2 = scatter(ne, r2f, NGP)
        nl = _proc_node(nl, sums2[0], sums2[1],
                        _unpack_counts(cntp2, NGP), gp["node"])
        return (nl, pev), None

    stacked = jax.tree.map(lambda *xs: jnp.stack(xs), *proc["gn"])
    (n_lat, pe), _ = lax.scan(round_fn, (n_lat, pe), stacked)
    n_lat = _ffb(n_lat, proc["out"])

    ef3 = _pad_to(g2pc_edge_features, E3P, 0.0)
    s3g = _idx3(g2pc_edge_idx[:, 0], E3P)
    r3g = _idx3(g2pc_edge_idx[:, 1], E3P)
    r3f = _pad_to(g2pc_edge_idx[:, 1], E3P, NPC)
    ns3, nr3 = gather_pair(n_lat, s3g, n_full, r3g)
    de2 = _edge_mlp_embed(ns3, nr3, ef3, dec["embed_edge"],
                          dec["proc_edge"])
    sums3, cntp3 = scatter(de2, r3f, NPCP)
    out = _dec_node(n_full[:NPC], sums3[0, :NPC], sums3[1, :NPC],
                    _unpack_counts(cntp3, NPC),
                    dec["proc_node"], dec["out"])
    return out

# --- scband reference (transcript-rebuilt; emitter-appended) ---
"""Pipeline reference for scband-rigno-sr-71949292142784 (READ-ONLY COPY).

The authoritative reference and input builder live on the scoring server;
editing this copy changes nothing except your own understanding.
"""

import jax, jax.numpy as jnp
import numpy as np

N_PC = 10000
N_GRID = 2500
H = 128
DE = 4
DN = 128
DOUT = 3
E1 = 320000
E2 = 40000
E3 = 320000


def silu(x):
    return x * jax.nn.sigmoid(x)


def init_ffb(key, sizes, ln):
    a, b, c = sizes
    k1, k2 = jax.random.split(key)
    p = {"W1": 0.02 * jax.random.normal(k1, (a, b), jnp.float32),
         "b1": jnp.zeros((b,), jnp.float32),
         "W2": 0.02 * jax.random.normal(k2, (b, c), jnp.float32),
         "b2": jnp.zeros((c,), jnp.float32)}
    if ln:
        p["g"] = jnp.ones((c,), jnp.float32)
        p["beta"] = jnp.zeros((c,), jnp.float32)
    return p


def ffb(p, x, act):
    h = act(x @ p["W1"] + p["b1"])
    h = h @ p["W2"] + p["b2"]
    if "g" in p:
        mu = jnp.mean(h, axis=-1, keepdims=True)
        var = jnp.var(h, axis=-1, keepdims=True)
        h = (h - mu) / jnp.sqrt(var + 1e-5) * p["g"] + p["beta"]
    return h


def scatter_mean(vals, idx, n):
    s = jax.ops.segment_sum(vals, idx, num_segments=n)
    cnt = jax.ops.segment_sum(jnp.ones((vals.shape[0], 1), vals.dtype), idx, num_segments=n)
    return s / jnp.maximum(cnt, 1.0)


def init_params(key):
    kp = jax.random.split(key, 24)
    enc = {"embed_edge": init_ffb(kp[0], (DE, H, H), True),
           "embed_node": init_ffb(kp[1], (DN, H, H), True),
           "gn_edge": init_ffb(kp[2], (3 * H, H, H), True),
           "gn_node": init_ffb(kp[3], (2 * H, H, H), True),
           "out": init_ffb(kp[4], (H, H, H), False)}
    gn = [{"edge": init_ffb(kp[5 + 2 * i], (3 * H, H, H), True),
           "node": init_ffb(kp[6 + 2 * i], (2 * H, H, H), True)} for i in range(4)]
    proc = {"embed_edge": init_ffb(kp[13], (DE, H, H), True),
            "gn": gn,
            "out": init_ffb(kp[14], (H, H, H), False)}
    dec = {"embed_edge": init_ffb(kp[15], (DE, H, H), True),
           "proc_edge": init_ffb(kp[16], (3 * H, H, H), True),
           "proc_node": init_ffb(kp[17], (2 * H, H, H), True),
           "out": init_ffb(kp[18], (H, H, DOUT), False)}
    return {"enc": enc, "proc": proc, "dec": dec}


def setup_inputs(seed: int = 0):
    key = jax.random.key(seed)
    ks = jax.random.split(key, 12)
    pc2g_edge_idx = jnp.stack([jax.random.randint(ks[0], (E1,), 0, N_PC),
                               jax.random.randint(ks[1], (E1,), 0, N_GRID)], axis=-1)
    g2g_edge_idx = jnp.stack([jax.random.randint(ks[2], (E2,), 0, N_GRID),
                              jax.random.randint(ks[3], (E2,), 0, N_GRID)], axis=-1)
    g2pc_edge_idx = jnp.stack([jax.random.randint(ks[4], (E3,), 0, N_GRID),
                               jax.random.randint(ks[5], (E3,), 0, N_PC)], axis=-1)
    return {"pc2g_edge_idx": pc2g_edge_idx,
            "pc2g_edge_features": jax.random.normal(ks[6], (E1, DE), jnp.float32),
            "pc2g_node_features": jax.random.normal(ks[7], (N_PC, DN), jnp.float32),
            "g2g_edge_idx": g2g_edge_idx,
            "g2g_edge_features": jax.random.normal(ks[8], (E2, DE), jnp.float32),
            "g2pc_edge_idx": g2pc_edge_idx,
            "g2pc_edge_features": jax.random.normal(ks[9], (E3, DE), jnp.float32),
            "params": init_params(ks[10])}


def forward(params, pc2g_edge_idx, pc2g_ef, pc2g_nf, g2g_edge_idx, g2g_ef, g2pc_edge_idx, g2pc_ef):
    enc = params["enc"]
    e = ffb(enc["embed_edge"], pc2g_ef, silu)
    n = ffb(enc["embed_node"], pc2g_nf, silu)
    s, r = pc2g_edge_idx[:, 0], pc2g_edge_idx[:, 1]
    e2 = ffb(enc["gn_edge"], jnp.concatenate([n[s], n[r], e], axis=-1), silu)
    agg = scatter_mean(e2, r, N_GRID)
    n_lat = ffb(enc["gn_node"], jnp.concatenate([n[:N_GRID], agg], axis=-1), silu)
    n_lat = n_lat + n[:N_GRID]
    n_lat = ffb(enc["out"], n_lat, silu)
    proc = params["proc"]
    pe = ffb(proc["embed_edge"], g2g_ef, silu)
    s2, r2 = g2g_edge_idx[:, 0], g2g_edge_idx[:, 1]
    for gp in proc["gn"]:
        ne = ffb(gp["edge"], jnp.concatenate([n_lat[s2], n_lat[r2], pe], axis=-1), silu)
        agg2 = scatter_mean(ne, r2, N_GRID)
        nn = ffb(gp["node"], jnp.concatenate([n_lat, agg2], axis=-1), silu)
        pe = pe + ne
        n_lat = n_lat + nn
    n_lat = ffb(proc["out"], n_lat, silu)
    dec = params["dec"]
    de = ffb(dec["embed_edge"], g2pc_ef, silu)
    s3, r3 = g2pc_edge_idx[:, 0], g2pc_edge_idx[:, 1]
    de2 = ffb(dec["proc_edge"], jnp.concatenate([n_lat[s3], n[r3], de], axis=-1), silu)
    agg3 = scatter_mean(de2, r3, N_PC)
    nn2 = ffb(dec["proc_node"], jnp.concatenate([n, agg3], axis=-1), silu)
    out = ffb(dec["out"], nn2, jax.nn.sigmoid)
    return out


def reference(pc2g_edge_idx, pc2g_edge_features, pc2g_node_features, g2g_edge_idx, g2g_edge_features, g2pc_edge_idx, g2pc_edge_features, params):
    return forward(params, pc2g_edge_idx, pc2g_edge_features, pc2g_node_features, g2g_edge_idx, g2g_edge_features, g2pc_edge_idx, g2pc_edge_features)

if __name__ == "__main__":
    import jax
    _d = setup_inputs()
    print(jax.jit(kernel)(*tuple(_d.values())))

</pallas_src>

<mosaic_0001>
#map = affine_map<(d0, d1) -> (0, 0)>
#map1 = affine_map<(d0, d1) -> (0)>
module attributes {stable_mosaic.version = 14 : i64} {
  func.func @k(%arg0: i32, %arg1: i32, %arg2: memref<10112x128xf32, #tpu.memory_space<hbm>>, %arg3: memref<320000xi32, #tpu.memory_space<hbm>>, %arg4: memref<10112x128xf32, #tpu.memory_space<hbm>>, %arg5: memref<320000xi32, #tpu.memory_space<hbm>>, %arg6: memref<320000x128xf32, #tpu.memory_space<hbm>>, %arg7: memref<320000x128xf32, #tpu.memory_space<hbm>>, %arg8: memref<80xi32, #tpu.memory_space<vmem>>, %arg9: memref<80xi32, #tpu.memory_space<vmem>>, %arg10: memref<80xi32, #tpu.memory_space<vmem>>, %arg11: memref<80xi32, #tpu.memory_space<vmem>>, %arg12: memref<80x128xf32, #tpu.memory_space<vmem>>, %arg13: memref<80x128xf32, #tpu.memory_space<vmem>>, %arg14: memref<80x128xf32, #tpu.memory_space<vmem>>, %arg15: memref<80x128xf32, #tpu.memory_space<vmem>>, %arg16: memref<!tpu.dma_semaphore, #tpu.memory_space<semaphore_mem>>, %arg17: memref<!tpu.dma_semaphore, #tpu.memory_space<semaphore_mem>>, %arg18: memref<!tpu.dma_semaphore, #tpu.memory_space<semaphore_mem>>, %arg19: memref<!tpu.dma_semaphore, #tpu.memory_space<semaphore_mem>>, %arg20: memref<!tpu.dma_semaphore, #tpu.memory_space<semaphore_mem>>, %arg21: memref<!tpu.dma_semaphore, #tpu.memory_space<semaphore_mem>>) attributes {dimension_semantics = [#tpu.dimension_semantics<core_parallel>, #tpu.dimension_semantics<subcore_parallel>], iteration_bounds = array<i64: 2, 16>, scalar_prefetch = 0 : i64, scratch_operands = 14 : i64, tpu.core_type = #tpu.core_type<sc_vector_subcore>, window_params = [{transform_indices = #map}, {transform_indices = #map1}, {transform_indices = #map}, {transform_indices = #map1}, {transform_indices = #map}, {transform_indices = #map}]} {
    %mul3A = arith.constant 2 : i32
    %mul3A_0 = arith.muli %arg1, %mul3A : i32
    %add3A = arith.addi %mul3A_0, %arg0 : i32
    %mul3A_1 = arith.constant 10000 : i32
    %mul3A_2 = arith.muli %add3A, %mul3A_1 : i32
    %add3A_3 = arith.constant 0 : i32
    %add3A_4 = arith.addi %mul3A_2, %add3A_3 : i32
    %dma_start3A = tpu.memref_slice %arg3[%add3A_4] : memref<320000xi32, #tpu.memory_space<hbm>> -> memref<80xi32, #tpu.memory_space<hbm>>
    %dma_start3A_5 = tpu.memref_slice %arg3[%add3A_4] : memref<320000xi32, #tpu.memory_space<hbm>> -> memref<80xi32, #tpu.memory_space<hbm>>
    tpu.enqueue_dma source(%dma_start3A_5 : memref<80xi32, #tpu.memory_space<hbm>>) target(%arg8 : memref<80xi32, #tpu.memory_space<vmem>>) target_semaphore(%arg16 : memref<!tpu.dma_semaphore, #tpu.memory_space<semaphore_mem>>)
    %dma_start3A_6 = tpu.memref_slice %arg5[%add3A_4] : memref<320000xi32, #tpu.memory_space<hbm>> -> memref<80xi32, #tpu.memory_space<hbm>>
    %dma_start3A_7 = tpu.memref_slice %arg5[%add3A_4] : memref<320000xi32, #tpu.memory_space<hbm>> -> memref<80xi32, #tpu.memory_space<hbm>>
    tpu.enqueue_dma source(%dma_start3A_7 : memref<80xi32, #tpu.memory_space<hbm>>) target(%arg10 : memref<80xi32, #tpu.memory_space<vmem>>) target_semaphore(%arg16 : memref<!tpu.dma_semaphore, #tpu.memory_space<semaphore_mem>>)
    %scan3A = arith.constant 0 : i32
    %scan3A_8 = arith.constant 0 : i32
    %scan3A_9 = arith.constant 62 : i32
    %scan3A_10 = arith.addi %scan3A_8, %scan3A_9 : i32
    %scan3A_11 = arith.constant 1 : i32
    scf.for %scan3A_60 = %scan3A_8 to %scan3A_10 step %scan3A_11  : i32 {
      %mul3A_61 = arith.constant 2 : i32
      %mul3A_62 = arith.muli %mul3A_61, %scan3A_60 : i32
      %dma_wait3A_63 = tpu.memref_slice %arg3[%mul3A_2] : memref<320000xi32, #tpu.memory_space<hbm>> -> memref<80xi32, #tpu.memory_space<hbm>>
      %dma_wait3A_64 = tpu.memref_slice %arg3[%mul3A_2] : memref<320000xi32, #tpu.memory_space<hbm>> -> memref<80xi32, #tpu.memory_space<hbm>>
      tpu.wait_dma2 semaphore(%arg16 : memref<!tpu.dma_semaphore, #tpu.memory_space<semaphore_mem>>) src(%dma_wait3A_64 : memref<80xi32, #tpu.memory_space<hbm>>) dst(%arg8 : memref<80xi32, #tpu.memory_space<vmem>>)
      %dma_wait3A_65 = tpu.memref_slice %arg5[%mul3A_2] : memref<320000xi32, #tpu.memory_space<hbm>> -> memref<80xi32, #tpu.memory_space<hbm>>
      %dma_wait3A_66 = tpu.memref_slice %arg5[%mul3A_2] : memref<320000xi32, #tpu.memory_space<hbm>> -> memref<80xi32, #tpu.memory_space<hbm>>
      tpu.wait_dma2 semaphore(%arg16 : memref<!tpu.dma_semaphore, #tpu.memory_space<semaphore_mem>>) src(%dma_wait3A_66 : memref<80xi32, #tpu.memory_space<hbm>>) dst(%arg10 : memref<80xi32, #tpu.memory_space<vmem>>)
      %add3A_67 = arith.constant 1 : i32
      %add3A_68 = arith.addi %mul3A_62, %add3A_67 : i32
      %mul3A_69 = arith.constant 80 : i32
      %mul3A_70 = arith.muli %add3A_68, %mul3A_69 : i32
      %add3A_71 = arith.addi %mul3A_2, %mul3A_70 : i32
      %dma_start3A_72 = tpu.memref_slice %arg3[%add3A_71] : memref<320000xi32, #tpu.memory_space<hbm>> -> memref<80xi32, #tpu.memory_space<hbm>>
      %dma_start3A_73 = tpu.memref_slice %arg3[%add3A_71] : memref<320000xi32, #tpu.memory_space<hbm>> -> memref<80xi32, #tpu.memory_space<hbm>>
      tpu.enqueue_dma source(%dma_start3A_73 : memref<80xi32, #tpu.memory_space<hbm>>) target(%arg9 : memref<80xi32, #tpu.memory_space<vmem>>) target_semaphore(%arg17 : memref<!tpu.dma_semaphore, #tpu.memory_space<semaphore_mem>>)
      %dma_start3A_74 = tpu.memref_slice %arg5[%add3A_71] : memref<320000xi32, #tpu.memory_space<hbm>> -> memref<80xi32, #tpu.memory_space<hbm>>
      %dma_start3A_75 = tpu.memref_slice %arg5[%add3A_71] : memref<320000xi32, #tpu.memory_space<hbm>> -> memref<80xi32, #tpu.memory_space<hbm>>
      tpu.enqueue_dma source(%dma_start3A_75 : memref<80xi32, #tpu.memory_space<hbm>>) target(%arg11 : memref<80xi32, #tpu.memory_space<vmem>>) target_semaphore(%arg17 : memref<!tpu.dma_semaphore, #tpu.memory_space<semaphore_mem>>)
      %dma_start3A_76 = arith.constant 0 : i32
      %dma_start3A_77 = arith.constant 0 : i32
      %dma_start3A_78 = tpu.memref_slice %arg2[%dma_start3A_76, %dma_start3A_77] : memref<10112x128xf32, #tpu.memory_space<hbm>> -> memref<10112x128xf32, #tpu.memory_space<hbm>>
      tpu.enqueue_indirect_dma source(%dma_start3A_78 : memref<10112x128xf32, #tpu.memory_space<hbm>>) target(%arg12 : memref<80x128xf32, #tpu.memory_space<vmem>>) offsets(%arg8 : memref<80xi32, #tpu.memory_space<vmem>>) semaphore(%arg18 : memref<!tpu.dma_semaphore, #tpu.memory_space<semaphore_mem>>)
      %dma_start3A_79 = arith.constant 0 : i32
      %dma_start3A_80 = arith.constant 0 : i32
      %dma_start3A_81 = tpu.memref_slice %arg4[%dma_start3A_79, %dma_start3A_80] : memref<10112x128xf32, #tpu.memory_space<hbm>> -> memref<10112x128xf32, #tpu.memory_space<hbm>>
      tpu.enqueue_indirect_dma source(%dma_start3A_81 : memref<10112x128xf32, #tpu.memory_space<hbm>>) target(%arg14 : memref<80x128xf32, #tpu.memory_space<vmem>>) offsets(%arg10 : memref<80xi32, #tpu.memory_space<vmem>>) semaphore(%arg18 : memref<!tpu.dma_semaphore, #tpu.memory_space<semaphore_mem>>)
      %dma_wait3A_82 = arith.constant 0 : i32
      %dma_wait3A_83 = arith.constant 0 : i32
      %dma_wait3A_84 = tpu.memref_slice %arg2[%dma_wait3A_82, %dma_wait3A_83] : memref<10112x128xf32, #tpu.memory_space<hbm>> -> memref<10112x128xf32, #tpu.memory_space<hbm>>
      tpu.wait_indirect_dma semaphore(%arg18 : memref<!tpu.dma_semaphore, #tpu.memory_space<semaphore_mem>>) src(%dma_wait3A_84 : memref<10112x128xf32, #tpu.memory_space<hbm>>) dst(%arg12 : memref<80x128xf32, #tpu.memory_space<vmem>>)
      %dma_wait3A_85 = arith.constant 0 : i32
      %dma_wait3A_86 = arith.constant 0 : i32
      %dma_wait3A_87 = tpu.memref_slice %arg4[%dma_wait3A_85, %dma_wait3A_86] : memref<10112x128xf32, #tpu.memory_space<hbm>> -> memref<10112x128xf32, #tpu.memory_space<hbm>>
      tpu.wait_indirect_dma semaphore(%arg18 : memref<!tpu.dma_semaphore, #tpu.memory_space<semaphore_mem>>) src(%dma_wait3A_87 : memref<10112x128xf32, #tpu.memory_space<hbm>>) dst(%arg14 : memref<80x128xf32, #tpu.memory_space<vmem>>)
      %mul3A_88 = arith.constant 80 : i32
      %mul3A_89 = arith.muli %mul3A_62, %mul3A_88 : i32
      %add3A_90 = arith.addi %mul3A_2, %mul3A_89 : i32
      %dma_start3A_91 = arith.constant 0 : i32
      %dma_start3A_92 = tpu.memref_slice %arg6[%add3A_90, %dma_start3A_91] : memref<320000x128xf32, #tpu.memory_space<hbm>> -> memref<80x128xf32, #tpu.memory_space<hbm>>
      %dma_start3A_93 = arith.constant 0 : i32
      %dma_start3A_94 = tpu.memref_slice %arg6[%add3A_90, %dma_start3A_93] : memref<320000x128xf32, #tpu.memory_space<hbm>> -> memref<80x128xf32, #tpu.memory_space<hbm>>
      tpu.enqueue_dma source(%arg12 : memref<80x128xf32, #tpu.memory_space<vmem>>) target(%dma_start3A_94 : memref<80x128xf32, #tpu.memory_space<hbm>>) target_semaphore(%arg20 : memref<!tpu.dma_semaphore, #tpu.memory_space<semaphore_mem>>)
      %dma_start3A_95 = arith.constant 0 : i32
      %dma_start3A_96 = tpu.memref_slice %arg7[%add3A_90, %dma_start3A_95] : memref<320000x128xf32, #tpu.memory_space<hbm>> -> memref<80x128xf32, #tpu.memory_space<hbm>>
      %dma_start3A_97 = arith.constant 0 : i32
      %dma_start3A_98 = tpu.memref_slice %arg7[%add3A_90, %dma_start3A_97] : memref<320000x128xf32, #tpu.memory_space<hbm>> -> memref<80x128xf32, #tpu.memory_space<hbm>>
      tpu.enqueue_dma source(%arg14 : memref<80x128xf32, #tpu.memory_space<vmem>>) target(%dma_start3A_98 : memref<80x128xf32, #tpu.memory_space<hbm>>) target_semaphore(%arg20 : memref<!tpu.dma_semaphore, #tpu.memory_space<semaphore_mem>>)
      %dma_wait3A_99 = tpu.memref_slice %arg3[%mul3A_2] : memref<320000xi32, #tpu.memory_space<hbm>> -> memref<80xi32, #tpu.memory_space<hbm>>
      %dma_wait3A_100 = tpu.memref_slice %arg3[%mul3A_2] : memref<320000xi32, #tpu.memory_space<hbm>> -> memref<80xi32, #tpu.memory_space<hbm>>
      tpu.wait_dma2 semaphore(%arg17 : memref<!tpu.dma_semaphore, #tpu.memory_space<semaphore_mem>>) src(%dma_wait3A_100 : memref<80xi32, #tpu.memory_space<hbm>>) dst(%arg9 : memref<80xi32, #tpu.memory_space<vmem>>)
      %dma_wait3A_101 = tpu.memref_slice %arg5[%mul3A_2] : memref<320000xi32, #tpu.memory_space<hbm>> -> memref<80xi32, #tpu.memory_space<hbm>>
      %dma_wait3A_102 = tpu.memref_slice %arg5[%mul3A_2] : memref<320000xi32, #tpu.memory_space<hbm>> -> memref<80xi32, #tpu.memory_space<hbm>>
      tpu.wait_dma2 semaphore(%arg17 : memref<!tpu.dma_semaphore, #tpu.memory_space<semaphore_mem>>) src(%dma_wait3A_102 : memref<80xi32, #tpu.memory_space<hbm>>) dst(%arg11 : memref<80xi32, #tpu.memory_space<vmem>>)
      %gt3A = arith.constant 0 : i32
      %gt3A_103 = arith.cmpi sgt, %scan3A_60, %gt3A : i32
      %convert_element_type3A = arith.extui %gt3A_103 : i1 to i32
      %cond3A = arith.constant 0 : i32
      %cond3A_104 = arith.cmpi ne, %convert_element_type3A, %cond3A : i32
      scf.if %cond3A_104 {
        %dma_wait3A_144 = arith.constant 0 : i32
        %dma_wait3A_145 = tpu.memref_slice %arg6[%mul3A_2, %dma_wait3A_144] : memref<320000x128xf32, #tpu.memory_space<hbm>> -> memref<80x128xf32, #tpu.memory_space<hbm>>
        %dma_wait3A_146 = arith.constant 0 : i32
        %dma_wait3A_147 = tpu.memref_slice %arg6[%mul3A_2, %dma_wait3A_146] : memref<320000x128xf32, #tpu.memory_space<hbm>> -> memref<80x128xf32, #tpu.memory_space<hbm>>
        tpu.wait_dma2 semaphore(%arg21 : memref<!tpu.dma_semaphore, #tpu.memory_space<semaphore_mem>>) src(%arg13 : memref<80x128xf32, #tpu.memory_space<vmem>>) dst(%dma_wait3A_147 : memref<80x128xf32, #tpu.memory_space<hbm>>)
        %dma_wait3A_148 = arith.constant 0 : i32
        %dma_wait3A_149 = tpu.memref_slice %arg7[%mul3A_2, %dma_wait3A_148] : memref<320000x128xf32, #tpu.memory_space<hbm>> -> memref<80x128xf32, #tpu.memory_space<hbm>>
        %dma_wait3A_150 = arith.constant 0 : i32
        %dma_wait3A_151 = tpu.memref_slice %arg7[%mul3A_2, %dma_wait3A_150] : memref<320000x128xf32, #tpu.memory_space<hbm>> -> memref<80x128xf32, #tpu.memory_space<hbm>>
        tpu.wait_dma2 semaphore(%arg21 : memref<!tpu.dma_semaphore, #tpu.memory_space<semaphore_mem>>) src(%arg15 : memref<80x128xf32, #tpu.memory_space<vmem>>) dst(%dma_wait3A_151 : memref<80x128xf32, #tpu.memory_space<hbm>>)
      } else {
      }
      %dma_start3A_105 = arith.constant 0 : i32
      %dma_start3A_106 = arith.constant 0 : i32
      %dma_start3A_107 = tpu.memref_slice %arg2[%dma_start3A_105, %dma_start3A_106] : memref<10112x128xf32, #tpu.memory_space<hbm>> -> memref<10112x128xf32, #tpu.memory_space<hbm>>
      tpu.enqueue_indirect_dma source(%dma_start3A_107 : memref<10112x128xf32, #tpu.memory_space<hbm>>) target(%arg13 : memref<80x128xf32, #tpu.memory_space<vmem>>) offsets(%arg9 : memref<80xi32, #tpu.memory_space<vmem>>) semaphore(%arg19 : memref<!tpu.dma_semaphore, #tpu.memory_space<semaphore_mem>>)
      %dma_start3A_108 = arith.constant 0 : i32
      %dma_start3A_109 = arith.constant 0 : i32
      %dma_start3A_110 = tpu.memref_slice %arg4[%dma_start3A_108, %dma_start3A_109] : memref<10112x128xf32, #tpu.memory_space<hbm>> -> memref<10112x128xf32, #tpu.memory_space<hbm>>
      tpu.enqueue_indirect_dma source(%dma_start3A_110 : memref<10112x128xf32, #tpu.memory_space<hbm>>) target(%arg15 : memref<80x128xf32, #tpu.memory_space<vmem>>) offsets(%arg11 : memref<80xi32, #tpu.memory_space<vmem>>) semaphore(%arg19 : memref<!tpu.dma_semaphore, #tpu.memory_space<semaphore_mem>>)
      %add3A_111 = arith.constant 1 : i32
      %add3A_112 = arith.addi %scan3A_60, %add3A_111 : i32
      %lt3A = arith.constant 62 : i32
      %lt3A_113 = arith.cmpi slt, %add3A_112, %lt3A : i32
      %convert_element_type3A_114 = arith.extui %lt3A_113 : i1 to i32
      %cond3A_115 = arith.constant 0 : i32
      %cond3A_116 = arith.cmpi ne, %convert_element_type3A_114, %cond3A_115 : i32
      scf.if %cond3A_116 {
        %add3A_144 = arith.constant 2 : i32
        %add3A_145 = arith.addi %mul3A_62, %add3A_144 : i32
        %mul3A_146 = arith.constant 80 : i32
        %mul3A_147 = arith.muli %add3A_145, %mul3A_146 : i32
        %add3A_148 = arith.addi %mul3A_2, %mul3A_147 : i32
        %dma_start3A_149 = tpu.memref_slice %arg3[%add3A_148] : memref<320000xi32, #tpu.memory_space<hbm>> -> memref<80xi32, #tpu.memory_space<hbm>>
        %dma_start3A_150 = tpu.memref_slice %arg3[%add3A_148] : memref<320000xi32, #tpu.memory_space<hbm>> -> memref<80xi32, #tpu.memory_space<hbm>>
        tpu.enqueue_dma source(%dma_start3A_150 : memref<80xi32, #tpu.memory_space<hbm>>) target(%arg8 : memref<80xi32, #tpu.memory_space<vmem>>) target_semaphore(%arg16 : memref<!tpu.dma_semaphore, #tpu.memory_space<semaphore_mem>>)
        %dma_start3A_151 = tpu.memref_slice %arg5[%add3A_148] : memref<320000xi32, #tpu.memory_space<hbm>> -> memref<80xi32, #tpu.memory_space<hbm>>
        %dma_start3A_152 = tpu.memref_slice %arg5[%add3A_148] : memref<320000xi32, #tpu.memory_space<hbm>> -> memref<80xi32, #tpu.memory_space<hbm>>
        tpu.enqueue_dma source(%dma_start3A_152 : memref<80xi32, #tpu.memory_space<hbm>>) target(%arg10 : memref<80xi32, #tpu.memory_space<vmem>>) target_semaphore(%arg16 : memref<!tpu.dma_semaphore, #tpu.memory_space<semaphore_mem>>)
      } else {
      }
      %dma_wait3A_117 = arith.constant 0 : i32
      %dma_wait3A_118 = arith.constant 0 : i32
      %dma_wait3A_119 = tpu.memref_slice %arg2[%dma_wait3A_117, %dma_wait3A_118] : memref<10112x128xf32, #tpu.memory_space<hbm>> -> memref<10112x128xf32, #tpu.memory_space<hbm>>
      tpu.wait_indirect_dma semaphore(%arg19 : memref<!tpu.dma_semaphore, #tpu.memory_space<semaphore_mem>>) src(%dma_wait3A_119 : memref<10112x128xf32, #tpu.memory_space<hbm>>) dst(%arg13 : memref<80x128xf32, #tpu.memory_space<vmem>>)
      %dma_wait3A_120 = arith.constant 0 : i32
      %dma_wait3A_121 = arith.constant 0 : i32
      %dma_wait3A_122 = tpu.memref_slice %arg4[%dma_wait3A_120, %dma_wait3A_121] : memref<10112x128xf32, #tpu.memory_space<hbm>> -> memref<10112x128xf32, #tpu.memory_space<hbm>>
      tpu.wait_indirect_dma semaphore(%arg19 : memref<!tpu.dma_semaphore, #tpu.memory_space<semaphore_mem>>) src(%dma_wait3A_122 : memref<10112x128xf32, #tpu.memory_space<hbm>>) dst(%arg15 : memref<80x128xf32, #tpu.memory_space<vmem>>)
      %add3A_123 = arith.constant 1 : i32
      %add3A_124 = arith.addi %mul3A_62, %add3A_123 : i32
      %mul3A_125 = arith.constant 80 : i32
      %mul3A_126 = arith.muli %add3A_124, %mul3A_125 : i32
      %add3A_127 = arith.addi %mul3A_2, %mul3A_126 : i32
      %dma_start3A_128 = arith.constant 0 : i32
      %dma_start3A_129 = tpu.memref_slice %arg6[%add3A_127, %dma_start3A_128] : memref<320000x128xf32, #tpu.memory_space<hbm>> -> memref<80x128xf32, #tpu.memory_space<hbm>>
      %dma_start3A_130 = arith.constant 0 : i32
      %dma_start3A_131 = tpu.memref_slice %arg6[%add3A_127, %dma_start3A_130] : memref<320000x128xf32, #tpu.memory_space<hbm>> -> memref<80x128xf32, #tpu.memory_space<hbm>>
      tpu.enqueue_dma source(%arg13 : memref<80x128xf32, #tpu.memory_space<vmem>>) target(%dma_start3A_131 : memref<80x128xf32, #tpu.memory_space<hbm>>) target_semaphore(%arg21 : memref<!tpu.dma_semaphore, #tpu.memory_space<semaphore_mem>>)
      %dma_start3A_132 = arith.constant 0 : i32
      %dma_start3A_133 = tpu.memref_slice %arg7[%add3A_127, %dma_start3A_132] : memref<320000x128xf32, #tpu.memory_space<hbm>> -> memref<80x128xf32, #tpu.memory_space<hbm>>
      %dma_start3A_134 = arith.constant 0 : i32
      %dma_start3A_135 = tpu.memref_slice %arg7[%add3A_127, %dma_start3A_134] : memref<320000x128xf32, #tpu.memory_space<hbm>> -> memref<80x128xf32, #tpu.memory_space<hbm>>
      tpu.enqueue_dma source(%arg15 : memref<80x128xf32, #tpu.memory_space<vmem>>) target(%dma_start3A_135 : memref<80x128xf32, #tpu.memory_space<hbm>>) target_semaphore(%arg21 : memref<!tpu.dma_semaphore, #tpu.memory_space<semaphore_mem>>)
      %dma_wait3A_136 = arith.constant 0 : i32
      %dma_wait3A_137 = tpu.memref_slice %arg6[%mul3A_2, %dma_wait3A_136] : memref<320000x128xf32, #tpu.memory_space<hbm>> -> memref<80x128xf32, #tpu.memory_space<hbm>>
      %dma_wait3A_138 = arith.constant 0 : i32
      %dma_wait3A_139 = tpu.memref_slice %arg6[%mul3A_2, %dma_wait3A_138] : memref<320000x128xf32, #tpu.memory_space<hbm>> -> memref<80x128xf32, #tpu.memory_space<hbm>>
      tpu.wait_dma2 semaphore(%arg20 : memref<!tpu.dma_semaphore, #tpu.memory_space<semaphore_mem>>) src(%arg12 : memref<80x128xf32, #tpu.memory_space<vmem>>) dst(%dma_wait3A_139 : memref<80x128xf32, #tpu.memory_space<hbm>>)
      %dma_wait3A_140 = arith.constant 0 : i32
      %dma_wait3A_141 = tpu.memref_slice %arg7[%mul3A_2, %dma_wait3A_140] : memref<320000x128xf32, #tpu.memory_space<hbm>> -> memref<80x128xf32, #tpu.memory_space<hbm>>
      %dma_wait3A_142 = arith.constant 0 : i32
      %dma_wait3A_143 = tpu.memref_slice %arg7[%mul3A_2, %dma_wait3A_142] : memref<320000x128xf32, #tpu.memory_space<hbm>> -> memref<80x128xf32, #tpu.memory_space<hbm>>
      tpu.wait_dma2 semaphore(%arg20 : memref<!tpu.dma_semaphore, #tpu.memory_space<semaphore_mem>>) src(%arg14 : memref<80x128xf32, #tpu.memory_space<vmem>>) dst(%dma_wait3A_143 : memref<80x128xf32, #tpu.memory_space<hbm>>)
    }
    %scan3A_12 = arith.constant 62 : i32
    %dma_wait3A = arith.constant 0 : i32
    %dma_wait3A_13 = tpu.memref_slice %arg6[%mul3A_2, %dma_wait3A] : memref<320000x128xf32, #tpu.memory_space<hbm>> -> memref<80x128xf32, #tpu.memory_space<hbm>>
    %dma_wait3A_14 = arith.constant 0 : i32
    %dma_wait3A_15 = tpu.memref_slice %arg6[%mul3A_2, %dma_wait3A_14] : memref<320000x128xf32, #tpu.memory_space<hbm>> -> memref<80x128xf32, #tpu.memory_space<hbm>>
    tpu.wait_dma2 semaphore(%arg21 : memref<!tpu.dma_semaphore, #tpu.memory_space<semaphore_mem>>) src(%arg13 : memref<80x128xf32, #tpu.memory_space<vmem>>) dst(%dma_wait3A_15 : memref<80x128xf32, #tpu.memory_space<hbm>>)
    %dma_wait3A_16 = arith.constant 0 : i32
    %dma_wait3A_17 = tpu.memref_slice %arg7[%mul3A_2, %dma_wait3A_16] : memref<320000x128xf32, #tpu.memory_space<hbm>> -> memref<80x128xf32, #tpu.memory_space<hbm>>
    %dma_wait3A_18 = arith.constant 0 : i32
    %dma_wait3A_19 = tpu.memref_slice %arg7[%mul3A_2, %dma_wait3A_18] : memref<320000x128xf32, #tpu.memory_space<hbm>> -> memref<80x128xf32, #tpu.memory_space<hbm>>
    tpu.wait_dma2 semaphore(%arg21 : memref<!tpu.dma_semaphore, #tpu.memory_space<semaphore_mem>>) src(%arg15 : memref<80x128xf32, #tpu.memory_space<vmem>>) dst(%dma_wait3A_19 : memref<80x128xf32, #tpu.memory_space<hbm>>)
    %add3A_20 = arith.constant 9920 : i32
    %add3A_21 = arith.addi %mul3A_2, %add3A_20 : i32
    %dma_start3A_22 = tpu.memref_slice %arg3[%add3A_21] : memref<320000xi32, #tpu.memory_space<hbm>> -> memref<80xi32, #tpu.memory_space<hbm>>
    %dma_start3A_23 = tpu.memref_slice %arg3[%add3A_21] : memref<320000xi32, #tpu.memory_space<hbm>> -> memref<80xi32, #tpu.memory_space<hbm>>
    tpu.enqueue_dma source(%dma_start3A_23 : memref<80xi32, #tpu.memory_space<hbm>>) target(%arg8 : memref<80xi32, #tpu.memory_space<vmem>>) target_semaphore(%arg16 : memref<!tpu.dma_semaphore, #tpu.memory_space<semaphore_mem>>)
    %dma_start3A_24 = tpu.memref_slice %arg5[%add3A_21] : memref<320000xi32, #tpu.memory_space<hbm>> -> memref<80xi32, #tpu.memory_space<hbm>>
    %dma_start3A_25 = tpu.memref_slice %arg5[%add3A_21] : memref<320000xi32, #tpu.memory_space<hbm>> -> memref<80xi32, #tpu.memory_space<hbm>>
    tpu.enqueue_dma source(%dma_start3A_25 : memref<80xi32, #tpu.memory_space<hbm>>) target(%arg10 : memref<80xi32, #tpu.memory_space<vmem>>) target_semaphore(%arg16 : memref<!tpu.dma_semaphore, #tpu.memory_space<semaphore_mem>>)
    %dma_wait3A_26 = tpu.memref_slice %arg3[%mul3A_2] : memref<320000xi32, #tpu.memory_space<hbm>> -> memref<80xi32, #tpu.memory_space<hbm>>
    %dma_wait3A_27 = tpu.memref_slice %arg3[%mul3A_2] : memref<320000xi32, #tpu.memory_space<hbm>> -> memref<80xi32, #tpu.memory_space<hbm>>
    tpu.wait_dma2 semaphore(%arg16 : memref<!tpu.dma_semaphore, #tpu.memory_space<semaphore_mem>>) src(%dma_wait3A_27 : memref<80xi32, #tpu.memory_space<hbm>>) dst(%arg8 : memref<80xi32, #tpu.memory_space<vmem>>)
    %dma_wait3A_28 = tpu.memref_slice %arg5[%mul3A_2] : memref<320000xi32, #tpu.memory_space<hbm>> -> memref<80xi32, #tpu.memory_space<hbm>>
    %dma_wait3A_29 = tpu.memref_slice %arg5[%mul3A_2] : memref<320000xi32, #tpu.memory_space<hbm>> -> memref<80xi32, #tpu.memory_space<hbm>>
    tpu.wait_dma2 semaphore(%arg16 : memref<!tpu.dma_semaphore, #tpu.memory_space<semaphore_mem>>) src(%dma_wait3A_29 : memref<80xi32, #tpu.memory_space<hbm>>) dst(%arg10 : memref<80xi32, #tpu.memory_space<vmem>>)
    %dma_start3A_30 = arith.constant 0 : i32
    %dma_start3A_31 = arith.constant 0 : i32
    %dma_start3A_32 = tpu.memref_slice %arg2[%dma_start3A_30, %dma_start3A_31] : memref<10112x128xf32, #tpu.memory_space<hbm>> -> memref<10112x128xf32, #tpu.memory_space<hbm>>
    tpu.enqueue_indirect_dma source(%dma_start3A_32 : memref<10112x128xf32, #tpu.memory_space<hbm>>) target(%arg12 : memref<80x128xf32, #tpu.memory_space<vmem>>) offsets(%arg8 : memref<80xi32, #tpu.memory_space<vmem>>) semaphore(%arg18 : memref<!tpu.dma_semaphore, #tpu.memory_space<semaphore_mem>>)
    %dma_start3A_33 = arith.constant 0 : i32
    %dma_start3A_34 = arith.constant 0 : i32
    %dma_start3A_35 = tpu.memref_slice %arg4[%dma_start3A_33, %dma_start3A_34] : memref<10112x128xf32, #tpu.memory_space<hbm>> -> memref<10112x128xf32, #tpu.memory_space<hbm>>
    tpu.enqueue_indirect_dma source(%dma_start3A_35 : memref<10112x128xf32, #tpu.memory_space<hbm>>) target(%arg14 : memref<80x128xf32, #tpu.memory_space<vmem>>) offsets(%arg10 : memref<80xi32, #tpu.memory_space<vmem>>) semaphore(%arg18 : memref<!tpu.dma_semaphore, #tpu.memory_space<semaphore_mem>>)
    %dma_wait3A_36 = arith.constant 0 : i32
    %dma_wait3A_37 = arith.constant 0 : i32
    %dma_wait3A_38 = tpu.memref_slice %arg2[%dma_wait3A_36, %dma_wait3A_37] : memref<10112x128xf32, #tpu.memory_space<hbm>> -> memref<10112x128xf32, #tpu.memory_space<hbm>>
    tpu.wait_indirect_dma semaphore(%arg18 : memref<!tpu.dma_semaphore, #tpu.memory_space<semaphore_mem>>) src(%dma_wait3A_38 : memref<10112x128xf32, #tpu.memory_space<hbm>>) dst(%arg12 : memref<80x128xf32, #tpu.memory_space<vmem>>)
    %dma_wait3A_39 = arith.constant 0 : i32
    %dma_wait3A_40 = arith.constant 0 : i32
    %dma_wait3A_41 = tpu.memref_slice %arg4[%dma_wait3A_39, %dma_wait3A_40] : memref<10112x128xf32, #tpu.memory_space<hbm>> -> memref<10112x128xf32, #tpu.memory_space<hbm>>
    tpu.wait_indirect_dma semaphore(%arg18 : memref<!tpu.dma_semaphore, #tpu.memory_space<semaphore_mem>>) src(%dma_wait3A_41 : memref<10112x128xf32, #tpu.memory_space<hbm>>) dst(%arg14 : memref<80x128xf32, #tpu.memory_space<vmem>>)
    %add3A_42 = arith.constant 9920 : i32
    %add3A_43 = arith.addi %mul3A_2, %add3A_42 : i32
    %dma_start3A_44 = arith.constant 0 : i32
    %dma_start3A_45 = tpu.memref_slice %arg6[%add3A_43, %dma_start3A_44] : memref<320000x128xf32, #tpu.memory_space<hbm>> -> memref<80x128xf32, #tpu.memory_space<hbm>>
    %dma_start3A_46 = arith.constant 0 : i32
    %dma_start3A_47 = tpu.memref_slice %arg6[%add3A_43, %dma_start3A_46] : memref<320000x128xf32, #tpu.memory_space<hbm>> -> memref<80x128xf32, #tpu.memory_space<hbm>>
    tpu.enqueue_dma source(%arg12 : memref<80x128xf32, #tpu.memory_space<vmem>>) target(%dma_start3A_47 : memref<80x128xf32, #tpu.memory_space<hbm>>) target_semaphore(%arg20 : memref<!tpu.dma_semaphore, #tpu.memory_space<semaphore_mem>>)
    %dma_start3A_48 = arith.constant 0 : i32
    %dma_start3A_49 = tpu.memref_slice %arg7[%add3A_43, %dma_start3A_48] : memref<320000x128xf32, #tpu.memory_space<hbm>> -> memref<80x128xf32, #tpu.memory_space<hbm>>
    %dma_start3A_50 = arith.constant 0 : i32
    %dma_start3A_51 = tpu.memref_slice %arg7[%add3A_43, %dma_start3A_50] : memref<320000x128xf32, #tpu.memory_space<hbm>> -> memref<80x128xf32, #tpu.memory_space<hbm>>
    tpu.enqueue_dma source(%arg14 : memref<80x128xf32, #tpu.memory_space<vmem>>) target(%dma_start3A_51 : memref<80x128xf32, #tpu.memory_space<hbm>>) target_semaphore(%arg20 : memref<!tpu.dma_semaphore, #tpu.memory_space<semaphore_mem>>)
    %dma_wait3A_52 = arith.constant 0 : i32
    %dma_wait3A_53 = tpu.memref_slice %arg6[%mul3A_2, %dma_wait3A_52] : memref<320000x128xf32, #tpu.memory_space<hbm>> -> memref<80x128xf32, #tpu.memory_space<hbm>>
    %dma_wait3A_54 = arith.constant 0 : i32
    %dma_wait3A_55 = tpu.memref_slice %arg6[%mul3A_2, %dma_wait3A_54] : memref<320000x128xf32, #tpu.memory_space<hbm>> -> memref<80x128xf32, #tpu.memory_space<hbm>>
    tpu.wait_dma2 semaphore(%arg20 : memref<!tpu.dma_semaphore, #tpu.memory_space<semaphore_mem>>) src(%arg12 : memref<80x128xf32, #tpu.memory_space<vmem>>) dst(%dma_wait3A_55 : memref<80x128xf32, #tpu.memory_space<hbm>>)
    %dma_wait3A_56 = arith.constant 0 : i32
    %dma_wait3A_57 = tpu.memref_slice %arg7[%mul3A_2, %dma_wait3A_56] : memref<320000x128xf32, #tpu.memory_space<hbm>> -> memref<80x128xf32, #tpu.memory_space<hbm>>
    %dma_wait3A_58 = arith.constant 0 : i32
    %dma_wait3A_59 = tpu.memref_slice %arg7[%mul3A_2, %dma_wait3A_58] : memref<320000x128xf32, #tpu.memory_space<hbm>> -> memref<80x128xf32, #tpu.memory_space<hbm>>
    tpu.wait_dma2 semaphore(%arg20 : memref<!tpu.dma_semaphore, #tpu.memory_space<semaphore_mem>>) src(%arg14 : memref<80x128xf32, #tpu.memory_space<vmem>>) dst(%dma_wait3A_59 : memref<80x128xf32, #tpu.memory_space<hbm>>)
    return
  }
}

#map = affine_map<(d0, d1) -> (0, 0)>
#map1 = affine_map<(d0, d1) -> (0)>
#map2 = affine_map<(d0, d1) -> (0, 0, 0)>
module attributes {stable_mosaic.version = 14 : i64} {
  func.func @k(%arg0: i32, %arg1: i32, %arg2: memref<320000x128xf32, #tpu.memory_space<hbm>>, %arg3: memref<320000xi32, #tpu.memory_space<hbm>>, %arg4: memref<160x128xf32, #tpu.memory_space<hbm>>, %arg5: memref<80x128xf32, #tpu.memory_space<hbm>>, %arg6: memref<2x2560x128xf32, #tpu.memory_space<hbm>>, %arg7: memref<2x2560x128xf32, #tpu.memory_space<hbm>>, %arg8: memref<80x128xf32, #tpu.memory_space<vmem>>, %arg9: memref<80x128xf32, #tpu.memory_space<vmem>>, %arg10: memref<80xi32, #tpu.memory_space<vmem>>, %arg11: memref<80xi32, #tpu.memory_space<vmem>>, %arg12: memref<80x128xf32, #tpu.memory_space<vmem>>, %arg13: memref<2560x128xf32, #tpu.memory_space<vmem_shared>>, %arg14: memref<!tpu.dma_semaphore, #tpu.memory_space<semaphore_mem>>, %arg15: memref<!tpu.dma_semaphore, #tpu.memory_space<semaphore_mem>>, %arg16: memref<!tpu.dma_semaphore, #tpu.memory_space<semaphore_mem>>, %arg17: memref<!tpu.dma_semaphore, #tpu.memory_space<semaphore_mem>>) attributes {dimension_semantics = [#tpu.dimension_semantics<core_parallel>, #tpu.dimension_semantics<subcore_parallel>], iteration_bounds = array<i64: 2, 16>, scalar_prefetch = 0 : i64, scratch_operands = 10 : i64, tpu.core_type = #tpu.core_type<sc_vector_subcore>, window_params = [{transform_indices = #map}, {transform_indices = #map1}, {transform_indices = #map}, {transform_indices = #map}, {transform_indices = #map2}, {transform_indices = #map2}]} {
    %mul3A = arith.constant 2 : i32
    %mul3A_0 = arith.muli %arg1, %mul3A : i32
    %add3A = arith.addi %mul3A_0, %arg0 : i32
    %mul3A_1 = arith.constant 10000 : i32
    %mul3A_2 = arith.muli %add3A, %mul3A_1 : i32
    "tpu.region"() ({
      %run_scoped3A = tpu.sem_alloc : memref<!tpu.dma_semaphore, #tpu.memory_space<semaphore_mem>>
      tpu.enqueue_dma source(%arg5 : memref<80x128xf32, #tpu.memory_space<hbm>>) target(%arg12 : memref<80x128xf32, #tpu.memory_space<vmem>>) target_semaphore(%run_scoped3A : memref<!tpu.dma_semaphore, #tpu.memory_space<semaphore_mem>>)
      tpu.wait_dma2 semaphore(%run_scoped3A : memref<!tpu.dma_semaphore, #tpu.memory_space<semaphore_mem>>) src(%arg5 : memref<80x128xf32, #tpu.memory_space<hbm>>) dst(%arg12 : memref<80x128xf32, #tpu.memory_space<vmem>>)
      tpu.yield
    }) : () -> ()
    %mul3A_3 = arith.constant 160 : i32
    %mul3A_4 = arith.muli %arg1, %mul3A_3 : i32
    "tpu.region"() ({
      %run_scoped3A = tpu.sem_alloc : memref<!tpu.dma_semaphore, #tpu.memory_space<semaphore_mem>>
      %dma_start3A_72 = arith.constant 0 : i32
      %dma_start3A_73 = tpu.memref_slice %arg13[%mul3A_4, %dma_start3A_72] : memref<2560x128xf32, #tpu.memory_space<vmem_shared>> -> memref<160x128xf32, #tpu.memory_space<vmem_shared>>
      tpu.enqueue_dma source(%arg4 : memref<160x128xf32, #tpu.memory_space<hbm>>) target(%dma_start3A_73 : memref<160x128xf32, #tpu.memory_space<vmem_shared>>) target_semaphore(%run_scoped3A : memref<!tpu.dma_semaphore, #tpu.memory_space<semaphore_mem>>)
      %dma_wait3A_74 = arith.constant 0 : i32
      %dma_wait3A_75 = tpu.memref_slice %arg13[%mul3A_4, %dma_wait3A_74] : memref<2560x128xf32, #tpu.memory_space<vmem_shared>> -> memref<160x128xf32, #tpu.memory_space<vmem_shared>>
      tpu.wait_dma2 semaphore(%run_scoped3A : memref<!tpu.dma_semaphore, #tpu.memory_space<semaphore_mem>>) src(%arg4 : memref<160x128xf32, #tpu.memory_space<hbm>>) dst(%dma_wait3A_75 : memref<160x128xf32, #tpu.memory_space<vmem_shared>>)
      tpu.yield
    }) : () -> ()
    %barrier3A = arith.constant 0 : index
    tpu.barrier barrier_id(%barrier3A)
    %add3A_5 = arith.constant 0 : i32
    %add3A_6 = arith.addi %mul3A_2, %add3A_5 : i32
    %dma_start3A = arith.constant 0 : i32
    %dma_start3A_7 = tpu.memref_slice %arg2[%add3A_6, %dma_start3A] : memref<320000x128xf32, #tpu.memory_space<hbm>> -> memref<80x128xf32, #tpu.memory_space<hbm>>
    %dma_start3A_8 = arith.constant 0 : i32
    %dma_start3A_9 = tpu.memref_slice %arg2[%add3A_6, %dma_start3A_8] : memref<320000x128xf32, #tpu.memory_space<hbm>> -> memref<80x128xf32, #tpu.memory_space<hbm>>
    tpu.enqueue_dma source(%dma_start3A_9 : memref<80x128xf32, #tpu.memory_space<hbm>>) target(%arg8 : memref<80x128xf32, #tpu.memory_space<vmem>>) target_semaphore(%arg14 : memref<!tpu.dma_semaphore, #tpu.memory_space<semaphore_mem>>)
    %dma_start3A_10 = tpu.memref_slice %arg3[%add3A_6] : memref<320000xi32, #tpu.memory_space<hbm>> -> memref<80xi32, #tpu.memory_space<hbm>>
    %dma_start3A_11 = tpu.memref_slice %arg3[%add3A_6] : memref<320000xi32, #tpu.memory_space<hbm>> -> memref<80xi32, #tpu.memory_space<hbm>>
    tpu.enqueue_dma source(%dma_start3A_11 : memref<80xi32, #tpu.memory_space<hbm>>) target(%arg10 : memref<80xi32, #tpu.memory_space<vmem>>) target_semaphore(%arg14 : memref<!tpu.dma_semaphore, #tpu.memory_space<semaphore_mem>>)
    %scan3A = arith.constant 0 : i32
    %scan3A_12 = arith.constant 0 : i32
    %scan3A_13 = arith.constant 62 : i32
    %scan3A_14 = arith.addi %scan3A_12, %scan3A_13 : i32
    %scan3A_15 = arith.constant 1 : i32
    scf.for %scan3A_72 = %scan3A_12 to %scan3A_14 step %scan3A_15  : i32 {
      %mul3A_73 = arith.constant 2 : i32
      %mul3A_74 = arith.muli %mul3A_73, %scan3A_72 : i32
      %dma_wait3A_75 = arith.constant 0 : i32
      %dma_wait3A_76 = tpu.memref_slice %arg2[%mul3A_2, %dma_wait3A_75] : memref<320000x128xf32, #tpu.memory_space<hbm>> -> memref<80x128xf32, #tpu.memory_space<hbm>>
      %dma_wait3A_77 = arith.constant 0 : i32
      %dma_wait3A_78 = tpu.memref_slice %arg2[%mul3A_2, %dma_wait3A_77] : memref<320000x128xf32, #tpu.memory_space<hbm>> -> memref<80x128xf32, #tpu.memory_space<hbm>>
      tpu.wait_dma2 semaphore(%arg14 : memref<!tpu.dma_semaphore, #tpu.memory_space<semaphore_mem>>) src(%dma_wait3A_78 : memref<80x128xf32, #tpu.memory_space<hbm>>) dst(%arg8 : memref<80x128xf32, #tpu.memory_space<vmem>>)
      %dma_wait3A_79 = tpu.memref_slice %arg3[%mul3A_2] : memref<320000xi32, #tpu.memory_space<hbm>> -> memref<80xi32, #tpu.memory_space<hbm>>
      %dma_wait3A_80 = tpu.memref_slice %arg3[%mul3A_2] : memref<320000xi32, #tpu.memory_space<hbm>> -> memref<80xi32, #tpu.memory_space<hbm>>
      tpu.wait_dma2 semaphore(%arg14 : memref<!tpu.dma_semaphore, #tpu.memory_space<semaphore_mem>>) src(%dma_wait3A_80 : memref<80xi32, #tpu.memory_space<hbm>>) dst(%arg10 : memref<80xi32, #tpu.memory_space<vmem>>)
      %add3A_81 = arith.constant 1 : i32
      %add3A_82 = arith.addi %mul3A_74, %add3A_81 : i32
      %mul3A_83 = arith.constant 80 : i32
      %mul3A_84 = arith.muli %add3A_82, %mul3A_83 : i32
      %add3A_85 = arith.addi %mul3A_2, %mul3A_84 : i32
      %dma_start3A_86 = arith.constant 0 : i32
      %dma_start3A_87 = tpu.memref_slice %arg2[%add3A_85, %dma_start3A_86] : memref<320000x128xf32, #tpu.memory_space<hbm>> -> memref<80x128xf32, #tpu.memory_space<hbm>>
      %dma_start3A_88 = arith.constant 0 : i32
      %dma_start3A_89 = tpu.memref_slice %arg2[%add3A_85, %dma_start3A_88] : memref<320000x128xf32, #tpu.memory_space<hbm>> -> memref<80x128xf32, #tpu.memory_space<hbm>>
      tpu.enqueue_dma source(%dma_start3A_89 : memref<80x128xf32, #tpu.memory_space<hbm>>) target(%arg9 : memref<80x128xf32, #tpu.memory_space<vmem>>) target_semaphore(%arg15 : memref<!tpu.dma_semaphore, #tpu.memory_space<semaphore_mem>>)
      %dma_start3A_90 = tpu.memref_slice %arg3[%add3A_85] : memref<320000xi32, #tpu.memory_space<hbm>> -> memref<80xi32, #tpu.memory_space<hbm>>
      %dma_start3A_91 = tpu.memref_slice %arg3[%add3A_85] : memref<320000xi32, #tpu.memory_space<hbm>> -> memref<80xi32, #tpu.memory_space<hbm>>
      tpu.enqueue_dma source(%dma_start3A_91 : memref<80xi32, #tpu.memory_space<hbm>>) target(%arg11 : memref<80xi32, #tpu.memory_space<vmem>>) target_semaphore(%arg15 : memref<!tpu.dma_semaphore, #tpu.memory_space<semaphore_mem>>)
      %dma_start3A_92 = arith.constant 0 : i32
      %dma_start3A_93 = arith.constant 0 : i32
      %dma_start3A_94 = tpu.memref_slice %arg13[%dma_start3A_92, %dma_start3A_93] : memref<2560x128xf32, #tpu.memory_space<vmem_shared>> -> memref<2560x128xf32, #tpu.memory_space<vmem_shared>>
      tpu.enqueue_indirect_dma source(%arg8 : memref<80x128xf32, #tpu.memory_space<vmem>>) target(%dma_start3A_94 : memref<2560x128xf32, #tpu.memory_space<vmem_shared>>) offsets(%arg10 : memref<80xi32, #tpu.memory_space<vmem>>) semaphore(%arg16 : memref<!tpu.dma_semaphore, #tpu.memory_space<semaphore_mem>>) {add = true}
      %dma_wait3A_95 = arith.constant 0 : i32
      %dma_wait3A_96 = tpu.memref_slice %arg2[%mul3A_2, %dma_wait3A_95] : memref<320000x128xf32, #tpu.memory_space<hbm>> -> memref<80x128xf32, #tpu.memory_space<hbm>>
      %dma_wait3A_97 = arith.constant 0 : i32
      %dma_wait3A_98 = tpu.memref_slice %arg2[%mul3A_2, %dma_wait3A_97] : memref<320000x128xf32, #tpu.memory_space<hbm>> -> memref<80x128xf32, #tpu.memory_space<hbm>>
      tpu.wait_dma2 semaphore(%arg15 : memref<!tpu.dma_semaphore, #tpu.memory_space<semaphore_mem>>) src(%dma_wait3A_98 : memref<80x128xf32, #tpu.memory_space<hbm>>) dst(%arg9 : memref<80x128xf32, #tpu.memory_space<vmem>>)
      %dma_wait3A_99 = tpu.memref_slice %arg3[%mul3A_2] : memref<320000xi32, #tpu.memory_space<hbm>> -> memref<80xi32, #tpu.memory_space<hbm>>
      %dma_wait3A_100 = tpu.memref_slice %arg3[%mul3A_2] : memref<320000xi32, #tpu.memory_space<hbm>> -> memref<80xi32, #tpu.memory_space<hbm>>
      tpu.wait_dma2 semaphore(%arg15 : memref<!tpu.dma_semaphore, #tpu.memory_space<semaphore_mem>>) src(%dma_wait3A_100 : memref<80xi32, #tpu.memory_space<hbm>>) dst(%arg11 : memref<80xi32, #tpu.memory_space<vmem>>)
      %dma_wait3A_101 = arith.constant 0 : i32
      %dma_wait3A_102 = arith.constant 0 : i32
      %dma_wait3A_103 = tpu.memref_slice %arg13[%dma_wait3A_101, %dma_wait3A_102] : memref<2560x128xf32, #tpu.memory_space<vmem_shared>> -> memref<2560x128xf32, #tpu.memory_space<vmem_shared>>
      tpu.wait_indirect_dma semaphore(%arg16 : memref<!tpu.dma_semaphore, #tpu.memory_space<semaphore_mem>>) src(%arg8 : memref<80x128xf32, #tpu.memory_space<vmem>>) dst(%dma_wait3A_103 : memref<2560x128xf32, #tpu.memory_space<vmem_shared>>)
      %add3A_104 = arith.constant 1 : i32
      %add3A_105 = arith.addi %scan3A_72, %add3A_104 : i32
      %lt3A = arith.constant 62 : i32
      %lt3A_106 = arith.cmpi slt, %add3A_105, %lt3A : i32
      %convert_element_type3A = arith.extui %lt3A_106 : i1 to i32
      %cond3A = arith.constant 0 : i32
      %cond3A_107 = arith.cmpi ne, %convert_element_type3A, %cond3A : i32
      scf.if %cond3A_107 {
        %add3A_114 = arith.constant 2 : i32
        %add3A_115 = arith.addi %mul3A_74, %add3A_114 : i32
        %mul3A_116 = arith.constant 80 : i32
        %mul3A_117 = arith.muli %add3A_115, %mul3A_116 : i32
        %add3A_118 = arith.addi %mul3A_2, %mul3A_117 : i32
        %dma_start3A_119 = arith.constant 0 : i32
        %dma_start3A_120 = tpu.memref_slice %arg2[%add3A_118, %dma_start3A_119] : memref<320000x128xf32, #tpu.memory_space<hbm>> -> memref<80x128xf32, #tpu.memory_space<hbm>>
        %dma_start3A_121 = arith.constant 0 : i32
        %dma_start3A_122 = tpu.memref_slice %arg2[%add3A_118, %dma_start3A_121] : memref<320000x128xf32, #tpu.memory_space<hbm>> -> memref<80x128xf32, #tpu.memory_space<hbm>>
        tpu.enqueue_dma source(%dma_start3A_122 : memref<80x128xf32, #tpu.memory_space<hbm>>) target(%arg8 : memref<80x128xf32, #tpu.memory_space<vmem>>) target_semaphore(%arg14 : memref<!tpu.dma_semaphore, #tpu.memory_space<semaphore_mem>>)
        %dma_start3A_123 = tpu.memref_slice %arg3[%add3A_118] : memref<320000xi32, #tpu.memory_space<hbm>> -> memref<80xi32, #tpu.memory_space<hbm>>
        %dma_start3A_124 = tpu.memref_slice %arg3[%add3A_118] : memref<320000xi32, #tpu.memory_space<hbm>> -> memref<80xi32, #tpu.memory_space<hbm>>
        tpu.enqueue_dma source(%dma_start3A_124 : memref<80xi32, #tpu.memory_space<hbm>>) target(%arg10 : memref<80xi32, #tpu.memory_space<vmem>>) target_semaphore(%arg14 : memref<!tpu.dma_semaphore, #tpu.memory_space<semaphore_mem>>)
      } else {
      }
      %dma_start3A_108 = arith.constant 0 : i32
      %dma_start3A_109 = arith.constant 0 : i32
      %dma_start3A_110 = tpu.memref_slice %arg13[%dma_start3A_108, %dma_start3A_109] : memref<2560x128xf32, #tpu.memory_space<vmem_shared>> -> memref<2560x128xf32, #tpu.memory_space<vmem_shared>>
      tpu.enqueue_indirect_dma source(%arg9 : memref<80x128xf32, #tpu.memory_space<vmem>>) target(%dma_start3A_110 : memref<2560x128xf32, #tpu.memory_space<vmem_shared>>) offsets(%arg11 : memref<80xi32, #tpu.memory_space<vmem>>) semaphore(%arg17 : memref<!tpu.dma_semaphore, #tpu.memory_space<semaphore_mem>>) {add = true}
      %dma_wait3A_111 = arith.constant 0 : i32
      %dma_wait3A_112 = arith.constant 0 : i32
      %dma_wait3A_113 = tpu.memref_slice %arg13[%dma_wait3A_111, %dma_wait3A_112] : memref<2560x128xf32, #tpu.memory_space<vmem_shared>> -> memref<2560x128xf32, #tpu.memory_space<vmem_shared>>
      tpu.wait_indirect_dma semaphore(%arg17 : memref<!tpu.dma_semaphore, #tpu.memory_space<semaphore_mem>>) src(%arg9 : memref<80x128xf32, #tpu.memory_space<vmem>>) dst(%dma_wait3A_113 : memref<2560x128xf32, #tpu.memory_space<vmem_shared>>)
    }
    %scan3A_16 = arith.constant 62 : i32
    %add3A_17 = arith.constant 9920 : i32
    %add3A_18 = arith.addi %mul3A_2, %add3A_17 : i32
    %dma_start3A_19 = arith.constant 0 : i32
    %dma_start3A_20 = tpu.memref_slice %arg2[%add3A_18, %dma_start3A_19] : memref<320000x128xf32, #tpu.memory_space<hbm>> -> memref<80x128xf32, #tpu.memory_space<hbm>>
    %dma_start3A_21 = arith.constant 0 : i32
    %dma_start3A_22 = tpu.memref_slice %arg2[%add3A_18, %dma_start3A_21] : memref<320000x128xf32, #tpu.memory_space<hbm>> -> memref<80x128xf32, #tpu.memory_space<hbm>>
    tpu.enqueue_dma source(%dma_start3A_22 : memref<80x128xf32, #tpu.memory_space<hbm>>) target(%arg8 : memref<80x128xf32, #tpu.memory_space<vmem>>) target_semaphore(%arg14 : memref<!tpu.dma_semaphore, #tpu.memory_space<semaphore_mem>>)
    %dma_start3A_23 = tpu.memref_slice %arg3[%add3A_18] : memref<320000xi32, #tpu.memory_space<hbm>> -> memref<80xi32, #tpu.memory_space<hbm>>
    %dma_start3A_24 = tpu.memref_slice %arg3[%add3A_18] : memref<320000xi32, #tpu.memory_space<hbm>> -> memref<80xi32, #tpu.memory_space<hbm>>
    tpu.enqueue_dma source(%dma_start3A_24 : memref<80xi32, #tpu.memory_space<hbm>>) target(%arg10 : memref<80xi32, #tpu.memory_space<vmem>>) target_semaphore(%arg14 : memref<!tpu.dma_semaphore, #tpu.memory_space<semaphore_mem>>)
    %dma_wait3A = arith.constant 0 : i32
    %dma_wait3A_25 = tpu.memref_slice %arg2[%mul3A_2, %dma_wait3A] : memref<320000x128xf32, #tpu.memory_space<hbm>> -> memref<80x128xf32, #tpu.memory_space<hbm>>
    %dma_wait3A_26 = arith.constant 0 : i32
    %dma_wait3A_27 = tpu.memref_slice %arg2[%mul3A_2, %dma_wait3A_26] : memref<320000x128xf32, #tpu.memory_space<hbm>> -> memref<80x128xf32, #tpu.memory_space<hbm>>
    tpu.wait_dma2 semaphore(%arg14 : memref<!tpu.dma_semaphore, #tpu.memory_space<semaphore_mem>>) src(%dma_wait3A_27 : memref<80x128xf32, #tpu.memory_space<hbm>>) dst(%arg8 : memref<80x128xf32, #tpu.memory_space<vmem>>)
    %dma_wait3A_28 = tpu.memref_slice %arg3[%mul3A_2] : memref<320000xi32, #tpu.memory_space<hbm>> -> memref<80xi32, #tpu.memory_space<hbm>>
    %dma_wait3A_29 = tpu.memref_slice %arg3[%mul3A_2] : memref<320000xi32, #tpu.memory_space<hbm>> -> memref<80xi32, #tpu.memory_space<hbm>>
    tpu.wait_dma2 semaphore(%arg14 : memref<!tpu.dma_semaphore, #tpu.memory_space<semaphore_mem>>) src(%dma_wait3A_29 : memref<80xi32, #tpu.memory_space<hbm>>) dst(%arg10 : memref<80xi32, #tpu.memory_space<vmem>>)
    %dma_start3A_30 = arith.constant 0 : i32
    %dma_start3A_31 = arith.constant 0 : i32
    %dma_start3A_32 = tpu.memref_slice %arg13[%dma_start3A_30, %dma_start3A_31] : memref<2560x128xf32, #tpu.memory_space<vmem_shared>> -> memref<2560x128xf32, #tpu.memory_space<vmem_shared>>
    tpu.enqueue_indirect_dma source(%arg8 : memref<80x128xf32, #tpu.memory_space<vmem>>) target(%dma_start3A_32 : memref<2560x128xf32, #tpu.memory_space<vmem_shared>>) offsets(%arg10 : memref<80xi32, #tpu.memory_space<vmem>>) semaphore(%arg16 : memref<!tpu.dma_semaphore, #tpu.memory_space<semaphore_mem>>) {add = true}
    %dma_wait3A_33 = arith.constant 0 : i32
    %dma_wait3A_34 = arith.constant 0 : i32
    %dma_wait3A_35 = tpu.memref_slice %arg13[%dma_wait3A_33, %dma_wait3A_34] : memref<2560x128xf32, #tpu.memory_space<vmem_shared>> -> memref<2560x128xf32, #tpu.memory_space<vmem_shared>>
    tpu.wait_indirect_dma semaphore(%arg16 : memref<!tpu.dma_semaphore, #tpu.memory_space<semaphore_mem>>) src(%arg8 : memref<80x128xf32, #tpu.memory_space<vmem>>) dst(%dma_wait3A_35 : memref<2560x128xf32, #tpu.memory_space<vmem_shared>>)
    %barrier3A_36 = arith.constant 0 : index
    tpu.barrier barrier_id(%barrier3A_36)
    %mul3A_37 = arith.constant 160 : i32
    %mul3A_38 = arith.muli %arg1, %mul3A_37 : i32
    %mul3A_39 = arith.constant 160 : i32
    %mul3A_40 = arith.muli %arg1, %mul3A_39 : i32
    "tpu.region"() ({
      %run_scoped3A = tpu.sem_alloc : memref<!tpu.dma_semaphore, #tpu.memory_space<semaphore_mem>>
      %dma_start3A_72 = arith.constant 0 : i32
      %dma_start3A_73 = tpu.memref_slice %arg6[%arg0, %mul3A_40, %dma_start3A_72] : memref<2x2560x128xf32, #tpu.memory_space<hbm>> -> memref<1x160x128xf32, #tpu.memory_space<hbm>>
      %dma_start3A_74 = tpu.memref_squeeze %dma_start3A_73 : memref<1x160x128xf32, #tpu.memory_space<hbm>> -> memref<160x128xf32, #tpu.memory_space<hbm>>
      %dma_start3A_75 = arith.constant 0 : i32
      %dma_start3A_76 = tpu.memref_slice %arg13[%mul3A_38, %dma_start3A_75] : memref<2560x128xf32, #tpu.memory_space<vmem_shared>> -> memref<160x128xf32, #tpu.memory_space<vmem_shared>>
      tpu.enqueue_dma source(%dma_start3A_76 : memref<160x128xf32, #tpu.memory_space<vmem_shared>>) target(%dma_start3A_74 : memref<160x128xf32, #tpu.memory_space<hbm>>) target_semaphore(%run_scoped3A : memref<!tpu.dma_semaphore, #tpu.memory_space<semaphore_mem>>)
      %dma_wait3A_77 = arith.constant 0 : i32
      %dma_wait3A_78 = tpu.memref_slice %arg6[%arg0, %mul3A_40, %dma_wait3A_77] : memref<2x2560x128xf32, #tpu.memory_space<hbm>> -> memref<1x160x128xf32, #tpu.memory_space<hbm>>
      %dma_wait3A_79 = tpu.memref_squeeze %dma_wait3A_78 : memref<1x160x128xf32, #tpu.memory_space<hbm>> -> memref<160x128xf32, #tpu.memory_space<hbm>>
      %dma_wait3A_80 = arith.constant 0 : i32
      %dma_wait3A_81 = tpu.memref_slice %arg13[%mul3A_38, %dma_wait3A_80] : memref<2560x128xf32, #tpu.memory_space<vmem_shared>> -> memref<160x128xf32, #tpu.memory_space<vmem_shared>>
      tpu.wait_dma2 semaphore(%run_scoped3A : memref<!tpu.dma_semaphore, #tpu.memory_space<semaphore_mem>>) src(%dma_wait3A_81 : memref<160x128xf32, #tpu.memory_space<vmem_shared>>) dst(%dma_wait3A_79 : memref<160x128xf32, #tpu.memory_space<hbm>>)
      tpu.yield
    }) : () -> ()
    %barrier3A_41 = arith.constant 0 : index
    tpu.barrier barrier_id(%barrier3A_41)
    %mul3A_42 = arith.constant 160 : i32
    %mul3A_43 = arith.muli %arg1, %mul3A_42 : i32
    "tpu.region"() ({
      %run_scoped3A = tpu.sem_alloc : memref<!tpu.dma_semaphore, #tpu.memory_space<semaphore_mem>>
      %dma_start3A_72 = arith.constant 0 : i32
      %dma_start3A_73 = tpu.memref_slice %arg13[%mul3A_43, %dma_start3A_72] : memref<2560x128xf32, #tpu.memory_space<vmem_shared>> -> memref<160x128xf32, #tpu.memory_space<vmem_shared>>
      tpu.enqueue_dma source(%arg4 : memref<160x128xf32, #tpu.memory_space<hbm>>) target(%dma_start3A_73 : memref<160x128xf32, #tpu.memory_space<vmem_shared>>) target_semaphore(%run_scoped3A : memref<!tpu.dma_semaphore, #tpu.memory_space<semaphore_mem>>)
      %dma_wait3A_74 = arith.constant 0 : i32
      %dma_wait3A_75 = tpu.memref_slice %arg13[%mul3A_43, %dma_wait3A_74] : memref<2560x128xf32, #tpu.memory_space<vmem_shared>> -> memref<160x128xf32, #tpu.memory_space<vmem_shared>>
      tpu.wait_dma2 semaphore(%run_scoped3A : memref<!tpu.dma_semaphore, #tpu.memory_space<semaphore_mem>>) src(%arg4 : memref<160x128xf32, #tpu.memory_space<hbm>>) dst(%dma_wait3A_75 : memref<160x128xf32, #tpu.memory_space<vmem_shared>>)
      tpu.yield
    }) : () -> ()
    %barrier3A_44 = arith.constant 0 : index
    tpu.barrier barrier_id(%barrier3A_44)
    %add3A_45 = arith.constant 0 : i32
    %add3A_46 = arith.addi %mul3A_2, %add3A_45 : i32
    %dma_start3A_47 = tpu.memref_slice %arg3[%add3A_46] : memref<320000xi32, #tpu.memory_space<hbm>> -> memref<80xi32, #tpu.memory_space<hbm>>
    %dma_start3A_48 = tpu.memref_slice %arg3[%add3A_46] : memref<320000xi32, #tpu.memory_space<hbm>> -> memref<80xi32, #tpu.memory_space<hbm>>
    tpu.enqueue_dma source(%dma_start3A_48 : memref<80xi32, #tpu.memory_space<hbm>>) target(%arg10 : memref<80xi32, #tpu.memory_space<vmem>>) target_semaphore(%arg14 : memref<!tpu.dma_semaphore, #tpu.memory_space<semaphore_mem>>)
    %scan3A_49 = arith.constant 0 : i32
    %scan3A_50 = arith.constant 0 : i32
    %scan3A_51 = arith.constant 62 : i32
    %scan3A_52 = arith.addi %scan3A_50, %scan3A_51 : i32
    %scan3A_53 = arith.constant 1 : i32
    scf.for %scan3A_72 = %scan3A_50 to %scan3A_52 step %scan3A_53  : i32 {
      %mul3A_73 = arith.constant 2 : i32
      %mul3A_74 = arith.muli %mul3A_73, %scan3A_72 : i32
      %dma_wait3A_75 = tpu.memref_slice %arg3[%mul3A_2] : memref<320000xi32, #tpu.memory_space<hbm>> -> memref<80xi32, #tpu.memory_space<hbm>>
      %dma_wait3A_76 = tpu.memref_slice %arg3[%mul3A_2] : memref<320000xi32, #tpu.memory_space<hbm>> -> memref<80xi32, #tpu.memory_space<hbm>>
      tpu.wait_dma2 semaphore(%arg14 : memref<!tpu.dma_semaphore, #tpu.memory_space<semaphore_mem>>) src(%dma_wait3A_76 : memref<80xi32, #tpu.memory_space<hbm>>) dst(%arg10 : memref<80xi32, #tpu.memory_space<vmem>>)
      %add3A_77 = arith.constant 1 : i32
      %add3A_78 = arith.addi %mul3A_74, %add3A_77 : i32
      %mul3A_79 = arith.constant 80 : i32
      %mul3A_80 = arith.muli %add3A_78, %mul3A_79 : i32
      %add3A_81 = arith.addi %mul3A_2, %mul3A_80 : i32
      %dma_start3A_82 = tpu.memref_slice %arg3[%add3A_81] : memref<320000xi32, #tpu.memory_space<hbm>> -> memref<80xi32, #tpu.memory_space<hbm>>
      %dma_start3A_83 = tpu.memref_slice %arg3[%add3A_81] : memref<320000xi32, #tpu.memory_space<hbm>> -> memref<80xi32, #tpu.memory_space<hbm>>
      tpu.enqueue_dma source(%dma_start3A_83 : memref<80xi32, #tpu.memory_space<hbm>>) target(%arg11 : memref<80xi32, #tpu.memory_space<vmem>>) target_semaphore(%arg15 : memref<!tpu.dma_semaphore, #tpu.memory_space<semaphore_mem>>)
      %dma_start3A_84 = arith.constant 0 : i32
      %dma_start3A_85 = arith.constant 0 : i32
      %dma_start3A_86 = tpu.memref_slice %arg13[%dma_start3A_84, %dma_start3A_85] : memref<2560x128xf32, #tpu.memory_space<vmem_shared>> -> memref<2560x128xf32, #tpu.memory_space<vmem_shared>>
      tpu.enqueue_indirect_dma source(%arg12 : memref<80x128xf32, #tpu.memory_space<vmem>>) target(%dma_start3A_86 : memref<2560x128xf32, #tpu.memory_space<vmem_shared>>) offsets(%arg10 : memref<80xi32, #tpu.memory_space<vmem>>) semaphore(%arg16 : memref<!tpu.dma_semaphore, #tpu.memory_space<semaphore_mem>>) {add = true}
      %dma_wait3A_87 = tpu.memref_slice %arg3[%mul3A_2] : memref<320000xi32, #tpu.memory_space<hbm>> -> memref<80xi32, #tpu.memory_space<hbm>>
      %dma_wait3A_88 = tpu.memref_slice %arg3[%mul3A_2] : memref<320000xi32, #tpu.memory_space<hbm>> -> memref<80xi32, #tpu.memory_space<hbm>>
      tpu.wait_dma2 semaphore(%arg15 : memref<!tpu.dma_semaphore, #tpu.memory_space<semaphore_mem>>) src(%dma_wait3A_88 : memref<80xi32, #tpu.memory_space<hbm>>) dst(%arg11 : memref<80xi32, #tpu.memory_space<vmem>>)
      %dma_wait3A_89 = arith.constant 0 : i32
      %dma_wait3A_90 = arith.constant 0 : i32
      %dma_wait3A_91 = tpu.memref_slice %arg13[%dma_wait3A_89, %dma_wait3A_90] : memref<2560x128xf32, #tpu.memory_space<vmem_shared>> -> memref<2560x128xf32, #tpu.memory_space<vmem_shared>>
      tpu.wait_indirect_dma semaphore(%arg16 : memref<!tpu.dma_semaphore, #tpu.memory_space<semaphore_mem>>) src(%arg12 : memref<80x128xf32, #tpu.memory_space<vmem>>) dst(%dma_wait3A_91 : memref<2560x128xf32, #tpu.memory_space<vmem_shared>>)
      %add3A_92 = arith.constant 1 : i32
      %add3A_93 = arith.addi %scan3A_72, %add3A_92 : i32
      %lt3A = arith.constant 62 : i32
      %lt3A_94 = arith.cmpi slt, %add3A_93, %lt3A : i32
      %convert_element_type3A = arith.extui %lt3A_94 : i1 to i32
      %cond3A = arith.constant 0 : i32
      %cond3A_95 = arith.cmpi ne, %convert_element_type3A, %cond3A : i32
      scf.if %cond3A_95 {
        %add3A_102 = arith.constant 2 : i32
        %add3A_103 = arith.addi %mul3A_74, %add3A_102 : i32
        %mul3A_104 = arith.constant 80 : i32
        %mul3A_105 = arith.muli %add3A_103, %mul3A_104 : i32
        %add3A_106 = arith.addi %mul3A_2, %mul3A_105 : i32
        %dma_start3A_107 = tpu.memref_slice %arg3[%add3A_106] : memref<320000xi32, #tpu.memory_space<hbm>> -> memref<80xi32, #tpu.memory_space<hbm>>
        %dma_start3A_108 = tpu.memref_slice %arg3[%add3A_106] : memref<320000xi32, #tpu.memory_space<hbm>> -> memref<80xi32, #tpu.memory_space<hbm>>
        tpu.enqueue_dma source(%dma_start3A_108 : memref<80xi32, #tpu.memory_space<hbm>>) target(%arg10 : memref<80xi32, #tpu.memory_space<vmem>>) target_semaphore(%arg14 : memref<!tpu.dma_semaphore, #tpu.memory_space<semaphore_mem>>)
      } else {
      }
      %dma_start3A_96 = arith.constant 0 : i32
      %dma_start3A_97 = arith.constant 0 : i32
      %dma_start3A_98 = tpu.memref_slice %arg13[%dma_start3A_96, %dma_start3A_97] : memref<2560x128xf32, #tpu.memory_space<vmem_shared>> -> memref<2560x128xf32, #tpu.memory_space<vmem_shared>>
      tpu.enqueue_indirect_dma source(%arg12 : memref<80x128xf32, #tpu.memory_space<vmem>>) target(%dma_start3A_98 : memref<2560x128xf32, #tpu.memory_space<vmem_shared>>) offsets(%arg11 : memref<80xi32, #tpu.memory_space<vmem>>) semaphore(%arg17 : memref<!tpu.dma_semaphore, #tpu.memory_space<semaphore_mem>>) {add = true}
      %dma_wait3A_99 = arith.constant 0 : i32
      %dma_wait3A_100 = arith.constant 0 : i32
      %dma_wait3A_101 = tpu.memref_slice %arg13[%dma_wait3A_99, %dma_wait3A_100] : memref<2560x128xf32, #tpu.memory_space<vmem_shared>> -> memref<2560x128xf32, #tpu.memory_space<vmem_shared>>
      tpu.wait_indirect_dma semaphore(%arg17 : memref<!tpu.dma_semaphore, #tpu.memory_space<semaphore_mem>>) src(%arg12 : memref<80x128xf32, #tpu.memory_space<vmem>>) dst(%dma_wait3A_101 : memref<2560x128xf32, #tpu.memory_space<vmem_shared>>)
    }
    %scan3A_54 = arith.constant 62 : i32
    %add3A_55 = arith.constant 9920 : i32
    %add3A_56 = arith.addi %mul3A_2, %add3A_55 : i32
    %dma_start3A_57 = tpu.memref_slice %arg3[%add3A_56] : memref<320000xi32, #tpu.memory_space<hbm>> -> memref<80xi32, #tpu.memory_space<hbm>>
    %dma_start3A_58 = tpu.memref_slice %arg3[%add3A_56] : memref<320000xi32, #tpu.memory_space<hbm>> -> memref<80xi32, #tpu.memory_space<hbm>>
    tpu.enqueue_dma source(%dma_start3A_58 : memref<80xi32, #tpu.memory_space<hbm>>) target(%arg10 : memref<80xi32, #tpu.memory_space<vmem>>) target_semaphore(%arg14 : memref<!tpu.dma_semaphore, #tpu.memory_space<semaphore_mem>>)
    %dma_wait3A_59 = tpu.memref_slice %arg3[%mul3A_2] : memref<320000xi32, #tpu.memory_space<hbm>> -> memref<80xi32, #tpu.memory_space<hbm>>
    %dma_wait3A_60 = tpu.memref_slice %arg3[%mul3A_2] : memref<320000xi32, #tpu.memory_space<hbm>> -> memref<80xi32, #tpu.memory_space<hbm>>
    tpu.wait_dma2 semaphore(%arg14 : memref<!tpu.dma_semaphore, #tpu.memory_space<semaphore_mem>>) src(%dma_wait3A_60 : memref<80xi32, #tpu.memory_space<hbm>>) dst(%arg10 : memref<80xi32, #tpu.memory_space<vmem>>)
    %dma_start3A_61 = arith.constant 0 : i32
    %dma_start3A_62 = arith.constant 0 : i32
    %dma_start3A_63 = tpu.memref_slice %arg13[%dma_start3A_61, %dma_start3A_62] : memref<2560x128xf32, #tpu.memory_space<vmem_shared>> -> memref<2560x128xf32, #tpu.memory_space<vmem_shared>>
    tpu.enqueue_indirect_dma source(%arg12 : memref<80x128xf32, #tpu.memory_space<vmem>>) target(%dma_start3A_63 : memref<2560x128xf32, #tpu.memory_space<vmem_shared>>) offsets(%arg10 : memref<80xi32, #tpu.memory_space<vmem>>) semaphore(%arg16 : memref<!tpu.dma_semaphore, #tpu.memory_space<semaphore_mem>>) {add = true}
    %dma_wait3A_64 = arith.constant 0 : i32
    %dma_wait3A_65 = arith.constant 0 : i32
    %dma_wait3A_66 = tpu.memref_slice %arg13[%dma_wait3A_64, %dma_wait3A_65] : memref<2560x128xf32, #tpu.memory_space<vmem_shared>> -> memref<2560x128xf32, #tpu.memory_space<vmem_shared>>
    tpu.wait_indirect_dma semaphore(%arg16 : memref<!tpu.dma_semaphore, #tpu.memory_space<semaphore_mem>>) src(%arg12 : memref<80x128xf32, #tpu.memory_space<vmem>>) dst(%dma_wait3A_66 : memref<2560x128xf32, #tpu.memory_space<vmem_shared>>)
    %barrier3A_67 = arith.constant 0 : index
    tpu.barrier barrier_id(%barrier3A_67)
    %mul3A_68 = arith.constant 160 : i32
    %mul3A_69 = arith.muli %arg1, %mul3A_68 : i32
    %mul3A_70 = arith.constant 160 : i32
    %mul3A_71 = arith.muli %arg1, %mul3A_70 : i32
    "tpu.region"() ({
      %run_scoped3A = tpu.sem_alloc : memref<!tpu.dma_semaphore, #tpu.memory_space<semaphore_mem>>
      %dma_start3A_72 = arith.constant 0 : i32
      %dma_start3A_73 = tpu.memref_slice %arg7[%arg0, %mul3A_71, %dma_start3A_72] : memref<2x2560x128xf32, #tpu.memory_space<hbm>> -> memref<1x160x128xf32, #tpu.memory_space<hbm>>
      %dma_start3A_74 = tpu.memref_squeeze %dma_start3A_73 : memref<1x160x128xf32, #tpu.memory_space<hbm>> -> memref<160x128xf32, #tpu.memory_space<hbm>>
      %dma_start3A_75 = arith.constant 0 : i32
      %dma_start3A_76 = tpu.memref_slice %arg13[%mul3A_69, %dma_start3A_75] : memref<2560x128xf32, #tpu.memory_space<vmem_shared>> -> memref<160x128xf32, #tpu.memory_space<vmem_shared>>
      tpu.enqueue_dma source(%dma_start3A_76 : memref<160x128xf32, #tpu.memory_space<vmem_shared>>) target(%dma_start3A_74 : memref<160x128xf32, #tpu.memory_space<hbm>>) target_semaphore(%run_scoped3A : memref<!tpu.dma_semaphore, #tpu.memory_space<semaphore_mem>>)
      %dma_wait3A_77 = arith.constant 0 : i32
      %dma_wait3A_78 = tpu.memref_slice %arg7[%arg0, %mul3A_71, %dma_wait3A_77] : memref<2x2560x128xf32, #tpu.memory_space<hbm>> -> memref<1x160x128xf32, #tpu.memory_space<hbm>>
      %dma_wait3A_79 = tpu.memref_squeeze %dma_wait3A_78 : memref<1x160x128xf32, #tpu.memory_space<hbm>> -> memref<160x128xf32, #tpu.memory_space<hbm>>
      %dma_wait3A_80 = arith.constant 0 : i32
      %dma_wait3A_81 = tpu.memref_slice %arg13[%mul3A_69, %dma_wait3A_80] : memref<2560x128xf32, #tpu.memory_space<vmem_shared>> -> memref<160x128xf32, #tpu.memory_space<vmem_shared>>
      tpu.wait_dma2 semaphore(%run_scoped3A : memref<!tpu.dma_semaphore, #tpu.memory_space<semaphore_mem>>) src(%dma_wait3A_81 : memref<160x128xf32, #tpu.memory_space<vmem_shared>>) dst(%dma_wait3A_79 : memref<160x128xf32, #tpu.memory_space<hbm>>)
      tpu.yield
    }) : () -> ()
    return
  }
}

#map = affine_map<(d0, d1) -> (0, 0)>
#map1 = affine_map<(d0, d1) -> (0)>
module attributes {stable_mosaic.version = 14 : i64} {
  func.func @k(%arg0: i32, %arg1: i32, %arg2: memref<2560x128xf32, #tpu.memory_space<hbm>>, %arg3: memref<320000xi32, #tpu.memory_space<hbm>>, %arg4: memref<10112x128xf32, #tpu.memory_space<hbm>>, %arg5: memref<320000xi32, #tpu.memory_space<hbm>>, %arg6: memref<320000x128xf32, #tpu.memory_space<hbm>>, %arg7: memref<320000x128xf32, #tpu.memory_space<hbm>>, %arg8: memref<80xi32, #tpu.memory_space<vmem>>, %arg9: memref<80xi32, #tpu.memory_space<vmem>>, %arg10: memref<80xi32, #tpu.memory_space<vmem>>, %arg11: memref<80xi32, #tpu.memory_space<vmem>>, %arg12: memref<80x128xf32, #tpu.memory_space<vmem>>, %arg13: memref<80x128xf32, #tpu.memory_space<vmem>>, %arg14: memref<80x128xf32, #tpu.memory_space<vmem>>, %arg15: memref<80x128xf32, #tpu.memory_space<vmem>>, %arg16: memref<!tpu.dma_semaphore, #tpu.memory_space<semaphore_mem>>, %arg17: memref<!tpu.dma_semaphore, #tpu.memory_space<semaphore_mem>>, %arg18: memref<!tpu.dma_semaphore, #tpu.memory_space<semaphore_mem>>, %arg19: memref<!tpu.dma_semaphore, #tpu.memory_space<semaphore_mem>>, %arg20: memref<!tpu.dma_semaphore, #tpu.memory_space<semaphore_mem>>, %arg21: memref<!tpu.dma_semaphore, #tpu.memory_space<semaphore_mem>>) attributes {dimension_semantics = [#tpu.dimension_semantics<core_parallel>, #tpu.dimension_semantics<subcore_parallel>], iteration_bounds = array<i64: 2, 16>, scalar_prefetch = 0 : i64, scratch_operands = 14 : i64, tpu.core_type = #tpu.core_type<sc_vector_subcore>, window_params = [{transform_indices = #map}, {transform_indices = #map1}, {transform_indices = #map}, {transform_indices = #map1}, {transform_indices = #map}, {transform_indices = #map}]} {
    %mul3A = arith.constant 2 : i32
    %mul3A_0 = arith.muli %arg1, %mul3A : i32
    %add3A = arith.addi %mul3A_0, %arg0 : i32
    %mul3A_1 = arith.constant 10000 : i32
    %mul3A_2 = arith.muli %add3A, %mul3A_1 : i32
    %add3A_3 = arith.constant 0 : i32
    %add3A_4 = arith.addi %mul3A_2, %add3A_3 : i32
    %dma_start3A = tpu.memref_slice %arg3[%add3A_4] : memref<320000xi32, #tpu.memory_space<hbm>> -> memref<80xi32, #tpu.memory_space<hbm>>
    %dma_start3A_5 = tpu.memref_slice %arg3[%add3A_4] : memref<320000xi32, #tpu.memory_space<hbm>> -> memref<80xi32, #tpu.memory_space<hbm>>
    tpu.enqueue_dma source(%dma_start3A_5 : memref<80xi32, #tpu.memory_space<hbm>>) target(%arg8 : memref<80xi32, #tpu.memory_space<vmem>>) target_semaphore(%arg16 : memref<!tpu.dma_semaphore, #tpu.memory_space<semaphore_mem>>)
    %dma_start3A_6 = tpu.memref_slice %arg5[%add3A_4] : memref<320000xi32, #tpu.memory_space<hbm>> -> memref<80xi32, #tpu.memory_space<hbm>>
    %dma_start3A_7 = tpu.memref_slice %arg5[%add3A_4] : memref<320000xi32, #tpu.memory_space<hbm>> -> memref<80xi32, #tpu.memory_space<hbm>>
    tpu.enqueue_dma source(%dma_start3A_7 : memref<80xi32, #tpu.memory_space<hbm>>) target(%arg10 : memref<80xi32, #tpu.memory_space<vmem>>) target_semaphore(%arg16 : memref<!tpu.dma_semaphore, #tpu.memory_space<semaphore_mem>>)
    %scan3A = arith.constant 0 : i32
    %scan3A_8 = arith.constant 0 : i32
    %scan3A_9 = arith.constant 62 : i32
    %scan3A_10 = arith.addi %scan3A_8, %scan3A_9 : i32
    %scan3A_11 = arith.constant 1 : i32
    scf.for %scan3A_60 = %scan3A_8 to %scan3A_10 step %scan3A_11  : i32 {
      %mul3A_61 = arith.constant 2 : i32
      %mul3A_62 = arith.muli %mul3A_61, %scan3A_60 : i32
      %dma_wait3A_63 = tpu.memref_slice %arg3[%mul3A_2] : memref<320000xi32, #tpu.memory_space<hbm>> -> memref<80xi32, #tpu.memory_space<hbm>>
      %dma_wait3A_64 = tpu.memref_slice %arg3[%mul3A_2] : memref<320000xi32, #tpu.memory_space<hbm>> -> memref<80xi32, #tpu.memory_space<hbm>>
      tpu.wait_dma2 semaphore(%arg16 : memref<!tpu.dma_semaphore, #tpu.memory_space<semaphore_mem>>) src(%dma_wait3A_64 : memref<80xi32, #tpu.memory_space<hbm>>) dst(%arg8 : memref<80xi32, #tpu.memory_space<vmem>>)
      %dma_wait3A_65 = tpu.memref_slice %arg5[%mul3A_2] : memref<320000xi32, #tpu.memory_space<hbm>> -> memref<80xi32, #tpu.memory_space<hbm>>
      %dma_wait3A_66 = tpu.memref_slice %arg5[%mul3A_2] : memref<320000xi32, #tpu.memory_space<hbm>> -> memref<80xi32, #tpu.memory_space<hbm>>
      tpu.wait_dma2 semaphore(%arg16 : memref<!tpu.dma_semaphore, #tpu.memory_space<semaphore_mem>>) src(%dma_wait3A_66 : memref<80xi32, #tpu.memory_space<hbm>>) dst(%arg10 : memref<80xi32, #tpu.memory_space<vmem>>)
      %add3A_67 = arith.constant 1 : i32
      %add3A_68 = arith.addi %mul3A_62, %add3A_67 : i32
      %mul3A_69 = arith.constant 80 : i32
      %mul3A_70 = arith.muli %add3A_68, %mul3A_69 : i32
      %add3A_71 = arith.addi %mul3A_2, %mul3A_70 : i32
      %dma_start3A_72 = tpu.memref_slice %arg3[%add3A_71] : memref<320000xi32, #tpu.memory_space<hbm>> -> memref<80xi32, #tpu.memory_space<hbm>>
      %dma_start3A_73 = tpu.memref_slice %arg3[%add3A_71] : memref<320000xi32, #tpu.memory_space<hbm>> -> memref<80xi32, #tpu.memory_space<hbm>>
      tpu.enqueue_dma source(%dma_start3A_73 : memref<80xi32, #tpu.memory_space<hbm>>) target(%arg9 : memref<80xi32, #tpu.memory_space<vmem>>) target_semaphore(%arg17 : memref<!tpu.dma_semaphore, #tpu.memory_space<semaphore_mem>>)
      %dma_start3A_74 = tpu.memref_slice %arg5[%add3A_71] : memref<320000xi32, #tpu.memory_space<hbm>> -> memref<80xi32, #tpu.memory_space<hbm>>
      %dma_start3A_75 = tpu.memref_slice %arg5[%add3A_71] : memref<320000xi32, #tpu.memory_space<hbm>> -> memref<80xi32, #tpu.memory_space<hbm>>
      tpu.enqueue_dma source(%dma_start3A_75 : memref<80xi32, #tpu.memory_space<hbm>>) target(%arg11 : memref<80xi32, #tpu.memory_space<vmem>>) target_semaphore(%arg17 : memref<!tpu.dma_semaphore, #tpu.memory_space<semaphore_mem>>)
      %dma_start3A_76 = arith.constant 0 : i32
      %dma_start3A_77 = arith.constant 0 : i32
      %dma_start3A_78 = tpu.memref_slice %arg2[%dma_start3A_76, %dma_start3A_77] : memref<2560x128xf32, #tpu.memory_space<hbm>> -> memref<2560x128xf32, #tpu.memory_space<hbm>>
      tpu.enqueue_indirect_dma source(%dma_start3A_78 : memref<2560x128xf32, #tpu.memory_space<hbm>>) target(%arg12 : memref<80x128xf32, #tpu.memory_space<vmem>>) offsets(%arg8 : memref<80xi32, #tpu.memory_space<vmem>>) semaphore(%arg18 : memref<!tpu.dma_semaphore, #tpu.memory_space<semaphore_mem>>)
      %dma_start3A_79 = arith.constant 0 : i32
      %dma_start3A_80 = arith.constant 0 : i32
      %dma_start3A_81 = tpu.memref_slice %arg4[%dma_start3A_79, %dma_start3A_80] : memref<10112x128xf32, #tpu.memory_space<hbm>> -> memref<10112x128xf32, #tpu.memory_space<hbm>>
      tpu.enqueue_indirect_dma source(%dma_start3A_81 : memref<10112x128xf32, #tpu.memory_space<hbm>>) target(%arg14 : memref<80x128xf32, #tpu.memory_space<vmem>>) offsets(%arg10 : memref<80xi32, #tpu.memory_space<vmem>>) semaphore(%arg18 : memref<!tpu.dma_semaphore, #tpu.memory_space<semaphore_mem>>)
      %dma_wait3A_82 = arith.constant 0 : i32
      %dma_wait3A_83 = arith.constant 0 : i32
      %dma_wait3A_84 = tpu.memref_slice %arg2[%dma_wait3A_82, %dma_wait3A_83] : memref<2560x128xf32, #tpu.memory_space<hbm>> -> memref<2560x128xf32, #tpu.memory_space<hbm>>
      tpu.wait_indirect_dma semaphore(%arg18 : memref<!tpu.dma_semaphore, #tpu.memory_space<semaphore_mem>>) src(%dma_wait3A_84 : memref<2560x128xf32, #tpu.memory_space<hbm>>) dst(%arg12 : memref<80x128xf32, #tpu.memory_space<vmem>>)
      %dma_wait3A_85 = arith.constant 0 : i32
      %dma_wait3A_86 = arith.constant 0 : i32
      %dma_wait3A_87 = tpu.memref_slice %arg4[%dma_wait3A_85, %dma_wait3A_86] : memref<10112x128xf32, #tpu.memory_space<hbm>> -> memref<10112x128xf32, #tpu.memory_space<hbm>>
      tpu.wait_indirect_dma semaphore(%arg18 : memref<!tpu.dma_semaphore, #tpu.memory_space<semaphore_mem>>) src(%dma_wait3A_87 : memref<10112x128xf32, #tpu.memory_space<hbm>>) dst(%arg14 : memref<80x128xf32, #tpu.memory_space<vmem>>)
      %mul3A_88 = arith.constant 80 : i32
      %mul3A_89 = arith.muli %mul3A_62, %mul3A_88 : i32
      %add3A_90 = arith.addi %mul3A_2, %mul3A_89 : i32
      %dma_start3A_91 = arith.constant 0 : i32
      %dma_start3A_92 = tpu.memref_slice %arg6[%add3A_90, %dma_start3A_91] : memref<320000x128xf32, #tpu.memory_space<hbm>> -> memref<80x128xf32, #tpu.memory_space<hbm>>
      %dma_start3A_93 = arith.constant 0 : i32
      %dma_start3A_94 = tpu.memref_slice %arg6[%add3A_90, %dma_start3A_93] : memref<320000x128xf32, #tpu.memory_space<hbm>> -> memref<80x128xf32, #tpu.memory_space<hbm>>
      tpu.enqueue_dma source(%arg12 : memref<80x128xf32, #tpu.memory_space<vmem>>) target(%dma_start3A_94 : memref<80x128xf32, #tpu.memory_space<hbm>>) target_semaphore(%arg20 : memref<!tpu.dma_semaphore, #tpu.memory_space<semaphore_mem>>)
      %dma_start3A_95 = arith.constant 0 : i32
      %dma_start3A_96 = tpu.memref_slice %arg7[%add3A_90, %dma_start3A_95] : memref<320000x128xf32, #tpu.memory_space<hbm>> -> memref<80x128xf32, #tpu.memory_space<hbm>>
      %dma_start3A_97 = arith.constant 0 : i32
      %dma_start3A_98 = tpu.memref_slice %arg7[%add3A_90, %dma_start3A_97] : memref<320000x128xf32, #tpu.memory_space<hbm>> -> memref<80x128xf32, #tpu.memory_space<hbm>>
      tpu.enqueue_dma source(%arg14 : memref<80x128xf32, #tpu.memory_space<vmem>>) target(%dma_start3A_98 : memref<80x128xf32, #tpu.memory_space<hbm>>) target_semaphore(%arg20 : memref<!tpu.dma_semaphore, #tpu.memory_space<semaphore_mem>>)
      %dma_wait3A_99 = tpu.memref_slice %arg3[%mul3A_2] : memref<320000xi32, #tpu.memory_space<hbm>> -> memref<80xi32, #tpu.memory_space<hbm>>
      %dma_wait3A_100 = tpu.memref_slice %arg3[%mul3A_2] : memref<320000xi32, #tpu.memory_space<hbm>> -> memref<80xi32, #tpu.memory_space<hbm>>
      tpu.wait_dma2 semaphore(%arg17 : memref<!tpu.dma_semaphore, #tpu.memory_space<semaphore_mem>>) src(%dma_wait3A_100 : memref<80xi32, #tpu.memory_space<hbm>>) dst(%arg9 : memref<80xi32, #tpu.memory_space<vmem>>)
      %dma_wait3A_101 = tpu.memref_slice %arg5[%mul3A_2] : memref<320000xi32, #tpu.memory_space<hbm>> -> memref<80xi32, #tpu.memory_space<hbm>>
      %dma_wait3A_102 = tpu.memref_slice %arg5[%mul3A_2] : memref<320000xi32, #tpu.memory_space<hbm>> -> memref<80xi32, #tpu.memory_space<hbm>>
      tpu.wait_dma2 semaphore(%arg17 : memref<!tpu.dma_semaphore, #tpu.memory_space<semaphore_mem>>) src(%dma_wait3A_102 : memref<80xi32, #tpu.memory_space<hbm>>) dst(%arg11 : memref<80xi32, #tpu.memory_space<vmem>>)
      %gt3A = arith.constant 0 : i32
      %gt3A_103 = arith.cmpi sgt, %scan3A_60, %gt3A : i32
      %convert_element_type3A = arith.extui %gt3A_103 : i1 to i32
      %cond3A = arith.constant 0 : i32
      %cond3A_104 = arith.cmpi ne, %convert_element_type3A, %cond3A : i32
      scf.if %cond3A_104 {
        %dma_wait3A_144 = arith.constant 0 : i32
        %dma_wait3A_145 = tpu.memref_slice %arg6[%mul3A_2, %dma_wait3A_144] : memref<320000x128xf32, #tpu.memory_space<hbm>> -> memref<80x128xf32, #tpu.memory_space<hbm>>
        %dma_wait3A_146 = arith.constant 0 : i32
        %dma_wait3A_147 = tpu.memref_slice %arg6[%mul3A_2, %dma_wait3A_146] : memref<320000x128xf32, #tpu.memory_space<hbm>> -> memref<80x128xf32, #tpu.memory_space<hbm>>
        tpu.wait_dma2 semaphore(%arg21 : memref<!tpu.dma_semaphore, #tpu.memory_space<semaphore_mem>>) src(%arg13 : memref<80x128xf32, #tpu.memory_space<vmem>>) dst(%dma_wait3A_147 : memref<80x128xf32, #tpu.memory_space<hbm>>)
        %dma_wait3A_148 = arith.constant 0 : i32
        %dma_wait3A_149 = tpu.memref_slice %arg7[%mul3A_2, %dma_wait3A_148] : memref<320000x128xf32, #tpu.memory_space<hbm>> -> memref<80x128xf32, #tpu.memory_space<hbm>>
        %dma_wait3A_150 = arith.constant 0 : i32
        %dma_wait3A_151 = tpu.memref_slice %arg7[%mul3A_2, %dma_wait3A_150] : memref<320000x128xf32, #tpu.memory_space<hbm>> -> memref<80x128xf32, #tpu.memory_space<hbm>>
        tpu.wait_dma2 semaphore(%arg21 : memref<!tpu.dma_semaphore, #tpu.memory_space<semaphore_mem>>) src(%arg15 : memref<80x128xf32, #tpu.memory_space<vmem>>) dst(%dma_wait3A_151 : memref<80x128xf32, #tpu.memory_space<hbm>>)
      } else {
      }
      %dma_start3A_105 = arith.constant 0 : i32
      %dma_start3A_106 = arith.constant 0 : i32
      %dma_start3A_107 = tpu.memref_slice %arg2[%dma_start3A_105, %dma_start3A_106] : memref<2560x128xf32, #tpu.memory_space<hbm>> -> memref<2560x128xf32, #tpu.memory_space<hbm>>
      tpu.enqueue_indirect_dma source(%dma_start3A_107 : memref<2560x128xf32, #tpu.memory_space<hbm>>) target(%arg13 : memref<80x128xf32, #tpu.memory_space<vmem>>) offsets(%arg9 : memref<80xi32, #tpu.memory_space<vmem>>) semaphore(%arg19 : memref<!tpu.dma_semaphore, #tpu.memory_space<semaphore_mem>>)
      %dma_start3A_108 = arith.constant 0 : i32
      %dma_start3A_109 = arith.constant 0 : i32
      %dma_start3A_110 = tpu.memref_slice %arg4[%dma_start3A_108, %dma_start3A_109] : memref<10112x128xf32, #tpu.memory_space<hbm>> -> memref<10112x128xf32, #tpu.memory_space<hbm>>
      tpu.enqueue_indirect_dma source(%dma_start3A_110 : memref<10112x128xf32, #tpu.memory_space<hbm>>) target(%arg15 : memref<80x128xf32, #tpu.memory_space<vmem>>) offsets(%arg11 : memref<80xi32, #tpu.memory_space<vmem>>) semaphore(%arg19 : memref<!tpu.dma_semaphore, #tpu.memory_space<semaphore_mem>>)
      %add3A_111 = arith.constant 1 : i32
      %add3A_112 = arith.addi %scan3A_60, %add3A_111 : i32
      %lt3A = arith.constant 62 : i32
      %lt3A_113 = arith.cmpi slt, %add3A_112, %lt3A : i32
      %convert_element_type3A_114 = arith.extui %lt3A_113 : i1 to i32
      %cond3A_115 = arith.constant 0 : i32
      %cond3A_116 = arith.cmpi ne, %convert_element_type3A_114, %cond3A_115 : i32
      scf.if %cond3A_116 {
        %add3A_144 = arith.constant 2 : i32
        %add3A_145 = arith.addi %mul3A_62, %add3A_144 : i32
        %mul3A_146 = arith.constant 80 : i32
        %mul3A_147 = arith.muli %add3A_145, %mul3A_146 : i32
        %add3A_148 = arith.addi %mul3A_2, %mul3A_147 : i32
        %dma_start3A_149 = tpu.memref_slice %arg3[%add3A_148] : memref<320000xi32, #tpu.memory_space<hbm>> -> memref<80xi32, #tpu.memory_space<hbm>>
        %dma_start3A_150 = tpu.memref_slice %arg3[%add3A_148] : memref<320000xi32, #tpu.memory_space<hbm>> -> memref<80xi32, #tpu.memory_space<hbm>>
        tpu.enqueue_dma source(%dma_start3A_150 : memref<80xi32, #tpu.memory_space<hbm>>) target(%arg8 : memref<80xi32, #tpu.memory_space<vmem>>) target_semaphore(%arg16 : memref<!tpu.dma_semaphore, #tpu.memory_space<semaphore_mem>>)
        %dma_start3A_151 = tpu.memref_slice %arg5[%add3A_148] : memref<320000xi32, #tpu.memory_space<hbm>> -> memref<80xi32, #tpu.memory_space<hbm>>
        %dma_start3A_152 = tpu.memref_slice %arg5[%add3A_148] : memref<320000xi32, #tpu.memory_space<hbm>> -> memref<80xi32, #tpu.memory_space<hbm>>
        tpu.enqueue_dma source(%dma_start3A_152 : memref<80xi32, #tpu.memory_space<hbm>>) target(%arg10 : memref<80xi32, #tpu.memory_space<vmem>>) target_semaphore(%arg16 : memref<!tpu.dma_semaphore, #tpu.memory_space<semaphore_mem>>)
      } else {
      }
      %dma_wait3A_117 = arith.constant 0 : i32
      %dma_wait3A_118 = arith.constant 0 : i32
      %dma_wait3A_119 = tpu.memref_slice %arg2[%dma_wait3A_117, %dma_wait3A_118] : memref<2560x128xf32, #tpu.memory_space<hbm>> -> memref<2560x128xf32, #tpu.memory_space<hbm>>
      tpu.wait_indirect_dma semaphore(%arg19 : memref<!tpu.dma_semaphore, #tpu.memory_space<semaphore_mem>>) src(%dma_wait3A_119 : memref<2560x128xf32, #tpu.memory_space<hbm>>) dst(%arg13 : memref<80x128xf32, #tpu.memory_space<vmem>>)
      %dma_wait3A_120 = arith.constant 0 : i32
      %dma_wait3A_121 = arith.constant 0 : i32
      %dma_wait3A_122 = tpu.memref_slice %arg4[%dma_wait3A_120, %dma_wait3A_121] : memref<10112x128xf32, #tpu.memory_space<hbm>> -> memref<10112x128xf32, #tpu.memory_space<hbm>>
      tpu.wait_indirect_dma semaphore(%arg19 : memref<!tpu.dma_semaphore, #tpu.memory_space<semaphore_mem>>) src(%dma_wait3A_122 : memref<10112x128xf32, #tpu.memory_space<hbm>>) dst(%arg15 : memref<80x128xf32, #tpu.memory_space<vmem>>)
      %add3A_123 = arith.constant 1 : i32
      %add3A_124 = arith.addi %mul3A_62, %add3A_123 : i32
      %mul3A_125 = arith.constant 80 : i32
      %mul3A_126 = arith.muli %add3A_124, %mul3A_125 : i32
      %add3A_127 = arith.addi %mul3A_2, %mul3A_126 : i32
      %dma_start3A_128 = arith.constant 0 : i32
      %dma_start3A_129 = tpu.memref_slice %arg6[%add3A_127, %dma_start3A_128] : memref<320000x128xf32, #tpu.memory_space<hbm>> -> memref<80x128xf32, #tpu.memory_space<hbm>>
      %dma_start3A_130 = arith.constant 0 : i32
      %dma_start3A_131 = tpu.memref_slice %arg6[%add3A_127, %dma_start3A_130] : memref<320000x128xf32, #tpu.memory_space<hbm>> -> memref<80x128xf32, #tpu.memory_space<hbm>>
      tpu.enqueue_dma source(%arg13 : memref<80x128xf32, #tpu.memory_space<vmem>>) target(%dma_start3A_131 : memref<80x128xf32, #tpu.memory_space<hbm>>) target_semaphore(%arg21 : memref<!tpu.dma_semaphore, #tpu.memory_space<semaphore_mem>>)
      %dma_start3A_132 = arith.constant 0 : i32
      %dma_start3A_133 = tpu.memref_slice %arg7[%add3A_127, %dma_start3A_132] : memref<320000x128xf32, #tpu.memory_space<hbm>> -> memref<80x128xf32, #tpu.memory_space<hbm>>
      %dma_start3A_134 = arith.constant 0 : i32
      %dma_start3A_135 = tpu.memref_slice %arg7[%add3A_127, %dma_start3A_134] : memref<320000x128xf32, #tpu.memory_space<hbm>> -> memref<80x128xf32, #tpu.memory_space<hbm>>
      tpu.enqueue_dma source(%arg15 : memref<80x128xf32, #tpu.memory_space<vmem>>) target(%dma_start3A_135 : memref<80x128xf32, #tpu.memory_space<hbm>>) target_semaphore(%arg21 : memref<!tpu.dma_semaphore, #tpu.memory_space<semaphore_mem>>)
      %dma_wait3A_136 = arith.constant 0 : i32
      %dma_wait3A_137 = tpu.memref_slice %arg6[%mul3A_2, %dma_wait3A_136] : memref<320000x128xf32, #tpu.memory_space<hbm>> -> memref<80x128xf32, #tpu.memory_space<hbm>>
      %dma_wait3A_138 = arith.constant 0 : i32
      %dma_wait3A_139 = tpu.memref_slice %arg6[%mul3A_2, %dma_wait3A_138] : memref<320000x128xf32, #tpu.memory_space<hbm>> -> memref<80x128xf32, #tpu.memory_space<hbm>>
      tpu.wait_dma2 semaphore(%arg20 : memref<!tpu.dma_semaphore, #tpu.memory_space<semaphore_mem>>) src(%arg12 : memref<80x128xf32, #tpu.memory_space<vmem>>) dst(%dma_wait3A_139 : memref<80x128xf32, #tpu.memory_space<hbm>>)
      %dma_wait3A_140 = arith.constant 0 : i32
      %dma_wait3A_141 = tpu.memref_slice %arg7[%mul3A_2, %dma_wait3A_140] : memref<320000x128xf32, #tpu.memory_space<hbm>> -> memref<80x128xf32, #tpu.memory_space<hbm>>
      %dma_wait3A_142 = arith.constant 0 : i32
      %dma_wait3A_143 = tpu.memref_slice %arg7[%mul3A_2, %dma_wait3A_142] : memref<320000x128xf32, #tpu.memory_space<hbm>> -> memref<80x128xf32, #tpu.memory_space<hbm>>
      tpu.wait_dma2 semaphore(%arg20 : memref<!tpu.dma_semaphore, #tpu.memory_space<semaphore_mem>>) src(%arg14 : memref<80x128xf32, #tpu.memory_space<vmem>>) dst(%dma_wait3A_143 : memref<80x128xf32, #tpu.memory_space<hbm>>)
    }
    %scan3A_12 = arith.constant 62 : i32
    %dma_wait3A = arith.constant 0 : i32
    %dma_wait3A_13 = tpu.memref_slice %arg6[%mul3A_2, %dma_wait3A] : memref<320000x128xf32, #tpu.memory_space<hbm>> -> memref<80x128xf32, #tpu.memory_space<hbm>>
    %dma_wait3A_14 = arith.constant 0 : i32
    %dma_wait3A_15 = tpu.memref_slice %arg6[%mul3A_2, %dma_wait3A_14] : memref<320000x128xf32, #tpu.memory_space<hbm>> -> memref<80x128xf32, #tpu.memory_space<hbm>>
    tpu.wait_dma2 semaphore(%arg21 : memref<!tpu.dma_semaphore, #tpu.memory_space<semaphore_mem>>) src(%arg13 : memref<80x128xf32, #tpu.memory_space<vmem>>) dst(%dma_wait3A_15 : memref<80x128xf32, #tpu.memory_space<hbm>>)
    %dma_wait3A_16 = arith.constant 0 : i32
    %dma_wait3A_17 = tpu.memref_slice %arg7[%mul3A_2, %dma_wait3A_16] : memref<320000x128xf32, #tpu.memory_space<hbm>> -> memref<80x128xf32, #tpu.memory_space<hbm>>
    %dma_wait3A_18 = arith.constant 0 : i32
    %dma_wait3A_19 = tpu.memref_slice %arg7[%mul3A_2, %dma_wait3A_18] : memref<320000x128xf32, #tpu.memory_space<hbm>> -> memref<80x128xf32, #tpu.memory_space<hbm>>
    tpu.wait_dma2 semaphore(%arg21 : memref<!tpu.dma_semaphore, #tpu.memory_space<semaphore_mem>>) src(%arg15 : memref<80x128xf32, #tpu.memory_space<vmem>>) dst(%dma_wait3A_19 : memref<80x128xf32, #tpu.memory_space<hbm>>)
    %add3A_20 = arith.constant 9920 : i32
    %add3A_21 = arith.addi %mul3A_2, %add3A_20 : i32
    %dma_start3A_22 = tpu.memref_slice %arg3[%add3A_21] : memref<320000xi32, #tpu.memory_space<hbm>> -> memref<80xi32, #tpu.memory_space<hbm>>
    %dma_start3A_23 = tpu.memref_slice %arg3[%add3A_21] : memref<320000xi32, #tpu.memory_space<hbm>> -> memref<80xi32, #tpu.memory_space<hbm>>
    tpu.enqueue_dma source(%dma_start3A_23 : memref<80xi32, #tpu.memory_space<hbm>>) target(%arg8 : memref<80xi32, #tpu.memory_space<vmem>>) target_semaphore(%arg16 : memref<!tpu.dma_semaphore, #tpu.memory_space<semaphore_mem>>)
    %dma_start3A_24 = tpu.memref_slice %arg5[%add3A_21] : memref<320000xi32, #tpu.memory_space<hbm>> -> memref<80xi32, #tpu.memory_space<hbm>>
    %dma_start3A_25 = tpu.memref_slice %arg5[%add3A_21] : memref<320000xi32, #tpu.memory_space<hbm>> -> memref<80xi32, #tpu.memory_space<hbm>>
    tpu.enqueue_dma source(%dma_start3A_25 : memref<80xi32, #tpu.memory_space<hbm>>) target(%arg10 : memref<80xi32, #tpu.memory_space<vmem>>) target_semaphore(%arg16 : memref<!tpu.dma_semaphore, #tpu.memory_space<semaphore_mem>>)
    %dma_wait3A_26 = tpu.memref_slice %arg3[%mul3A_2] : memref<320000xi32, #tpu.memory_space<hbm>> -> memref<80xi32, #tpu.memory_space<hbm>>
    %dma_wait3A_27 = tpu.memref_slice %arg3[%mul3A_2] : memref<320000xi32, #tpu.memory_space<hbm>> -> memref<80xi32, #tpu.memory_space<hbm>>
    tpu.wait_dma2 semaphore(%arg16 : memref<!tpu.dma_semaphore, #tpu.memory_space<semaphore_mem>>) src(%dma_wait3A_27 : memref<80xi32, #tpu.memory_space<hbm>>) dst(%arg8 : memref<80xi32, #tpu.memory_space<vmem>>)
    %dma_wait3A_28 = tpu.memref_slice %arg5[%mul3A_2] : memref<320000xi32, #tpu.memory_space<hbm>> -> memref<80xi32, #tpu.memory_space<hbm>>
    %dma_wait3A_29 = tpu.memref_slice %arg5[%mul3A_2] : memref<320000xi32, #tpu.memory_space<hbm>> -> memref<80xi32, #tpu.memory_space<hbm>>
    tpu.wait_dma2 semaphore(%arg16 : memref<!tpu.dma_semaphore, #tpu.memory_space<semaphore_mem>>) src(%dma_wait3A_29 : memref<80xi32, #tpu.memory_space<hbm>>) dst(%arg10 : memref<80xi32, #tpu.memory_space<vmem>>)
    %dma_start3A_30 = arith.constant 0 : i32
    %dma_start3A_31 = arith.constant 0 : i32
    %dma_start3A_32 = tpu.memref_slice %arg2[%dma_start3A_30, %dma_start3A_31] : memref<2560x128xf32, #tpu.memory_space<hbm>> -> memref<2560x128xf32, #tpu.memory_space<hbm>>
    tpu.enqueue_indirect_dma source(%dma_start3A_32 : memref<2560x128xf32, #tpu.memory_space<hbm>>) target(%arg12 : memref<80x128xf32, #tpu.memory_space<vmem>>) offsets(%arg8 : memref<80xi32, #tpu.memory_space<vmem>>) semaphore(%arg18 : memref<!tpu.dma_semaphore, #tpu.memory_space<semaphore_mem>>)
    %dma_start3A_33 = arith.constant 0 : i32
    %dma_start3A_34 = arith.constant 0 : i32
    %dma_start3A_35 = tpu.memref_slice %arg4[%dma_start3A_33, %dma_start3A_34] : memref<10112x128xf32, #tpu.memory_space<hbm>> -> memref<10112x128xf32, #tpu.memory_space<hbm>>
    tpu.enqueue_indirect_dma source(%dma_start3A_35 : memref<10112x128xf32, #tpu.memory_space<hbm>>) target(%arg14 : memref<80x128xf32, #tpu.memory_space<vmem>>) offsets(%arg10 : memref<80xi32, #tpu.memory_space<vmem>>) semaphore(%arg18 : memref<!tpu.dma_semaphore, #tpu.memory_space<semaphore_mem>>)
    %dma_wait3A_36 = arith.constant 0 : i32
    %dma_wait3A_37 = arith.constant 0 : i32
    %dma_wait3A_38 = tpu.memref_slice %arg2[%dma_wait3A_36, %dma_wait3A_37] : memref<2560x128xf32, #tpu.memory_space<hbm>> -> memref<2560x128xf32, #tpu.memory_space<hbm>>
    tpu.wait_indirect_dma semaphore(%arg18 : memref<!tpu.dma_semaphore, #tpu.memory_space<semaphore_mem>>) src(%dma_wait3A_38 : memref<2560x128xf32, #tpu.memory_space<hbm>>) dst(%arg12 : memref<80x128xf32, #tpu.memory_space<vmem>>)
    %dma_wait3A_39 = arith.constant 0 : i32
    %dma_wait3A_40 = arith.constant 0 : i32
    %dma_wait3A_41 = tpu.memref_slice %arg4[%dma_wait3A_39, %dma_wait3A_40] : memref<10112x128xf32, #tpu.memory_space<hbm>> -> memref<10112x128xf32, #tpu.memory_space<hbm>>
    tpu.wait_indirect_dma semaphore(%arg18 : memref<!tpu.dma_semaphore, #tpu.memory_space<semaphore_mem>>) src(%dma_wait3A_41 : memref<10112x128xf32, #tpu.memory_space<hbm>>) dst(%arg14 : memref<80x128xf32, #tpu.memory_space<vmem>>)
    %add3A_42 = arith.constant 9920 : i32
    %add3A_43 = arith.addi %mul3A_2, %add3A_42 : i32
    %dma_start3A_44 = arith.constant 0 : i32
    %dma_start3A_45 = tpu.memref_slice %arg6[%add3A_43, %dma_start3A_44] : memref<320000x128xf32, #tpu.memory_space<hbm>> -> memref<80x128xf32, #tpu.memory_space<hbm>>
    %dma_start3A_46 = arith.constant 0 : i32
    %dma_start3A_47 = tpu.memref_slice %arg6[%add3A_43, %dma_start3A_46] : memref<320000x128xf32, #tpu.memory_space<hbm>> -> memref<80x128xf32, #tpu.memory_space<hbm>>
    tpu.enqueue_dma source(%arg12 : memref<80x128xf32, #tpu.memory_space<vmem>>) target(%dma_start3A_47 : memref<80x128xf32, #tpu.memory_space<hbm>>) target_semaphore(%arg20 : memref<!tpu.dma_semaphore, #tpu.memory_space<semaphore_mem>>)
    %dma_start3A_48 = arith.constant 0 : i32
    %dma_start3A_49 = tpu.memref_slice %arg7[%add3A_43, %dma_start3A_48] : memref<320000x128xf32, #tpu.memory_space<hbm>> -> memref<80x128xf32, #tpu.memory_space<hbm>>
    %dma_start3A_50 = arith.constant 0 : i32
    %dma_start3A_51 = tpu.memref_slice %arg7[%add3A_43, %dma_start3A_50] : memref<320000x128xf32, #tpu.memory_space<hbm>> -> memref<80x128xf32, #tpu.memory_space<hbm>>
    tpu.enqueue_dma source(%arg14 : memref<80x128xf32, #tpu.memory_space<vmem>>) target(%dma_start3A_51 : memref<80x128xf32, #tpu.memory_space<hbm>>) target_semaphore(%arg20 : memref<!tpu.dma_semaphore, #tpu.memory_space<semaphore_mem>>)
    %dma_wait3A_52 = arith.constant 0 : i32
    %dma_wait3A_53 = tpu.memref_slice %arg6[%mul3A_2, %dma_wait3A_52] : memref<320000x128xf32, #tpu.memory_space<hbm>> -> memref<80x128xf32, #tpu.memory_space<hbm>>
    %dma_wait3A_54 = arith.constant 0 : i32
    %dma_wait3A_55 = tpu.memref_slice %arg6[%mul3A_2, %dma_wait3A_54] : memref<320000x128xf32, #tpu.memory_space<hbm>> -> memref<80x128xf32, #tpu.memory_space<hbm>>
    tpu.wait_dma2 semaphore(%arg20 : memref<!tpu.dma_semaphore, #tpu.memory_space<semaphore_mem>>) src(%arg12 : memref<80x128xf32, #tpu.memory_space<vmem>>) dst(%dma_wait3A_55 : memref<80x128xf32, #tpu.memory_space<hbm>>)
    %dma_wait3A_56 = arith.constant 0 : i32
    %dma_wait3A_57 = tpu.memref_slice %arg7[%mul3A_2, %dma_wait3A_56] : memref<320000x128xf32, #tpu.memory_space<hbm>> -> memref<80x128xf32, #tpu.memory_space<hbm>>
    %dma_wait3A_58 = arith.constant 0 : i32
    %dma_wait3A_59 = tpu.memref_slice %arg7[%mul3A_2, %dma_wait3A_58] : memref<320000x128xf32, #tpu.memory_space<hbm>> -> memref<80x128xf32, #tpu.memory_space<hbm>>
    tpu.wait_dma2 semaphore(%arg20 : memref<!tpu.dma_semaphore, #tpu.memory_space<semaphore_mem>>) src(%arg14 : memref<80x128xf32, #tpu.memory_space<vmem>>) dst(%dma_wait3A_59 : memref<80x128xf32, #tpu.memory_space<hbm>>)
    return
  }
}

#map = affine_map<(d0, d1) -> (0, 0)>
#map1 = affine_map<(d0, d1) -> (0)>
#map2 = affine_map<(d0, d1) -> (0, 0, 0)>
module attributes {stable_mosaic.version = 14 : i64} {
  func.func @k(%arg0: i32, %arg1: i32, %arg2: memref<320000x128xf32, #tpu.memory_space<hbm>>, %arg3: memref<320000xi32, #tpu.memory_space<hbm>>, %arg4: memref<632x128xf32, #tpu.memory_space<hbm>>, %arg5: memref<80x128xf32, #tpu.memory_space<hbm>>, %arg6: memref<2x10112x128xf32, #tpu.memory_space<hbm>>, %arg7: memref<2x10112x128xf32, #tpu.memory_space<hbm>>, %arg8: memref<80x128xf32, #tpu.memory_space<vmem>>, %arg9: memref<80x128xf32, #tpu.memory_space<vmem>>, %arg10: memref<80xi32, #tpu.memory_space<vmem>>, %arg11: memref<80xi32, #tpu.memory_space<vmem>>, %arg12: memref<80x128xf32, #tpu.memory_space<vmem>>, %arg13: memref<10112x128xf32, #tpu.memory_space<vmem_shared>>, %arg14: memref<!tpu.dma_semaphore, #tpu.memory_space<semaphore_mem>>, %arg15: memref<!tpu.dma_semaphore, #tpu.memory_space<semaphore_mem>>, %arg16: memref<!tpu.dma_semaphore, #tpu.memory_space<semaphore_mem>>, %arg17: memref<!tpu.dma_semaphore, #tpu.memory_space<semaphore_mem>>) attributes {dimension_semantics = [#tpu.dimension_semantics<core_parallel>, #tpu.dimension_semantics<subcore_parallel>], iteration_bounds = array<i64: 2, 16>, scalar_prefetch = 0 : i64, scratch_operands = 10 : i64, tpu.core_type = #tpu.core_type<sc_vector_subcore>, window_params = [{transform_indices = #map}, {transform_indices = #map1}, {transform_indices = #map}, {transform_indices = #map}, {transform_indices = #map2}, {transform_indices = #map2}]} {
    %mul3A = arith.constant 2 : i32
    %mul3A_0 = arith.muli %arg1, %mul3A : i32
    %add3A = arith.addi %mul3A_0, %arg0 : i32
    %mul3A_1 = arith.constant 10000 : i32
    %mul3A_2 = arith.muli %add3A, %mul3A_1 : i32
    "tpu.region"() ({
      %run_scoped3A = tpu.sem_alloc : memref<!tpu.dma_semaphore, #tpu.memory_space<semaphore_mem>>
      tpu.enqueue_dma source(%arg5 : memref<80x128xf32, #tpu.memory_space<hbm>>) target(%arg12 : memref<80x128xf32, #tpu.memory_space<vmem>>) target_semaphore(%run_scoped3A : memref<!tpu.dma_semaphore, #tpu.memory_space<semaphore_mem>>)
      tpu.wait_dma2 semaphore(%run_scoped3A : memref<!tpu.dma_semaphore, #tpu.memory_space<semaphore_mem>>) src(%arg5 : memref<80x128xf32, #tpu.memory_space<hbm>>) dst(%arg12 : memref<80x128xf32, #tpu.memory_space<vmem>>)
      tpu.yield
    }) : () -> ()
    %mul3A_3 = arith.constant 632 : i32
    %mul3A_4 = arith.muli %arg1, %mul3A_3 : i32
    "tpu.region"() ({
      %run_scoped3A = tpu.sem_alloc : memref<!tpu.dma_semaphore, #tpu.memory_space<semaphore_mem>>
      %dma_start3A_72 = arith.constant 0 : i32
      %dma_start3A_73 = tpu.memref_slice %arg13[%mul3A_4, %dma_start3A_72] : memref<10112x128xf32, #tpu.memory_space<vmem_shared>> -> memref<632x128xf32, #tpu.memory_space<vmem_shared>>
      tpu.enqueue_dma source(%arg4 : memref<632x128xf32, #tpu.memory_space<hbm>>) target(%dma_start3A_73 : memref<632x128xf32, #tpu.memory_space<vmem_shared>>) target_semaphore(%run_scoped3A : memref<!tpu.dma_semaphore, #tpu.memory_space<semaphore_mem>>)
      %dma_wait3A_74 = arith.constant 0 : i32
      %dma_wait3A_75 = tpu.memref_slice %arg13[%mul3A_4, %dma_wait3A_74] : memref<10112x128xf32, #tpu.memory_space<vmem_shared>> -> memref<632x128xf32, #tpu.memory_space<vmem_shared>>
      tpu.wait_dma2 semaphore(%run_scoped3A : memref<!tpu.dma_semaphore, #tpu.memory_space<semaphore_mem>>) src(%arg4 : memref<632x128xf32, #tpu.memory_space<hbm>>) dst(%dma_wait3A_75 : memref<632x128xf32, #tpu.memory_space<vmem_shared>>)
      tpu.yield
    }) : () -> ()
    %barrier3A = arith.constant 0 : index
    tpu.barrier barrier_id(%barrier3A)
    %add3A_5 = arith.constant 0 : i32
    %add3A_6 = arith.addi %mul3A_2, %add3A_5 : i32
    %dma_start3A = arith.constant 0 : i32
    %dma_start3A_7 = tpu.memref_slice %arg2[%add3A_6, %dma_start3A] : memref<320000x128xf32, #tpu.memory_space<hbm>> -> memref<80x128xf32, #tpu.memory_space<hbm>>
    %dma_start3A_8 = arith.constant 0 : i32
    %dma_start3A_9 = tpu.memref_slice %arg2[%add3A_6, %dma_start3A_8] : memref<320000x128xf32, #tpu.memory_space<hbm>> -> memref<80x128xf32, #tpu.memory_space<hbm>>
    tpu.enqueue_dma source(%dma_start3A_9 : memref<80x128xf32, #tpu.memory_space<hbm>>) target(%arg8 : memref<80x128xf32, #tpu.memory_space<vmem>>) target_semaphore(%arg14 : memref<!tpu.dma_semaphore, #tpu.memory_space<semaphore_mem>>)
    %dma_start3A_10 = tpu.memref_slice %arg3[%add3A_6] : memref<320000xi32, #tpu.memory_space<hbm>> -> memref<80xi32, #tpu.memory_space<hbm>>
    %dma_start3A_11 = tpu.memref_slice %arg3[%add3A_6] : memref<320000xi32, #tpu.memory_space<hbm>> -> memref<80xi32, #tpu.memory_space<hbm>>
    tpu.enqueue_dma source(%dma_start3A_11 : memref<80xi32, #tpu.memory_space<hbm>>) target(%arg10 : memref<80xi32, #tpu.memory_space<vmem>>) target_semaphore(%arg14 : memref<!tpu.dma_semaphore, #tpu.memory_space<semaphore_mem>>)
    %scan3A = arith.constant 0 : i32
    %scan3A_12 = arith.constant 0 : i32
    %scan3A_13 = arith.constant 62 : i32
    %scan3A_14 = arith.addi %scan3A_12, %scan3A_13 : i32
    %scan3A_15 = arith.constant 1 : i32
    scf.for %scan3A_72 = %scan3A_12 to %scan3A_14 step %scan3A_15  : i32 {
      %mul3A_73 = arith.constant 2 : i32
      %mul3A_74 = arith.muli %mul3A_73, %scan3A_72 : i32
      %dma_wait3A_75 = arith.constant 0 : i32
      %dma_wait3A_76 = tpu.memref_slice %arg2[%mul3A_2, %dma_wait3A_75] : memref<320000x128xf32, #tpu.memory_space<hbm>> -> memref<80x128xf32, #tpu.memory_space<hbm>>
      %dma_wait3A_77 = arith.constant 0 : i32
      %dma_wait3A_78 = tpu.memref_slice %arg2[%mul3A_2, %dma_wait3A_77] : memref<320000x128xf32, #tpu.memory_space<hbm>> -> memref<80x128xf32, #tpu.memory_space<hbm>>
      tpu.wait_dma2 semaphore(%arg14 : memref<!tpu.dma_semaphore, #tpu.memory_space<semaphore_mem>>) src(%dma_wait3A_78 : memref<80x128xf32, #tpu.memory_space<hbm>>) dst(%arg8 : memref<80x128xf32, #tpu.memory_space<vmem>>)
      %dma_wait3A_79 = tpu.memref_slice %arg3[%mul3A_2] : memref<320000xi32, #tpu.memory_space<hbm>> -> memref<80xi32, #tpu.memory_space<hbm>>
      %dma_wait3A_80 = tpu.memref_slice %arg3[%mul3A_2] : memref<320000xi32, #tpu.memory_space<hbm>> -> memref<80xi32, #tpu.memory_space<hbm>>
      tpu.wait_dma2 semaphore(%arg14 : memref<!tpu.dma_semaphore, #tpu.memory_space<semaphore_mem>>) src(%dma_wait3A_80 : memref<80xi32, #tpu.memory_space<hbm>>) dst(%arg10 : memref<80xi32, #tpu.memory_space<vmem>>)
      %add3A_81 = arith.constant 1 : i32
      %add3A_82 = arith.addi %mul3A_74, %add3A_81 : i32
      %mul3A_83 = arith.constant 80 : i32
      %mul3A_84 = arith.muli %add3A_82, %mul3A_83 : i32
      %add3A_85 = arith.addi %mul3A_2, %mul3A_84 : i32
      %dma_start3A_86 = arith.constant 0 : i32
      %dma_start3A_87 = tpu.memref_slice %arg2[%add3A_85, %dma_start3A_86] : memref<320000x128xf32, #tpu.memory_space<hbm>> -> memref<80x128xf32, #tpu.memory_space<hbm>>
      %dma_start3A_88 = arith.constant 0 : i32
      %dma_start3A_89 = tpu.memref_slice %arg2[%add3A_85, %dma_start3A_88] : memref<320000x128xf32, #tpu.memory_space<hbm>> -> memref<80x128xf32, #tpu.memory_space<hbm>>
      tpu.enqueue_dma source(%dma_start3A_89 : memref<80x128xf32, #tpu.memory_space<hbm>>) target(%arg9 : memref<80x128xf32, #tpu.memory_space<vmem>>) target_semaphore(%arg15 : memref<!tpu.dma_semaphore, #tpu.memory_space<semaphore_mem>>)
      %dma_start3A_90 = tpu.memref_slice %arg3[%add3A_85] : memref<320000xi32, #tpu.memory_space<hbm>> -> memref<80xi32, #tpu.memory_space<hbm>>
      %dma_start3A_91 = tpu.memref_slice %arg3[%add3A_85] : memref<320000xi32, #tpu.memory_space<hbm>> -> memref<80xi32, #tpu.memory_space<hbm>>
      tpu.enqueue_dma source(%dma_start3A_91 : memref<80xi32, #tpu.memory_space<hbm>>) target(%arg11 : memref<80xi32, #tpu.memory_space<vmem>>) target_semaphore(%arg15 : memref<!tpu.dma_semaphore, #tpu.memory_space<semaphore_mem>>)
      %dma_start3A_92 = arith.constant 0 : i32
      %dma_start3A_93 = arith.constant 0 : i32
      %dma_start3A_94 = tpu.memref_slice %arg13[%dma_start3A_92, %dma_start3A_93] : memref<10112x128xf32, #tpu.memory_space<vmem_shared>> -> memref<10112x128xf32, #tpu.memory_space<vmem_shared>>
      tpu.enqueue_indirect_dma source(%arg8 : memref<80x128xf32, #tpu.memory_space<vmem>>) target(%dma_start3A_94 : memref<10112x128xf32, #tpu.memory_space<vmem_shared>>) offsets(%arg10 : memref<80xi32, #tpu.memory_space<vmem>>) semaphore(%arg16 : memref<!tpu.dma_semaphore, #tpu.memory_space<semaphore_mem>>) {add = true}
      %dma_wait3A_95 = arith.constant 0 : i32
      %dma_wait3A_96 = tpu.memref_slice %arg2[%mul3A_2, %dma_wait3A_95] : memref<320000x128xf32, #tpu.memory_space<hbm>> -> memref<80x128xf32, #tpu.memory_space<hbm>>
      %dma_wait3A_97 = arith.constant 0 : i32
      %dma_wait3A_98 = tpu.memref_slice %arg2[%mul3A_2, %dma_wait3A_97] : memref<320000x128xf32, #tpu.memory_space<hbm>> -> memref<80x128xf32, #tpu.memory_space<hbm>>
      tpu.wait_dma2 semaphore(%arg15 : memref<!tpu.dma_semaphore, #tpu.memory_space<semaphore_mem>>) src(%dma_wait3A_98 : memref<80x128xf32, #tpu.memory_space<hbm>>) dst(%arg9 : memref<80x128xf32, #tpu.memory_space<vmem>>)
      %dma_wait3A_99 = tpu.memref_slice %arg3[%mul3A_2] : memref<320000xi32, #tpu.memory_space<hbm>> -> memref<80xi32, #tpu.memory_space<hbm>>
      %dma_wait3A_100 = tpu.memref_slice %arg3[%mul3A_2] : memref<320000xi32, #tpu.memory_space<hbm>> -> memref<80xi32, #tpu.memory_space<hbm>>
      tpu.wait_dma2 semaphore(%arg15 : memref<!tpu.dma_semaphore, #tpu.memory_space<semaphore_mem>>) src(%dma_wait3A_100 : memref<80xi32, #tpu.memory_space<hbm>>) dst(%arg11 : memref<80xi32, #tpu.memory_space<vmem>>)
      %dma_wait3A_101 = arith.constant 0 : i32
      %dma_wait3A_102 = arith.constant 0 : i32
      %dma_wait3A_103 = tpu.memref_slice %arg13[%dma_wait3A_101, %dma_wait3A_102] : memref<10112x128xf32, #tpu.memory_space<vmem_shared>> -> memref<10112x128xf32, #tpu.memory_space<vmem_shared>>
      tpu.wait_indirect_dma semaphore(%arg16 : memref<!tpu.dma_semaphore, #tpu.memory_space<semaphore_mem>>) src(%arg8 : memref<80x128xf32, #tpu.memory_space<vmem>>) dst(%dma_wait3A_103 : memref<10112x128xf32, #tpu.memory_space<vmem_shared>>)
      %add3A_104 = arith.constant 1 : i32
      %add3A_105 = arith.addi %scan3A_72, %add3A_104 : i32
      %lt3A = arith.constant 62 : i32
      %lt3A_106 = arith.cmpi slt, %add3A_105, %lt3A : i32
      %convert_element_type3A = arith.extui %lt3A_106 : i1 to i32
      %cond3A = arith.constant 0 : i32
      %cond3A_107 = arith.cmpi ne, %convert_element_type3A, %cond3A : i32
      scf.if %cond3A_107 {
        %add3A_114 = arith.constant 2 : i32
        %add3A_115 = arith.addi %mul3A_74, %add3A_114 : i32
        %mul3A_116 = arith.constant 80 : i32
        %mul3A_117 = arith.muli %add3A_115, %mul3A_116 : i32
        %add3A_118 = arith.addi %mul3A_2, %mul3A_117 : i32
        %dma_start3A_119 = arith.constant 0 : i32
        %dma_start3A_120 = tpu.memref_slice %arg2[%add3A_118, %dma_start3A_119] : memref<320000x128xf32, #tpu.memory_space<hbm>> -> memref<80x128xf32, #tpu.memory_space<hbm>>
        %dma_start3A_121 = arith.constant 0 : i32
        %dma_start3A_122 = tpu.memref_slice %arg2[%add3A_118, %dma_start3A_121] : memref<320000x128xf32, #tpu.memory_space<hbm>> -> memref<80x128xf32, #tpu.memory_space<hbm>>
        tpu.enqueue_dma source(%dma_start3A_122 : memref<80x128xf32, #tpu.memory_space<hbm>>) target(%arg8 : memref<80x128xf32, #tpu.memory_space<vmem>>) target_semaphore(%arg14 : memref<!tpu.dma_semaphore, #tpu.memory_space<semaphore_mem>>)
        %dma_start3A_123 = tpu.memref_slice %arg3[%add3A_118] : memref<320000xi32, #tpu.memory_space<hbm>> -> memref<80xi32, #tpu.memory_space<hbm>>
        %dma_start3A_124 = tpu.memref_slice %arg3[%add3A_118] : memref<320000xi32, #tpu.memory_space<hbm>> -> memref<80xi32, #tpu.memory_space<hbm>>
        tpu.enqueue_dma source(%dma_start3A_124 : memref<80xi32, #tpu.memory_space<hbm>>) target(%arg10 : memref<80xi32, #tpu.memory_space<vmem>>) target_semaphore(%arg14 : memref<!tpu.dma_semaphore, #tpu.memory_space<semaphore_mem>>)
      } else {
      }
      %dma_start3A_108 = arith.constant 0 : i32
      %dma_start3A_109 = arith.constant 0 : i32
      %dma_start3A_110 = tpu.memref_slice %arg13[%dma_start3A_108, %dma_start3A_109] : memref<10112x128xf32, #tpu.memory_space<vmem_shared>> -> memref<10112x128xf32, #tpu.memory_space<vmem_shared>>
      tpu.enqueue_indirect_dma source(%arg9 : memref<80x128xf32, #tpu.memory_space<vmem>>) target(%dma_start3A_110 : memref<10112x128xf32, #tpu.memory_space<vmem_shared>>) offsets(%arg11 : memref<80xi32, #tpu.memory_space<vmem>>) semaphore(%arg17 : memref<!tpu.dma_semaphore, #tpu.memory_space<semaphore_mem>>) {add = true}
      %dma_wait3A_111 = arith.constant 0 : i32
      %dma_wait3A_112 = arith.constant 0 : i32
      %dma_wait3A_113 = tpu.memref_slice %arg13[%dma_wait3A_111, %dma_wait3A_112] : memref<10112x128xf32, #tpu.memory_space<vmem_shared>> -> memref<10112x128xf32, #tpu.memory_space<vmem_shared>>
      tpu.wait_indirect_dma semaphore(%arg17 : memref<!tpu.dma_semaphore, #tpu.memory_space<semaphore_mem>>) src(%arg9 : memref<80x128xf32, #tpu.memory_space<vmem>>) dst(%dma_wait3A_113 : memref<10112x128xf32, #tpu.memory_space<vmem_shared>>)
    }
    %scan3A_16 = arith.constant 62 : i32
    %add3A_17 = arith.constant 9920 : i32
    %add3A_18 = arith.addi %mul3A_2, %add3A_17 : i32
    %dma_start3A_19 = arith.constant 0 : i32
    %dma_start3A_20 = tpu.memref_slice %arg2[%add3A_18, %dma_start3A_19] : memref<320000x128xf32, #tpu.memory_space<hbm>> -> memref<80x128xf32, #tpu.memory_space<hbm>>
    %dma_start3A_21 = arith.constant 0 : i32
    %dma_start3A_22 = tpu.memref_slice %arg2[%add3A_18, %dma_start3A_21] : memref<320000x128xf32, #tpu.memory_space<hbm>> -> memref<80x128xf32, #tpu.memory_space<hbm>>
    tpu.enqueue_dma source(%dma_start3A_22 : memref<80x128xf32, #tpu.memory_space<hbm>>) target(%arg8 : memref<80x128xf32, #tpu.memory_space<vmem>>) target_semaphore(%arg14 : memref<!tpu.dma_semaphore, #tpu.memory_space<semaphore_mem>>)
    %dma_start3A_23 = tpu.memref_slice %arg3[%add3A_18] : memref<320000xi32, #tpu.memory_space<hbm>> -> memref<80xi32, #tpu.memory_space<hbm>>
    %dma_start3A_24 = tpu.memref_slice %arg3[%add3A_18] : memref<320000xi32, #tpu.memory_space<hbm>> -> memref<80xi32, #tpu.memory_space<hbm>>
    tpu.enqueue_dma source(%dma_start3A_24 : memref<80xi32, #tpu.memory_space<hbm>>) target(%arg10 : memref<80xi32, #tpu.memory_space<vmem>>) target_semaphore(%arg14 : memref<!tpu.dma_semaphore, #tpu.memory_space<semaphore_mem>>)
    %dma_wait3A = arith.constant 0 : i32
    %dma_wait3A_25 = tpu.memref_slice %arg2[%mul3A_2, %dma_wait3A] : memref<320000x128xf32, #tpu.memory_space<hbm>> -> memref<80x128xf32, #tpu.memory_space<hbm>>
    %dma_wait3A_26 = arith.constant 0 : i32
    %dma_wait3A_27 = tpu.memref_slice %arg2[%mul3A_2, %dma_wait3A_26] : memref<320000x128xf32, #tpu.memory_space<hbm>> -> memref<80x128xf32, #tpu.memory_space<hbm>>
    tpu.wait_dma2 semaphore(%arg14 : memref<!tpu.dma_semaphore, #tpu.memory_space<semaphore_mem>>) src(%dma_wait3A_27 : memref<80x128xf32, #tpu.memory_space<hbm>>) dst(%arg8 : memref<80x128xf32, #tpu.memory_space<vmem>>)
    %dma_wait3A_28 = tpu.memref_slice %arg3[%mul3A_2] : memref<320000xi32, #tpu.memory_space<hbm>> -> memref<80xi32, #tpu.memory_space<hbm>>
    %dma_wait3A_29 = tpu.memref_slice %arg3[%mul3A_2] : memref<320000xi32, #tpu.memory_space<hbm>> -> memref<80xi32, #tpu.memory_space<hbm>>
    tpu.wait_dma2 semaphore(%arg14 : memref<!tpu.dma_semaphore, #tpu.memory_space<semaphore_mem>>) src(%dma_wait3A_29 : memref<80xi32, #tpu.memory_space<hbm>>) dst(%arg10 : memref<80xi32, #tpu.memory_space<vmem>>)
    %dma_start3A_30 = arith.constant 0 : i32
    %dma_start3A_31 = arith.constant 0 : i32
    %dma_start3A_32 = tpu.memref_slice %arg13[%dma_start3A_30, %dma_start3A_31] : memref<10112x128xf32, #tpu.memory_space<vmem_shared>> -> memref<10112x128xf32, #tpu.memory_space<vmem_shared>>
    tpu.enqueue_indirect_dma source(%arg8 : memref<80x128xf32, #tpu.memory_space<vmem>>) target(%dma_start3A_32 : memref<10112x128xf32, #tpu.memory_space<vmem_shared>>) offsets(%arg10 : memref<80xi32, #tpu.memory_space<vmem>>) semaphore(%arg16 : memref<!tpu.dma_semaphore, #tpu.memory_space<semaphore_mem>>) {add = true}
    %dma_wait3A_33 = arith.constant 0 : i32
    %dma_wait3A_34 = arith.constant 0 : i32
    %dma_wait3A_35 = tpu.memref_slice %arg13[%dma_wait3A_33, %dma_wait3A_34] : memref<10112x128xf32, #tpu.memory_space<vmem_shared>> -> memref<10112x128xf32, #tpu.memory_space<vmem_shared>>
    tpu.wait_indirect_dma semaphore(%arg16 : memref<!tpu.dma_semaphore, #tpu.memory_space<semaphore_mem>>) src(%arg8 : memref<80x128xf32, #tpu.memory_space<vmem>>) dst(%dma_wait3A_35 : memref<10112x128xf32, #tpu.memory_space<vmem_shared>>)
    %barrier3A_36 = arith.constant 0 : index
    tpu.barrier barrier_id(%barrier3A_36)
    %mul3A_37 = arith.constant 632 : i32
    %mul3A_38 = arith.muli %arg1, %mul3A_37 : i32
    %mul3A_39 = arith.constant 632 : i32
    %mul3A_40 = arith.muli %arg1, %mul3A_39 : i32
    "tpu.region"() ({
      %run_scoped3A = tpu.sem_alloc : memref<!tpu.dma_semaphore, #tpu.memory_space<semaphore_mem>>
      %dma_start3A_72 = arith.constant 0 : i32
      %dma_start3A_73 = tpu.memref_slice %arg6[%arg0, %mul3A_40, %dma_start3A_72] : memref<2x10112x128xf32, #tpu.memory_space<hbm>> -> memref<1x632x128xf32, #tpu.memory_space<hbm>>
      %dma_start3A_74 = tpu.memref_squeeze %dma_start3A_73 : memref<1x632x128xf32, #tpu.memory_space<hbm>> -> memref<632x128xf32, #tpu.memory_space<hbm>>
      %dma_start3A_75 = arith.constant 0 : i32
      %dma_start3A_76 = tpu.memref_slice %arg13[%mul3A_38, %dma_start3A_75] : memref<10112x128xf32, #tpu.memory_space<vmem_shared>> -> memref<632x128xf32, #tpu.memory_space<vmem_shared>>
      tpu.enqueue_dma source(%dma_start3A_76 : memref<632x128xf32, #tpu.memory_space<vmem_shared>>) target(%dma_start3A_74 : memref<632x128xf32, #tpu.memory_space<hbm>>) target_semaphore(%run_scoped3A : memref<!tpu.dma_semaphore, #tpu.memory_space<semaphore_mem>>)
      %dma_wait3A_77 = arith.constant 0 : i32
      %dma_wait3A_78 = tpu.memref_slice %arg6[%arg0, %mul3A_40, %dma_wait3A_77] : memref<2x10112x128xf32, #tpu.memory_space<hbm>> -> memref<1x632x128xf32, #tpu.memory_space<hbm>>
      %dma_wait3A_79 = tpu.memref_squeeze %dma_wait3A_78 : memref<1x632x128xf32, #tpu.memory_space<hbm>> -> memref<632x128xf32, #tpu.memory_space<hbm>>
      %dma_wait3A_80 = arith.constant 0 : i32
      %dma_wait3A_81 = tpu.memref_slice %arg13[%mul3A_38, %dma_wait3A_80] : memref<10112x128xf32, #tpu.memory_space<vmem_shared>> -> memref<632x128xf32, #tpu.memory_space<vmem_shared>>
      tpu.wait_dma2 semaphore(%run_scoped3A : memref<!tpu.dma_semaphore, #tpu.memory_space<semaphore_mem>>) src(%dma_wait3A_81 : memref<632x128xf32, #tpu.memory_space<vmem_shared>>) dst(%dma_wait3A_79 : memref<632x128xf32, #tpu.memory_space<hbm>>)
      tpu.yield
    }) : () -> ()
    %barrier3A_41 = arith.constant 0 : index
    tpu.barrier barrier_id(%barrier3A_41)
    %mul3A_42 = arith.constant 632 : i32
    %mul3A_43 = arith.muli %arg1, %mul3A_42 : i32
    "tpu.region"() ({
      %run_scoped3A = tpu.sem_alloc : memref<!tpu.dma_semaphore, #tpu.memory_space<semaphore_mem>>
      %dma_start3A_72 = arith.constant 0 : i32
      %dma_start3A_73 = tpu.memref_slice %arg13[%mul3A_43, %dma_start3A_72] : memref<10112x128xf32, #tpu.memory_space<vmem_shared>> -> memref<632x128xf32, #tpu.memory_space<vmem_shared>>
      tpu.enqueue_dma source(%arg4 : memref<632x128xf32, #tpu.memory_space<hbm>>) target(%dma_start3A_73 : memref<632x128xf32, #tpu.memory_space<vmem_shared>>) target_semaphore(%run_scoped3A : memref<!tpu.dma_semaphore, #tpu.memory_space<semaphore_mem>>)
      %dma_wait3A_74 = arith.constant 0 : i32
      %dma_wait3A_75 = tpu.memref_slice %arg13[%mul3A_43, %dma_wait3A_74] : memref<10112x128xf32, #tpu.memory_space<vmem_shared>> -> memref<632x128xf32, #tpu.memory_space<vmem_shared>>
      tpu.wait_dma2 semaphore(%run_scoped3A : memref<!tpu.dma_semaphore, #tpu.memory_space<semaphore_mem>>) src(%arg4 : memref<632x128xf32, #tpu.memory_space<hbm>>) dst(%dma_wait3A_75 : memref<632x128xf32, #tpu.memory_space<vmem_shared>>)
      tpu.yield
    }) : () -> ()
    %barrier3A_44 = arith.constant 0 : index
    tpu.barrier barrier_id(%barrier3A_44)
    %add3A_45 = arith.constant 0 : i32
    %add3A_46 = arith.addi %mul3A_2, %add3A_45 : i32
    %dma_start3A_47 = tpu.memref_slice %arg3[%add3A_46] : memref<320000xi32, #tpu.memory_space<hbm>> -> memref<80xi32, #tpu.memory_space<hbm>>
    %dma_start3A_48 = tpu.memref_slice %arg3[%add3A_46] : memref<320000xi32, #tpu.memory_space<hbm>> -> memref<80xi32, #tpu.memory_space<hbm>>
    tpu.enqueue_dma source(%dma_start3A_48 : memref<80xi32, #tpu.memory_space<hbm>>) target(%arg10 : memref<80xi32, #tpu.memory_space<vmem>>) target_semaphore(%arg14 : memref<!tpu.dma_semaphore, #tpu.memory_space<semaphore_mem>>)
    %scan3A_49 = arith.constant 0 : i32
    %scan3A_50 = arith.constant 0 : i32
    %scan3A_51 = arith.constant 62 : i32
    %scan3A_52 = arith.addi %scan3A_50, %scan3A_51 : i32
    %scan3A_53 = arith.constant 1 : i32
    scf.for %scan3A_72 = %scan3A_50 to %scan3A_52 step %scan3A_53  : i32 {
      %mul3A_73 = arith.constant 2 : i32
      %mul3A_74 = arith.muli %mul3A_73, %scan3A_72 : i32
      %dma_wait3A_75 = tpu.memref_slice %arg3[%mul3A_2] : memref<320000xi32, #tpu.memory_space<hbm>> -> memref<80xi32, #tpu.memory_space<hbm>>
      %dma_wait3A_76 = tpu.memref_slice %arg3[%mul3A_2] : memref<320000xi32, #tpu.memory_space<hbm>> -> memref<80xi32, #tpu.memory_space<hbm>>
      tpu.wait_dma2 semaphore(%arg14 : memref<!tpu.dma_semaphore, #tpu.memory_space<semaphore_mem>>) src(%dma_wait3A_76 : memref<80xi32, #tpu.memory_space<hbm>>) dst(%arg10 : memref<80xi32, #tpu.memory_space<vmem>>)
      %add3A_77 = arith.constant 1 : i32
      %add3A_78 = arith.addi %mul3A_74, %add3A_77 : i32
      %mul3A_79 = arith.constant 80 : i32
      %mul3A_80 = arith.muli %add3A_78, %mul3A_79 : i32
      %add3A_81 = arith.addi %mul3A_2, %mul3A_80 : i32
      %dma_start3A_82 = tpu.memref_slice %arg3[%add3A_81] : memref<320000xi32, #tpu.memory_space<hbm>> -> memref<80xi32, #tpu.memory_space<hbm>>
      %dma_start3A_83 = tpu.memref_slice %arg3[%add3A_81] : memref<320000xi32, #tpu.memory_space<hbm>> -> memref<80xi32, #tpu.memory_space<hbm>>
      tpu.enqueue_dma source(%dma_start3A_83 : memref<80xi32, #tpu.memory_space<hbm>>) target(%arg11 : memref<80xi32, #tpu.memory_space<vmem>>) target_semaphore(%arg15 : memref<!tpu.dma_semaphore, #tpu.memory_space<semaphore_mem>>)
      %dma_start3A_84 = arith.constant 0 : i32
      %dma_start3A_85 = arith.constant 0 : i32
      %dma_start3A_86 = tpu.memref_slice %arg13[%dma_start3A_84, %dma_start3A_85] : memref<10112x128xf32, #tpu.memory_space<vmem_shared>> -> memref<10112x128xf32, #tpu.memory_space<vmem_shared>>
      tpu.enqueue_indirect_dma source(%arg12 : memref<80x128xf32, #tpu.memory_space<vmem>>) target(%dma_start3A_86 : memref<10112x128xf32, #tpu.memory_space<vmem_shared>>) offsets(%arg10 : memref<80xi32, #tpu.memory_space<vmem>>) semaphore(%arg16 : memref<!tpu.dma_semaphore, #tpu.memory_space<semaphore_mem>>) {add = true}
      %dma_wait3A_87 = tpu.memref_slice %arg3[%mul3A_2] : memref<320000xi32, #tpu.memory_space<hbm>> -> memref<80xi32, #tpu.memory_space<hbm>>
      %dma_wait3A_88 = tpu.memref_slice %arg3[%mul3A_2] : memref<320000xi32, #tpu.memory_space<hbm>> -> memref<80xi32, #tpu.memory_space<hbm>>
      tpu.wait_dma2 semaphore(%arg15 : memref<!tpu.dma_semaphore, #tpu.memory_space<semaphore_mem>>) src(%dma_wait3A_88 : memref<80xi32, #tpu.memory_space<hbm>>) dst(%arg11 : memref<80xi32, #tpu.memory_space<vmem>>)
      %dma_wait3A_89 = arith.constant 0 : i32
      %dma_wait3A_90 = arith.constant 0 : i32
      %dma_wait3A_91 = tpu.memref_slice %arg13[%dma_wait3A_89, %dma_wait3A_90] : memref<10112x128xf32, #tpu.memory_space<vmem_shared>> -> memref<10112x128xf32, #tpu.memory_space<vmem_shared>>
      tpu.wait_indirect_dma semaphore(%arg16 : memref<!tpu.dma_semaphore, #tpu.memory_space<semaphore_mem>>) src(%arg12 : memref<80x128xf32, #tpu.memory_space<vmem>>) dst(%dma_wait3A_91 : memref<10112x128xf32, #tpu.memory_space<vmem_shared>>)
      %add3A_92 = arith.constant 1 : i32
      %add3A_93 = arith.addi %scan3A_72, %add3A_92 : i32
      %lt3A = arith.constant 62 : i32
      %lt3A_94 = arith.cmpi slt, %add3A_93, %lt3A : i32
      %convert_element_type3A = arith.extui %lt3A_94 : i1 to i32
      %cond3A = arith.constant 0 : i32
      %cond3A_95 = arith.cmpi ne, %convert_element_type3A, %cond3A : i32
      scf.if %cond3A_95 {
        %add3A_102 = arith.constant 2 : i32
        %add3A_103 = arith.addi %mul3A_74, %add3A_102 : i32
        %mul3A_104 = arith.constant 80 : i32
        %mul3A_105 = arith.muli %add3A_103, %mul3A_104 : i32
        %add3A_106 = arith.addi %mul3A_2, %mul3A_105 : i32
        %dma_start3A_107 = tpu.memref_slice %arg3[%add3A_106] : memref<320000xi32, #tpu.memory_space<hbm>> -> memref<80xi32, #tpu.memory_space<hbm>>
        %dma_start3A_108 = tpu.memref_slice %arg3[%add3A_106] : memref<320000xi32, #tpu.memory_space<hbm>> -> memref<80xi32, #tpu.memory_space<hbm>>
        tpu.enqueue_dma source(%dma_start3A_108 : memref<80xi32, #tpu.memory_space<hbm>>) target(%arg10 : memref<80xi32, #tpu.memory_space<vmem>>) target_semaphore(%arg14 : memref<!tpu.dma_semaphore, #tpu.memory_space<semaphore_mem>>)
      } else {
      }
      %dma_start3A_96 = arith.constant 0 : i32
      %dma_start3A_97 = arith.constant 0 : i32
      %dma_start3A_98 = tpu.memref_slice %arg13[%dma_start3A_96, %dma_start3A_97] : memref<10112x128xf32, #tpu.memory_space<vmem_shared>> -> memref<10112x128xf32, #tpu.memory_space<vmem_shared>>
      tpu.enqueue_indirect_dma source(%arg12 : memref<80x128xf32, #tpu.memory_space<vmem>>) target(%dma_start3A_98 : memref<10112x128xf32, #tpu.memory_space<vmem_shared>>) offsets(%arg11 : memref<80xi32, #tpu.memory_space<vmem>>) semaphore(%arg17 : memref<!tpu.dma_semaphore, #tpu.memory_space<semaphore_mem>>) {add = true}
      %dma_wait3A_99 = arith.constant 0 : i32
      %dma_wait3A_100 = arith.constant 0 : i32
      %dma_wait3A_101 = tpu.memref_slice %arg13[%dma_wait3A_99, %dma_wait3A_100] : memref<10112x128xf32, #tpu.memory_space<vmem_shared>> -> memref<10112x128xf32, #tpu.memory_space<vmem_shared>>
      tpu.wait_indirect_dma semaphore(%arg17 : memref<!tpu.dma_semaphore, #tpu.memory_space<semaphore_mem>>) src(%arg12 : memref<80x128xf32, #tpu.memory_space<vmem>>) dst(%dma_wait3A_101 : memref<10112x128xf32, #tpu.memory_space<vmem_shared>>)
    }
    %scan3A_54 = arith.constant 62 : i32
    %add3A_55 = arith.constant 9920 : i32
    %add3A_56 = arith.addi %mul3A_2, %add3A_55 : i32
    %dma_start3A_57 = tpu.memref_slice %arg3[%add3A_56] : memref<320000xi32, #tpu.memory_space<hbm>> -> memref<80xi32, #tpu.memory_space<hbm>>
    %dma_start3A_58 = tpu.memref_slice %arg3[%add3A_56] : memref<320000xi32, #tpu.memory_space<hbm>> -> memref<80xi32, #tpu.memory_space<hbm>>
    tpu.enqueue_dma source(%dma_start3A_58 : memref<80xi32, #tpu.memory_space<hbm>>) target(%arg10 : memref<80xi32, #tpu.memory_space<vmem>>) target_semaphore(%arg14 : memref<!tpu.dma_semaphore, #tpu.memory_space<semaphore_mem>>)
    %dma_wait3A_59 = tpu.memref_slice %arg3[%mul3A_2] : memref<320000xi32, #tpu.memory_space<hbm>> -> memref<80xi32, #tpu.memory_space<hbm>>
    %dma_wait3A_60 = tpu.memref_slice %arg3[%mul3A_2] : memref<320000xi32, #tpu.memory_space<hbm>> -> memref<80xi32, #tpu.memory_space<hbm>>
    tpu.wait_dma2 semaphore(%arg14 : memref<!tpu.dma_semaphore, #tpu.memory_space<semaphore_mem>>) src(%dma_wait3A_60 : memref<80xi32, #tpu.memory_space<hbm>>) dst(%arg10 : memref<80xi32, #tpu.memory_space<vmem>>)
    %dma_start3A_61 = arith.constant 0 : i32
    %dma_start3A_62 = arith.constant 0 : i32
    %dma_start3A_63 = tpu.memref_slice %arg13[%dma_start3A_61, %dma_start3A_62] : memref<10112x128xf32, #tpu.memory_space<vmem_shared>> -> memref<10112x128xf32, #tpu.memory_space<vmem_shared>>
    tpu.enqueue_indirect_dma source(%arg12 : memref<80x128xf32, #tpu.memory_space<vmem>>) target(%dma_start3A_63 : memref<10112x128xf32, #tpu.memory_space<vmem_shared>>) offsets(%arg10 : memref<80xi32, #tpu.memory_space<vmem>>) semaphore(%arg16 : memref<!tpu.dma_semaphore, #tpu.memory_space<semaphore_mem>>) {add = true}
    %dma_wait3A_64 = arith.constant 0 : i32
    %dma_wait3A_65 = arith.constant 0 : i32
    %dma_wait3A_66 = tpu.memref_slice %arg13[%dma_wait3A_64, %dma_wait3A_65] : memref<10112x128xf32, #tpu.memory_space<vmem_shared>> -> memref<10112x128xf32, #tpu.memory_space<vmem_shared>>
    tpu.wait_indirect_dma semaphore(%arg16 : memref<!tpu.dma_semaphore, #tpu.memory_space<semaphore_mem>>) src(%arg12 : memref<80x128xf32, #tpu.memory_space<vmem>>) dst(%dma_wait3A_66 : memref<10112x128xf32, #tpu.memory_space<vmem_shared>>)
    %barrier3A_67 = arith.constant 0 : index
    tpu.barrier barrier_id(%barrier3A_67)
    %mul3A_68 = arith.constant 632 : i32
    %mul3A_69 = arith.muli %arg1, %mul3A_68 : i32
    %mul3A_70 = arith.constant 632 : i32
    %mul3A_71 = arith.muli %arg1, %mul3A_70 : i32
    "tpu.region"() ({
      %run_scoped3A = tpu.sem_alloc : memref<!tpu.dma_semaphore, #tpu.memory_space<semaphore_mem>>
      %dma_start3A_72 = arith.constant 0 : i32
      %dma_start3A_73 = tpu.memref_slice %arg7[%arg0, %mul3A_71, %dma_start3A_72] : memref<2x10112x128xf32, #tpu.memory_space<hbm>> -> memref<1x632x128xf32, #tpu.memory_space<hbm>>
      %dma_start3A_74 = tpu.memref_squeeze %dma_start3A_73 : memref<1x632x128xf32, #tpu.memory_space<hbm>> -> memref<632x128xf32, #tpu.memory_space<hbm>>
      %dma_start3A_75 = arith.constant 0 : i32
      %dma_start3A_76 = tpu.memref_slice %arg13[%mul3A_69, %dma_start3A_75] : memref<10112x128xf32, #tpu.memory_space<vmem_shared>> -> memref<632x128xf32, #tpu.memory_space<vmem_shared>>
      tpu.enqueue_dma source(%dma_start3A_76 : memref<632x128xf32, #tpu.memory_space<vmem_shared>>) target(%dma_start3A_74 : memref<632x128xf32, #tpu.memory_space<hbm>>) target_semaphore(%run_scoped3A : memref<!tpu.dma_semaphore, #tpu.memory_space<semaphore_mem>>)
      %dma_wait3A_77 = arith.constant 0 : i32
      %dma_wait3A_78 = tpu.memref_slice %arg7[%arg0, %mul3A_71, %dma_wait3A_77] : memref<2x10112x128xf32, #tpu.memory_space<hbm>> -> memref<1x632x128xf32, #tpu.memory_space<hbm>>
      %dma_wait3A_79 = tpu.memref_squeeze %dma_wait3A_78 : memref<1x632x128xf32, #tpu.memory_space<hbm>> -> memref<632x128xf32, #tpu.memory_space<hbm>>
      %dma_wait3A_80 = arith.constant 0 : i32
      %dma_wait3A_81 = tpu.memref_slice %arg13[%mul3A_69, %dma_wait3A_80] : memref<10112x128xf32, #tpu.memory_space<vmem_shared>> -> memref<632x128xf32, #tpu.memory_space<vmem_shared>>
      tpu.wait_dma2 semaphore(%run_scoped3A : memref<!tpu.dma_semaphore, #tpu.memory_space<semaphore_mem>>) src(%dma_wait3A_81 : memref<632x128xf32, #tpu.memory_space<vmem_shared>>) dst(%dma_wait3A_79 : memref<632x128xf32, #tpu.memory_space<hbm>>)
      tpu.yield
    }) : () -> ()
    return
  }
}

#map = affine_map<(d0, d1) -> (0, 0)>
#map1 = affine_map<(d0, d1) -> (0)>
module attributes {stable_mosaic.version = 14 : i64} {
  func.func @k(%arg0: i32, %arg1: i32, %arg2: memref<2560x128xf32, #tpu.memory_space<hbm>>, %arg3: memref<40960xi32, #tpu.memory_space<hbm>>, %arg4: memref<2560x128xf32, #tpu.memory_space<hbm>>, %arg5: memref<40960xi32, #tpu.memory_space<hbm>>, %arg6: memref<40960x128xf32, #tpu.memory_space<hbm>>, %arg7: memref<40960x128xf32, #tpu.memory_space<hbm>>, %arg8: memref<80xi32, #tpu.memory_space<vmem>>, %arg9: memref<80xi32, #tpu.memory_space<vmem>>, %arg10: memref<80xi32, #tpu.memory_space<vmem>>, %arg11: memref<80xi32, #tpu.memory_space<vmem>>, %arg12: memref<80x128xf32, #tpu.memory_space<vmem>>, %arg13: memref<80x128xf32, #tpu.memory_space<vmem>>, %arg14: memref<80x128xf32, #tpu.memory_space<vmem>>, %arg15: memref<80x128xf32, #tpu.memory_space<vmem>>, %arg16: memref<!tpu.dma_semaphore, #tpu.memory_space<semaphore_mem>>, %arg17: memref<!tpu.dma_semaphore, #tpu.memory_space<semaphore_mem>>, %arg18: memref<!tpu.dma_semaphore, #tpu.memory_space<semaphore_mem>>, %arg19: memref<!tpu.dma_semaphore, #tpu.memory_space<semaphore_mem>>, %arg20: memref<!tpu.dma_semaphore, #tpu.memory_space<semaphore_mem>>, %arg21: memref<!tpu.dma_semaphore, #tpu.memory_space<semaphore_mem>>) attributes {dimension_semantics = [#tpu.dimension_semantics<core_parallel>, #tpu.dimension_semantics<subcore_parallel>], iteration_bounds = array<i64: 2, 16>, scalar_prefetch = 0 : i64, scratch_operands = 14 : i64, tpu.core_type = #tpu.core_type<sc_vector_subcore>, window_params = [{transform_indices = #map}, {transform_indices = #map1}, {transform_indices = #map}, {transform_indices = #map1}, {transform_indices = #map}, {transform_indices = #map}]} {
    %mul3A = arith.constant 2 : i32
    %mul3A_0 = arith.muli %arg1, %mul3A : i32
    %add3A = arith.addi %mul3A_0, %arg0 : i32
    %mul3A_1 = arith.constant 1280 : i32
    %mul3A_2 = arith.muli %add3A, %mul3A_1 : i32
    %add3A_3 = arith.constant 0 : i32
    %add3A_4 = arith.addi %mul3A_2, %add3A_3 : i32
    %dma_start3A = tpu.memref_slice %arg3[%add3A_4] : memref<40960xi32, #tpu.memory_space<hbm>> -> memref<80xi32, #tpu.memory_space<hbm>>
    %dma_start3A_5 = tpu.memref_slice %arg3[%add3A_4] : memref<40960xi32, #tpu.memory_space<hbm>> -> memref<80xi32, #tpu.memory_space<hbm>>
    tpu.enqueue_dma source(%dma_start3A_5 : memref<80xi32, #tpu.memory_space<hbm>>) target(%arg8 : memref<80xi32, #tpu.memory_space<vmem>>) target_semaphore(%arg16 : memref<!tpu.dma_semaphore, #tpu.memory_space<semaphore_mem>>)
    %dma_start3A_6 = tpu.memref_slice %arg5[%add3A_4] : memref<40960xi32, #tpu.memory_space<hbm>> -> memref<80xi32, #tpu.memory_space<hbm>>
    %dma_start3A_7 = tpu.memref_slice %arg5[%add3A_4] : memref<40960xi32, #tpu.memory_space<hbm>> -> memref<80xi32, #tpu.memory_space<hbm>>
    tpu.enqueue_dma source(%dma_start3A_7 : memref<80xi32, #tpu.memory_space<hbm>>) target(%arg10 : memref<80xi32, #tpu.memory_space<vmem>>) target_semaphore(%arg16 : memref<!tpu.dma_semaphore, #tpu.memory_space<semaphore_mem>>)
    %scan3A = arith.constant 0 : i32
    %scan3A_8 = arith.constant 0 : i32
    %scan3A_9 = arith.constant 8 : i32
    %scan3A_10 = arith.addi %scan3A_8, %scan3A_9 : i32
    %scan3A_11 = arith.constant 1 : i32
    scf.for %scan3A_20 = %scan3A_8 to %scan3A_10 step %scan3A_11  : i32 {
      %mul3A_21 = arith.constant 2 : i32
      %mul3A_22 = arith.muli %mul3A_21, %scan3A_20 : i32
      %dma_wait3A_23 = tpu.memref_slice %arg3[%mul3A_2] : memref<40960xi32, #tpu.memory_space<hbm>> -> memref<80xi32, #tpu.memory_space<hbm>>
      %dma_wait3A_24 = tpu.memref_slice %arg3[%mul3A_2] : memref<40960xi32, #tpu.memory_space<hbm>> -> memref<80xi32, #tpu.memory_space<hbm>>
      tpu.wait_dma2 semaphore(%arg16 : memref<!tpu.dma_semaphore, #tpu.memory_space<semaphore_mem>>) src(%dma_wait3A_24 : memref<80xi32, #tpu.memory_space<hbm>>) dst(%arg8 : memref<80xi32, #tpu.memory_space<vmem>>)
      %dma_wait3A_25 = tpu.memref_slice %arg5[%mul3A_2] : memref<40960xi32, #tpu.memory_space<hbm>> -> memref<80xi32, #tpu.memory_space<hbm>>
      %dma_wait3A_26 = tpu.memref_slice %arg5[%mul3A_2] : memref<40960xi32, #tpu.memory_space<hbm>> -> memref<80xi32, #tpu.memory_space<hbm>>
      tpu.wait_dma2 semaphore(%arg16 : memref<!tpu.dma_semaphore, #tpu.memory_space<semaphore_mem>>) src(%dma_wait3A_26 : memref<80xi32, #tpu.memory_space<hbm>>) dst(%arg10 : memref<80xi32, #tpu.memory_space<vmem>>)
      %add3A_27 = arith.constant 1 : i32
      %add3A_28 = arith.addi %mul3A_22, %add3A_27 : i32
      %mul3A_29 = arith.constant 80 : i32
      %mul3A_30 = arith.muli %add3A_28, %mul3A_29 : i32
      %add3A_31 = arith.addi %mul3A_2, %mul3A_30 : i32
      %dma_start3A_32 = tpu.memref_slice %arg3[%add3A_31] : memref<40960xi32, #tpu.memory_space<hbm>> -> memref<80xi32, #tpu.memory_space<hbm>>
      %dma_start3A_33 = tpu.memref_slice %arg3[%add3A_31] : memref<40960xi32, #tpu.memory_space<hbm>> -> memref<80xi32, #tpu.memory_space<hbm>>
      tpu.enqueue_dma source(%dma_start3A_33 : memref<80xi32, #tpu.memory_space<hbm>>) target(%arg9 : memref<80xi32, #tpu.memory_space<vmem>>) target_semaphore(%arg17 : memref<!tpu.dma_semaphore, #tpu.memory_space<semaphore_mem>>)
      %dma_start3A_34 = tpu.memref_slice %arg5[%add3A_31] : memref<40960xi32, #tpu.memory_space<hbm>> -> memref<80xi32, #tpu.memory_space<hbm>>
      %dma_start3A_35 = tpu.memref_slice %arg5[%add3A_31] : memref<40960xi32, #tpu.memory_space<hbm>> -> memref<80xi32, #tpu.memory_space<hbm>>
      tpu.enqueue_dma source(%dma_start3A_35 : memref<80xi32, #tpu.memory_space<hbm>>) target(%arg11 : memref<80xi32, #tpu.memory_space<vmem>>) target_semaphore(%arg17 : memref<!tpu.dma_semaphore, #tpu.memory_space<semaphore_mem>>)
      %dma_start3A_36 = arith.constant 0 : i32
      %dma_start3A_37 = arith.constant 0 : i32
      %dma_start3A_38 = tpu.memref_slice %arg2[%dma_start3A_36, %dma_start3A_37] : memref<2560x128xf32, #tpu.memory_space<hbm>> -> memref<2560x128xf32, #tpu.memory_space<hbm>>
      tpu.enqueue_indirect_dma source(%dma_start3A_38 : memref<2560x128xf32, #tpu.memory_space<hbm>>) target(%arg12 : memref<80x128xf32, #tpu.memory_space<vmem>>) offsets(%arg8 : memref<80xi32, #tpu.memory_space<vmem>>) semaphore(%arg18 : memref<!tpu.dma_semaphore, #tpu.memory_space<semaphore_mem>>)
      %dma_start3A_39 = arith.constant 0 : i32
      %dma_start3A_40 = arith.constant 0 : i32
      %dma_start3A_41 = tpu.memref_slice %arg4[%dma_start3A_39, %dma_start3A_40] : memref<2560x128xf32, #tpu.memory_space<hbm>> -> memref<2560x128xf32, #tpu.memory_space<hbm>>
      tpu.enqueue_indirect_dma source(%dma_start3A_41 : memref<2560x128xf32, #tpu.memory_space<hbm>>) target(%arg14 : memref<80x128xf32, #tpu.memory_space<vmem>>) offsets(%arg10 : memref<80xi32, #tpu.memory_space<vmem>>) semaphore(%arg18 : memref<!tpu.dma_semaphore, #tpu.memory_space<semaphore_mem>>)
      %dma_wait3A_42 = arith.constant 0 : i32
      %dma_wait3A_43 = arith.constant 0 : i32
      %dma_wait3A_44 = tpu.memref_slice %arg2[%dma_wait3A_42, %dma_wait3A_43] : memref<2560x128xf32, #tpu.memory_space<hbm>> -> memref<2560x128xf32, #tpu.memory_space<hbm>>
      tpu.wait_indirect_dma semaphore(%arg18 : memref<!tpu.dma_semaphore, #tpu.memory_space<semaphore_mem>>) src(%dma_wait3A_44 : memref<2560x128xf32, #tpu.memory_space<hbm>>) dst(%arg12 : memref<80x128xf32, #tpu.memory_space<vmem>>)
      %dma_wait3A_45 = arith.constant 0 : i32
      %dma_wait3A_46 = arith.constant 0 : i32
      %dma_wait3A_47 = tpu.memref_slice %arg4[%dma_wait3A_45, %dma_wait3A_46] : memref<2560x128xf32, #tpu.memory_space<hbm>> -> memref<2560x128xf32, #tpu.memory_space<hbm>>
      tpu.wait_indirect_dma semaphore(%arg18 : memref<!tpu.dma_semaphore, #tpu.memory_space<semaphore_mem>>) src(%dma_wait3A_47 : memref<2560x128xf32, #tpu.memory_space<hbm>>) dst(%arg14 : memref<80x128xf32, #tpu.memory_space<vmem>>)
      %mul3A_48 = arith.constant 80 : i32
      %mul3A_49 = arith.muli %mul3A_22, %mul3A_48 : i32
      %add3A_50 = arith.addi %mul3A_2, %mul3A_49 : i32
      %dma_start3A_51 = arith.constant 0 : i32
      %dma_start3A_52 = tpu.memref_slice %arg6[%add3A_50, %dma_start3A_51] : memref<40960x128xf32, #tpu.memory_space<hbm>> -> memref<80x128xf32, #tpu.memory_space<hbm>>
      %dma_start3A_53 = arith.constant 0 : i32
      %dma_start3A_54 = tpu.memref_slice %arg6[%add3A_50, %dma_start3A_53] : memref<40960x128xf32, #tpu.memory_space<hbm>> -> memref<80x128xf32, #tpu.memory_space<hbm>>
      tpu.enqueue_dma source(%arg12 : memref<80x128xf32, #tpu.memory_space<vmem>>) target(%dma_start3A_54 : memref<80x128xf32, #tpu.memory_space<hbm>>) target_semaphore(%arg20 : memref<!tpu.dma_semaphore, #tpu.memory_space<semaphore_mem>>)
      %dma_start3A_55 = arith.constant 0 : i32
      %dma_start3A_56 = tpu.memref_slice %arg7[%add3A_50, %dma_start3A_55] : memref<40960x128xf32, #tpu.memory_space<hbm>> -> memref<80x128xf32, #tpu.memory_space<hbm>>
      %dma_start3A_57 = arith.constant 0 : i32
      %dma_start3A_58 = tpu.memref_slice %arg7[%add3A_50, %dma_start3A_57] : memref<40960x128xf32, #tpu.memory_space<hbm>> -> memref<80x128xf32, #tpu.memory_space<hbm>>
      tpu.enqueue_dma source(%arg14 : memref<80x128xf32, #tpu.memory_space<vmem>>) target(%dma_start3A_58 : memref<80x128xf32, #tpu.memory_space<hbm>>) target_semaphore(%arg20 : memref<!tpu.dma_semaphore, #tpu.memory_space<semaphore_mem>>)
      %dma_wait3A_59 = tpu.memref_slice %arg3[%mul3A_2] : memref<40960xi32, #tpu.memory_space<hbm>> -> memref<80xi32, #tpu.memory_space<hbm>>
      %dma_wait3A_60 = tpu.memref_slice %arg3[%mul3A_2] : memref<40960xi32, #tpu.memory_space<hbm>> -> memref<80xi32, #tpu.memory_space<hbm>>
      tpu.wait_dma2 semaphore(%arg17 : memref<!tpu.dma_semaphore, #tpu.memory_space<semaphore_mem>>) src(%dma_wait3A_60 : memref<80xi32, #tpu.memory_space<hbm>>) dst(%arg9 : memref<80xi32, #tpu.memory_space<vmem>>)
      %dma_wait3A_61 = tpu.memref_slice %arg5[%mul3A_2] : memref<40960xi32, #tpu.memory_space<hbm>> -> memref<80xi32, #tpu.memory_space<hbm>>
      %dma_wait3A_62 = tpu.memref_slice %arg5[%mul3A_2] : memref<40960xi32, #tpu.memory_space<hbm>> -> memref<80xi32, #tpu.memory_space<hbm>>
      tpu.wait_dma2 semaphore(%arg17 : memref<!tpu.dma_semaphore, #tpu.memory_space<semaphore_mem>>) src(%dma_wait3A_62 : memref<80xi32, #tpu.memory_space<hbm>>) dst(%arg11 : memref<80xi32, #tpu.memory_space<vmem>>)
      %gt3A = arith.constant 0 : i32
      %gt3A_63 = arith.cmpi sgt, %scan3A_20, %gt3A : i32
      %convert_element_type3A = arith.extui %gt3A_63 : i1 to i32
      %cond3A = arith.constant 0 : i32
      %cond3A_64 = arith.cmpi ne, %convert_element_type3A, %cond3A : i32
      scf.if %cond3A_64 {
        %dma_wait3A_104 = arith.constant 0 : i32
        %dma_wait3A_105 = tpu.memref_slice %arg6[%mul3A_2, %dma_wait3A_104] : memref<40960x128xf32, #tpu.memory_space<hbm>> -> memref<80x128xf32, #tpu.memory_space<hbm>>
        %dma_wait3A_106 = arith.constant 0 : i32
        %dma_wait3A_107 = tpu.memref_slice %arg6[%mul3A_2, %dma_wait3A_106] : memref<40960x128xf32, #tpu.memory_space<hbm>> -> memref<80x128xf32, #tpu.memory_space<hbm>>
        tpu.wait_dma2 semaphore(%arg21 : memref<!tpu.dma_semaphore, #tpu.memory_space<semaphore_mem>>) src(%arg13 : memref<80x128xf32, #tpu.memory_space<vmem>>) dst(%dma_wait3A_107 : memref<80x128xf32, #tpu.memory_space<hbm>>)
        %dma_wait3A_108 = arith.constant 0 : i32
        %dma_wait3A_109 = tpu.memref_slice %arg7[%mul3A_2, %dma_wait3A_108] : memref<40960x128xf32, #tpu.memory_space<hbm>> -> memref<80x128xf32, #tpu.memory_space<hbm>>
        %dma_wait3A_110 = arith.constant 0 : i32
        %dma_wait3A_111 = tpu.memref_slice %arg7[%mul3A_2, %dma_wait3A_110] : memref<40960x128xf32, #tpu.memory_space<hbm>> -> memref<80x128xf32, #tpu.memory_space<hbm>>
        tpu.wait_dma2 semaphore(%arg21 : memref<!tpu.dma_semaphore, #tpu.memory_space<semaphore_mem>>) src(%arg15 : memref<80x128xf32, #tpu.memory_space<vmem>>) dst(%dma_wait3A_111 : memref<80x128xf32, #tpu.memory_space<hbm>>)
      } else {
      }
      %dma_start3A_65 = arith.constant 0 : i32
      %dma_start3A_66 = arith.constant 0 : i32
      %dma_start3A_67 = tpu.memref_slice %arg2[%dma_start3A_65, %dma_start3A_66] : memref<2560x128xf32, #tpu.memory_space<hbm>> -> memref<2560x128xf32, #tpu.memory_space<hbm>>
      tpu.enqueue_indirect_dma source(%dma_start3A_67 : memref<2560x128xf32, #tpu.memory_space<hbm>>) target(%arg13 : memref<80x128xf32, #tpu.memory_space<vmem>>) offsets(%arg9 : memref<80xi32, #tpu.memory_space<vmem>>) semaphore(%arg19 : memref<!tpu.dma_semaphore, #tpu.memory_space<semaphore_mem>>)
      %dma_start3A_68 = arith.constant 0 : i32
      %dma_start3A_69 = arith.constant 0 : i32
      %dma_start3A_70 = tpu.memref_slice %arg4[%dma_start3A_68, %dma_start3A_69] : memref<2560x128xf32, #tpu.memory_space<hbm>> -> memref<2560x128xf32, #tpu.memory_space<hbm>>
      tpu.enqueue_indirect_dma source(%dma_start3A_70 : memref<2560x128xf32, #tpu.memory_space<hbm>>) target(%arg15 : memref<80x128xf32, #tpu.memory_space<vmem>>) offsets(%arg11 : memref<80xi32, #tpu.memory_space<vmem>>) semaphore(%arg19 : memref<!tpu.dma_semaphore, #tpu.memory_space<semaphore_mem>>)
      %add3A_71 = arith.constant 1 : i32
      %add3A_72 = arith.addi %scan3A_20, %add3A_71 : i32
      %lt3A = arith.constant 8 : i32
      %lt3A_73 = arith.cmpi slt, %add3A_72, %lt3A : i32
      %convert_element_type3A_74 = arith.extui %lt3A_73 : i1 to i32
      %cond3A_75 = arith.constant 0 : i32
      %cond3A_76 = arith.cmpi ne, %convert_element_type3A_74, %cond3A_75 : i32
      scf.if %cond3A_76 {
        %add3A_104 = arith.constant 2 : i32
        %add3A_105 = arith.addi %mul3A_22, %add3A_104 : i32
        %mul3A_106 = arith.constant 80 : i32
        %mul3A_107 = arith.muli %add3A_105, %mul3A_106 : i32
        %add3A_108 = arith.addi %mul3A_2, %mul3A_107 : i32
        %dma_start3A_109 = tpu.memref_slice %arg3[%add3A_108] : memref<40960xi32, #tpu.memory_space<hbm>> -> memref<80xi32, #tpu.memory_space<hbm>>
        %dma_start3A_110 = tpu.memref_slice %arg3[%add3A_108] : memref<40960xi32, #tpu.memory_space<hbm>> -> memref<80xi32, #tpu.memory_space<hbm>>
        tpu.enqueue_dma source(%dma_start3A_110 : memref<80xi32, #tpu.memory_space<hbm>>) target(%arg8 : memref<80xi32, #tpu.memory_space<vmem>>) target_semaphore(%arg16 : memref<!tpu.dma_semaphore, #tpu.memory_space<semaphore_mem>>)
        %dma_start3A_111 = tpu.memref_slice %arg5[%add3A_108] : memref<40960xi32, #tpu.memory_space<hbm>> -> memref<80xi32, #tpu.memory_space<hbm>>
        %dma_start3A_112 = tpu.memref_slice %arg5[%add3A_108] : memref<40960xi32, #tpu.memory_space<hbm>> -> memref<80xi32, #tpu.memory_space<hbm>>
        tpu.enqueue_dma source(%dma_start3A_112 : memref<80xi32, #tpu.memory_space<hbm>>) target(%arg10 : memref<80xi32, #tpu.memory_space<vmem>>) target_semaphore(%arg16 : memref<!tpu.dma_semaphore, #tpu.memory_space<semaphore_mem>>)
      } else {
      }
      %dma_wait3A_77 = arith.constant 0 : i32
      %dma_wait3A_78 = arith.constant 0 : i32
      %dma_wait3A_79 = tpu.memref_slice %arg2[%dma_wait3A_77, %dma_wait3A_78] : memref<2560x128xf32, #tpu.memory_space<hbm>> -> memref<2560x128xf32, #tpu.memory_space<hbm>>
      tpu.wait_indirect_dma semaphore(%arg19 : memref<!tpu.dma_semaphore, #tpu.memory_space<semaphore_mem>>) src(%dma_wait3A_79 : memref<2560x128xf32, #tpu.memory_space<hbm>>) dst(%arg13 : memref<80x128xf32, #tpu.memory_space<vmem>>)
      %dma_wait3A_80 = arith.constant 0 : i32
      %dma_wait3A_81 = arith.constant 0 : i32
      %dma_wait3A_82 = tpu.memref_slice %arg4[%dma_wait3A_80, %dma_wait3A_81] : memref<2560x128xf32, #tpu.memory_space<hbm>> -> memref<2560x128xf32, #tpu.memory_space<hbm>>
      tpu.wait_indirect_dma semaphore(%arg19 : memref<!tpu.dma_semaphore, #tpu.memory_space<semaphore_mem>>) src(%dma_wait3A_82 : memref<2560x128xf32, #tpu.memory_space<hbm>>) dst(%arg15 : memref<80x128xf32, #tpu.memory_space<vmem>>)
      %add3A_83 = arith.constant 1 : i32
      %add3A_84 = arith.addi %mul3A_22, %add3A_83 : i32
      %mul3A_85 = arith.constant 80 : i32
      %mul3A_86 = arith.muli %add3A_84, %mul3A_85 : i32
      %add3A_87 = arith.addi %mul3A_2, %mul3A_86 : i32
      %dma_start3A_88 = arith.constant 0 : i32
      %dma_start3A_89 = tpu.memref_slice %arg6[%add3A_87, %dma_start3A_88] : memref<40960x128xf32, #tpu.memory_space<hbm>> -> memref<80x128xf32, #tpu.memory_space<hbm>>
      %dma_start3A_90 = arith.constant 0 : i32
      %dma_start3A_91 = tpu.memref_slice %arg6[%add3A_87, %dma_start3A_90] : memref<40960x128xf32, #tpu.memory_space<hbm>> -> memref<80x128xf32, #tpu.memory_space<hbm>>
      tpu.enqueue_dma source(%arg13 : memref<80x128xf32, #tpu.memory_space<vmem>>) target(%dma_start3A_91 : memref<80x128xf32, #tpu.memory_space<hbm>>) target_semaphore(%arg21 : memref<!tpu.dma_semaphore, #tpu.memory_space<semaphore_mem>>)
      %dma_start3A_92 = arith.constant 0 : i32
      %dma_start3A_93 = tpu.memref_slice %arg7[%add3A_87, %dma_start3A_92] : memref<40960x128xf32, #tpu.memory_space<hbm>> -> memref<80x128xf32, #tpu.memory_space<hbm>>
      %dma_start3A_94 = arith.constant 0 : i32
      %dma_start3A_95 = tpu.memref_slice %arg7[%add3A_87, %dma_start3A_94] : memref<40960x128xf32, #tpu.memory_space<hbm>> -> memref<80x128xf32, #tpu.memory_space<hbm>>
      tpu.enqueue_dma source(%arg15 : memref<80x128xf32, #tpu.memory_space<vmem>>) target(%dma_start3A_95 : memref<80x128xf32, #tpu.memory_space<hbm>>) target_semaphore(%arg21 : memref<!tpu.dma_semaphore, #tpu.memory_space<semaphore_mem>>)
      %dma_wait3A_96 = arith.constant 0 : i32
      %dma_wait3A_97 = tpu.memref_slice %arg6[%mul3A_2, %dma_wait3A_96] : memref<40960x128xf32, #tpu.memory_space<hbm>> -> memref<80x128xf32, #tpu.memory_space<hbm>>
      %dma_wait3A_98 = arith.constant 0 : i32
      %dma_wait3A_99 = tpu.memref_slice %arg6[%mul3A_2, %dma_wait3A_98] : memref<40960x128xf32, #tpu.memory_space<hbm>> -> memref<80x128xf32, #tpu.memory_space<hbm>>
      tpu.wait_dma2 semaphore(%arg20 : memref<!tpu.dma_semaphore, #tpu.memory_space<semaphore_mem>>) src(%arg12 : memref<80x128xf32, #tpu.memory_space<vmem>>) dst(%dma_wait3A_99 : memref<80x128xf32, #tpu.memory_space<hbm>>)
      %dma_wait3A_100 = arith.constant 0 : i32
      %dma_wait3A_101 = tpu.memref_slice %arg7[%mul3A_2, %dma_wait3A_100] : memref<40960x128xf32, #tpu.memory_space<hbm>> -> memref<80x128xf32, #tpu.memory_space<hbm>>
      %dma_wait3A_102 = arith.constant 0 : i32
      %dma_wait3A_103 = tpu.memref_slice %arg7[%mul3A_2, %dma_wait3A_102] : memref<40960x128xf32, #tpu.memory_space<hbm>> -> memref<80x128xf32, #tpu.memory_space<hbm>>
      tpu.wait_dma2 semaphore(%arg20 : memref<!tpu.dma_semaphore, #tpu.memory_space<semaphore_mem>>) src(%arg14 : memref<80x128xf32, #tpu.memory_space<vmem>>) dst(%dma_wait3A_103 : memref<80x128xf32, #tpu.memory_space<hbm>>)
    }
    %scan3A_12 = arith.constant 8 : i32
    %dma_wait3A = arith.constant 0 : i32
    %dma_wait3A_13 = tpu.memref_slice %arg6[%mul3A_2, %dma_wait3A] : memref<40960x128xf32, #tpu.memory_space<hbm>> -> memref<80x128xf32, #tpu.memory_space<hbm>>
    %dma_wait3A_14 = arith.constant 0 : i32
    %dma_wait3A_15 = tpu.memref_slice %arg6[%mul3A_2, %dma_wait3A_14] : memref<40960x128xf32, #tpu.memory_space<hbm>> -> memref<80x128xf32, #tpu.memory_space<hbm>>
    tpu.wait_dma2 semaphore(%arg21 : memref<!tpu.dma_semaphore, #tpu.memory_space<semaphore_mem>>) src(%arg13 : memref<80x128xf32, #tpu.memory_space<vmem>>) dst(%dma_wait3A_15 : memref<80x128xf32, #tpu.memory_space<hbm>>)
    %dma_wait3A_16 = arith.constant 0 : i32
    %dma_wait3A_17 = tpu.memref_slice %arg7[%mul3A_2, %dma_wait3A_16] : memref<40960x128xf32, #tpu.memory_space<hbm>> -> memref<80x128xf32, #tpu.memory_space<hbm>>
    %dma_wait3A_18 = arith.constant 0 : i32
    %dma_wait3A_19 = tpu.memref_slice %arg7[%mul3A_2, %dma_wait3A_18] : memref<40960x128xf32, #tpu.memory_space<hbm>> -> memref<80x128xf32, #tpu.memory_space<hbm>>
    tpu.wait_dma2 semaphore(%arg21 : memref<!tpu.dma_semaphore, #tpu.memory_space<semaphore_mem>>) src(%arg15 : memref<80x128xf32, #tpu.memory_space<vmem>>) dst(%dma_wait3A_19 : memref<80x128xf32, #tpu.memory_space<hbm>>)
    return
  }
}

#map = affine_map<(d0, d1) -> (0, 0)>
#map1 = affine_map<(d0, d1) -> (0)>
#map2 = affine_map<(d0, d1) -> (0, 0, 0)>
module attributes {stable_mosaic.version = 14 : i64} {
  func.func @k(%arg0: i32, %arg1: i32, %arg2: memref<40960x128xf32, #tpu.memory_space<hbm>>, %arg3: memref<40960xi32, #tpu.memory_space<hbm>>, %arg4: memref<160x128xf32, #tpu.memory_space<hbm>>, %arg5: memref<80x128xf32, #tpu.memory_space<hbm>>, %arg6: memref<2x2560x128xf32, #tpu.memory_space<hbm>>, %arg7: memref<2x2560x128xf32, #tpu.memory_space<hbm>>, %arg8: memref<80x128xf32, #tpu.memory_space<vmem>>, %arg9: memref<80x128xf32, #tpu.memory_space<vmem>>, %arg10: memref<80xi32, #tpu.memory_space<vmem>>, %arg11: memref<80xi32, #tpu.memory_space<vmem>>, %arg12: memref<80x128xf32, #tpu.memory_space<vmem>>, %arg13: memref<2560x128xf32, #tpu.memory_space<vmem_shared>>, %arg14: memref<!tpu.dma_semaphore, #tpu.memory_space<semaphore_mem>>, %arg15: memref<!tpu.dma_semaphore, #tpu.memory_space<semaphore_mem>>, %arg16: memref<!tpu.dma_semaphore, #tpu.memory_space<semaphore_mem>>, %arg17: memref<!tpu.dma_semaphore, #tpu.memory_space<semaphore_mem>>) attributes {dimension_semantics = [#tpu.dimension_semantics<core_parallel>, #tpu.dimension_semantics<subcore_parallel>], iteration_bounds = array<i64: 2, 16>, scalar_prefetch = 0 : i64, scratch_operands = 10 : i64, tpu.core_type = #tpu.core_type<sc_vector_subcore>, window_params = [{transform_indices = #map}, {transform_indices = #map1}, {transform_indices = #map}, {transform_indices = #map}, {transform_indices = #map2}, {transform_indices = #map2}]} {
    %mul3A = arith.constant 2 : i32
    %mul3A_0 = arith.muli %arg1, %mul3A : i32
    %add3A = arith.addi %mul3A_0, %arg0 : i32
    %mul3A_1 = arith.constant 1280 : i32
    %mul3A_2 = arith.muli %add3A, %mul3A_1 : i32
    "tpu.region"() ({
      %run_scoped3A = tpu.sem_alloc : memref<!tpu.dma_semaphore, #tpu.memory_space<semaphore_mem>>
      tpu.enqueue_dma source(%arg5 : memref<80x128xf32, #tpu.memory_space<hbm>>) target(%arg12 : memref<80x128xf32, #tpu.memory_space<vmem>>) target_semaphore(%run_scoped3A : memref<!tpu.dma_semaphore, #tpu.memory_space<semaphore_mem>>)
      tpu.wait_dma2 semaphore(%run_scoped3A : memref<!tpu.dma_semaphore, #tpu.memory_space<semaphore_mem>>) src(%arg5 : memref<80x128xf32, #tpu.memory_space<hbm>>) dst(%arg12 : memref<80x128xf32, #tpu.memory_space<vmem>>)
      tpu.yield
    }) : () -> ()
    %mul3A_3 = arith.constant 160 : i32
    %mul3A_4 = arith.muli %arg1, %mul3A_3 : i32
    "tpu.region"() ({
      %run_scoped3A = tpu.sem_alloc : memref<!tpu.dma_semaphore, #tpu.memory_space<semaphore_mem>>
      %dma_start3A_41 = arith.constant 0 : i32
      %dma_start3A_42 = tpu.memref_slice %arg13[%mul3A_4, %dma_start3A_41] : memref<2560x128xf32, #tpu.memory_space<vmem_shared>> -> memref<160x128xf32, #tpu.memory_space<vmem_shared>>
      tpu.enqueue_dma source(%arg4 : memref<160x128xf32, #tpu.memory_space<hbm>>) target(%dma_start3A_42 : memref<160x128xf32, #tpu.memory_space<vmem_shared>>) target_semaphore(%run_scoped3A : memref<!tpu.dma_semaphore, #tpu.memory_space<semaphore_mem>>)
      %dma_wait3A = arith.constant 0 : i32
      %dma_wait3A_43 = tpu.memref_slice %arg13[%mul3A_4, %dma_wait3A] : memref<2560x128xf32, #tpu.memory_space<vmem_shared>> -> memref<160x128xf32, #tpu.memory_space<vmem_shared>>
      tpu.wait_dma2 semaphore(%run_scoped3A : memref<!tpu.dma_semaphore, #tpu.memory_space<semaphore_mem>>) src(%arg4 : memref<160x128xf32, #tpu.memory_space<hbm>>) dst(%dma_wait3A_43 : memref<160x128xf32, #tpu.memory_space<vmem_shared>>)
      tpu.yield
    }) : () -> ()
    %barrier3A = arith.constant 0 : index
    tpu.barrier barrier_id(%barrier3A)
    %add3A_5 = arith.constant 0 : i32
    %add3A_6 = arith.addi %mul3A_2, %add3A_5 : i32
    %dma_start3A = arith.constant 0 : i32
    %dma_start3A_7 = tpu.memref_slice %arg2[%add3A_6, %dma_start3A] : memref<40960x128xf32, #tpu.memory_space<hbm>> -> memref<80x128xf32, #tpu.memory_space<hbm>>
    %dma_start3A_8 = arith.constant 0 : i32
    %dma_start3A_9 = tpu.memref_slice %arg2[%add3A_6, %dma_start3A_8] : memref<40960x128xf32, #tpu.memory_space<hbm>> -> memref<80x128xf32, #tpu.memory_space<hbm>>
    tpu.enqueue_dma source(%dma_start3A_9 : memref<80x128xf32, #tpu.memory_space<hbm>>) target(%arg8 : memref<80x128xf32, #tpu.memory_space<vmem>>) target_semaphore(%arg14 : memref<!tpu.dma_semaphore, #tpu.memory_space<semaphore_mem>>)
    %dma_start3A_10 = tpu.memref_slice %arg3[%add3A_6] : memref<40960xi32, #tpu.memory_space<hbm>> -> memref<80xi32, #tpu.memory_space<hbm>>
    %dma_start3A_11 = tpu.memref_slice %arg3[%add3A_6] : memref<40960xi32, #tpu.memory_space<hbm>> -> memref<80xi32, #tpu.memory_space<hbm>>
    tpu.enqueue_dma source(%dma_start3A_11 : memref<80xi32, #tpu.memory_space<hbm>>) target(%arg10 : memref<80xi32, #tpu.memory_space<vmem>>) target_semaphore(%arg14 : memref<!tpu.dma_semaphore, #tpu.memory_space<semaphore_mem>>)
    %scan3A = arith.constant 0 : i32
    %scan3A_12 = arith.constant 0 : i32
    %scan3A_13 = arith.constant 8 : i32
    %scan3A_14 = arith.addi %scan3A_12, %scan3A_13 : i32
    %scan3A_15 = arith.constant 1 : i32
    scf.for %scan3A_41 = %scan3A_12 to %scan3A_14 step %scan3A_15  : i32 {
      %mul3A_42 = arith.constant 2 : i32
      %mul3A_43 = arith.muli %mul3A_42, %scan3A_41 : i32
      %dma_wait3A = arith.constant 0 : i32
      %dma_wait3A_44 = tpu.memref_slice %arg2[%mul3A_2, %dma_wait3A] : memref<40960x128xf32, #tpu.memory_space<hbm>> -> memref<80x128xf32, #tpu.memory_space<hbm>>
      %dma_wait3A_45 = arith.constant 0 : i32
      %dma_wait3A_46 = tpu.memref_slice %arg2[%mul3A_2, %dma_wait3A_45] : memref<40960x128xf32, #tpu.memory_space<hbm>> -> memref<80x128xf32, #tpu.memory_space<hbm>>
      tpu.wait_dma2 semaphore(%arg14 : memref<!tpu.dma_semaphore, #tpu.memory_space<semaphore_mem>>) src(%dma_wait3A_46 : memref<80x128xf32, #tpu.memory_space<hbm>>) dst(%arg8 : memref<80x128xf32, #tpu.memory_space<vmem>>)
      %dma_wait3A_47 = tpu.memref_slice %arg3[%mul3A_2] : memref<40960xi32, #tpu.memory_space<hbm>> -> memref<80xi32, #tpu.memory_space<hbm>>
      %dma_wait3A_48 = tpu.memref_slice %arg3[%mul3A_2] : memref<40960xi32, #tpu.memory_space<hbm>> -> memref<80xi32, #tpu.memory_space<hbm>>
      tpu.wait_dma2 semaphore(%arg14 : memref<!tpu.dma_semaphore, #tpu.memory_space<semaphore_mem>>) src(%dma_wait3A_48 : memref<80xi32, #tpu.memory_space<hbm>>) dst(%arg10 : memref<80xi32, #tpu.memory_space<vmem>>)
      %add3A_49 = arith.constant 1 : i32
      %add3A_50 = arith.addi %mul3A_43, %add3A_49 : i32
      %mul3A_51 = arith.constant 80 : i32
      %mul3A_52 = arith.muli %add3A_50, %mul3A_51 : i32
      %add3A_53 = arith.addi %mul3A_2, %mul3A_52 : i32
      %dma_start3A_54 = arith.constant 0 : i32
      %dma_start3A_55 = tpu.memref_slice %arg2[%add3A_53, %dma_start3A_54] : memref<40960x128xf32, #tpu.memory_space<hbm>> -> memref<80x128xf32, #tpu.memory_space<hbm>>
      %dma_start3A_56 = arith.constant 0 : i32
      %dma_start3A_57 = tpu.memref_slice %arg2[%add3A_53, %dma_start3A_56] : memref<40960x128xf32, #tpu.memory_space<hbm>> -> memref<80x128xf32, #tpu.memory_space<hbm>>
      tpu.enqueue_dma source(%dma_start3A_57 : memref<80x128xf32, #tpu.memory_space<hbm>>) target(%arg9 : memref<80x128xf32, #tpu.memory_space<vmem>>) target_semaphore(%arg15 : memref<!tpu.dma_semaphore, #tpu.memory_space<semaphore_mem>>)
      %dma_start3A_58 = tpu.memref_slice %arg3[%add3A_53] : memref<40960xi32, #tpu.memory_space<hbm>> -> memref<80xi32, #tpu.memory_space<hbm>>
      %dma_start3A_59 = tpu.memref_slice %arg3[%add3A_53] : memref<40960xi32, #tpu.memory_space<hbm>> -> memref<80xi32, #tpu.memory_space<hbm>>
      tpu.enqueue_dma source(%dma_start3A_59 : memref<80xi32, #tpu.memory_space<hbm>>) target(%arg11 : memref<80xi32, #tpu.memory_space<vmem>>) target_semaphore(%arg15 : memref<!tpu.dma_semaphore, #tpu.memory_space<semaphore_mem>>)
      %dma_start3A_60 = arith.constant 0 : i32
      %dma_start3A_61 = arith.constant 0 : i32
      %dma_start3A_62 = tpu.memref_slice %arg13[%dma_start3A_60, %dma_start3A_61] : memref<2560x128xf32, #tpu.memory_space<vmem_shared>> -> memref<2560x128xf32, #tpu.memory_space<vmem_shared>>
      tpu.enqueue_indirect_dma source(%arg8 : memref<80x128xf32, #tpu.memory_space<vmem>>) target(%dma_start3A_62 : memref<2560x128xf32, #tpu.memory_space<vmem_shared>>) offsets(%arg10 : memref<80xi32, #tpu.memory_space<vmem>>) semaphore(%arg16 : memref<!tpu.dma_semaphore, #tpu.memory_space<semaphore_mem>>) {add = true}
      %dma_wait3A_63 = arith.constant 0 : i32
      %dma_wait3A_64 = tpu.memref_slice %arg2[%mul3A_2, %dma_wait3A_63] : memref<40960x128xf32, #tpu.memory_space<hbm>> -> memref<80x128xf32, #tpu.memory_space<hbm>>
      %dma_wait3A_65 = arith.constant 0 : i32
      %dma_wait3A_66 = tpu.memref_slice %arg2[%mul3A_2, %dma_wait3A_65] : memref<40960x128xf32, #tpu.memory_space<hbm>> -> memref<80x128xf32, #tpu.memory_space<hbm>>
      tpu.wait_dma2 semaphore(%arg15 : memref<!tpu.dma_semaphore, #tpu.memory_space<semaphore_mem>>) src(%dma_wait3A_66 : memref<80x128xf32, #tpu.memory_space<hbm>>) dst(%arg9 : memref<80x128xf32, #tpu.memory_space<vmem>>)
      %dma_wait3A_67 = tpu.memref_slice %arg3[%mul3A_2] : memref<40960xi32, #tpu.memory_space<hbm>> -> memref<80xi32, #tpu.memory_space<hbm>>
      %dma_wait3A_68 = tpu.memref_slice %arg3[%mul3A_2] : memref<40960xi32, #tpu.memory_space<hbm>> -> memref<80xi32, #tpu.memory_space<hbm>>
      tpu.wait_dma2 semaphore(%arg15 : memref<!tpu.dma_semaphore, #tpu.memory_space<semaphore_mem>>) src(%dma_wait3A_68 : memref<80xi32, #tpu.memory_space<hbm>>) dst(%arg11 : memref<80xi32, #tpu.memory_space<vmem>>)
      %dma_wait3A_69 = arith.constant 0 : i32
      %dma_wait3A_70 = arith.constant 0 : i32
      %dma_wait3A_71 = tpu.memref_slice %arg13[%dma_wait3A_69, %dma_wait3A_70] : memref<2560x128xf32, #tpu.memory_space<vmem_shared>> -> memref<2560x128xf32, #tpu.memory_space<vmem_shared>>
      tpu.wait_indirect_dma semaphore(%arg16 : memref<!tpu.dma_semaphore, #tpu.memory_space<semaphore_mem>>) src(%arg8 : memref<80x128xf32, #tpu.memory_space<vmem>>) dst(%dma_wait3A_71 : memref<2560x128xf32, #tpu.memory_space<vmem_shared>>)
      %add3A_72 = arith.constant 1 : i32
      %add3A_73 = arith.addi %scan3A_41, %add3A_72 : i32
      %lt3A = arith.constant 8 : i32
      %lt3A_74 = arith.cmpi slt, %add3A_73, %lt3A : i32
      %convert_element_type3A = arith.extui %lt3A_74 : i1 to i32
      %cond3A = arith.constant 0 : i32
      %cond3A_75 = arith.cmpi ne, %convert_element_type3A, %cond3A : i32
      scf.if %cond3A_75 {
        %add3A_82 = arith.constant 2 : i32
        %add3A_83 = arith.addi %mul3A_43, %add3A_82 : i32
        %mul3A_84 = arith.constant 80 : i32
        %mul3A_85 = arith.muli %add3A_83, %mul3A_84 : i32
        %add3A_86 = arith.addi %mul3A_2, %mul3A_85 : i32
        %dma_start3A_87 = arith.constant 0 : i32
        %dma_start3A_88 = tpu.memref_slice %arg2[%add3A_86, %dma_start3A_87] : memref<40960x128xf32, #tpu.memory_space<hbm>> -> memref<80x128xf32, #tpu.memory_space<hbm>>
        %dma_start3A_89 = arith.constant 0 : i32
        %dma_start3A_90 = tpu.memref_slice %arg2[%add3A_86, %dma_start3A_89] : memref<40960x128xf32, #tpu.memory_space<hbm>> -> memref<80x128xf32, #tpu.memory_space<hbm>>
        tpu.enqueue_dma source(%dma_start3A_90 : memref<80x128xf32, #tpu.memory_space<hbm>>) target(%arg8 : memref<80x128xf32, #tpu.memory_space<vmem>>) target_semaphore(%arg14 : memref<!tpu.dma_semaphore, #tpu.memory_space<semaphore_mem>>)
        %dma_start3A_91 = tpu.memref_slice %arg3[%add3A_86] : memref<40960xi32, #tpu.memory_space<hbm>> -> memref<80xi32, #tpu.memory_space<hbm>>
        %dma_start3A_92 = tpu.memref_slice %arg3[%add3A_86] : memref<40960xi32, #tpu.memory_space<hbm>> -> memref<80xi32, #tpu.memory_space<hbm>>
        tpu.enqueue_dma source(%dma_start3A_92 : memref<80xi32, #tpu.memory_space<hbm>>) target(%arg10 : memref<80xi32, #tpu.memory_space<vmem>>) target_semaphore(%arg14 : memref<!tpu.dma_semaphore, #tpu.memory_space<semaphore_mem>>)
      } else {
      }
      %dma_start3A_76 = arith.constant 0 : i32
      %dma_start3A_77 = arith.constant 0 : i32
      %dma_start3A_78 = tpu.memref_slice %arg13[%dma_start3A_76, %dma_start3A_77] : memref<2560x128xf32, #tpu.memory_space<vmem_shared>> -> memref<2560x128xf32, #tpu.memory_space<vmem_shared>>
      tpu.enqueue_indirect_dma source(%arg9 : memref<80x128xf32, #tpu.memory_space<vmem>>) target(%dma_start3A_78 : memref<2560x128xf32, #tpu.memory_space<vmem_shared>>) offsets(%arg11 : memref<80xi32, #tpu.memory_space<vmem>>) semaphore(%arg17 : memref<!tpu.dma_semaphore, #tpu.memory_space<semaphore_mem>>) {add = true}
      %dma_wait3A_79 = arith.constant 0 : i32
      %dma_wait3A_80 = arith.constant 0 : i32
      %dma_wait3A_81 = tpu.memref_slice %arg13[%dma_wait3A_79, %dma_wait3A_80] : memref<2560x128xf32, #tpu.memory_space<vmem_shared>> -> memref<2560x128xf32, #tpu.memory_space<vmem_shared>>
      tpu.wait_indirect_dma semaphore(%arg17 : memref<!tpu.dma_semaphore, #tpu.memory_space<semaphore_mem>>) src(%arg9 : memref<80x128xf32, #tpu.memory_space<vmem>>) dst(%dma_wait3A_81 : memref<2560x128xf32, #tpu.memory_space<vmem_shared>>)
    }
    %scan3A_16 = arith.constant 8 : i32
    %barrier3A_17 = arith.constant 0 : index
    tpu.barrier barrier_id(%barrier3A_17)
    %mul3A_18 = arith.constant 160 : i32
    %mul3A_19 = arith.muli %arg1, %mul3A_18 : i32
    %mul3A_20 = arith.constant 160 : i32
    %mul3A_21 = arith.muli %arg1, %mul3A_20 : i32
    "tpu.region"() ({
      %run_scoped3A = tpu.sem_alloc : memref<!tpu.dma_semaphore, #tpu.memory_space<semaphore_mem>>
      %dma_start3A_41 = arith.constant 0 : i32
      %dma_start3A_42 = tpu.memref_slice %arg6[%arg0, %mul3A_21, %dma_start3A_41] : memref<2x2560x128xf32, #tpu.memory_space<hbm>> -> memref<1x160x128xf32, #tpu.memory_space<hbm>>
      %dma_start3A_43 = tpu.memref_squeeze %dma_start3A_42 : memref<1x160x128xf32, #tpu.memory_space<hbm>> -> memref<160x128xf32, #tpu.memory_space<hbm>>
      %dma_start3A_44 = arith.constant 0 : i32
      %dma_start3A_45 = tpu.memref_slice %arg13[%mul3A_19, %dma_start3A_44] : memref<2560x128xf32, #tpu.memory_space<vmem_shared>> -> memref<160x128xf32, #tpu.memory_space<vmem_shared>>
      tpu.enqueue_dma source(%dma_start3A_45 : memref<160x128xf32, #tpu.memory_space<vmem_shared>>) target(%dma_start3A_43 : memref<160x128xf32, #tpu.memory_space<hbm>>) target_semaphore(%run_scoped3A : memref<!tpu.dma_semaphore, #tpu.memory_space<semaphore_mem>>)
      %dma_wait3A = arith.constant 0 : i32
      %dma_wait3A_46 = tpu.memref_slice %arg6[%arg0, %mul3A_21, %dma_wait3A] : memref<2x2560x128xf32, #tpu.memory_space<hbm>> -> memref<1x160x128xf32, #tpu.memory_space<hbm>>
      %dma_wait3A_47 = tpu.memref_squeeze %dma_wait3A_46 : memref<1x160x128xf32, #tpu.memory_space<hbm>> -> memref<160x128xf32, #tpu.memory_space<hbm>>
      %dma_wait3A_48 = arith.constant 0 : i32
      %dma_wait3A_49 = tpu.memref_slice %arg13[%mul3A_19, %dma_wait3A_48] : memref<2560x128xf32, #tpu.memory_space<vmem_shared>> -> memref<160x128xf32, #tpu.memory_space<vmem_shared>>
      tpu.wait_dma2 semaphore(%run_scoped3A : memref<!tpu.dma_semaphore, #tpu.memory_space<semaphore_mem>>) src(%dma_wait3A_49 : memref<160x128xf32, #tpu.memory_space<vmem_shared>>) dst(%dma_wait3A_47 : memref<160x128xf32, #tpu.memory_space<hbm>>)
      tpu.yield
    }) : () -> ()
    %barrier3A_22 = arith.constant 0 : index
    tpu.barrier barrier_id(%barrier3A_22)
    %mul3A_23 = arith.constant 160 : i32
    %mul3A_24 = arith.muli %arg1, %mul3A_23 : i32
    "tpu.region"() ({
      %run_scoped3A = tpu.sem_alloc : memref<!tpu.dma_semaphore, #tpu.memory_space<semaphore_mem>>
      %dma_start3A_41 = arith.constant 0 : i32
      %dma_start3A_42 = tpu.memref_slice %arg13[%mul3A_24, %dma_start3A_41] : memref<2560x128xf32, #tpu.memory_space<vmem_shared>> -> memref<160x128xf32, #tpu.memory_space<vmem_shared>>
      tpu.enqueue_dma source(%arg4 : memref<160x128xf32, #tpu.memory_space<hbm>>) target(%dma_start3A_42 : memref<160x128xf32, #tpu.memory_space<vmem_shared>>) target_semaphore(%run_scoped3A : memref<!tpu.dma_semaphore, #tpu.memory_space<semaphore_mem>>)
      %dma_wait3A = arith.constant 0 : i32
      %dma_wait3A_43 = tpu.memref_slice %arg13[%mul3A_24, %dma_wait3A] : memref<2560x128xf32, #tpu.memory_space<vmem_shared>> -> memref<160x128xf32, #tpu.memory_space<vmem_shared>>
      tpu.wait_dma2 semaphore(%run_scoped3A : memref<!tpu.dma_semaphore, #tpu.memory_space<semaphore_mem>>) src(%arg4 : memref<160x128xf32, #tpu.memory_space<hbm>>) dst(%dma_wait3A_43 : memref<160x128xf32, #tpu.memory_space<vmem_shared>>)
      tpu.yield
    }) : () -> ()
    %barrier3A_25 = arith.constant 0 : index
    tpu.barrier barrier_id(%barrier3A_25)
    %add3A_26 = arith.constant 0 : i32
    %add3A_27 = arith.addi %mul3A_2, %add3A_26 : i32
    %dma_start3A_28 = tpu.memref_slice %arg3[%add3A_27] : memref<40960xi32, #tpu.memory_space<hbm>> -> memref<80xi32, #tpu.memory_space<hbm>>
    %dma_start3A_29 = tpu.memref_slice %arg3[%add3A_27] : memref<40960xi32, #tpu.memory_space<hbm>> -> memref<80xi32, #tpu.memory_space<hbm>>
    tpu.enqueue_dma source(%dma_start3A_29 : memref<80xi32, #tpu.memory_space<hbm>>) target(%arg10 : memref<80xi32, #tpu.memory_space<vmem>>) target_semaphore(%arg14 : memref<!tpu.dma_semaphore, #tpu.memory_space<semaphore_mem>>)
    %scan3A_30 = arith.constant 0 : i32
    %scan3A_31 = arith.constant 0 : i32
    %scan3A_32 = arith.constant 8 : i32
    %scan3A_33 = arith.addi %scan3A_31, %scan3A_32 : i32
    %scan3A_34 = arith.constant 1 : i32
    scf.for %scan3A_41 = %scan3A_31 to %scan3A_33 step %scan3A_34  : i32 {
      %mul3A_42 = arith.constant 2 : i32
      %mul3A_43 = arith.muli %mul3A_42, %scan3A_41 : i32
      %dma_wait3A = tpu.memref_slice %arg3[%mul3A_2] : memref<40960xi32, #tpu.memory_space<hbm>> -> memref<80xi32, #tpu.memory_space<hbm>>
      %dma_wait3A_44 = tpu.memref_slice %arg3[%mul3A_2] : memref<40960xi32, #tpu.memory_space<hbm>> -> memref<80xi32, #tpu.memory_space<hbm>>
      tpu.wait_dma2 semaphore(%arg14 : memref<!tpu.dma_semaphore, #tpu.memory_space<semaphore_mem>>) src(%dma_wait3A_44 : memref<80xi32, #tpu.memory_space<hbm>>) dst(%arg10 : memref<80xi32, #tpu.memory_space<vmem>>)
      %add3A_45 = arith.constant 1 : i32
      %add3A_46 = arith.addi %mul3A_43, %add3A_45 : i32
      %mul3A_47 = arith.constant 80 : i32
      %mul3A_48 = arith.muli %add3A_46, %mul3A_47 : i32
      %add3A_49 = arith.addi %mul3A_2, %mul3A_48 : i32
      %dma_start3A_50 = tpu.memref_slice %arg3[%add3A_49] : memref<40960xi32, #tpu.memory_space<hbm>> -> memref<80xi32, #tpu.memory_space<hbm>>
      %dma_start3A_51 = tpu.memref_slice %arg3[%add3A_49] : memref<40960xi32, #tpu.memory_space<hbm>> -> memref<80xi32, #tpu.memory_space<hbm>>
      tpu.enqueue_dma source(%dma_start3A_51 : memref<80xi32, #tpu.memory_space<hbm>>) target(%arg11 : memref<80xi32, #tpu.memory_space<vmem>>) target_semaphore(%arg15 : memref<!tpu.dma_semaphore, #tpu.memory_space<semaphore_mem>>)
      %dma_start3A_52 = arith.constant 0 : i32
      %dma_start3A_53 = arith.constant 0 : i32
      %dma_start3A_54 = tpu.memref_slice %arg13[%dma_start3A_52, %dma_start3A_53] : memref<2560x128xf32, #tpu.memory_space<vmem_shared>> -> memref<2560x128xf32, #tpu.memory_space<vmem_shared>>
      tpu.enqueue_indirect_dma source(%arg12 : memref<80x128xf32, #tpu.memory_space<vmem>>) target(%dma_start3A_54 : memref<2560x128xf32, #tpu.memory_space<vmem_shared>>) offsets(%arg10 : memref<80xi32, #tpu.memory_space<vmem>>) semaphore(%arg16 : memref<!tpu.dma_semaphore, #tpu.memory_space<semaphore_mem>>) {add = true}
      %dma_wait3A_55 = tpu.memref_slice %arg3[%mul3A_2] : memref<40960xi32, #tpu.memory_space<hbm>> -> memref<80xi32, #tpu.memory_space<hbm>>
      %dma_wait3A_56 = tpu.memref_slice %arg3[%mul3A_2] : memref<40960xi32, #tpu.memory_space<hbm>> -> memref<80xi32, #tpu.memory_space<hbm>>
      tpu.wait_dma2 semaphore(%arg15 : memref<!tpu.dma_semaphore, #tpu.memory_space<semaphore_mem>>) src(%dma_wait3A_56 : memref<80xi32, #tpu.memory_space<hbm>>) dst(%arg11 : memref<80xi32, #tpu.memory_space<vmem>>)
      %dma_wait3A_57 = arith.constant 0 : i32
      %dma_wait3A_58 = arith.constant 0 : i32
      %dma_wait3A_59 = tpu.memref_slice %arg13[%dma_wait3A_57, %dma_wait3A_58] : memref<2560x128xf32, #tpu.memory_space<vmem_shared>> -> memref<2560x128xf32, #tpu.memory_space<vmem_shared>>
      tpu.wait_indirect_dma semaphore(%arg16 : memref<!tpu.dma_semaphore, #tpu.memory_space<semaphore_mem>>) src(%arg12 : memref<80x128xf32, #tpu.memory_space<vmem>>) dst(%dma_wait3A_59 : memref<2560x128xf32, #tpu.memory_space<vmem_shared>>)
      %add3A_60 = arith.constant 1 : i32
      %add3A_61 = arith.addi %scan3A_41, %add3A_60 : i32
      %lt3A = arith.constant 8 : i32
      %lt3A_62 = arith.cmpi slt, %add3A_61, %lt3A : i32
      %convert_element_type3A = arith.extui %lt3A_62 : i1 to i32
      %cond3A = arith.constant 0 : i32
      %cond3A_63 = arith.cmpi ne, %convert_element_type3A, %cond3A : i32
      scf.if %cond3A_63 {
        %add3A_70 = arith.constant 2 : i32
        %add3A_71 = arith.addi %mul3A_43, %add3A_70 : i32
        %mul3A_72 = arith.constant 80 : i32
        %mul3A_73 = arith.muli %add3A_71, %mul3A_72 : i32
        %add3A_74 = arith.addi %mul3A_2, %mul3A_73 : i32
        %dma_start3A_75 = tpu.memref_slice %arg3[%add3A_74] : memref<40960xi32, #tpu.memory_space<hbm>> -> memref<80xi32, #tpu.memory_space<hbm>>
        %dma_start3A_76 = tpu.memref_slice %arg3[%add3A_74] : memref<40960xi32, #tpu.memory_space<hbm>> -> memref<80xi32, #tpu.memory_space<hbm>>
        tpu.enqueue_dma source(%dma_start3A_76 : memref<80xi32, #tpu.memory_space<hbm>>) target(%arg10 : memref<80xi32, #tpu.memory_space<vmem>>) target_semaphore(%arg14 : memref<!tpu.dma_semaphore, #tpu.memory_space<semaphore_mem>>)
      } else {
      }
      %dma_start3A_64 = arith.constant 0 : i32
      %dma_start3A_65 = arith.constant 0 : i32
      %dma_start3A_66 = tpu.memref_slice %arg13[%dma_start3A_64, %dma_start3A_65] : memref<2560x128xf32, #tpu.memory_space<vmem_shared>> -> memref<2560x128xf32, #tpu.memory_space<vmem_shared>>
      tpu.enqueue_indirect_dma source(%arg12 : memref<80x128xf32, #tpu.memory_space<vmem>>) target(%dma_start3A_66 : memref<2560x128xf32, #tpu.memory_space<vmem_shared>>) offsets(%arg11 : memref<80xi32, #tpu.memory_space<vmem>>) semaphore(%arg17 : memref<!tpu.dma_semaphore, #tpu.memory_space<semaphore_mem>>) {add = true}
      %dma_wait3A_67 = arith.constant 0 : i32
      %dma_wait3A_68 = arith.constant 0 : i32
      %dma_wait3A_69 = tpu.memref_slice %arg13[%dma_wait3A_67, %dma_wait3A_68] : memref<2560x128xf32, #tpu.memory_space<vmem_shared>> -> memref<2560x128xf32, #tpu.memory_space<vmem_shared>>
      tpu.wait_indirect_dma semaphore(%arg17 : memref<!tpu.dma_semaphore, #tpu.memory_space<semaphore_mem>>) src(%arg12 : memref<80x128xf32, #tpu.memory_space<vmem>>) dst(%dma_wait3A_69 : memref<2560x128xf32, #tpu.memory_space<vmem_shared>>)
    }
    %scan3A_35 = arith.constant 8 : i32
    %barrier3A_36 = arith.constant 0 : index
    tpu.barrier barrier_id(%barrier3A_36)
    %mul3A_37 = arith.constant 160 : i32
    %mul3A_38 = arith.muli %arg1, %mul3A_37 : i32
    %mul3A_39 = arith.constant 160 : i32
    %mul3A_40 = arith.muli %arg1, %mul3A_39 : i32
    "tpu.region"() ({
      %run_scoped3A = tpu.sem_alloc : memref<!tpu.dma_semaphore, #tpu.memory_space<semaphore_mem>>
      %dma_start3A_41 = arith.constant 0 : i32
      %dma_start3A_42 = tpu.memref_slice %arg7[%arg0, %mul3A_40, %dma_start3A_41] : memref<2x2560x128xf32, #tpu.memory_space<hbm>> -> memref<1x160x128xf32, #tpu.memory_space<hbm>>
      %dma_start3A_43 = tpu.memref_squeeze %dma_start3A_42 : memref<1x160x128xf32, #tpu.memory_space<hbm>> -> memref<160x128xf32, #tpu.memory_space<hbm>>
      %dma_start3A_44 = arith.constant 0 : i32
      %dma_start3A_45 = tpu.memref_slice %arg13[%mul3A_38, %dma_start3A_44] : memref<2560x128xf32, #tpu.memory_space<vmem_shared>> -> memref<160x128xf32, #tpu.memory_space<vmem_shared>>
      tpu.enqueue_dma source(%dma_start3A_45 : memref<160x128xf32, #tpu.memory_space<vmem_shared>>) target(%dma_start3A_43 : memref<160x128xf32, #tpu.memory_space<hbm>>) target_semaphore(%run_scoped3A : memref<!tpu.dma_semaphore, #tpu.memory_space<semaphore_mem>>)
      %dma_wait3A = arith.constant 0 : i32
      %dma_wait3A_46 = tpu.memref_slice %arg7[%arg0, %mul3A_40, %dma_wait3A] : memref<2x2560x128xf32, #tpu.memory_space<hbm>> -> memref<1x160x128xf32, #tpu.memory_space<hbm>>
      %dma_wait3A_47 = tpu.memref_squeeze %dma_wait3A_46 : memref<1x160x128xf32, #tpu.memory_space<hbm>> -> memref<160x128xf32, #tpu.memory_space<hbm>>
      %dma_wait3A_48 = arith.constant 0 : i32
      %dma_wait3A_49 = tpu.memref_slice %arg13[%mul3A_38, %dma_wait3A_48] : memref<2560x128xf32, #tpu.memory_space<vmem_shared>> -> memref<160x128xf32, #tpu.memory_space<vmem_shared>>
      tpu.wait_dma2 semaphore(%run_scoped3A : memref<!tpu.dma_semaphore, #tpu.memory_space<semaphore_mem>>) src(%dma_wait3A_49 : memref<160x128xf32, #tpu.memory_space<vmem_shared>>) dst(%dma_wait3A_47 : memref<160x128xf32, #tpu.memory_space<hbm>>)
      tpu.yield
    }) : () -> ()
    return
  }
}

module attributes {stable_mosaic.version = 14 : i64} {
  func.func @body(%arg0: i32, %arg1: memref<1264x128xf32, #tpu.memory_space<vmem>>, %arg2: memref<128x128xf32, #tpu.memory_space<vmem>>, %arg3: memref<1x128xf32, #tpu.memory_space<vmem>>, %arg4: memref<128x128xf32, #tpu.memory_space<vmem>>, %arg5: memref<1x128xf32, #tpu.memory_space<vmem>>, %arg6: memref<1x128xf32, #tpu.memory_space<vmem>>, %arg7: memref<1x128xf32, #tpu.memory_space<vmem>>, %arg8: memref<1264x128xf32, #tpu.memory_space<vmem>>) attributes {dimension_semantics = [#tpu.dimension_semantics<arbitrary>], iteration_bounds = array<i64: 8>, scalar_prefetch = 0 : i64, scratch_operands = 0 : i64, tpu.core_type = #tpu.core_type<tc>, window_params = [{transform_indices = @transform_0, window_bounds = array<i64: 1264, 128>}, {pipeline_mode = #tpu.pipeline_mode<synchronous>, transform_indices = @transform_1, window_bounds = array<i64: 128, 128>}, {pipeline_mode = #tpu.pipeline_mode<synchronous>, transform_indices = @transform_2, window_bounds = array<i64: 1, 128>}, {pipeline_mode = #tpu.pipeline_mode<synchronous>, transform_indices = @transform_3, window_bounds = array<i64: 128, 128>}, {pipeline_mode = #tpu.pipeline_mode<synchronous>, transform_indices = @transform_4, window_bounds = array<i64: 1, 128>}, {pipeline_mode = #tpu.pipeline_mode<synchronous>, transform_indices = @transform_5, window_bounds = array<i64: 1, 128>}, {pipeline_mode = #tpu.pipeline_mode<synchronous>, transform_indices = @transform_6, window_bounds = array<i64: 1, 128>}, {transform_indices = @transform_7, window_bounds = array<i64: 1264, 128>}]} {
    %get3A = arith.constant 0 : index
    %get3A_0 = arith.constant 0 : index
    %get3A_1 = vector.load %arg1[%get3A, %get3A_0] : memref<1264x128xf32, #tpu.memory_space<vmem>>, vector<1264x128xf32>
    %get3A_2 = arith.constant 0 : index
    %get3A_3 = arith.constant 0 : index
    %get3A_4 = vector.load %arg2[%get3A_2, %get3A_3] : memref<128x128xf32, #tpu.memory_space<vmem>>, vector<128x128xf32>
    %get3A_5 = arith.constant 0 : index
    %get3A_6 = arith.constant 0 : index
    %get3A_7 = vector.load %arg3[%get3A_5, %get3A_6] : memref<1x128xf32, #tpu.memory_space<vmem>>, vector<1x128xf32>
    %get3A_8 = arith.constant 0 : index
    %get3A_9 = arith.constant 0 : index
    %get3A_10 = vector.load %arg4[%get3A_8, %get3A_9] : memref<128x128xf32, #tpu.memory_space<vmem>>, vector<128x128xf32>
    %get3A_11 = arith.constant 0 : index
    %get3A_12 = arith.constant 0 : index
    %get3A_13 = vector.load %arg5[%get3A_11, %get3A_12] : memref<1x128xf32, #tpu.memory_space<vmem>>, vector<1x128xf32>
    %get3A_14 = arith.constant 0 : index
    %get3A_15 = arith.constant 0 : index
    %get3A_16 = vector.load %arg6[%get3A_14, %get3A_15] : memref<1x128xf32, #tpu.memory_space<vmem>>, vector<1x128xf32>
    %get3A_17 = arith.constant 0 : index
    %get3A_18 = arith.constant 0 : index
    %get3A_19 = vector.load %arg7[%get3A_17, %get3A_18] : memref<1x128xf32, #tpu.memory_space<vmem>>, vector<1x128xf32>
    %dot_general3A = arith.constant dense<0.000000e+00> : vector<1264x128xf32>
    %dot_general3A_20 = tpu.matmul %get3A_1, %get3A_4, %dot_general3A {dimension_numbers = #tpu.dot_dimension_numbers<[1], [0], [0], [1], [0, 0, 1, 1], [], []>, transpose_lhs_hint = false} : vector<1264x128xf32>, vector<128x128xf32>, vector<1264x128xf32> -> vector<1264x128xf32>
    %add3A = vector.broadcast %get3A_7 : vector<1x128xf32> to vector<1264x128xf32>
    %add3A_21 = arith.addf %dot_general3A_20, %add3A : vector<1264x128xf32>
    %logistic3A = arith.negf %add3A_21 : vector<1264x128xf32>
    %logistic3A_22 = math.exp %logistic3A : vector<1264x128xf32>
    %logistic3A_23 = arith.constant 1.000000e+00 : f32
    %logistic3A_24 = vector.broadcast %logistic3A_23 : f32 to vector<1264x128xf32>
    %logistic3A_25 = arith.addf %logistic3A_24, %logistic3A_22 : vector<1264x128xf32>
    %logistic3A_26 = arith.divf %logistic3A_24, %logistic3A_25 : vector<1264x128xf32>
    %mul3A = arith.mulf %add3A_21, %logistic3A_26 : vector<1264x128xf32>
    %dot_general3A_27 = arith.constant dense<0.000000e+00> : vector<1264x128xf32>
    %dot_general3A_28 = tpu.matmul %mul3A, %get3A_10, %dot_general3A_27 {dimension_numbers = #tpu.dot_dimension_numbers<[1], [0], [0], [1], [0, 0, 1, 1], [], []>, transpose_lhs_hint = false} : vector<1264x128xf32>, vector<128x128xf32>, vector<1264x128xf32> -> vector<1264x128xf32>
    %add3A_29 = vector.broadcast %get3A_13 : vector<1x128xf32> to vector<1264x128xf32>
    %add3A_30 = arith.addf %dot_general3A_28, %add3A_29 : vector<1264x128xf32>
    %reduce_sum3A = arith.constant dense<0.000000e+00> : vector<1264xf32>
    %reduce_sum3A_31 = vector.multi_reduction <add>, %add3A_30, %reduce_sum3A [1] : vector<1264x128xf32> to vector<1264xf32>
    %broadcast_in_dim3A = vector.shape_cast %reduce_sum3A_31 : vector<1264xf32> to vector<1264x1xf32>
    %div3A = arith.constant 1.280000e+02 : f32
    %div3A_32 = vector.broadcast %div3A : f32 to vector<1264x1xf32>
    %div3A_33 = arith.divf %broadcast_in_dim3A, %div3A_32 : vector<1264x1xf32>
    %sub3A = vector.broadcast %div3A_33 : vector<1264x1xf32> to vector<1264x128xf32>
    %sub3A_34 = arith.subf %add3A_30, %sub3A : vector<1264x128xf32>
    %integer_pow3A = arith.mulf %sub3A_34, %sub3A_34 : vector<1264x128xf32>
    %reduce_sum3A_35 = arith.constant dense<0.000000e+00> : vector<1264xf32>
    %reduce_sum3A_36 = vector.multi_reduction <add>, %integer_pow3A, %reduce_sum3A_35 [1] : vector<1264x128xf32> to vector<1264xf32>
    %broadcast_in_dim3A_37 = vector.shape_cast %reduce_sum3A_36 : vector<1264xf32> to vector<1264x1xf32>
    %div3A_38 = arith.constant 1.280000e+02 : f32
    %div3A_39 = vector.broadcast %div3A_38 : f32 to vector<1264x1xf32>
    %div3A_40 = arith.divf %broadcast_in_dim3A_37, %div3A_39 : vector<1264x1xf32>
    %sub3A_41 = vector.broadcast %div3A_33 : vector<1264x1xf32> to vector<1264x128xf32>
    %sub3A_42 = arith.subf %add3A_30, %sub3A_41 : vector<1264x128xf32>
    %add3A_43 = arith.constant 9.99999974E-6 : f32
    %add3A_44 = vector.broadcast %add3A_43 : f32 to vector<1264x1xf32>
    %add3A_45 = arith.addf %div3A_40, %add3A_44 : vector<1264x1xf32>
    %rsqrt3A = math.rsqrt %add3A_45 : vector<1264x1xf32>
    %mul3A_46 = vector.broadcast %rsqrt3A : vector<1264x1xf32> to vector<1264x128xf32>
    %mul3A_47 = arith.mulf %sub3A_42, %mul3A_46 : vector<1264x128xf32>
    %mul3A_48 = vector.broadcast %get3A_16 : vector<1x128xf32> to vector<1264x128xf32>
    %mul3A_49 = arith.mulf %mul3A_47, %mul3A_48 : vector<1264x128xf32>
    %add3A_50 = vector.broadcast %get3A_19 : vector<1x128xf32> to vector<1264x128xf32>
    %add3A_51 = arith.addf %mul3A_49, %add3A_50 : vector<1264x128xf32>
    %swap3A = arith.constant 0 : index
    %swap3A_52 = arith.constant 0 : index
    %swap3A_53 = vector.load %arg8[%swap3A, %swap3A_52] : memref<1264x128xf32, #tpu.memory_space<vmem>>, vector<1264x128xf32>
    tpu.vector_store %arg8[%swap3A, %swap3A_52], %add3A_51 {strides = array<i32>} : memref<1264x128xf32, #tpu.memory_space<vmem>>, vector<1264x128xf32>,
    return
  }
  func.func @transform_0(%arg0: i32) -> (i32, i32) {
    %c0_i32 = arith.constant 0 : i32
    %c0_i32_0 = arith.constant 0 : i32
    return %arg0, %c0_i32 : i32, i32
  }
  func.func @transform_1(%arg0: i32) -> (i32, i32) {
    %c0_i32 = arith.constant 0 : i32
    %c0_i32_0 = arith.constant 0 : i32
    %c0_i32_1 = arith.constant 0 : i32
    return %c0_i32, %c0_i32_0 : i32, i32
  }
  func.func @transform_2(%arg0: i32) -> (i32, i32) {
    %c0_i32 = arith.constant 0 : i32
    %c0_i32_0 = arith.constant 0 : i32
    %c0_i32_1 = arith.constant 0 : i32
    return %c0_i32, %c0_i32_0 : i32, i32
  }
  func.func @transform_3(%arg0: i32) -> (i32, i32) {
    %c0_i32 = arith.constant 0 : i32
    %c0_i32_0 = arith.constant 0 : i32
    %c0_i32_1 = arith.constant 0 : i32
    return %c0_i32, %c0_i32_0 : i32, i32
  }
  func.func @transform_4(%arg0: i32) -> (i32, i32) {
    %c0_i32 = arith.constant 0 : i32
    %c0_i32_0 = arith.constant 0 : i32
    %c0_i32_1 = arith.constant 0 : i32
    return %c0_i32, %c0_i32_0 : i32, i32
  }
  func.func @transform_5(%arg0: i32) -> (i32, i32) {
    %c0_i32 = arith.constant 0 : i32
    %c0_i32_0 = arith.constant 0 : i32
    %c0_i32_1 = arith.constant 0 : i32
    return %c0_i32, %c0_i32_0 : i32, i32
  }
  func.func @transform_6(%arg0: i32) -> (i32, i32) {
    %c0_i32 = arith.constant 0 : i32
    %c0_i32_0 = arith.constant 0 : i32
    %c0_i32_1 = arith.constant 0 : i32
    return %c0_i32, %c0_i32_0 : i32, i32
  }
  func.func @transform_7(%arg0: i32) -> (i32, i32) {
    %c0_i32 = arith.constant 0 : i32
    %c0_i32_0 = arith.constant 0 : i32
    return %arg0, %c0_i32 : i32, i32
  }
}

module attributes {stable_mosaic.version = 14 : i64} {
  func.func @body(%arg0: i32, %arg1: memref<2000x128xf32, #tpu.memory_space<vmem>>, %arg2: memref<2000x128xf32, #tpu.memory_space<vmem>>, %arg3: memref<2000x4xf32, #tpu.memory_space<vmem>>, %arg4: memref<4x128xf32, #tpu.memory_space<vmem>>, %arg5: memref<1x128xf32, #tpu.memory_space<vmem>>, %arg6: memref<128x128xf32, #tpu.memory_space<vmem>>, %arg7: memref<1x128xf32, #tpu.memory_space<vmem>>, %arg8: memref<1x128xf32, #tpu.memory_space<vmem>>, %arg9: memref<1x128xf32, #tpu.memory_space<vmem>>, %arg10: memref<128x128xf32, #tpu.memory_space<vmem>>, %arg11: memref<128x128xf32, #tpu.memory_space<vmem>>, %arg12: memref<128x128xf32, #tpu.memory_space<vmem>>, %arg13: memref<1x128xf32, #tpu.memory_space<vmem>>, %arg14: memref<128x128xf32, #tpu.memory_space<vmem>>, %arg15: memref<1x128xf32, #tpu.memory_space<vmem>>, %arg16: memref<1x128xf32, #tpu.memory_space<vmem>>, %arg17: memref<1x128xf32, #tpu.memory_space<vmem>>, %arg18: memref<2000x128xf32, #tpu.memory_space<vmem>>) attributes {dimension_semantics = [#tpu.dimension_semantics<arbitrary>], iteration_bounds = array<i64: 160>, scalar_prefetch = 0 : i64, scratch_operands = 0 : i64, tpu.core_type = #tpu.core_type<tc>, window_params = [{transform_indices = @transform_0, window_bounds = array<i64: 2000, 128>}, {transform_indices = @transform_1, window_bounds = array<i64: 2000, 128>}, {transform_indices = @transform_2, window_bounds = array<i64: 2000, 4>}, {pipeline_mode = #tpu.pipeline_mode<synchronous>, transform_indices = @transform_3, window_bounds = array<i64: 4, 128>}, {pipeline_mode = #tpu.pipeline_mode<synchronous>, transform_indices = @transform_4, window_bounds = array<i64: 1, 128>}, {pipeline_mode = #tpu.pipeline_mode<synchronous>, transform_indices = @transform_5, window_bounds = array<i64: 128, 128>}, {pipeline_mode = #tpu.pipeline_mode<synchronous>, transform_indices = @transform_6, window_bounds = array<i64: 1, 128>}, {pipeline_mode = #tpu.pipeline_mode<synchronous>, transform_indices = @transform_7, window_bounds = array<i64: 1, 128>}, {pipeline_mode = #tpu.pipeline_mode<synchronous>, transform_indices = @transform_8, window_bounds = array<i64: 1, 128>}, {pipeline_mode = #tpu.pipeline_mode<synchronous>, transform_indices = @transform_9, window_bounds = array<i64: 128, 128>}, {pipeline_mode = #tpu.pipeline_mode<synchronous>, transform_indices = @transform_10, window_bounds = array<i64: 128, 128>}, {pipeline_mode = #tpu.pipeline_mode<synchronous>, transform_indices = @transform_11, window_bounds = array<i64: 128, 128>}, {pipeline_mode = #tpu.pipeline_mode<synchronous>, transform_indices = @transform_12, window_bounds = array<i64: 1, 128>}, {pipeline_mode = #tpu.pipeline_mode<synchronous>, transform_indices = @transform_13, window_bounds = array<i64: 128, 128>}, {pipeline_mode = #tpu.pipeline_mode<synchronous>, transform_indices = @transform_14, window_bounds = array<i64: 1, 128>}, {pipeline_mode = #tpu.pipeline_mode<synchronous>, transform_indices = @transform_15, window_bounds = array<i64: 1, 128>}, {pipeline_mode = #tpu.pipeline_mode<synchronous>, transform_indices = @transform_16, window_bounds = array<i64: 1, 128>}, {transform_indices = @transform_17, window_bounds = array<i64: 2000, 128>}]} {
    %get3A = arith.constant 0 : index
    %get3A_0 = arith.constant 0 : index
    %get3A_1 = vector.load %arg1[%get3A, %get3A_0] : memref<2000x128xf32, #tpu.memory_space<vmem>>, vector<2000x128xf32>
    %get3A_2 = arith.constant 0 : index
    %get3A_3 = arith.constant 0 : index
    %get3A_4 = vector.load %arg2[%get3A_2, %get3A_3] : memref<2000x128xf32, #tpu.memory_space<vmem>>, vector<2000x128xf32>
    %get3A_5 = arith.constant 0 : index
    %get3A_6 = arith.constant 0 : index
    %get3A_7 = vector.load %arg3[%get3A_5, %get3A_6] : memref<2000x4xf32, #tpu.memory_space<vmem>>, vector<2000x4xf32>
    %get3A_8 = arith.constant 0 : index
    %get3A_9 = arith.constant 0 : index
    %get3A_10 = vector.load %arg4[%get3A_8, %get3A_9] : memref<4x128xf32, #tpu.memory_space<vmem>>, vector<4x128xf32>
    %get3A_11 = arith.constant 0 : index
    %get3A_12 = arith.constant 0 : index
    %get3A_13 = vector.load %arg5[%get3A_11, %get3A_12] : memref<1x128xf32, #tpu.memory_space<vmem>>, vector<1x128xf32>
    %get3A_14 = arith.constant 0 : index
    %get3A_15 = arith.constant 0 : index
    %get3A_16 = vector.load %arg6[%get3A_14, %get3A_15] : memref<128x128xf32, #tpu.memory_space<vmem>>, vector<128x128xf32>
    %get3A_17 = arith.constant 0 : index
    %get3A_18 = arith.constant 0 : index
    %get3A_19 = vector.load %arg7[%get3A_17, %get3A_18] : memref<1x128xf32, #tpu.memory_space<vmem>>, vector<1x128xf32>
    %get3A_20 = arith.constant 0 : index
    %get3A_21 = arith.constant 0 : index
    %get3A_22 = vector.load %arg8[%get3A_20, %get3A_21] : memref<1x128xf32, #tpu.memory_space<vmem>>, vector<1x128xf32>
    %get3A_23 = arith.constant 0 : index
    %get3A_24 = arith.constant 0 : index
    %get3A_25 = vector.load %arg9[%get3A_23, %get3A_24] : memref<1x128xf32, #tpu.memory_space<vmem>>, vector<1x128xf32>
    %get3A_26 = arith.constant 0 : index
    %get3A_27 = arith.constant 0 : index
    %get3A_28 = vector.load %arg10[%get3A_26, %get3A_27] : memref<128x128xf32, #tpu.memory_space<vmem>>, vector<128x128xf32>
    %get3A_29 = arith.constant 0 : index
    %get3A_30 = arith.constant 0 : index
    %get3A_31 = vector.load %arg11[%get3A_29, %get3A_30] : memref<128x128xf32, #tpu.memory_space<vmem>>, vector<128x128xf32>
    %get3A_32 = arith.constant 0 : index
    %get3A_33 = arith.constant 0 : index
    %get3A_34 = vector.load %arg12[%get3A_32, %get3A_33] : memref<128x128xf32, #tpu.memory_space<vmem>>, vector<128x128xf32>
    %get3A_35 = arith.constant 0 : index
    %get3A_36 = arith.constant 0 : index
    %get3A_37 = vector.load %arg13[%get3A_35, %get3A_36] : memref<1x128xf32, #tpu.memory_space<vmem>>, vector<1x128xf32>
    %get3A_38 = arith.constant 0 : index
    %get3A_39 = arith.constant 0 : index
    %get3A_40 = vector.load %arg14[%get3A_38, %get3A_39] : memref<128x128xf32, #tpu.memory_space<vmem>>, vector<128x128xf32>
    %get3A_41 = arith.constant 0 : index
    %get3A_42 = arith.constant 0 : index
    %get3A_43 = vector.load %arg15[%get3A_41, %get3A_42] : memref<1x128xf32, #tpu.memory_space<vmem>>, vector<1x128xf32>
    %get3A_44 = arith.constant 0 : index
    %get3A_45 = arith.constant 0 : index
    %get3A_46 = vector.load %arg16[%get3A_44, %get3A_45] : memref<1x128xf32, #tpu.memory_space<vmem>>, vector<1x128xf32>
    %get3A_47 = arith.constant 0 : index
    %get3A_48 = arith.constant 0 : index
    %get3A_49 = vector.load %arg17[%get3A_47, %get3A_48] : memref<1x128xf32, #tpu.memory_space<vmem>>, vector<1x128xf32>
    %dot_general3A = arith.constant dense<0.000000e+00> : vector<2000x128xf32>
    %dot_general3A_50 = tpu.matmul %get3A_7, %get3A_10, %dot_general3A {dimension_numbers = #tpu.dot_dimension_numbers<[1], [0], [0], [1], [0, 0, 1, 1], [], []>, transpose_lhs_hint = false} : vector<2000x4xf32>, vector<4x128xf32>, vector<2000x128xf32> -> vector<2000x128xf32>
    %add3A = vector.broadcast %get3A_13 : vector<1x128xf32> to vector<2000x128xf32>
    %add3A_51 = arith.addf %dot_general3A_50, %add3A : vector<2000x128xf32>
    %logistic3A = arith.negf %add3A_51 : vector<2000x128xf32>
    %logistic3A_52 = math.exp %logistic3A : vector<2000x128xf32>
    %logistic3A_53 = arith.constant 1.000000e+00 : f32
    %logistic3A_54 = vector.broadcast %logistic3A_53 : f32 to vector<2000x128xf32>
    %logistic3A_55 = arith.addf %logistic3A_54, %logistic3A_52 : vector<2000x128xf32>
    %logistic3A_56 = arith.divf %logistic3A_54, %logistic3A_55 : vector<2000x128xf32>
    %mul3A = arith.mulf %add3A_51, %logistic3A_56 : vector<2000x128xf32>
    %dot_general3A_57 = arith.constant dense<0.000000e+00> : vector<2000x128xf32>
    %dot_general3A_58 = tpu.matmul %mul3A, %get3A_16, %dot_general3A_57 {dimension_numbers = #tpu.dot_dimension_numbers<[1], [0], [0], [1], [0, 0, 1, 1], [], []>, transpose_lhs_hint = false} : vector<2000x128xf32>, vector<128x128xf32>, vector<2000x128xf32> -> vector<2000x128xf32>
    %add3A_59 = vector.broadcast %get3A_19 : vector<1x128xf32> to vector<2000x128xf32>
    %add3A_60 = arith.addf %dot_general3A_58, %add3A_59 : vector<2000x128xf32>
    %reduce_sum3A = arith.constant dense<0.000000e+00> : vector<2000xf32>
    %reduce_sum3A_61 = vector.multi_reduction <add>, %add3A_60, %reduce_sum3A [1] : vector<2000x128xf32> to vector<2000xf32>
    %broadcast_in_dim3A = vector.shape_cast %reduce_sum3A_61 : vector<2000xf32> to vector<2000x1xf32>
    %div3A = arith.constant 1.280000e+02 : f32
    %div3A_62 = vector.broadcast %div3A : f32 to vector<2000x1xf32>
    %div3A_63 = arith.divf %broadcast_in_dim3A, %div3A_62 : vector<2000x1xf32>
    %sub3A = vector.broadcast %div3A_63 : vector<2000x1xf32> to vector<2000x128xf32>
    %sub3A_64 = arith.subf %add3A_60, %sub3A : vector<2000x128xf32>
    %integer_pow3A = arith.mulf %sub3A_64, %sub3A_64 : vector<2000x128xf32>
    %reduce_sum3A_65 = arith.constant dense<0.000000e+00> : vector<2000xf32>
    %reduce_sum3A_66 = vector.multi_reduction <add>, %integer_pow3A, %reduce_sum3A_65 [1] : vector<2000x128xf32> to vector<2000xf32>
    %broadcast_in_dim3A_67 = vector.shape_cast %reduce_sum3A_66 : vector<2000xf32> to vector<2000x1xf32>
    %div3A_68 = arith.constant 1.280000e+02 : f32
    %div3A_69 = vector.broadcast %div3A_68 : f32 to vector<2000x1xf32>
    %div3A_70 = arith.divf %broadcast_in_dim3A_67, %div3A_69 : vector<2000x1xf32>
    %sub3A_71 = vector.broadcast %div3A_63 : vector<2000x1xf32> to vector<2000x128xf32>
    %sub3A_72 = arith.subf %add3A_60, %sub3A_71 : vector<2000x128xf32>
    %add3A_73 = arith.constant 9.99999974E-6 : f32
    %add3A_74 = vector.broadcast %add3A_73 : f32 to vector<2000x1xf32>
    %add3A_75 = arith.addf %div3A_70, %add3A_74 : vector<2000x1xf32>
    %rsqrt3A = math.rsqrt %add3A_75 : vector<2000x1xf32>
    %mul3A_76 = vector.broadcast %rsqrt3A : vector<2000x1xf32> to vector<2000x128xf32>
    %mul3A_77 = arith.mulf %sub3A_72, %mul3A_76 : vector<2000x128xf32>
    %mul3A_78 = vector.broadcast %get3A_22 : vector<1x128xf32> to vector<2000x128xf32>
    %mul3A_79 = arith.mulf %mul3A_77, %mul3A_78 : vector<2000x128xf32>
    %add3A_80 = vector.broadcast %get3A_25 : vector<1x128xf32> to vector<2000x128xf32>
    %add3A_81 = arith.addf %mul3A_79, %add3A_80 : vector<2000x128xf32>
    %dot_general3A_82 = arith.constant dense<0.000000e+00> : vector<2000x128xf32>
    %dot_general3A_83 = tpu.matmul %get3A_1, %get3A_28, %dot_general3A_82 {dimension_numbers = #tpu.dot_dimension_numbers<[1], [0], [0], [1], [0, 0, 1, 1], [], []>, transpose_lhs_hint = false} : vector<2000x128xf32>, vector<128x128xf32>, vector<2000x128xf32> -> vector<2000x128xf32>
    %dot_general3A_84 = arith.constant dense<0.000000e+00> : vector<2000x128xf32>
    %dot_general3A_85 = tpu.matmul %get3A_4, %get3A_31, %dot_general3A_84 {dimension_numbers = #tpu.dot_dimension_numbers<[1], [0], [0], [1], [0, 0, 1, 1], [], []>, transpose_lhs_hint = false} : vector<2000x128xf32>, vector<128x128xf32>, vector<2000x128xf32> -> vector<2000x128xf32>
    %add3A_86 = arith.addf %dot_general3A_83, %dot_general3A_85 : vector<2000x128xf32>
    %dot_general3A_87 = arith.constant dense<0.000000e+00> : vector<2000x128xf32>
    %dot_general3A_88 = tpu.matmul %add3A_81, %get3A_34, %dot_general3A_87 {dimension_numbers = #tpu.dot_dimension_numbers<[1], [0], [0], [1], [0, 0, 1, 1], [], []>, transpose_lhs_hint = false} : vector<2000x128xf32>, vector<128x128xf32>, vector<2000x128xf32> -> vector<2000x128xf32>
    %add3A_89 = arith.addf %add3A_86, %dot_general3A_88 : vector<2000x128xf32>
    %add3A_90 = vector.broadcast %get3A_37 : vector<1x128xf32> to vector<2000x128xf32>
    %add3A_91 = arith.addf %add3A_89, %add3A_90 : vector<2000x128xf32>
    %logistic3A_92 = arith.negf %add3A_91 : vector<2000x128xf32>
    %logistic3A_93 = math.exp %logistic3A_92 : vector<2000x128xf32>
    %logistic3A_94 = arith.constant 1.000000e+00 : f32
    %logistic3A_95 = vector.broadcast %logistic3A_94 : f32 to vector<2000x128xf32>
    %logistic3A_96 = arith.addf %logistic3A_95, %logistic3A_93 : vector<2000x128xf32>
    %logistic3A_97 = arith.divf %logistic3A_95, %logistic3A_96 : vector<2000x128xf32>
    %mul3A_98 = arith.mulf %add3A_91, %logistic3A_97 : vector<2000x128xf32>
    %dot_general3A_99 = arith.constant dense<0.000000e+00> : vector<2000x128xf32>
    %dot_general3A_100 = tpu.matmul %mul3A_98, %get3A_40, %dot_general3A_99 {dimension_numbers = #tpu.dot_dimension_numbers<[1], [0], [0], [1], [0, 0, 1, 1], [], []>, transpose_lhs_hint = false} : vector<2000x128xf32>, vector<128x128xf32>, vector<2000x128xf32> -> vector<2000x128xf32>
    %add3A_101 = vector.broadcast %get3A_43 : vector<1x128xf32> to vector<2000x128xf32>
    %add3A_102 = arith.addf %dot_general3A_100, %add3A_101 : vector<2000x128xf32>
    %reduce_sum3A_103 = arith.constant dense<0.000000e+00> : vector<2000xf32>
    %reduce_sum3A_104 = vector.multi_reduction <add>, %add3A_102, %reduce_sum3A_103 [1] : vector<2000x128xf32> to vector<2000xf32>
    %broadcast_in_dim3A_105 = vector.shape_cast %reduce_sum3A_104 : vector<2000xf32> to vector<2000x1xf32>
    %div3A_106 = arith.constant 1.280000e+02 : f32
    %div3A_107 = vector.broadcast %div3A_106 : f32 to vector<2000x1xf32>
    %div3A_108 = arith.divf %broadcast_in_dim3A_105, %div3A_107 : vector<2000x1xf32>
    %sub3A_109 = vector.broadcast %div3A_108 : vector<2000x1xf32> to vector<2000x128xf32>
    %sub3A_110 = arith.subf %add3A_102, %sub3A_109 : vector<2000x128xf32>
    %integer_pow3A_111 = arith.mulf %sub3A_110, %sub3A_110 : vector<2000x128xf32>
    %reduce_sum3A_112 = arith.constant dense<0.000000e+00> : vector<2000xf32>
    %reduce_sum3A_113 = vector.multi_reduction <add>, %integer_pow3A_111, %reduce_sum3A_112 [1] : vector<2000x128xf32> to vector<2000xf32>
    %broadcast_in_dim3A_114 = vector.shape_cast %reduce_sum3A_113 : vector<2000xf32> to vector<2000x1xf32>
    %div3A_115 = arith.constant 1.280000e+02 : f32
    %div3A_116 = vector.broadcast %div3A_115 : f32 to vector<2000x1xf32>
    %div3A_117 = arith.divf %broadcast_in_dim3A_114, %div3A_116 : vector<2000x1xf32>
    %sub3A_118 = vector.broadcast %div3A_108 : vector<2000x1xf32> to vector<2000x128xf32>
    %sub3A_119 = arith.subf %add3A_102, %sub3A_118 : vector<2000x128xf32>
    %add3A_120 = arith.constant 9.99999974E-6 : f32
    %add3A_121 = vector.broadcast %add3A_120 : f32 to vector<2000x1xf32>
    %add3A_122 = arith.addf %div3A_117, %add3A_121 : vector<2000x1xf32>
    %rsqrt3A_123 = math.rsqrt %add3A_122 : vector<2000x1xf32>
    %mul3A_124 = vector.broadcast %rsqrt3A_123 : vector<2000x1xf32> to vector<2000x128xf32>
    %mul3A_125 = arith.mulf %sub3A_119, %mul3A_124 : vector<2000x128xf32>
    %mul3A_126 = vector.broadcast %get3A_46 : vector<1x128xf32> to vector<2000x128xf32>
    %mul3A_127 = arith.mulf %mul3A_125, %mul3A_126 : vector<2000x128xf32>
    %add3A_128 = vector.broadcast %get3A_49 : vector<1x128xf32> to vector<2000x128xf32>
    %add3A_129 = arith.addf %mul3A_127, %add3A_128 : vector<2000x128xf32>
    %swap3A = arith.constant 0 : index
    %swap3A_130 = arith.constant 0 : index
    %swap3A_131 = vector.load %arg18[%swap3A, %swap3A_130] : memref<2000x128xf32, #tpu.memory_space<vmem>>, vector<2000x128xf32>
    tpu.vector_store %arg18[%swap3A, %swap3A_130], %add3A_129 {strides = array<i32>} : memref<2000x128xf32, #tpu.memory_space<vmem>>, vector<2000x128xf32>,
    return
  }
  func.func @transform_0(%arg0: i32) -> (i32, i32) {
    %c0_i32 = arith.constant 0 : i32
    %c0_i32_0 = arith.constant 0 : i32
    return %arg0, %c0_i32 : i32, i32
  }
  func.func @transform_1(%arg0: i32) -> (i32, i32) {
    %c0_i32 = arith.constant 0 : i32
    %c0_i32_0 = arith.constant 0 : i32
    return %arg0, %c0_i32 : i32, i32
  }
  func.func @transform_2(%arg0: i32) -> (i32, i32) {
    %c0_i32 = arith.constant 0 : i32
    %c0_i32_0 = arith.constant 0 : i32
    return %arg0, %c0_i32 : i32, i32
  }
  func.func @transform_3(%arg0: i32) -> (i32, i32) {
    %c0_i32 = arith.constant 0 : i32
    %c0_i32_0 = arith.constant 0 : i32
    %c0_i32_1 = arith.constant 0 : i32
    return %c0_i32, %c0_i32_0 : i32, i32
  }
  func.func @transform_4(%arg0: i32) -> (i32, i32) {
    %c0_i32 = arith.constant 0 : i32
    %c0_i32_0 = arith.constant 0 : i32
    %c0_i32_1 = arith.constant 0 : i32
    return %c0_i32, %c0_i32_0 : i32, i32
  }
  func.func @transform_5(%arg0: i32) -> (i32, i32) {
    %c0_i32 = arith.constant 0 : i32
    %c0_i32_0 = arith.constant 0 : i32
    %c0_i32_1 = arith.constant 0 : i32
    return %c0_i32, %c0_i32_0 : i32, i32
  }
  func.func @transform_6(%arg0: i32) -> (i32, i32) {
    %c0_i32 = arith.constant 0 : i32
    %c0_i32_0 = arith.constant 0 : i32
    %c0_i32_1 = arith.constant 0 : i32
    return %c0_i32, %c0_i32_0 : i32, i32
  }
  func.func @transform_7(%arg0: i32) -> (i32, i32) {
    %c0_i32 = arith.constant 0 : i32
    %c0_i32_0 = arith.constant 0 : i32
    %c0_i32_1 = arith.constant 0 : i32
    return %c0_i32, %c0_i32_0 : i32, i32
  }
  func.func @transform_8(%arg0: i32) -> (i32, i32) {
    %c0_i32 = arith.constant 0 : i32
    %c0_i32_0 = arith.constant 0 : i32
    %c0_i32_1 = arith.constant 0 : i32
    return %c0_i32, %c0_i32_0 : i32, i32
  }
  func.func @transform_9(%arg0: i32) -> (i32, i32) {
    %c0_i32 = arith.constant 0 : i32
    %c0_i32_0 = arith.constant 0 : i32
    %c0_i32_1 = arith.constant 0 : i32
    return %c0_i32, %c0_i32_0 : i32, i32
  }
  func.func @transform_10(%arg0: i32) -> (i32, i32) {
    %c0_i32 = arith.constant 0 : i32
    %c0_i32_0 = arith.constant 0 : i32
    %c0_i32_1 = arith.constant 0 : i32
    return %c0_i32, %c0_i32_0 : i32, i32
  }
  func.func @transform_11(%arg0: i32) -> (i32, i32) {
    %c0_i32 = arith.constant 0 : i32
    %c0_i32_0 = arith.constant 0 : i32
    %c0_i32_1 = arith.constant 0 : i32
    return %c0_i32, %c0_i32_0 : i32, i32
  }
  func.func @transform_12(%arg0: i32) -> (i32, i32) {
    %c0_i32 = arith.constant 0 : i32
    %c0_i32_0 = arith.constant 0 : i32
    %c0_i32_1 = arith.constant 0 : i32
    return %c0_i32, %c0_i32_0 : i32, i32
  }
  func.func @transform_13(%arg0: i32) -> (i32, i32) {
    %c0_i32 = arith.constant 0 : i32
    %c0_i32_0 = arith.constant 0 : i32
    %c0_i32_1 = arith.constant 0 : i32
    return %c0_i32, %c0_i32_0 : i32, i32
  }
  func.func @transform_14(%arg0: i32) -> (i32, i32) {
    %c0_i32 = arith.constant 0 : i32
    %c0_i32_0 = arith.constant 0 : i32
    %c0_i32_1 = arith.constant 0 : i32
    return %c0_i32, %c0_i32_0 : i32, i32
  }
  func.func @transform_15(%arg0: i32) -> (i32, i32) {
    %c0_i32 = arith.constant 0 : i32
    %c0_i32_0 = arith.constant 0 : i32
    %c0_i32_1 = arith.constant 0 : i32
    return %c0_i32, %c0_i32_0 : i32, i32
  }
  func.func @transform_16(%arg0: i32) -> (i32, i32) {
    %c0_i32 = arith.constant 0 : i32
    %c0_i32_0 = arith.constant 0 : i32
    %c0_i32_1 = arith.constant 0 : i32
    return %c0_i32, %c0_i32_0 : i32, i32
  }
  func.func @transform_17(%arg0: i32) -> (i32, i32) {
    %c0_i32 = arith.constant 0 : i32
    %c0_i32_0 = arith.constant 0 : i32
    return %arg0, %c0_i32 : i32, i32
  }
}

module attributes {stable_mosaic.version = 14 : i64} {
  func.func @body(%arg0: i32, %arg1: memref<2048x4xf32, #tpu.memory_space<vmem>>, %arg2: memref<4x128xf32, #tpu.memory_space<vmem>>, %arg3: memref<1x128xf32, #tpu.memory_space<vmem>>, %arg4: memref<128x128xf32, #tpu.memory_space<vmem>>, %arg5: memref<1x128xf32, #tpu.memory_space<vmem>>, %arg6: memref<1x128xf32, #tpu.memory_space<vmem>>, %arg7: memref<1x128xf32, #tpu.memory_space<vmem>>, %arg8: memref<2048x128xf32, #tpu.memory_space<vmem>>) attributes {dimension_semantics = [#tpu.dimension_semantics<arbitrary>], iteration_bounds = array<i64: 20>, scalar_prefetch = 0 : i64, scratch_operands = 0 : i64, tpu.core_type = #tpu.core_type<tc>, window_params = [{transform_indices = @transform_0, window_bounds = array<i64: 2048, 4>}, {pipeline_mode = #tpu.pipeline_mode<synchronous>, transform_indices = @transform_1, window_bounds = array<i64: 4, 128>}, {pipeline_mode = #tpu.pipeline_mode<synchronous>, transform_indices = @transform_2, window_bounds = array<i64: 1, 128>}, {pipeline_mode = #tpu.pipeline_mode<synchronous>, transform_indices = @transform_3, window_bounds = array<i64: 128, 128>}, {pipeline_mode = #tpu.pipeline_mode<synchronous>, transform_indices = @transform_4, window_bounds = array<i64: 1, 128>}, {pipeline_mode = #tpu.pipeline_mode<synchronous>, transform_indices = @transform_5, window_bounds = array<i64: 1, 128>}, {pipeline_mode = #tpu.pipeline_mode<synchronous>, transform_indices = @transform_6, window_bounds = array<i64: 1, 128>}, {transform_indices = @transform_7, window_bounds = array<i64: 2048, 128>}]} {
    %get3A = arith.constant 0 : index
    %get3A_0 = arith.constant 0 : index
    %get3A_1 = vector.load %arg1[%get3A, %get3A_0] : memref<2048x4xf32, #tpu.memory_space<vmem>>, vector<2048x4xf32>
    %get3A_2 = arith.constant 0 : index
    %get3A_3 = arith.constant 0 : index
    %get3A_4 = vector.load %arg2[%get3A_2, %get3A_3] : memref<4x128xf32, #tpu.memory_space<vmem>>, vector<4x128xf32>
    %get3A_5 = arith.constant 0 : index
    %get3A_6 = arith.constant 0 : index
    %get3A_7 = vector.load %arg3[%get3A_5, %get3A_6] : memref<1x128xf32, #tpu.memory_space<vmem>>, vector<1x128xf32>
    %get3A_8 = arith.constant 0 : index
    %get3A_9 = arith.constant 0 : index
    %get3A_10 = vector.load %arg4[%get3A_8, %get3A_9] : memref<128x128xf32, #tpu.memory_space<vmem>>, vector<128x128xf32>
    %get3A_11 = arith.constant 0 : index
    %get3A_12 = arith.constant 0 : index
    %get3A_13 = vector.load %arg5[%get3A_11, %get3A_12] : memref<1x128xf32, #tpu.memory_space<vmem>>, vector<1x128xf32>
    %get3A_14 = arith.constant 0 : index
    %get3A_15 = arith.constant 0 : index
    %get3A_16 = vector.load %arg6[%get3A_14, %get3A_15] : memref<1x128xf32, #tpu.memory_space<vmem>>, vector<1x128xf32>
    %get3A_17 = arith.constant 0 : index
    %get3A_18 = arith.constant 0 : index
    %get3A_19 = vector.load %arg7[%get3A_17, %get3A_18] : memref<1x128xf32, #tpu.memory_space<vmem>>, vector<1x128xf32>
    %dot_general3A = arith.constant dense<0.000000e+00> : vector<2048x128xf32>
    %dot_general3A_20 = tpu.matmul %get3A_1, %get3A_4, %dot_general3A {dimension_numbers = #tpu.dot_dimension_numbers<[1], [0], [0], [1], [0, 0, 1, 1], [], []>, transpose_lhs_hint = false} : vector<2048x4xf32>, vector<4x128xf32>, vector<2048x128xf32> -> vector<2048x128xf32>
    %add3A = vector.broadcast %get3A_7 : vector<1x128xf32> to vector<2048x128xf32>
    %add3A_21 = arith.addf %dot_general3A_20, %add3A : vector<2048x128xf32>
    %logistic3A = arith.negf %add3A_21 : vector<2048x128xf32>
    %logistic3A_22 = math.exp %logistic3A : vector<2048x128xf32>
    %logistic3A_23 = arith.constant 1.000000e+00 : f32
    %logistic3A_24 = vector.broadcast %logistic3A_23 : f32 to vector<2048x128xf32>
    %logistic3A_25 = arith.addf %logistic3A_24, %logistic3A_22 : vector<2048x128xf32>
    %logistic3A_26 = arith.divf %logistic3A_24, %logistic3A_25 : vector<2048x128xf32>
    %mul3A = arith.mulf %add3A_21, %logistic3A_26 : vector<2048x128xf32>
    %dot_general3A_27 = arith.constant dense<0.000000e+00> : vector<2048x128xf32>
    %dot_general3A_28 = tpu.matmul %mul3A, %get3A_10, %dot_general3A_27 {dimension_numbers = #tpu.dot_dimension_numbers<[1], [0], [0], [1], [0, 0, 1, 1], [], []>, transpose_lhs_hint = false} : vector<2048x128xf32>, vector<128x128xf32>, vector<2048x128xf32> -> vector<2048x128xf32>
    %add3A_29 = vector.broadcast %get3A_13 : vector<1x128xf32> to vector<2048x128xf32>
    %add3A_30 = arith.addf %dot_general3A_28, %add3A_29 : vector<2048x128xf32>
    %reduce_sum3A = arith.constant dense<0.000000e+00> : vector<2048xf32>
    %reduce_sum3A_31 = vector.multi_reduction <add>, %add3A_30, %reduce_sum3A [1] : vector<2048x128xf32> to vector<2048xf32>
    %broadcast_in_dim3A = vector.shape_cast %reduce_sum3A_31 : vector<2048xf32> to vector<2048x1xf32>
    %div3A = arith.constant 1.280000e+02 : f32
    %div3A_32 = vector.broadcast %div3A : f32 to vector<2048x1xf32>
    %div3A_33 = arith.divf %broadcast_in_dim3A, %div3A_32 : vector<2048x1xf32>
    %sub3A = vector.broadcast %div3A_33 : vector<2048x1xf32> to vector<2048x128xf32>
    %sub3A_34 = arith.subf %add3A_30, %sub3A : vector<2048x128xf32>
    %integer_pow3A = arith.mulf %sub3A_34, %sub3A_34 : vector<2048x128xf32>
    %reduce_sum3A_35 = arith.constant dense<0.000000e+00> : vector<2048xf32>
    %reduce_sum3A_36 = vector.multi_reduction <add>, %integer_pow3A, %reduce_sum3A_35 [1] : vector<2048x128xf32> to vector<2048xf32>
    %broadcast_in_dim3A_37 = vector.shape_cast %reduce_sum3A_36 : vector<2048xf32> to vector<2048x1xf32>
    %div3A_38 = arith.constant 1.280000e+02 : f32
    %div3A_39 = vector.broadcast %div3A_38 : f32 to vector<2048x1xf32>
    %div3A_40 = arith.divf %broadcast_in_dim3A_37, %div3A_39 : vector<2048x1xf32>
    %sub3A_41 = vector.broadcast %div3A_33 : vector<2048x1xf32> to vector<2048x128xf32>
    %sub3A_42 = arith.subf %add3A_30, %sub3A_41 : vector<2048x128xf32>
    %add3A_43 = arith.constant 9.99999974E-6 : f32
    %add3A_44 = vector.broadcast %add3A_43 : f32 to vector<2048x1xf32>
    %add3A_45 = arith.addf %div3A_40, %add3A_44 : vector<2048x1xf32>
    %rsqrt3A = math.rsqrt %add3A_45 : vector<2048x1xf32>
    %mul3A_46 = vector.broadcast %rsqrt3A : vector<2048x1xf32> to vector<2048x128xf32>
    %mul3A_47 = arith.mulf %sub3A_42, %mul3A_46 : vector<2048x128xf32>
    %mul3A_48 = vector.broadcast %get3A_16 : vector<1x128xf32> to vector<2048x128xf32>
    %mul3A_49 = arith.mulf %mul3A_47, %mul3A_48 : vector<2048x128xf32>
    %add3A_50 = vector.broadcast %get3A_19 : vector<1x128xf32> to vector<2048x128xf32>
    %add3A_51 = arith.addf %mul3A_49, %add3A_50 : vector<2048x128xf32>
    %swap3A = arith.constant 0 : index
    %swap3A_52 = arith.constant 0 : index
    %swap3A_53 = vector.load %arg8[%swap3A, %swap3A_52] : memref<2048x128xf32, #tpu.memory_space<vmem>>, vector<2048x128xf32>
    tpu.vector_store %arg8[%swap3A, %swap3A_52], %add3A_51 {strides = array<i32>} : memref<2048x128xf32, #tpu.memory_space<vmem>>, vector<2048x128xf32>,
    return
  }
  func.func @transform_0(%arg0: i32) -> (i32, i32) {
    %c0_i32 = arith.constant 0 : i32
    %c0_i32_0 = arith.constant 0 : i32
    return %arg0, %c0_i32 : i32, i32
  }
  func.func @transform_1(%arg0: i32) -> (i32, i32) {
    %c0_i32 = arith.constant 0 : i32
    %c0_i32_0 = arith.constant 0 : i32
    %c0_i32_1 = arith.constant 0 : i32
    return %c0_i32, %c0_i32_0 : i32, i32
  }
  func.func @transform_2(%arg0: i32) -> (i32, i32) {
    %c0_i32 = arith.constant 0 : i32
    %c0_i32_0 = arith.constant 0 : i32
    %c0_i32_1 = arith.constant 0 : i32
    return %c0_i32, %c0_i32_0 : i32, i32
  }
  func.func @transform_3(%arg0: i32) -> (i32, i32) {
    %c0_i32 = arith.constant 0 : i32
    %c0_i32_0 = arith.constant 0 : i32
    %c0_i32_1 = arith.constant 0 : i32
    return %c0_i32, %c0_i32_0 : i32, i32
  }
  func.func @transform_4(%arg0: i32) -> (i32, i32) {
    %c0_i32 = arith.constant 0 : i32
    %c0_i32_0 = arith.constant 0 : i32
    %c0_i32_1 = arith.constant 0 : i32
    return %c0_i32, %c0_i32_0 : i32, i32
  }
  func.func @transform_5(%arg0: i32) -> (i32, i32) {
    %c0_i32 = arith.constant 0 : i32
    %c0_i32_0 = arith.constant 0 : i32
    %c0_i32_1 = arith.constant 0 : i32
    return %c0_i32, %c0_i32_0 : i32, i32
  }
  func.func @transform_6(%arg0: i32) -> (i32, i32) {
    %c0_i32 = arith.constant 0 : i32
    %c0_i32_0 = arith.constant 0 : i32
    %c0_i32_1 = arith.constant 0 : i32
    return %c0_i32, %c0_i32_0 : i32, i32
  }
  func.func @transform_7(%arg0: i32) -> (i32, i32) {
    %c0_i32 = arith.constant 0 : i32
    %c0_i32_0 = arith.constant 0 : i32
    return %arg0, %c0_i32 : i32, i32
  }
}

module attributes {stable_mosaic.version = 14 : i64} {
  func.func @body(%arg0: i32, %arg1: memref<1280x128xf32, #tpu.memory_space<vmem>>, %arg2: memref<1280x128xf32, #tpu.memory_space<vmem>>, %arg3: memref<1280x128xf32, #tpu.memory_space<vmem>>, %arg4: memref<1280x1xf32, #tpu.memory_space<vmem>>, %arg5: memref<128x128xf32, #tpu.memory_space<vmem>>, %arg6: memref<128x128xf32, #tpu.memory_space<vmem>>, %arg7: memref<1x128xf32, #tpu.memory_space<vmem>>, %arg8: memref<128x128xf32, #tpu.memory_space<vmem>>, %arg9: memref<1x128xf32, #tpu.memory_space<vmem>>, %arg10: memref<1x128xf32, #tpu.memory_space<vmem>>, %arg11: memref<1x128xf32, #tpu.memory_space<vmem>>, %arg12: memref<128x128xf32, #tpu.memory_space<vmem>>, %arg13: memref<1x128xf32, #tpu.memory_space<vmem>>, %arg14: memref<128x128xf32, #tpu.memory_space<vmem>>, %arg15: memref<1x128xf32, #tpu.memory_space<vmem>>, %arg16: memref<1280x128xf32, #tpu.memory_space<vmem>>) attributes {dimension_semantics = [#tpu.dimension_semantics<arbitrary>], iteration_bounds = array<i64: 2>, scalar_prefetch = 0 : i64, scratch_operands = 0 : i64, tpu.core_type = #tpu.core_type<tc>, window_params = [{transform_indices = @transform_0, window_bounds = array<i64: 1280, 128>}, {transform_indices = @transform_1, window_bounds = array<i64: 1280, 128>}, {transform_indices = @transform_2, window_bounds = array<i64: 1280, 128>}, {transform_indices = @transform_3, window_bounds = array<i64: 1280, 1>}, {pipeline_mode = #tpu.pipeline_mode<synchronous>, transform_indices = @transform_4, window_bounds = array<i64: 128, 128>}, {pipeline_mode = #tpu.pipeline_mode<synchronous>, transform_indices = @transform_5, window_bounds = array<i64: 128, 128>}, {pipeline_mode = #tpu.pipeline_mode<synchronous>, transform_indices = @transform_6, window_bounds = array<i64: 1, 128>}, {pipeline_mode = #tpu.pipeline_mode<synchronous>, transform_indices = @transform_7, window_bounds = array<i64: 128, 128>}, {pipeline_mode = #tpu.pipeline_mode<synchronous>, transform_indices = @transform_8, window_bounds = array<i64: 1, 128>}, {pipeline_mode = #tpu.pipeline_mode<synchronous>, transform_indices = @transform_9, window_bounds = array<i64: 1, 128>}, {pipeline_mode = #tpu.pipeline_mode<synchronous>, transform_indices = @transform_10, window_bounds = array<i64: 1, 128>}, {pipeline_mode = #tpu.pipeline_mode<synchronous>, transform_indices = @transform_11, window_bounds = array<i64: 128, 128>}, {pipeline_mode = #tpu.pipeline_mode<synchronous>, transform_indices = @transform_12, window_bounds = array<i64: 1, 128>}, {pipeline_mode = #tpu.pipeline_mode<synchronous>, transform_indices = @transform_13, window_bounds = array<i64: 128, 128>}, {pipeline_mode = #tpu.pipeline_mode<synchronous>, transform_indices = @transform_14, window_bounds = array<i64: 1, 128>}, {transform_indices = @transform_15, window_bounds = array<i64: 1280, 128>}]} {
    %get3A = arith.constant 0 : index
    %get3A_0 = arith.constant 0 : index
    %get3A_1 = vector.load %arg1[%get3A, %get3A_0] : memref<1280x128xf32, #tpu.memory_space<vmem>>, vector<1280x128xf32>
    %get3A_2 = arith.constant 0 : index
    %get3A_3 = arith.constant 0 : index
    %get3A_4 = vector.load %arg2[%get3A_2, %get3A_3] : memref<1280x128xf32, #tpu.memory_space<vmem>>, vector<1280x128xf32>
    %get3A_5 = arith.constant 0 : index
    %get3A_6 = arith.constant 0 : index
    %get3A_7 = vector.load %arg3[%get3A_5, %get3A_6] : memref<1280x128xf32, #tpu.memory_space<vmem>>, vector<1280x128xf32>
    %get3A_8 = arith.constant 0 : index
    %get3A_9 = arith.constant 0 : index
    %get3A_10 = vector.load %arg4[%get3A_8, %get3A_9] : memref<1280x1xf32, #tpu.memory_space<vmem>>, vector<1280x1xf32>
    %get3A_11 = arith.constant 0 : index
    %get3A_12 = arith.constant 0 : index
    %get3A_13 = vector.load %arg5[%get3A_11, %get3A_12] : memref<128x128xf32, #tpu.memory_space<vmem>>, vector<128x128xf32>
    %get3A_14 = arith.constant 0 : index
    %get3A_15 = arith.constant 0 : index
    %get3A_16 = vector.load %arg6[%get3A_14, %get3A_15] : memref<128x128xf32, #tpu.memory_space<vmem>>, vector<128x128xf32>
    %get3A_17 = arith.constant 0 : index
    %get3A_18 = arith.constant 0 : index
    %get3A_19 = vector.load %arg7[%get3A_17, %get3A_18] : memref<1x128xf32, #tpu.memory_space<vmem>>, vector<1x128xf32>
    %get3A_20 = arith.constant 0 : index
    %get3A_21 = arith.constant 0 : index
    %get3A_22 = vector.load %arg8[%get3A_20, %get3A_21] : memref<128x128xf32, #tpu.memory_space<vmem>>, vector<128x128xf32>
    %get3A_23 = arith.constant 0 : index
    %get3A_24 = arith.constant 0 : index
    %get3A_25 = vector.load %arg9[%get3A_23, %get3A_24] : memref<1x128xf32, #tpu.memory_space<vmem>>, vector<1x128xf32>
    %get3A_26 = arith.constant 0 : index
    %get3A_27 = arith.constant 0 : index
    %get3A_28 = vector.load %arg10[%get3A_26, %get3A_27] : memref<1x128xf32, #tpu.memory_space<vmem>>, vector<1x128xf32>
    %get3A_29 = arith.constant 0 : index
    %get3A_30 = arith.constant 0 : index
    %get3A_31 = vector.load %arg11[%get3A_29, %get3A_30] : memref<1x128xf32, #tpu.memory_space<vmem>>, vector<1x128xf32>
    %get3A_32 = arith.constant 0 : index
    %get3A_33 = arith.constant 0 : index
    %get3A_34 = vector.load %arg12[%get3A_32, %get3A_33] : memref<128x128xf32, #tpu.memory_space<vmem>>, vector<128x128xf32>
    %get3A_35 = arith.constant 0 : index
    %get3A_36 = arith.constant 0 : index
    %get3A_37 = vector.load %arg13[%get3A_35, %get3A_36] : memref<1x128xf32, #tpu.memory_space<vmem>>, vector<1x128xf32>
    %get3A_38 = arith.constant 0 : index
    %get3A_39 = arith.constant 0 : index
    %get3A_40 = vector.load %arg14[%get3A_38, %get3A_39] : memref<128x128xf32, #tpu.memory_space<vmem>>, vector<128x128xf32>
    %get3A_41 = arith.constant 0 : index
    %get3A_42 = arith.constant 0 : index
    %get3A_43 = vector.load %arg15[%get3A_41, %get3A_42] : memref<1x128xf32, #tpu.memory_space<vmem>>, vector<1x128xf32>
    %add3A = arith.addf %get3A_4, %get3A_7 : vector<1280x128xf32>
    %max3A = arith.constant 1.000000e+00 : f32
    %max3A_44 = vector.broadcast %max3A : f32 to vector<1280x1xf32>
    %max3A_45 = arith.maximumf %get3A_10, %max3A_44 : vector<1280x1xf32>
    %div3A = vector.broadcast %max3A_45 : vector<1280x1xf32> to vector<1280x128xf32>
    %div3A_46 = arith.divf %add3A, %div3A : vector<1280x128xf32>
    %dot_general3A = arith.constant dense<0.000000e+00> : vector<1280x128xf32>
    %dot_general3A_47 = tpu.matmul %get3A_1, %get3A_13, %dot_general3A {dimension_numbers = #tpu.dot_dimension_numbers<[1], [0], [0], [1], [0, 0, 1, 1], [], []>, transpose_lhs_hint = false} : vector<1280x128xf32>, vector<128x128xf32>, vector<1280x128xf32> -> vector<1280x128xf32>
    %dot_general3A_48 = arith.constant dense<0.000000e+00> : vector<1280x128xf32>
    %dot_general3A_49 = tpu.matmul %div3A_46, %get3A_16, %dot_general3A_48 {dimension_numbers = #tpu.dot_dimension_numbers<[1], [0], [0], [1], [0, 0, 1, 1], [], []>, transpose_lhs_hint = false} : vector<1280x128xf32>, vector<128x128xf32>, vector<1280x128xf32> -> vector<1280x128xf32>
    %add3A_50 = arith.addf %dot_general3A_47, %dot_general3A_49 : vector<1280x128xf32>
    %add3A_51 = vector.broadcast %get3A_19 : vector<1x128xf32> to vector<1280x128xf32>
    %add3A_52 = arith.addf %add3A_50, %add3A_51 : vector<1280x128xf32>
    %logistic3A = arith.negf %add3A_52 : vector<1280x128xf32>
    %logistic3A_53 = math.exp %logistic3A : vector<1280x128xf32>
    %logistic3A_54 = arith.constant 1.000000e+00 : f32
    %logistic3A_55 = vector.broadcast %logistic3A_54 : f32 to vector<1280x128xf32>
    %logistic3A_56 = arith.addf %logistic3A_55, %logistic3A_53 : vector<1280x128xf32>
    %logistic3A_57 = arith.divf %logistic3A_55, %logistic3A_56 : vector<1280x128xf32>
    %mul3A = arith.mulf %add3A_52, %logistic3A_57 : vector<1280x128xf32>
    %dot_general3A_58 = arith.constant dense<0.000000e+00> : vector<1280x128xf32>
    %dot_general3A_59 = tpu.matmul %mul3A, %get3A_22, %dot_general3A_58 {dimension_numbers = #tpu.dot_dimension_numbers<[1], [0], [0], [1], [0, 0, 1, 1], [], []>, transpose_lhs_hint = false} : vector<1280x128xf32>, vector<128x128xf32>, vector<1280x128xf32> -> vector<1280x128xf32>
    %add3A_60 = vector.broadcast %get3A_25 : vector<1x128xf32> to vector<1280x128xf32>
    %add3A_61 = arith.addf %dot_general3A_59, %add3A_60 : vector<1280x128xf32>
    %reduce_sum3A = arith.constant dense<0.000000e+00> : vector<1280xf32>
    %reduce_sum3A_62 = vector.multi_reduction <add>, %add3A_61, %reduce_sum3A [1] : vector<1280x128xf32> to vector<1280xf32>
    %broadcast_in_dim3A = vector.shape_cast %reduce_sum3A_62 : vector<1280xf32> to vector<1280x1xf32>
    %div3A_63 = arith.constant 1.280000e+02 : f32
    %div3A_64 = vector.broadcast %div3A_63 : f32 to vector<1280x1xf32>
    %div3A_65 = arith.divf %broadcast_in_dim3A, %div3A_64 : vector<1280x1xf32>
    %sub3A = vector.broadcast %div3A_65 : vector<1280x1xf32> to vector<1280x128xf32>
    %sub3A_66 = arith.subf %add3A_61, %sub3A : vector<1280x128xf32>
    %integer_pow3A = arith.mulf %sub3A_66, %sub3A_66 : vector<1280x128xf32>
    %reduce_sum3A_67 = arith.constant dense<0.000000e+00> : vector<1280xf32>
    %reduce_sum3A_68 = vector.multi_reduction <add>, %integer_pow3A, %reduce_sum3A_67 [1] : vector<1280x128xf32> to vector<1280xf32>
    %broadcast_in_dim3A_69 = vector.shape_cast %reduce_sum3A_68 : vector<1280xf32> to vector<1280x1xf32>
    %div3A_70 = arith.constant 1.280000e+02 : f32
    %div3A_71 = vector.broadcast %div3A_70 : f32 to vector<1280x1xf32>
    %div3A_72 = arith.divf %broadcast_in_dim3A_69, %div3A_71 : vector<1280x1xf32>
    %sub3A_73 = vector.broadcast %div3A_65 : vector<1280x1xf32> to vector<1280x128xf32>
    %sub3A_74 = arith.subf %add3A_61, %sub3A_73 : vector<1280x128xf32>
    %add3A_75 = arith.constant 9.99999974E-6 : f32
    %add3A_76 = vector.broadcast %add3A_75 : f32 to vector<1280x1xf32>
    %add3A_77 = arith.addf %div3A_72, %add3A_76 : vector<1280x1xf32>
    %rsqrt3A = math.rsqrt %add3A_77 : vector<1280x1xf32>
    %mul3A_78 = vector.broadcast %rsqrt3A : vector<1280x1xf32> to vector<1280x128xf32>
    %mul3A_79 = arith.mulf %sub3A_74, %mul3A_78 : vector<1280x128xf32>
    %mul3A_80 = vector.broadcast %get3A_28 : vector<1x128xf32> to vector<1280x128xf32>
    %mul3A_81 = arith.mulf %mul3A_79, %mul3A_80 : vector<1280x128xf32>
    %add3A_82 = vector.broadcast %get3A_31 : vector<1x128xf32> to vector<1280x128xf32>
    %add3A_83 = arith.addf %mul3A_81, %add3A_82 : vector<1280x128xf32>
    %add3A_84 = arith.addf %get3A_1, %add3A_83 : vector<1280x128xf32>
    %dot_general3A_85 = arith.constant dense<0.000000e+00> : vector<1280x128xf32>
    %dot_general3A_86 = tpu.matmul %add3A_84, %get3A_34, %dot_general3A_85 {dimension_numbers = #tpu.dot_dimension_numbers<[1], [0], [0], [1], [0, 0, 1, 1], [], []>, transpose_lhs_hint = false} : vector<1280x128xf32>, vector<128x128xf32>, vector<1280x128xf32> -> vector<1280x128xf32>
    %add3A_87 = vector.broadcast %get3A_37 : vector<1x128xf32> to vector<1280x128xf32>
    %add3A_88 = arith.addf %dot_general3A_86, %add3A_87 : vector<1280x128xf32>
    %logistic3A_89 = arith.negf %add3A_88 : vector<1280x128xf32>
    %logistic3A_90 = math.exp %logistic3A_89 : vector<1280x128xf32>
    %logistic3A_91 = arith.constant 1.000000e+00 : f32
    %logistic3A_92 = vector.broadcast %logistic3A_91 : f32 to vector<1280x128xf32>
    %logistic3A_93 = arith.addf %logistic3A_92, %logistic3A_90 : vector<1280x128xf32>
    %logistic3A_94 = arith.divf %logistic3A_92, %logistic3A_93 : vector<1280x128xf32>
    %mul3A_95 = arith.mulf %add3A_88, %logistic3A_94 : vector<1280x128xf32>
    %dot_general3A_96 = arith.constant dense<0.000000e+00> : vector<1280x128xf32>
    %dot_general3A_97 = tpu.matmul %mul3A_95, %get3A_40, %dot_general3A_96 {dimension_numbers = #tpu.dot_dimension_numbers<[1], [0], [0], [1], [0, 0, 1, 1], [], []>, transpose_lhs_hint = false} : vector<1280x128xf32>, vector<128x128xf32>, vector<1280x128xf32> -> vector<1280x128xf32>
    %add3A_98 = vector.broadcast %get3A_43 : vector<1x128xf32> to vector<1280x128xf32>
    %add3A_99 = arith.addf %dot_general3A_97, %add3A_98 : vector<1280x128xf32>
    %swap3A = arith.constant 0 : index
    %swap3A_100 = arith.constant 0 : index
    %swap3A_101 = vector.load %arg16[%swap3A, %swap3A_100] : memref<1280x128xf32, #tpu.memory_space<vmem>>, vector<1280x128xf32>
    tpu.vector_store %arg16[%swap3A, %swap3A_100], %add3A_99 {strides = array<i32>} : memref<1280x128xf32, #tpu.memory_space<vmem>>, vector<1280x128xf32>,
    return
  }
  func.func @transform_0(%arg0: i32) -> (i32, i32) {
    %c0_i32 = arith.constant 0 : i32
    %c0_i32_0 = arith.constant 0 : i32
    return %arg0, %c0_i32 : i32, i32
  }
  func.func @transform_1(%arg0: i32) -> (i32, i32) {
    %c0_i32 = arith.constant 0 : i32
    %c0_i32_0 = arith.constant 0 : i32
    return %arg0, %c0_i32 : i32, i32
  }
  func.func @transform_2(%arg0: i32) -> (i32, i32) {
    %c0_i32 = arith.constant 0 : i32
    %c0_i32_0 = arith.constant 0 : i32
    return %arg0, %c0_i32 : i32, i32
  }
  func.func @transform_3(%arg0: i32) -> (i32, i32) {
    %c0_i32 = arith.constant 0 : i32
    %c0_i32_0 = arith.constant 0 : i32
    return %arg0, %c0_i32 : i32, i32
  }
  func.func @transform_4(%arg0: i32) -> (i32, i32) {
    %c0_i32 = arith.constant 0 : i32
    %c0_i32_0 = arith.constant 0 : i32
    %c0_i32_1 = arith.constant 0 : i32
    return %c0_i32, %c0_i32_0 : i32, i32
  }
  func.func @transform_5(%arg0: i32) -> (i32, i32) {
    %c0_i32 = arith.constant 0 : i32
    %c0_i32_0 = arith.constant 0 : i32
    %c0_i32_1 = arith.constant 0 : i32
    return %c0_i32, %c0_i32_0 : i32, i32
  }
  func.func @transform_6(%arg0: i32) -> (i32, i32) {
    %c0_i32 = arith.constant 0 : i32
    %c0_i32_0 = arith.constant 0 : i32
    %c0_i32_1 = arith.constant 0 : i32
    return %c0_i32, %c0_i32_0 : i32, i32
  }
  func.func @transform_7(%arg0: i32) -> (i32, i32) {
    %c0_i32 = arith.constant 0 : i32
    %c0_i32_0 = arith.constant 0 : i32
    %c0_i32_1 = arith.constant 0 : i32
    return %c0_i32, %c0_i32_0 : i32, i32
  }
  func.func @transform_8(%arg0: i32) -> (i32, i32) {
    %c0_i32 = arith.constant 0 : i32
    %c0_i32_0 = arith.constant 0 : i32
    %c0_i32_1 = arith.constant 0 : i32
    return %c0_i32, %c0_i32_0 : i32, i32
  }
  func.func @transform_9(%arg0: i32) -> (i32, i32) {
    %c0_i32 = arith.constant 0 : i32
    %c0_i32_0 = arith.constant 0 : i32
    %c0_i32_1 = arith.constant 0 : i32
    return %c0_i32, %c0_i32_0 : i32, i32
  }
  func.func @transform_10(%arg0: i32) -> (i32, i32) {
    %c0_i32 = arith.constant 0 : i32
    %c0_i32_0 = arith.constant 0 : i32
    %c0_i32_1 = arith.constant 0 : i32
    return %c0_i32, %c0_i32_0 : i32, i32
  }
  func.func @transform_11(%arg0: i32) -> (i32, i32) {
    %c0_i32 = arith.constant 0 : i32
    %c0_i32_0 = arith.constant 0 : i32
    %c0_i32_1 = arith.constant 0 : i32
    return %c0_i32, %c0_i32_0 : i32, i32
  }
  func.func @transform_12(%arg0: i32) -> (i32, i32) {
    %c0_i32 = arith.constant 0 : i32
    %c0_i32_0 = arith.constant 0 : i32
    %c0_i32_1 = arith.constant 0 : i32
    return %c0_i32, %c0_i32_0 : i32, i32
  }
  func.func @transform_13(%arg0: i32) -> (i32, i32) {
    %c0_i32 = arith.constant 0 : i32
    %c0_i32_0 = arith.constant 0 : i32
    %c0_i32_1 = arith.constant 0 : i32
    return %c0_i32, %c0_i32_0 : i32, i32
  }
  func.func @transform_14(%arg0: i32) -> (i32, i32) {
    %c0_i32 = arith.constant 0 : i32
    %c0_i32_0 = arith.constant 0 : i32
    %c0_i32_1 = arith.constant 0 : i32
    return %c0_i32, %c0_i32_0 : i32, i32
  }
  func.func @transform_15(%arg0: i32) -> (i32, i32) {
    %c0_i32 = arith.constant 0 : i32
    %c0_i32_0 = arith.constant 0 : i32
    return %arg0, %c0_i32 : i32, i32
  }
}

module attributes {stable_mosaic.version = 14 : i64} {
  func.func @body(%arg0: i32, %arg1: memref<2048x128xf32, #tpu.memory_space<vmem>>, %arg2: memref<2048x128xf32, #tpu.memory_space<vmem>>, %arg3: memref<2048x128xf32, #tpu.memory_space<vmem>>, %arg4: memref<128x128xf32, #tpu.memory_space<vmem>>, %arg5: memref<128x128xf32, #tpu.memory_space<vmem>>, %arg6: memref<128x128xf32, #tpu.memory_space<vmem>>, %arg7: memref<1x128xf32, #tpu.memory_space<vmem>>, %arg8: memref<128x128xf32, #tpu.memory_space<vmem>>, %arg9: memref<1x128xf32, #tpu.memory_space<vmem>>, %arg10: memref<1x128xf32, #tpu.memory_space<vmem>>, %arg11: memref<1x128xf32, #tpu.memory_space<vmem>>, %arg12: memref<2048x128xf32, #tpu.memory_space<vmem>>, %arg13: memref<2048x128xf32, #tpu.memory_space<vmem>>) attributes {dimension_semantics = [#tpu.dimension_semantics<arbitrary>], iteration_bounds = array<i64: 20>, scalar_prefetch = 0 : i64, scratch_operands = 0 : i64, tpu.core_type = #tpu.core_type<tc>, window_params = [{transform_indices = @transform_0, window_bounds = array<i64: 2048, 128>}, {transform_indices = @transform_1, window_bounds = array<i64: 2048, 128>}, {transform_indices = @transform_2, window_bounds = array<i64: 2048, 128>}, {pipeline_mode = #tpu.pipeline_mode<synchronous>, transform_indices = @transform_3, window_bounds = array<i64: 128, 128>}, {pipeline_mode = #tpu.pipeline_mode<synchronous>, transform_indices = @transform_4, window_bounds = array<i64: 128, 128>}, {pipeline_mode = #tpu.pipeline_mode<synchronous>, transform_indices = @transform_5, window_bounds = array<i64: 128, 128>}, {pipeline_mode = #tpu.pipeline_mode<synchronous>, transform_indices = @transform_6, window_bounds = array<i64: 1, 128>}, {pipeline_mode = #tpu.pipeline_mode<synchronous>, transform_indices = @transform_7, window_bounds = array<i64: 128, 128>}, {pipeline_mode = #tpu.pipeline_mode<synchronous>, transform_indices = @transform_8, window_bounds = array<i64: 1, 128>}, {pipeline_mode = #tpu.pipeline_mode<synchronous>, transform_indices = @transform_9, window_bounds = array<i64: 1, 128>}, {pipeline_mode = #tpu.pipeline_mode<synchronous>, transform_indices = @transform_10, window_bounds = array<i64: 1, 128>}, {transform_indices = @transform_11, window_bounds = array<i64: 2048, 128>}, {transform_indices = @transform_12, window_bounds = array<i64: 2048, 128>}]} {
    %get3A = arith.constant 0 : index
    %get3A_0 = arith.constant 0 : index
    %get3A_1 = vector.load %arg1[%get3A, %get3A_0] : memref<2048x128xf32, #tpu.memory_space<vmem>>, vector<2048x128xf32>
    %get3A_2 = arith.constant 0 : index
    %get3A_3 = arith.constant 0 : index
    %get3A_4 = vector.load %arg2[%get3A_2, %get3A_3] : memref<2048x128xf32, #tpu.memory_space<vmem>>, vector<2048x128xf32>
    %get3A_5 = arith.constant 0 : index
    %get3A_6 = arith.constant 0 : index
    %get3A_7 = vector.load %arg3[%get3A_5, %get3A_6] : memref<2048x128xf32, #tpu.memory_space<vmem>>, vector<2048x128xf32>
    %get3A_8 = arith.constant 0 : index
    %get3A_9 = arith.constant 0 : index
    %get3A_10 = vector.load %arg4[%get3A_8, %get3A_9] : memref<128x128xf32, #tpu.memory_space<vmem>>, vector<128x128xf32>
    %get3A_11 = arith.constant 0 : index
    %get3A_12 = arith.constant 0 : index
    %get3A_13 = vector.load %arg5[%get3A_11, %get3A_12] : memref<128x128xf32, #tpu.memory_space<vmem>>, vector<128x128xf32>
    %get3A_14 = arith.constant 0 : index
    %get3A_15 = arith.constant 0 : index
    %get3A_16 = vector.load %arg6[%get3A_14, %get3A_15] : memref<128x128xf32, #tpu.memory_space<vmem>>, vector<128x128xf32>
    %get3A_17 = arith.constant 0 : index
    %get3A_18 = arith.constant 0 : index
    %get3A_19 = vector.load %arg7[%get3A_17, %get3A_18] : memref<1x128xf32, #tpu.memory_space<vmem>>, vector<1x128xf32>
    %get3A_20 = arith.constant 0 : index
    %get3A_21 = arith.constant 0 : index
    %get3A_22 = vector.load %arg8[%get3A_20, %get3A_21] : memref<128x128xf32, #tpu.memory_space<vmem>>, vector<128x128xf32>
    %get3A_23 = arith.constant 0 : index
    %get3A_24 = arith.constant 0 : index
    %get3A_25 = vector.load %arg9[%get3A_23, %get3A_24] : memref<1x128xf32, #tpu.memory_space<vmem>>, vector<1x128xf32>
    %get3A_26 = arith.constant 0 : index
    %get3A_27 = arith.constant 0 : index
    %get3A_28 = vector.load %arg10[%get3A_26, %get3A_27] : memref<1x128xf32, #tpu.memory_space<vmem>>, vector<1x128xf32>
    %get3A_29 = arith.constant 0 : index
    %get3A_30 = arith.constant 0 : index
    %get3A_31 = vector.load %arg11[%get3A_29, %get3A_30] : memref<1x128xf32, #tpu.memory_space<vmem>>, vector<1x128xf32>
    %dot_general3A = arith.constant dense<0.000000e+00> : vector<2048x128xf32>
    %dot_general3A_32 = tpu.matmul %get3A_1, %get3A_10, %dot_general3A {dimension_numbers = #tpu.dot_dimension_numbers<[1], [0], [0], [1], [0, 0, 1, 1], [], []>, transpose_lhs_hint = false} : vector<2048x128xf32>, vector<128x128xf32>, vector<2048x128xf32> -> vector<2048x128xf32>
    %dot_general3A_33 = arith.constant dense<0.000000e+00> : vector<2048x128xf32>
    %dot_general3A_34 = tpu.matmul %get3A_4, %get3A_13, %dot_general3A_33 {dimension_numbers = #tpu.dot_dimension_numbers<[1], [0], [0], [1], [0, 0, 1, 1], [], []>, transpose_lhs_hint = false} : vector<2048x128xf32>, vector<128x128xf32>, vector<2048x128xf32> -> vector<2048x128xf32>
    %add3A = arith.addf %dot_general3A_32, %dot_general3A_34 : vector<2048x128xf32>
    %dot_general3A_35 = arith.constant dense<0.000000e+00> : vector<2048x128xf32>
    %dot_general3A_36 = tpu.matmul %get3A_7, %get3A_16, %dot_general3A_35 {dimension_numbers = #tpu.dot_dimension_numbers<[1], [0], [0], [1], [0, 0, 1, 1], [], []>, transpose_lhs_hint = false} : vector<2048x128xf32>, vector<128x128xf32>, vector<2048x128xf32> -> vector<2048x128xf32>
    %add3A_37 = arith.addf %add3A, %dot_general3A_36 : vector<2048x128xf32>
    %add3A_38 = vector.broadcast %get3A_19 : vector<1x128xf32> to vector<2048x128xf32>
    %add3A_39 = arith.addf %add3A_37, %add3A_38 : vector<2048x128xf32>
    %logistic3A = arith.negf %add3A_39 : vector<2048x128xf32>
    %logistic3A_40 = math.exp %logistic3A : vector<2048x128xf32>
    %logistic3A_41 = arith.constant 1.000000e+00 : f32
    %logistic3A_42 = vector.broadcast %logistic3A_41 : f32 to vector<2048x128xf32>
    %logistic3A_43 = arith.addf %logistic3A_42, %logistic3A_40 : vector<2048x128xf32>
    %logistic3A_44 = arith.divf %logistic3A_42, %logistic3A_43 : vector<2048x128xf32>
    %mul3A = arith.mulf %add3A_39, %logistic3A_44 : vector<2048x128xf32>
    %dot_general3A_45 = arith.constant dense<0.000000e+00> : vector<2048x128xf32>
    %dot_general3A_46 = tpu.matmul %mul3A, %get3A_22, %dot_general3A_45 {dimension_numbers = #tpu.dot_dimension_numbers<[1], [0], [0], [1], [0, 0, 1, 1], [], []>, transpose_lhs_hint = false} : vector<2048x128xf32>, vector<128x128xf32>, vector<2048x128xf32> -> vector<2048x128xf32>
    %add3A_47 = vector.broadcast %get3A_25 : vector<1x128xf32> to vector<2048x128xf32>
    %add3A_48 = arith.addf %dot_general3A_46, %add3A_47 : vector<2048x128xf32>
    %reduce_sum3A = arith.constant dense<0.000000e+00> : vector<2048xf32>
    %reduce_sum3A_49 = vector.multi_reduction <add>, %add3A_48, %reduce_sum3A [1] : vector<2048x128xf32> to vector<2048xf32>
    %broadcast_in_dim3A = vector.shape_cast %reduce_sum3A_49 : vector<2048xf32> to vector<2048x1xf32>
    %div3A = arith.constant 1.280000e+02 : f32
    %div3A_50 = vector.broadcast %div3A : f32 to vector<2048x1xf32>
    %div3A_51 = arith.divf %broadcast_in_dim3A, %div3A_50 : vector<2048x1xf32>
    %sub3A = vector.broadcast %div3A_51 : vector<2048x1xf32> to vector<2048x128xf32>
    %sub3A_52 = arith.subf %add3A_48, %sub3A : vector<2048x128xf32>
    %integer_pow3A = arith.mulf %sub3A_52, %sub3A_52 : vector<2048x128xf32>
    %reduce_sum3A_53 = arith.constant dense<0.000000e+00> : vector<2048xf32>
    %reduce_sum3A_54 = vector.multi_reduction <add>, %integer_pow3A, %reduce_sum3A_53 [1] : vector<2048x128xf32> to vector<2048xf32>
    %broadcast_in_dim3A_55 = vector.shape_cast %reduce_sum3A_54 : vector<2048xf32> to vector<2048x1xf32>
    %div3A_56 = arith.constant 1.280000e+02 : f32
    %div3A_57 = vector.broadcast %div3A_56 : f32 to vector<2048x1xf32>
    %div3A_58 = arith.divf %broadcast_in_dim3A_55, %div3A_57 : vector<2048x1xf32>
    %sub3A_59 = vector.broadcast %div3A_51 : vector<2048x1xf32> to vector<2048x128xf32>
    %sub3A_60 = arith.subf %add3A_48, %sub3A_59 : vector<2048x128xf32>
    %add3A_61 = arith.constant 9.99999974E-6 : f32
    %add3A_62 = vector.broadcast %add3A_61 : f32 to vector<2048x1xf32>
    %add3A_63 = arith.addf %div3A_58, %add3A_62 : vector<2048x1xf32>
    %rsqrt3A = math.rsqrt %add3A_63 : vector<2048x1xf32>
    %mul3A_64 = vector.broadcast %rsqrt3A : vector<2048x1xf32> to vector<2048x128xf32>
    %mul3A_65 = arith.mulf %sub3A_60, %mul3A_64 : vector<2048x128xf32>
    %mul3A_66 = vector.broadcast %get3A_28 : vector<1x128xf32> to vector<2048x128xf32>
    %mul3A_67 = arith.mulf %mul3A_65, %mul3A_66 : vector<2048x128xf32>
    %add3A_68 = vector.broadcast %get3A_31 : vector<1x128xf32> to vector<2048x128xf32>
    %add3A_69 = arith.addf %mul3A_67, %add3A_68 : vector<2048x128xf32>
    %add3A_70 = arith.addf %get3A_7, %add3A_69 : vector<2048x128xf32>
    %swap3A = arith.constant 0 : index
    %swap3A_71 = arith.constant 0 : index
    %swap3A_72 = vector.load %arg12[%swap3A, %swap3A_71] : memref<2048x128xf32, #tpu.memory_space<vmem>>, vector<2048x128xf32>
    tpu.vector_store %arg12[%swap3A, %swap3A_71], %add3A_69 {strides = array<i32>} : memref<2048x128xf32, #tpu.memory_space<vmem>>, vector<2048x128xf32>,
    %swap3A_73 = arith.constant 0 : index
    %swap3A_74 = arith.constant 0 : index
    %swap3A_75 = vector.load %arg13[%swap3A_73, %swap3A_74] : memref<2048x128xf32, #tpu.memory_space<vmem>>, vector<2048x128xf32>
    tpu.vector_store %arg13[%swap3A_73, %swap3A_74], %add3A_70 {strides = array<i32>} : memref<2048x128xf32, #tpu.memory_space<vmem>>, vector<2048x128xf32>,
    return
  }
  func.func @transform_0(%arg0: i32) -> (i32, i32) {
    %c0_i32 = arith.constant 0 : i32
    %c0_i32_0 = arith.constant 0 : i32
    return %arg0, %c0_i32 : i32, i32
  }
  func.func @transform_1(%arg0: i32) -> (i32, i32) {
    %c0_i32 = arith.constant 0 : i32
    %c0_i32_0 = arith.constant 0 : i32
    return %arg0, %c0_i32 : i32, i32
  }
  func.func @transform_2(%arg0: i32) -> (i32, i32) {
    %c0_i32 = arith.constant 0 : i32
    %c0_i32_0 = arith.constant 0 : i32
    return %arg0, %c0_i32 : i32, i32
  }
  func.func @transform_3(%arg0: i32) -> (i32, i32) {
    %c0_i32 = arith.constant 0 : i32
    %c0_i32_0 = arith.constant 0 : i32
    %c0_i32_1 = arith.constant 0 : i32
    return %c0_i32, %c0_i32_0 : i32, i32
  }
  func.func @transform_4(%arg0: i32) -> (i32, i32) {
    %c0_i32 = arith.constant 0 : i32
    %c0_i32_0 = arith.constant 0 : i32
    %c0_i32_1 = arith.constant 0 : i32
    return %c0_i32, %c0_i32_0 : i32, i32
  }
  func.func @transform_5(%arg0: i32) -> (i32, i32) {
    %c0_i32 = arith.constant 0 : i32
    %c0_i32_0 = arith.constant 0 : i32
    %c0_i32_1 = arith.constant 0 : i32
    return %c0_i32, %c0_i32_0 : i32, i32
  }
  func.func @transform_6(%arg0: i32) -> (i32, i32) {
    %c0_i32 = arith.constant 0 : i32
    %c0_i32_0 = arith.constant 0 : i32
    %c0_i32_1 = arith.constant 0 : i32
    return %c0_i32, %c0_i32_0 : i32, i32
  }
  func.func @transform_7(%arg0: i32) -> (i32, i32) {
    %c0_i32 = arith.constant 0 : i32
    %c0_i32_0 = arith.constant 0 : i32
    %c0_i32_1 = arith.constant 0 : i32
    return %c0_i32, %c0_i32_0 : i32, i32
  }
  func.func @transform_8(%arg0: i32) -> (i32, i32) {
    %c0_i32 = arith.constant 0 : i32
    %c0_i32_0 = arith.constant 0 : i32
    %c0_i32_1 = arith.constant 0 : i32
    return %c0_i32, %c0_i32_0 : i32, i32
  }
  func.func @transform_9(%arg0: i32) -> (i32, i32) {
    %c0_i32 = arith.constant 0 : i32
    %c0_i32_0 = arith.constant 0 : i32
    %c0_i32_1 = arith.constant 0 : i32
    return %c0_i32, %c0_i32_0 : i32, i32
  }
  func.func @transform_10(%arg0: i32) -> (i32, i32) {
    %c0_i32 = arith.constant 0 : i32
    %c0_i32_0 = arith.constant 0 : i32
    %c0_i32_1 = arith.constant 0 : i32
    return %c0_i32, %c0_i32_0 : i32, i32
  }
  func.func @transform_11(%arg0: i32) -> (i32, i32) {
    %c0_i32 = arith.constant 0 : i32
    %c0_i32_0 = arith.constant 0 : i32
    return %arg0, %c0_i32 : i32, i32
  }
  func.func @transform_12(%arg0: i32) -> (i32, i32) {
    %c0_i32 = arith.constant 0 : i32
    %c0_i32_0 = arith.constant 0 : i32
    return %arg0, %c0_i32 : i32, i32
  }
}

module attributes {stable_mosaic.version = 14 : i64} {
  func.func @body(%arg0: i32, %arg1: memref<1280x128xf32, #tpu.memory_space<vmem>>, %arg2: memref<1280x128xf32, #tpu.memory_space<vmem>>, %arg3: memref<1280x128xf32, #tpu.memory_space<vmem>>, %arg4: memref<1280x1xf32, #tpu.memory_space<vmem>>, %arg5: memref<128x128xf32, #tpu.memory_space<vmem>>, %arg6: memref<128x128xf32, #tpu.memory_space<vmem>>, %arg7: memref<1x128xf32, #tpu.memory_space<vmem>>, %arg8: memref<128x128xf32, #tpu.memory_space<vmem>>, %arg9: memref<1x128xf32, #tpu.memory_space<vmem>>, %arg10: memref<1x128xf32, #tpu.memory_space<vmem>>, %arg11: memref<1x128xf32, #tpu.memory_space<vmem>>, %arg12: memref<1280x128xf32, #tpu.memory_space<vmem>>) attributes {dimension_semantics = [#tpu.dimension_semantics<arbitrary>], iteration_bounds = array<i64: 2>, scalar_prefetch = 0 : i64, scratch_operands = 0 : i64, tpu.core_type = #tpu.core_type<tc>, window_params = [{transform_indices = @transform_0, window_bounds = array<i64: 1280, 128>}, {transform_indices = @transform_1, window_bounds = array<i64: 1280, 128>}, {transform_indices = @transform_2, window_bounds = array<i64: 1280, 128>}, {transform_indices = @transform_3, window_bounds = array<i64: 1280, 1>}, {pipeline_mode = #tpu.pipeline_mode<synchronous>, transform_indices = @transform_4, window_bounds = array<i64: 128, 128>}, {pipeline_mode = #tpu.pipeline_mode<synchronous>, transform_indices = @transform_5, window_bounds = array<i64: 128, 128>}, {pipeline_mode = #tpu.pipeline_mode<synchronous>, transform_indices = @transform_6, window_bounds = array<i64: 1, 128>}, {pipeline_mode = #tpu.pipeline_mode<synchronous>, transform_indices = @transform_7, window_bounds = array<i64: 128, 128>}, {pipeline_mode = #tpu.pipeline_mode<synchronous>, transform_indices = @transform_8, window_bounds = array<i64: 1, 128>}, {pipeline_mode = #tpu.pipeline_mode<synchronous>, transform_indices = @transform_9, window_bounds = array<i64: 1, 128>}, {pipeline_mode = #tpu.pipeline_mode<synchronous>, transform_indices = @transform_10, window_bounds = array<i64: 1, 128>}, {transform_indices = @transform_11, window_bounds = array<i64: 1280, 128>}]} {
    %get3A = arith.constant 0 : index
    %get3A_0 = arith.constant 0 : index
    %get3A_1 = vector.load %arg1[%get3A, %get3A_0] : memref<1280x128xf32, #tpu.memory_space<vmem>>, vector<1280x128xf32>
    %get3A_2 = arith.constant 0 : index
    %get3A_3 = arith.constant 0 : index
    %get3A_4 = vector.load %arg2[%get3A_2, %get3A_3] : memref<1280x128xf32, #tpu.memory_space<vmem>>, vector<1280x128xf32>
    %get3A_5 = arith.constant 0 : index
    %get3A_6 = arith.constant 0 : index
    %get3A_7 = vector.load %arg3[%get3A_5, %get3A_6] : memref<1280x128xf32, #tpu.memory_space<vmem>>, vector<1280x128xf32>
    %get3A_8 = arith.constant 0 : index
    %get3A_9 = arith.constant 0 : index
    %get3A_10 = vector.load %arg4[%get3A_8, %get3A_9] : memref<1280x1xf32, #tpu.memory_space<vmem>>, vector<1280x1xf32>
    %get3A_11 = arith.constant 0 : index
    %get3A_12 = arith.constant 0 : index
    %get3A_13 = vector.load %arg5[%get3A_11, %get3A_12] : memref<128x128xf32, #tpu.memory_space<vmem>>, vector<128x128xf32>
    %get3A_14 = arith.constant 0 : index
    %get3A_15 = arith.constant 0 : index
    %get3A_16 = vector.load %arg6[%get3A_14, %get3A_15] : memref<128x128xf32, #tpu.memory_space<vmem>>, vector<128x128xf32>
    %get3A_17 = arith.constant 0 : index
    %get3A_18 = arith.constant 0 : index
    %get3A_19 = vector.load %arg7[%get3A_17, %get3A_18] : memref<1x128xf32, #tpu.memory_space<vmem>>, vector<1x128xf32>
    %get3A_20 = arith.constant 0 : index
    %get3A_21 = arith.constant 0 : index
    %get3A_22 = vector.load %arg8[%get3A_20, %get3A_21] : memref<128x128xf32, #tpu.memory_space<vmem>>, vector<128x128xf32>
    %get3A_23 = arith.constant 0 : index
    %get3A_24 = arith.constant 0 : index
    %get3A_25 = vector.load %arg9[%get3A_23, %get3A_24] : memref<1x128xf32, #tpu.memory_space<vmem>>, vector<1x128xf32>
    %get3A_26 = arith.constant 0 : index
    %get3A_27 = arith.constant 0 : index
    %get3A_28 = vector.load %arg10[%get3A_26, %get3A_27] : memref<1x128xf32, #tpu.memory_space<vmem>>, vector<1x128xf32>
    %get3A_29 = arith.constant 0 : index
    %get3A_30 = arith.constant 0 : index
    %get3A_31 = vector.load %arg11[%get3A_29, %get3A_30] : memref<1x128xf32, #tpu.memory_space<vmem>>, vector<1x128xf32>
    %add3A = arith.addf %get3A_4, %get3A_7 : vector<1280x128xf32>
    %max3A = arith.constant 1.000000e+00 : f32
    %max3A_32 = vector.broadcast %max3A : f32 to vector<1280x1xf32>
    %max3A_33 = arith.maximumf %get3A_10, %max3A_32 : vector<1280x1xf32>
    %div3A = vector.broadcast %max3A_33 : vector<1280x1xf32> to vector<1280x128xf32>
    %div3A_34 = arith.divf %add3A, %div3A : vector<1280x128xf32>
    %dot_general3A = arith.constant dense<0.000000e+00> : vector<1280x128xf32>
    %dot_general3A_35 = tpu.matmul %get3A_1, %get3A_13, %dot_general3A {dimension_numbers = #tpu.dot_dimension_numbers<[1], [0], [0], [1], [0, 0, 1, 1], [], []>, transpose_lhs_hint = false} : vector<1280x128xf32>, vector<128x128xf32>, vector<1280x128xf32> -> vector<1280x128xf32>
    %dot_general3A_36 = arith.constant dense<0.000000e+00> : vector<1280x128xf32>
    %dot_general3A_37 = tpu.matmul %div3A_34, %get3A_16, %dot_general3A_36 {dimension_numbers = #tpu.dot_dimension_numbers<[1], [0], [0], [1], [0, 0, 1, 1], [], []>, transpose_lhs_hint = false} : vector<1280x128xf32>, vector<128x128xf32>, vector<1280x128xf32> -> vector<1280x128xf32>
    %add3A_38 = arith.addf %dot_general3A_35, %dot_general3A_37 : vector<1280x128xf32>
    %add3A_39 = vector.broadcast %get3A_19 : vector<1x128xf32> to vector<1280x128xf32>
    %add3A_40 = arith.addf %add3A_38, %add3A_39 : vector<1280x128xf32>
    %logistic3A = arith.negf %add3A_40 : vector<1280x128xf32>
    %logistic3A_41 = math.exp %logistic3A : vector<1280x128xf32>
    %logistic3A_42 = arith.constant 1.000000e+00 : f32
    %logistic3A_43 = vector.broadcast %logistic3A_42 : f32 to vector<1280x128xf32>
    %logistic3A_44 = arith.addf %logistic3A_43, %logistic3A_41 : vector<1280x128xf32>
    %logistic3A_45 = arith.divf %logistic3A_43, %logistic3A_44 : vector<1280x128xf32>
    %mul3A = arith.mulf %add3A_40, %logistic3A_45 : vector<1280x128xf32>
    %dot_general3A_46 = arith.constant dense<0.000000e+00> : vector<1280x128xf32>
    %dot_general3A_47 = tpu.matmul %mul3A, %get3A_22, %dot_general3A_46 {dimension_numbers = #tpu.dot_dimension_numbers<[1], [0], [0], [1], [0, 0, 1, 1], [], []>, transpose_lhs_hint = false} : vector<1280x128xf32>, vector<128x128xf32>, vector<1280x128xf32> -> vector<1280x128xf32>
    %add3A_48 = vector.broadcast %get3A_25 : vector<1x128xf32> to vector<1280x128xf32>
    %add3A_49 = arith.addf %dot_general3A_47, %add3A_48 : vector<1280x128xf32>
    %reduce_sum3A = arith.constant dense<0.000000e+00> : vector<1280xf32>
    %reduce_sum3A_50 = vector.multi_reduction <add>, %add3A_49, %reduce_sum3A [1] : vector<1280x128xf32> to vector<1280xf32>
    %broadcast_in_dim3A = vector.shape_cast %reduce_sum3A_50 : vector<1280xf32> to vector<1280x1xf32>
    %div3A_51 = arith.constant 1.280000e+02 : f32
    %div3A_52 = vector.broadcast %div3A_51 : f32 to vector<1280x1xf32>
    %div3A_53 = arith.divf %broadcast_in_dim3A, %div3A_52 : vector<1280x1xf32>
    %sub3A = vector.broadcast %div3A_53 : vector<1280x1xf32> to vector<1280x128xf32>
    %sub3A_54 = arith.subf %add3A_49, %sub3A : vector<1280x128xf32>
    %integer_pow3A = arith.mulf %sub3A_54, %sub3A_54 : vector<1280x128xf32>
    %reduce_sum3A_55 = arith.constant dense<0.000000e+00> : vector<1280xf32>
    %reduce_sum3A_56 = vector.multi_reduction <add>, %integer_pow3A, %reduce_sum3A_55 [1] : vector<1280x128xf32> to vector<1280xf32>
    %broadcast_in_dim3A_57 = vector.shape_cast %reduce_sum3A_56 : vector<1280xf32> to vector<1280x1xf32>
    %div3A_58 = arith.constant 1.280000e+02 : f32
    %div3A_59 = vector.broadcast %div3A_58 : f32 to vector<1280x1xf32>
    %div3A_60 = arith.divf %broadcast_in_dim3A_57, %div3A_59 : vector<1280x1xf32>
    %sub3A_61 = vector.broadcast %div3A_53 : vector<1280x1xf32> to vector<1280x128xf32>
    %sub3A_62 = arith.subf %add3A_49, %sub3A_61 : vector<1280x128xf32>
    %add3A_63 = arith.constant 9.99999974E-6 : f32
    %add3A_64 = vector.broadcast %add3A_63 : f32 to vector<1280x1xf32>
    %add3A_65 = arith.addf %div3A_60, %add3A_64 : vector<1280x1xf32>
    %rsqrt3A = math.rsqrt %add3A_65 : vector<1280x1xf32>
    %mul3A_66 = vector.broadcast %rsqrt3A : vector<1280x1xf32> to vector<1280x128xf32>
    %mul3A_67 = arith.mulf %sub3A_62, %mul3A_66 : vector<1280x128xf32>
    %mul3A_68 = vector.broadcast %get3A_28 : vector<1x128xf32> to vector<1280x128xf32>
    %mul3A_69 = arith.mulf %mul3A_67, %mul3A_68 : vector<1280x128xf32>
    %add3A_70 = vector.broadcast %get3A_31 : vector<1x128xf32> to vector<1280x128xf32>
    %add3A_71 = arith.addf %mul3A_69, %add3A_70 : vector<1280x128xf32>
    %add3A_72 = arith.addf %get3A_1, %add3A_71 : vector<1280x128xf32>
    %swap3A = arith.constant 0 : index
    %swap3A_73 = arith.constant 0 : index
    %swap3A_74 = vector.load %arg12[%swap3A, %swap3A_73] : memref<1280x128xf32, #tpu.memory_space<vmem>>, vector<1280x128xf32>
    tpu.vector_store %arg12[%swap3A, %swap3A_73], %add3A_72 {strides = array<i32>} : memref<1280x128xf32, #tpu.memory_space<vmem>>, vector<1280x128xf32>,
    return
  }
  func.func @transform_0(%arg0: i32) -> (i32, i32) {
    %c0_i32 = arith.constant 0 : i32
    %c0_i32_0 = arith.constant 0 : i32
    return %arg0, %c0_i32 : i32, i32
  }
  func.func @transform_1(%arg0: i32) -> (i32, i32) {
    %c0_i32 = arith.constant 0 : i32
    %c0_i32_0 = arith.constant 0 : i32
    return %arg0, %c0_i32 : i32, i32
  }
  func.func @transform_2(%arg0: i32) -> (i32, i32) {
    %c0_i32 = arith.constant 0 : i32
    %c0_i32_0 = arith.constant 0 : i32
    return %arg0, %c0_i32 : i32, i32
  }
  func.func @transform_3(%arg0: i32) -> (i32, i32) {
    %c0_i32 = arith.constant 0 : i32
    %c0_i32_0 = arith.constant 0 : i32
    return %arg0, %c0_i32 : i32, i32
  }
  func.func @transform_4(%arg0: i32) -> (i32, i32) {
    %c0_i32 = arith.constant 0 : i32
    %c0_i32_0 = arith.constant 0 : i32
    %c0_i32_1 = arith.constant 0 : i32
    return %c0_i32, %c0_i32_0 : i32, i32
  }
  func.func @transform_5(%arg0: i32) -> (i32, i32) {
    %c0_i32 = arith.constant 0 : i32
    %c0_i32_0 = arith.constant 0 : i32
    %c0_i32_1 = arith.constant 0 : i32
    return %c0_i32, %c0_i32_0 : i32, i32
  }
  func.func @transform_6(%arg0: i32) -> (i32, i32) {
    %c0_i32 = arith.constant 0 : i32
    %c0_i32_0 = arith.constant 0 : i32
    %c0_i32_1 = arith.constant 0 : i32
    return %c0_i32, %c0_i32_0 : i32, i32
  }
  func.func @transform_7(%arg0: i32) -> (i32, i32) {
    %c0_i32 = arith.constant 0 : i32
    %c0_i32_0 = arith.constant 0 : i32
    %c0_i32_1 = arith.constant 0 : i32
    return %c0_i32, %c0_i32_0 : i32, i32
  }
  func.func @transform_8(%arg0: i32) -> (i32, i32) {
    %c0_i32 = arith.constant 0 : i32
    %c0_i32_0 = arith.constant 0 : i32
    %c0_i32_1 = arith.constant 0 : i32
    return %c0_i32, %c0_i32_0 : i32, i32
  }
  func.func @transform_9(%arg0: i32) -> (i32, i32) {
    %c0_i32 = arith.constant 0 : i32
    %c0_i32_0 = arith.constant 0 : i32
    %c0_i32_1 = arith.constant 0 : i32
    return %c0_i32, %c0_i32_0 : i32, i32
  }
  func.func @transform_10(%arg0: i32) -> (i32, i32) {
    %c0_i32 = arith.constant 0 : i32
    %c0_i32_0 = arith.constant 0 : i32
    %c0_i32_1 = arith.constant 0 : i32
    return %c0_i32, %c0_i32_0 : i32, i32
  }
  func.func @transform_11(%arg0: i32) -> (i32, i32) {
    %c0_i32 = arith.constant 0 : i32
    %c0_i32_0 = arith.constant 0 : i32
    return %arg0, %c0_i32 : i32, i32
  }
}

module attributes {stable_mosaic.version = 14 : i64} {
  func.func @body(%arg0: i32, %arg1: memref<1280x128xf32, #tpu.memory_space<vmem>>, %arg2: memref<128x128xf32, #tpu.memory_space<vmem>>, %arg3: memref<1x128xf32, #tpu.memory_space<vmem>>, %arg4: memref<128x128xf32, #tpu.memory_space<vmem>>, %arg5: memref<1x128xf32, #tpu.memory_space<vmem>>, %arg6: memref<1280x128xf32, #tpu.memory_space<vmem>>) attributes {dimension_semantics = [#tpu.dimension_semantics<arbitrary>], iteration_bounds = array<i64: 2>, scalar_prefetch = 0 : i64, scratch_operands = 0 : i64, tpu.core_type = #tpu.core_type<tc>, window_params = [{transform_indices = @transform_0, window_bounds = array<i64: 1280, 128>}, {pipeline_mode = #tpu.pipeline_mode<synchronous>, transform_indices = @transform_1, window_bounds = array<i64: 128, 128>}, {pipeline_mode = #tpu.pipeline_mode<synchronous>, transform_indices = @transform_2, window_bounds = array<i64: 1, 128>}, {pipeline_mode = #tpu.pipeline_mode<synchronous>, transform_indices = @transform_3, window_bounds = array<i64: 128, 128>}, {pipeline_mode = #tpu.pipeline_mode<synchronous>, transform_indices = @transform_4, window_bounds = array<i64: 1, 128>}, {transform_indices = @transform_5, window_bounds = array<i64: 1280, 128>}]} {
    %get3A = arith.constant 0 : index
    %get3A_0 = arith.constant 0 : index
    %get3A_1 = vector.load %arg1[%get3A, %get3A_0] : memref<1280x128xf32, #tpu.memory_space<vmem>>, vector<1280x128xf32>
    %get3A_2 = arith.constant 0 : index
    %get3A_3 = arith.constant 0 : index
    %get3A_4 = vector.load %arg2[%get3A_2, %get3A_3] : memref<128x128xf32, #tpu.memory_space<vmem>>, vector<128x128xf32>
    %get3A_5 = arith.constant 0 : index
    %get3A_6 = arith.constant 0 : index
    %get3A_7 = vector.load %arg3[%get3A_5, %get3A_6] : memref<1x128xf32, #tpu.memory_space<vmem>>, vector<1x128xf32>
    %get3A_8 = arith.constant 0 : index
    %get3A_9 = arith.constant 0 : index
    %get3A_10 = vector.load %arg4[%get3A_8, %get3A_9] : memref<128x128xf32, #tpu.memory_space<vmem>>, vector<128x128xf32>
    %get3A_11 = arith.constant 0 : index
    %get3A_12 = arith.constant 0 : index
    %get3A_13 = vector.load %arg5[%get3A_11, %get3A_12] : memref<1x128xf32, #tpu.memory_space<vmem>>, vector<1x128xf32>
    %dot_general3A = arith.constant dense<0.000000e+00> : vector<1280x128xf32>
    %dot_general3A_14 = tpu.matmul %get3A_1, %get3A_4, %dot_general3A {dimension_numbers = #tpu.dot_dimension_numbers<[1], [0], [0], [1], [0, 0, 1, 1], [], []>, transpose_lhs_hint = false} : vector<1280x128xf32>, vector<128x128xf32>, vector<1280x128xf32> -> vector<1280x128xf32>
    %add3A = vector.broadcast %get3A_7 : vector<1x128xf32> to vector<1280x128xf32>
    %add3A_15 = arith.addf %dot_general3A_14, %add3A : vector<1280x128xf32>
    %logistic3A = arith.negf %add3A_15 : vector<1280x128xf32>
    %logistic3A_16 = math.exp %logistic3A : vector<1280x128xf32>
    %logistic3A_17 = arith.constant 1.000000e+00 : f32
    %logistic3A_18 = vector.broadcast %logistic3A_17 : f32 to vector<1280x128xf32>
    %logistic3A_19 = arith.addf %logistic3A_18, %logistic3A_16 : vector<1280x128xf32>
    %logistic3A_20 = arith.divf %logistic3A_18, %logistic3A_19 : vector<1280x128xf32>
    %mul3A = arith.mulf %add3A_15, %logistic3A_20 : vector<1280x128xf32>
    %dot_general3A_21 = arith.constant dense<0.000000e+00> : vector<1280x128xf32>
    %dot_general3A_22 = tpu.matmul %mul3A, %get3A_10, %dot_general3A_21 {dimension_numbers = #tpu.dot_dimension_numbers<[1], [0], [0], [1], [0, 0, 1, 1], [], []>, transpose_lhs_hint = false} : vector<1280x128xf32>, vector<128x128xf32>, vector<1280x128xf32> -> vector<1280x128xf32>
    %add3A_23 = vector.broadcast %get3A_13 : vector<1x128xf32> to vector<1280x128xf32>
    %add3A_24 = arith.addf %dot_general3A_22, %add3A_23 : vector<1280x128xf32>
    %swap3A = arith.constant 0 : index
    %swap3A_25 = arith.constant 0 : index
    %swap3A_26 = vector.load %arg6[%swap3A, %swap3A_25] : memref<1280x128xf32, #tpu.memory_space<vmem>>, vector<1280x128xf32>
    tpu.vector_store %arg6[%swap3A, %swap3A_25], %add3A_24 {strides = array<i32>} : memref<1280x128xf32, #tpu.memory_space<vmem>>, vector<1280x128xf32>,
    return
  }
  func.func @transform_0(%arg0: i32) -> (i32, i32) {
    %c0_i32 = arith.constant 0 : i32
    %c0_i32_0 = arith.constant 0 : i32
    return %arg0, %c0_i32 : i32, i32
  }
  func.func @transform_1(%arg0: i32) -> (i32, i32) {
    %c0_i32 = arith.constant 0 : i32
    %c0_i32_0 = arith.constant 0 : i32
    %c0_i32_1 = arith.constant 0 : i32
    return %c0_i32, %c0_i32_0 : i32, i32
  }
  func.func @transform_2(%arg0: i32) -> (i32, i32) {
    %c0_i32 = arith.constant 0 : i32
    %c0_i32_0 = arith.constant 0 : i32
    %c0_i32_1 = arith.constant 0 : i32
    return %c0_i32, %c0_i32_0 : i32, i32
  }
  func.func @transform_3(%arg0: i32) -> (i32, i32) {
    %c0_i32 = arith.constant 0 : i32
    %c0_i32_0 = arith.constant 0 : i32
    %c0_i32_1 = arith.constant 0 : i32
    return %c0_i32, %c0_i32_0 : i32, i32
  }
  func.func @transform_4(%arg0: i32) -> (i32, i32) {
    %c0_i32 = arith.constant 0 : i32
    %c0_i32_0 = arith.constant 0 : i32
    %c0_i32_1 = arith.constant 0 : i32
    return %c0_i32, %c0_i32_0 : i32, i32
  }
  func.func @transform_5(%arg0: i32) -> (i32, i32) {
    %c0_i32 = arith.constant 0 : i32
    %c0_i32_0 = arith.constant 0 : i32
    return %arg0, %c0_i32 : i32, i32
  }
}

module attributes {stable_mosaic.version = 14 : i64} {
  func.func @body(%arg0: i32, %arg1: memref<2000x128xf32, #tpu.memory_space<vmem>>, %arg2: memref<2000x128xf32, #tpu.memory_space<vmem>>, %arg3: memref<2000x128xf32, #tpu.memory_space<vmem>>, %arg4: memref<2000x1xf32, #tpu.memory_space<vmem>>, %arg5: memref<128x128xf32, #tpu.memory_space<vmem>>, %arg6: memref<128x128xf32, #tpu.memory_space<vmem>>, %arg7: memref<1x128xf32, #tpu.memory_space<vmem>>, %arg8: memref<128x128xf32, #tpu.memory_space<vmem>>, %arg9: memref<1x128xf32, #tpu.memory_space<vmem>>, %arg10: memref<1x128xf32, #tpu.memory_space<vmem>>, %arg11: memref<1x128xf32, #tpu.memory_space<vmem>>, %arg12: memref<128x128xf32, #tpu.memory_space<vmem>>, %arg13: memref<1x128xf32, #tpu.memory_space<vmem>>, %arg14: memref<128x3xf32, #tpu.memory_space<vmem>>, %arg15: memref<1x3xf32, #tpu.memory_space<vmem>>, %arg16: memref<2000x3xf32, #tpu.memory_space<vmem>>) attributes {dimension_semantics = [#tpu.dimension_semantics<arbitrary>], iteration_bounds = array<i64: 5>, scalar_prefetch = 0 : i64, scratch_operands = 0 : i64, tpu.core_type = #tpu.core_type<tc>, window_params = [{transform_indices = @transform_0, window_bounds = array<i64: 2000, 128>}, {transform_indices = @transform_1, window_bounds = array<i64: 2000, 128>}, {transform_indices = @transform_2, window_bounds = array<i64: 2000, 128>}, {transform_indices = @transform_3, window_bounds = array<i64: 2000, 1>}, {pipeline_mode = #tpu.pipeline_mode<synchronous>, transform_indices = @transform_4, window_bounds = array<i64: 128, 128>}, {pipeline_mode = #tpu.pipeline_mode<synchronous>, transform_indices = @transform_5, window_bounds = array<i64: 128, 128>}, {pipeline_mode = #tpu.pipeline_mode<synchronous>, transform_indices = @transform_6, window_bounds = array<i64: 1, 128>}, {pipeline_mode = #tpu.pipeline_mode<synchronous>, transform_indices = @transform_7, window_bounds = array<i64: 128, 128>}, {pipeline_mode = #tpu.pipeline_mode<synchronous>, transform_indices = @transform_8, window_bounds = array<i64: 1, 128>}, {pipeline_mode = #tpu.pipeline_mode<synchronous>, transform_indices = @transform_9, window_bounds = array<i64: 1, 128>}, {pipeline_mode = #tpu.pipeline_mode<synchronous>, transform_indices = @transform_10, window_bounds = array<i64: 1, 128>}, {pipeline_mode = #tpu.pipeline_mode<synchronous>, transform_indices = @transform_11, window_bounds = array<i64: 128, 128>}, {pipeline_mode = #tpu.pipeline_mode<synchronous>, transform_indices = @transform_12, window_bounds = array<i64: 1, 128>}, {pipeline_mode = #tpu.pipeline_mode<synchronous>, transform_indices = @transform_13, window_bounds = array<i64: 128, 3>}, {pipeline_mode = #tpu.pipeline_mode<synchronous>, transform_indices = @transform_14, window_bounds = array<i64: 1, 3>}, {transform_indices = @transform_15, window_bounds = array<i64: 2000, 3>}]} {
    %get3A = arith.constant 0 : index
    %get3A_0 = arith.constant 0 : index
    %get3A_1 = vector.load %arg1[%get3A, %get3A_0] : memref<2000x128xf32, #tpu.memory_space<vmem>>, vector<2000x128xf32>
    %get3A_2 = arith.constant 0 : index
    %get3A_3 = arith.constant 0 : index
    %get3A_4 = vector.load %arg2[%get3A_2, %get3A_3] : memref<2000x128xf32, #tpu.memory_space<vmem>>, vector<2000x128xf32>
    %get3A_5 = arith.constant 0 : index
    %get3A_6 = arith.constant 0 : index
    %get3A_7 = vector.load %arg3[%get3A_5, %get3A_6] : memref<2000x128xf32, #tpu.memory_space<vmem>>, vector<2000x128xf32>
    %get3A_8 = arith.constant 0 : index
    %get3A_9 = arith.constant 0 : index
    %get3A_10 = vector.load %arg4[%get3A_8, %get3A_9] : memref<2000x1xf32, #tpu.memory_space<vmem>>, vector<2000x1xf32>
    %get3A_11 = arith.constant 0 : index
    %get3A_12 = arith.constant 0 : index
    %get3A_13 = vector.load %arg5[%get3A_11, %get3A_12] : memref<128x128xf32, #tpu.memory_space<vmem>>, vector<128x128xf32>
    %get3A_14 = arith.constant 0 : index
    %get3A_15 = arith.constant 0 : index
    %get3A_16 = vector.load %arg6[%get3A_14, %get3A_15] : memref<128x128xf32, #tpu.memory_space<vmem>>, vector<128x128xf32>
    %get3A_17 = arith.constant 0 : index
    %get3A_18 = arith.constant 0 : index
    %get3A_19 = vector.load %arg7[%get3A_17, %get3A_18] : memref<1x128xf32, #tpu.memory_space<vmem>>, vector<1x128xf32>
    %get3A_20 = arith.constant 0 : index
    %get3A_21 = arith.constant 0 : index
    %get3A_22 = vector.load %arg8[%get3A_20, %get3A_21] : memref<128x128xf32, #tpu.memory_space<vmem>>, vector<128x128xf32>
    %get3A_23 = arith.constant 0 : index
    %get3A_24 = arith.constant 0 : index
    %get3A_25 = vector.load %arg9[%get3A_23, %get3A_24] : memref<1x128xf32, #tpu.memory_space<vmem>>, vector<1x128xf32>
    %get3A_26 = arith.constant 0 : index
    %get3A_27 = arith.constant 0 : index
    %get3A_28 = vector.load %arg10[%get3A_26, %get3A_27] : memref<1x128xf32, #tpu.memory_space<vmem>>, vector<1x128xf32>
    %get3A_29 = arith.constant 0 : index
    %get3A_30 = arith.constant 0 : index
    %get3A_31 = vector.load %arg11[%get3A_29, %get3A_30] : memref<1x128xf32, #tpu.memory_space<vmem>>, vector<1x128xf32>
    %get3A_32 = arith.constant 0 : index
    %get3A_33 = arith.constant 0 : index
    %get3A_34 = vector.load %arg12[%get3A_32, %get3A_33] : memref<128x128xf32, #tpu.memory_space<vmem>>, vector<128x128xf32>
    %get3A_35 = arith.constant 0 : index
    %get3A_36 = arith.constant 0 : index
    %get3A_37 = vector.load %arg13[%get3A_35, %get3A_36] : memref<1x128xf32, #tpu.memory_space<vmem>>, vector<1x128xf32>
    %get3A_38 = arith.constant 0 : index
    %get3A_39 = arith.constant 0 : index
    %get3A_40 = vector.load %arg14[%get3A_38, %get3A_39] : memref<128x3xf32, #tpu.memory_space<vmem>>, vector<128x3xf32>
    %get3A_41 = arith.constant 0 : index
    %get3A_42 = arith.constant 0 : index
    %get3A_43 = vector.load %arg15[%get3A_41, %get3A_42] : memref<1x3xf32, #tpu.memory_space<vmem>>, vector<1x3xf32>
    %add3A = arith.addf %get3A_4, %get3A_7 : vector<2000x128xf32>
    %max3A = arith.constant 1.000000e+00 : f32
    %max3A_44 = vector.broadcast %max3A : f32 to vector<2000x1xf32>
    %max3A_45 = arith.maximumf %get3A_10, %max3A_44 : vector<2000x1xf32>
    %div3A = vector.broadcast %max3A_45 : vector<2000x1xf32> to vector<2000x128xf32>
    %div3A_46 = arith.divf %add3A, %div3A : vector<2000x128xf32>
    %dot_general3A = arith.constant dense<0.000000e+00> : vector<2000x128xf32>
    %dot_general3A_47 = tpu.matmul %get3A_1, %get3A_13, %dot_general3A {dimension_numbers = #tpu.dot_dimension_numbers<[1], [0], [0], [1], [0, 0, 1, 1], [], []>, transpose_lhs_hint = false} : vector<2000x128xf32>, vector<128x128xf32>, vector<2000x128xf32> -> vector<2000x128xf32>
    %dot_general3A_48 = arith.constant dense<0.000000e+00> : vector<2000x128xf32>
    %dot_general3A_49 = tpu.matmul %div3A_46, %get3A_16, %dot_general3A_48 {dimension_numbers = #tpu.dot_dimension_numbers<[1], [0], [0], [1], [0, 0, 1, 1], [], []>, transpose_lhs_hint = false} : vector<2000x128xf32>, vector<128x128xf32>, vector<2000x128xf32> -> vector<2000x128xf32>
    %add3A_50 = arith.addf %dot_general3A_47, %dot_general3A_49 : vector<2000x128xf32>
    %add3A_51 = vector.broadcast %get3A_19 : vector<1x128xf32> to vector<2000x128xf32>
    %add3A_52 = arith.addf %add3A_50, %add3A_51 : vector<2000x128xf32>
    %logistic3A = arith.negf %add3A_52 : vector<2000x128xf32>
    %logistic3A_53 = math.exp %logistic3A : vector<2000x128xf32>
    %logistic3A_54 = arith.constant 1.000000e+00 : f32
    %logistic3A_55 = vector.broadcast %logistic3A_54 : f32 to vector<2000x128xf32>
    %logistic3A_56 = arith.addf %logistic3A_55, %logistic3A_53 : vector<2000x128xf32>
    %logistic3A_57 = arith.divf %logistic3A_55, %logistic3A_56 : vector<2000x128xf32>
    %mul3A = arith.mulf %add3A_52, %logistic3A_57 : vector<2000x128xf32>
    %dot_general3A_58 = arith.constant dense<0.000000e+00> : vector<2000x128xf32>
    %dot_general3A_59 = tpu.matmul %mul3A, %get3A_22, %dot_general3A_58 {dimension_numbers = #tpu.dot_dimension_numbers<[1], [0], [0], [1], [0, 0, 1, 1], [], []>, transpose_lhs_hint = false} : vector<2000x128xf32>, vector<128x128xf32>, vector<2000x128xf32> -> vector<2000x128xf32>
    %add3A_60 = vector.broadcast %get3A_25 : vector<1x128xf32> to vector<2000x128xf32>
    %add3A_61 = arith.addf %dot_general3A_59, %add3A_60 : vector<2000x128xf32>
    %reduce_sum3A = arith.constant dense<0.000000e+00> : vector<2000xf32>
    %reduce_sum3A_62 = vector.multi_reduction <add>, %add3A_61, %reduce_sum3A [1] : vector<2000x128xf32> to vector<2000xf32>
    %broadcast_in_dim3A = vector.shape_cast %reduce_sum3A_62 : vector<2000xf32> to vector<2000x1xf32>
    %div3A_63 = arith.constant 1.280000e+02 : f32
    %div3A_64 = vector.broadcast %div3A_63 : f32 to vector<2000x1xf32>
    %div3A_65 = arith.divf %broadcast_in_dim3A, %div3A_64 : vector<2000x1xf32>
    %sub3A = vector.broadcast %div3A_65 : vector<2000x1xf32> to vector<2000x128xf32>
    %sub3A_66 = arith.subf %add3A_61, %sub3A : vector<2000x128xf32>
    %integer_pow3A = arith.mulf %sub3A_66, %sub3A_66 : vector<2000x128xf32>
    %reduce_sum3A_67 = arith.constant dense<0.000000e+00> : vector<2000xf32>
    %reduce_sum3A_68 = vector.multi_reduction <add>, %integer_pow3A, %reduce_sum3A_67 [1] : vector<2000x128xf32> to vector<2000xf32>
    %broadcast_in_dim3A_69 = vector.shape_cast %reduce_sum3A_68 : vector<2000xf32> to vector<2000x1xf32>
    %div3A_70 = arith.constant 1.280000e+02 : f32
    %div3A_71 = vector.broadcast %div3A_70 : f32 to vector<2000x1xf32>
    %div3A_72 = arith.divf %broadcast_in_dim3A_69, %div3A_71 : vector<2000x1xf32>
    %sub3A_73 = vector.broadcast %div3A_65 : vector<2000x1xf32> to vector<2000x128xf32>
    %sub3A_74 = arith.subf %add3A_61, %sub3A_73 : vector<2000x128xf32>
    %add3A_75 = arith.constant 9.99999974E-6 : f32
    %add3A_76 = vector.broadcast %add3A_75 : f32 to vector<2000x1xf32>
    %add3A_77 = arith.addf %div3A_72, %add3A_76 : vector<2000x1xf32>
    %rsqrt3A = math.rsqrt %add3A_77 : vector<2000x1xf32>
    %mul3A_78 = vector.broadcast %rsqrt3A : vector<2000x1xf32> to vector<2000x128xf32>
    %mul3A_79 = arith.mulf %sub3A_74, %mul3A_78 : vector<2000x128xf32>
    %mul3A_80 = vector.broadcast %get3A_28 : vector<1x128xf32> to vector<2000x128xf32>
    %mul3A_81 = arith.mulf %mul3A_79, %mul3A_80 : vector<2000x128xf32>
    %add3A_82 = vector.broadcast %get3A_31 : vector<1x128xf32> to vector<2000x128xf32>
    %add3A_83 = arith.addf %mul3A_81, %add3A_82 : vector<2000x128xf32>
    %dot_general3A_84 = arith.constant dense<0.000000e+00> : vector<2000x128xf32>
    %dot_general3A_85 = tpu.matmul %add3A_83, %get3A_34, %dot_general3A_84 {dimension_numbers = #tpu.dot_dimension_numbers<[1], [0], [0], [1], [0, 0, 1, 1], [], []>, transpose_lhs_hint = false} : vector<2000x128xf32>, vector<128x128xf32>, vector<2000x128xf32> -> vector<2000x128xf32>
    %add3A_86 = vector.broadcast %get3A_37 : vector<1x128xf32> to vector<2000x128xf32>
    %add3A_87 = arith.addf %dot_general3A_85, %add3A_86 : vector<2000x128xf32>
    %logistic3A_88 = arith.negf %add3A_87 : vector<2000x128xf32>
    %logistic3A_89 = math.exp %logistic3A_88 : vector<2000x128xf32>
    %logistic3A_90 = arith.constant 1.000000e+00 : f32
    %logistic3A_91 = vector.broadcast %logistic3A_90 : f32 to vector<2000x128xf32>
    %logistic3A_92 = arith.addf %logistic3A_91, %logistic3A_89 : vector<2000x128xf32>
    %logistic3A_93 = arith.divf %logistic3A_91, %logistic3A_92 : vector<2000x128xf32>
    %dot_general3A_94 = arith.constant dense<0.000000e+00> : vector<2000x3xf32>
    %dot_general3A_95 = tpu.matmul %logistic3A_93, %get3A_40, %dot_general3A_94 {dimension_numbers = #tpu.dot_dimension_numbers<[1], [0], [0], [1], [0, 0, 1, 1], [], []>, transpose_lhs_hint = false} : vector<2000x128xf32>, vector<128x3xf32>, vector<2000x3xf32> -> vector<2000x3xf32>
    %add3A_96 = vector.broadcast %get3A_43 : vector<1x3xf32> to vector<2000x3xf32>
    %add3A_97 = arith.addf %dot_general3A_95, %add3A_96 : vector<2000x3xf32>
    %swap3A = arith.constant 0 : index
    %swap3A_98 = arith.constant 0 : index
    %swap3A_99 = vector.load %arg16[%swap3A, %swap3A_98] : memref<2000x3xf32, #tpu.memory_space<vmem>>, vector<2000x3xf32>
    tpu.vector_store %arg16[%swap3A, %swap3A_98], %add3A_97 {strides = array<i32>} : memref<2000x3xf32, #tpu.memory_space<vmem>>, vector<2000x3xf32>,
    return
  }
  func.func @transform_0(%arg0: i32) -> (i32, i32) {
    %c0_i32 = arith.constant 0 : i32
    %c0_i32_0 = arith.constant 0 : i32
    return %arg0, %c0_i32 : i32, i32
  }
  func.func @transform_1(%arg0: i32) -> (i32, i32) {
    %c0_i32 = arith.constant 0 : i32
    %c0_i32_0 = arith.constant 0 : i32
    return %arg0, %c0_i32 : i32, i32
  }
  func.func @transform_2(%arg0: i32) -> (i32, i32) {
    %c0_i32 = arith.constant 0 : i32
    %c0_i32_0 = arith.constant 0 : i32
    return %arg0, %c0_i32 : i32, i32
  }
  func.func @transform_3(%arg0: i32) -> (i32, i32) {
    %c0_i32 = arith.constant 0 : i32
    %c0_i32_0 = arith.constant 0 : i32
    return %arg0, %c0_i32 : i32, i32
  }
  func.func @transform_4(%arg0: i32) -> (i32, i32) {
    %c0_i32 = arith.constant 0 : i32
    %c0_i32_0 = arith.constant 0 : i32
    %c0_i32_1 = arith.constant 0 : i32
    return %c0_i32, %c0_i32_0 : i32, i32
  }
  func.func @transform_5(%arg0: i32) -> (i32, i32) {
    %c0_i32 = arith.constant 0 : i32
    %c0_i32_0 = arith.constant 0 : i32
    %c0_i32_1 = arith.constant 0 : i32
    return %c0_i32, %c0_i32_0 : i32, i32
  }
  func.func @transform_6(%arg0: i32) -> (i32, i32) {
    %c0_i32 = arith.constant 0 : i32
    %c0_i32_0 = arith.constant 0 : i32
    %c0_i32_1 = arith.constant 0 : i32
    return %c0_i32, %c0_i32_0 : i32, i32
  }
  func.func @transform_7(%arg0: i32) -> (i32, i32) {
    %c0_i32 = arith.constant 0 : i32
    %c0_i32_0 = arith.constant 0 : i32
    %c0_i32_1 = arith.constant 0 : i32
    return %c0_i32, %c0_i32_0 : i32, i32
  }
  func.func @transform_8(%arg0: i32) -> (i32, i32) {
    %c0_i32 = arith.constant 0 : i32
    %c0_i32_0 = arith.constant 0 : i32
    %c0_i32_1 = arith.constant 0 : i32
    return %c0_i32, %c0_i32_0 : i32, i32
  }
  func.func @transform_9(%arg0: i32) -> (i32, i32) {
    %c0_i32 = arith.constant 0 : i32
    %c0_i32_0 = arith.constant 0 : i32
    %c0_i32_1 = arith.constant 0 : i32
    return %c0_i32, %c0_i32_0 : i32, i32
  }
  func.func @transform_10(%arg0: i32) -> (i32, i32) {
    %c0_i32 = arith.constant 0 : i32
    %c0_i32_0 = arith.constant 0 : i32
    %c0_i32_1 = arith.constant 0 : i32
    return %c0_i32, %c0_i32_0 : i32, i32
  }
  func.func @transform_11(%arg0: i32) -> (i32, i32) {
    %c0_i32 = arith.constant 0 : i32
    %c0_i32_0 = arith.constant 0 : i32
    %c0_i32_1 = arith.constant 0 : i32
    return %c0_i32, %c0_i32_0 : i32, i32
  }
  func.func @transform_12(%arg0: i32) -> (i32, i32) {
    %c0_i32 = arith.constant 0 : i32
    %c0_i32_0 = arith.constant 0 : i32
    %c0_i32_1 = arith.constant 0 : i32
    return %c0_i32, %c0_i32_0 : i32, i32
  }
  func.func @transform_13(%arg0: i32) -> (i32, i32) {
    %c0_i32 = arith.constant 0 : i32
    %c0_i32_0 = arith.constant 0 : i32
    %c0_i32_1 = arith.constant 0 : i32
    return %c0_i32, %c0_i32_0 : i32, i32
  }
  func.func @transform_14(%arg0: i32) -> (i32, i32) {
    %c0_i32 = arith.constant 0 : i32
    %c0_i32_0 = arith.constant 0 : i32
    %c0_i32_1 = arith.constant 0 : i32
    return %c0_i32, %c0_i32_0 : i32, i32
  }
  func.func @transform_15(%arg0: i32) -> (i32, i32) {
    %c0_i32 = arith.constant 0 : i32
    %c0_i32_0 = arith.constant 0 : i32
    return %arg0, %c0_i32 : i32, i32
  }
}

</mosaic_0001>

<sc_bundles>
// kernel: closed_call.22.cloned.1.call-start
scs
__scs_entry_jumppad:
0x0: {  	(pc) =	sbr.rel $0x88, $3  }
0x1: {  	(tag) =	ssettag $0x0;
	lr =	simm.s32 $0x1  }
0x2: {  	[smem:$0x3F2E] =	sst lr;
	_ =	strace $0xD0000000  }
0x3: {  	_ = 	snop  }
0x4: {  	_ = 	snop  }
0x5: {  	_ = 	snop  }
0x6: {  	_ = 	snop  }
0x7: {  	_ = 	snop  }
__scs_overlays_trampoline_lowered:
0x8: {  	[smem:$0x3F3D] =	sst s0  }
0x9: {  	[smem:$0x3F3E] =	sst s1  }
0xa: {  	[smem:$0x3F3F] =	sst s2  }
0xb: {  	[smem:$0x3F40] =	sst s3  }
0xc: {  	[smem:$0x3F41] =	sst s4  }
0xd: {  	[smem:$0x3F42] =	sst s5  }
0xe: {  	[smem:$0x3F43] =	sst s6  }
0xf: {  	[smem:$0x3F44] =	sst s7  }
0x10: {  	[smem:$0x3F45] =	sst s8  }
0x11: {  	[smem:$0x3F46] =	sst s9;
	s0 =	simm.s32 @!p0 $0x0  }
0x12: {  	s1 =	sld [smem:$0x3F2C];
	s0 =	simm.s32 @p0 $0x1  }
0x13: {  	[smem:$0x3F47] =	sst s0;
	s0 =	simm.s32 @!p1 $0x0  }
0x14: {  	s2 =	sld [smem:$0x3F2B];
	s0 =	simm.s32 @p1 $0x1  }
0x15: {  	[smem:$0x3F48] =	sst s0;
	s0 =	simm.s32 @!p2 $0x0  }
0x16: {  	s3 =	sld [smem:$0x3FDB];
	s0 =	simm.s32 @p2 $0x1  }
0x17: {  	s4 =	simm.s32 $0x1BF5;
	[smem:$0x3F4A] =	sst s0  }
0x18: {  	s0 =	sld [smem:$0x3F2D];
	_ =	swait.ge [sflag:s4], $0x0  }
0x19: {  	s7 =	sld [smem:$0x3F2E]  }
0x1a: {  	s8 =	sadd.s32 $0xFFFFE003, lr  }
0x1b: {  	s9 =	sadd.s32 $0xFFFFFEF7, lr;
	s5 =	simm.s32 $0xFFFFFFFF;
	p2 =	slt.u32 s8, $0xFFFFF086  }
0x1c: {  	p1 =	slt.u32 s9, $0xF7A;
	s5 =	simm.s32 @!p2 $0x0  }
0x1d: {  	s5 =	simm.s32 @p1 $0x1;
	p0 =	seq.s32 s7, s2  }
0x1e: {  	s7 =	smul.u32 @!p0 $0xF7A, s2;
	p2 =	seq.s32 @!p0 s5, $0x0  }
0x1f: {  	s9 =	smul.u32 $0xF7A, s1;
	s8 =	simm.s32 @!p0 $0x1BF5;
	p2 =	por !p2, p0  }
0x20: {  	[sflag:s8] =	ssyncset.s32 @!p0 $0xFFFFF086;
	s6 =	sadd.s32 @!p0 s3, s7;
	s7 =	simm.s32 @!p0 $0x108  }
0x21: {  	s3 =	sadd.s32 s3, s9;
	s6 =	sadd.s32 @!p0 $0x88, s6;
	s7 =	simm.s32 @p2 $0x1082  }
0x22: {  	[simem:s7], [sflag:s8] =	dma.local @!p0 [hbm:s6], $0xF7A  }
0x23: {  	s9 =	sor.u32 $0xD0000000, s2;
	s6 =	simm.s32 $0x108;
	_ =	swait.ge @!p0 [sflag:s8], $0x0  }
0x24: {  	s3 =	sadd.s32 $0x88, s3;
	s6 =	simm.s32 @!p1 $0x1082;
	[sflag:s4] =	ssyncset.s32 $0xFFFFF086  }
0x25: {  	[simem:s6], [sflag:s4] =	dma.local [hbm:s3], $0xF7A  }
0x26: {  	[smem:$0x3F2E] =	sst s1;
	(tag) =	ssettag s2;
	_ =	strace s9  }
0x27: {  	s1 =	sld [smem:$0x3F3E]  }
0x28: {  	s2 =	sld [smem:$0x3F3F]  }
0x29: {  	s4 =	sld [smem:$0x3F41]  }
0x2a: {  	p0 =	seq.s32 s5, $0x0;
	s5 =	sld [smem:$0x3F42]  }
0x2b: {  	s6 =	sld [smem:$0x3F43]  }
0x2c: {  	s7 =	sld [smem:$0x3F44]  }
0x2d: {  	s3 =	simm.s32 $0x108;
	s8 =	sld [smem:$0x3F45]  }
0x2e: {  	s3 =	simm.s32 @!p0 $0x1082;
	s9 =	sld [smem:$0x3F46]  }
0x2f: {  	lr =	sadd.s32 s0, s3;
	s0 =	sld [smem:$0x3F3D]  }
0x30: {  	s3 =	sld [smem:$0x3F40]  }
0x31: {  	[smem:$0x3F49] =	sst s10  }
0x32: {  	s10 =	sld [smem:$0x3F47];
	_ =	sdelay $0x3  }
0x33: {  	p0 =	seq.s32 s10, $0x1;
	s10 =	sld [smem:$0x3F49];
	_ =	sdelay $0x3  }
0x34: {  	[smem:$0x3F49] =	sst s10  }
0x35: {  	s10 =	sld [smem:$0x3F48];
	_ =	sdelay $0x3  }
0x36: {  	p1 =	seq.s32 s10, $0x1;
	s10 =	sld [smem:$0x3F49];
	_ =	sdelay $0x3  }
0x37: {  	[smem:$0x3F49] =	sst s10  }
0x38: {  	s10 =	sld [smem:$0x3F4A]  }
0x39: {  	_ = 	snop;
	(pc) =	sbr.ind lr, $3  }
0x3a: {  	_ = 	snop  }
0x3b: {  	_ = 	snop  }
0x3c: {  	p2 =	seq.s32 s10, $0x1;
	s10 =	sld [smem:$0x3F49]  }
0x3d: {  	_ =	shalt  }
0x3e: {  	_ =	shalt  }
0x3f: {  	_ =	shalt  }
0x40: {  	_ =	shalt  }
0x41: {  	_ =	shalt  }
0x42: {  	_ =	shalt  }
0x43: {  	_ =	shalt  }
0x44: {  	_ =	shalt  }
0x45: {  	_ =	shalt  }
0x46: {  	_ =	shalt  }
0x47: {  	_ =	shalt  }
0x48: {  	_ =	shalt  }
0x49: {  	_ =	shalt  }
0x4a: {  	_ =	shalt  }
0x4b: {  	_ =	shalt  }
0x4c: {  	_ =	shalt  }
0x4d: {  	_ =	shalt  }
0x4e: {  	_ =	shalt  }
0x4f: {  	_ =	shalt  }
0x50: {  	_ =	shalt  }
0x51: {  	_ =	shalt  }
0x52: {  	_ =	shalt  }
0x53: {  	_ =	shalt  }
0x54: {  	_ =	shalt  }
0x55: {  	_ =	shalt  }
0x56: {  	_ =	shalt  }
0x57: {  	_ =	shalt  }
0x58: {  	_ =	shalt  }
0x59: {  	_ =	shalt  }
0x5a: {  	_ =	shalt  }
0x5b: {  	_ =	shalt  }
0x5c: {  	_ =	shalt  }
0x5d: {  	_ =	shalt  }
0x5e: {  	_ =	shalt  }
0x5f: {  	_ =	shalt  }
0x60: {  	_ =	shalt  }
0x61: {  	_ =	shalt  }
0x62: {  	_ =	shalt  }
0x63: {  	_ =	shalt  }
0x64: {  	_ =	shalt  }
0x65: {  	_ =	shalt  }
0x66: {  	_ =	shalt  }
0x67: {  	_ =	shalt  }
0x68: {  	_ =	shalt  }
0x69: {  	_ =	shalt  }
0x6a: {  	_ =	shalt  }
0x6b: {  	_ =	shalt  }
0x6c: {  	_ =	shalt  }
0x6d: {  	_ =	shalt  }
0x6e: {  	_ =	shalt  }
0x6f: {  	_ =	shalt  }
0x70: {  	_ =	shalt  }
0x71: {  	_ =	shalt  }
0x72: {  	_ =	shalt  }
0x73: {  	_ =	shalt  }
0x74: {  	_ =	shalt  }
0x75: {  	_ =	shalt  }
0x76: {  	_ =	shalt  }
0x77: {  	_ =	shalt  }
0x78: {  	_ =	shalt  }
0x79: {  	_ =	shalt  }
0x7a: {  	_ =	shalt  }
0x7b: {  	_ =	shalt  }
0x7c: {  	_ =	shalt  }
0x7d: {  	_ =	shalt  }
0x7e: {  	_ =	shalt  }
0x7f: {  	_ =	shalt  }
0x80: {  	_ =	shalt  }
0x81: {  	_ =	shalt  }
0x82: {  	_ =	shalt  }
0x83: {  	_ =	shalt  }
0x84: {  	_ =	shalt  }
0x85: {  	_ =	shalt  }
0x86: {  	_ =	shalt  }
0x87: {  	_ =	shalt  }
.Lfunc_end0:
.L_simem_size_0:
called_computation_lowered:
.L_overlay_start_0:
0x88: {  	s2 =	sld [smem:$0x3FD9]  }
0x89: {  	s3 =	sld [smem:$0x3FFE];
	_ =	sdelay $0x1  }
0x8a: {  	s1 =	srdreg.scid  }
0x8b: {  	s0 =	sand.u32 $0x1, s1  }
0x8c: {  	s16 =	sshll.u32 s0, $0xA;
	s2 =	sadd.s32 s3, s2  }
0x8d: {  	s2 =	sadd.s32 s2, s16  }
0x8e: {  	[smem:$0x3F55] =	sst s2  }
0x8f: {  	_ = 	snop  }
0x90: {  	(tm) =	ssettm $0x1  }
0x91: {  	s17 =	sld [smem:$0x3FFB];
	_ =	sdelay $0x3  }
0x92: {  	_ =	strace s17  }
0x93: {  	s2 =	sld [smem:$0x3FFC];
	_ =	sdelay $0x3  }
0x94: {  	_ =	strace s2  }
0x95: {  	s2 =	sld [smem:$0x3FFD];
	_ =	sdelay $0x3  }
0x96: {  	_ =	strace s2  }
0x97: {  	_ =	strace $0x8FFFFFFF  }
0x98: {  	s18 =	sld [smem:$0x3FDB];
	_ =	sdelay $0x1  }
0x99: {  	s19 =	simm.s32 $_scs_section_size  }
0x9a: {  	s4 =	simm.s32 $_size__tile_overlayer_lowered;
	s5 =	simm.s32 $_tile_overlayer_lowered  }
0x9b: {  	s22 =	simm.s32 $0x1BFF;
	s21 =	sshll.u32 s5, $0x1;
	s2 =	sadd.s32 s19, s18  }
0x9c: {  	s6 =	simm.s32 $0x0;
	s20 =	sshll.u32 s4, $0x1;
	s4 =	sadd.s32 s21, s2  }
0x9d: {  	[timem:s6], [sflag:s22] =	dma.local [hbm:s4], s20  }
0x9e: {  	_ =	swait.ge [sflag:s22], s20  }
0x9f: {  	s3 =	ssub.s32 $0x0, s20;
	[sflag:s22] =	ssyncset.done $0x0  }
0xa0: {  	[sflag:s22] =	ssyncadd.s32 s3;
	_ =	sdelay $0x1  }
0xa1: {  	s23 =	simm.s32 $0x1B8B  }
0xa2: {  	_ =	swait.ge [sflag:s23], $0x1  }
0xa3: {  	[sflag:s23] =	ssyncset.done $0x0  }
0xa4: {  	s25 =	simm.s32 $0x1B8E;
	s24 =	sld [smem:$0x3FFE];
	[sflag:s23] =	ssyncadd.s32 $0xFFFFFFFF  }
0xa5: {  	s26 =	simm.s32 $execute0_lowered;
	[smem:$0x3FD2] =	sst s25  }
0xa6: {  	s4 =	sshll.u32 s26, $0x1;
	_ =	strace $0x80000052;
	[dreg:$0x1] =	wrdreg $0xFFFFFFFF  }
0xa7: {  	s28 =	simm.s32 $_size_execute0_lowered;
	s2 =	sadd.s32 s2, s4;
	[dreg:$0x0] =	wrdreg $0x0  }
0xa8: {  	s4 =	sshll.u32 s28, $0x1;
	[dreg:$0x2] =	wrdreg s2  }
0xa9: {  	[dreg:$0x3] =	wrdreg s4  }
0xaa: {  	[dreg:$0x4] =	wrdreg $0xC0  }
0xab: {  	_ =	task [dreg:s6], $0x5FFFF  }
0xac: {  	[dreg:$0x1] =	wrdreg $0xFFFFFFFF  }
0xad: {  	[dreg:$0x0] =	wrdreg $0x60  }
0xae: {  	[dreg:$0x2] =	wrdreg s24  }
0xaf: {  	[dreg:$0x3] =	wrdreg $0x9  }
0xb0: {  	_ =	task.clear_ibuf [dreg:s6], $0x4FFFF;
	_ =	strace $0x90000052  }
0xb1: {  	s29 =	simm.s32 $0x9;
	_ =	strace $0x80000054  }
0xb2: {  	_ =	swait.ge [sflag:s29], $0x1  }
0xb3: {  	[sflag:s29] =	ssyncadd.s32 $0xFFFFFFFF  }
0xb4: {  	_ =	strace $0x90000054  }
0xb5: {  	_ =	sfence  }
0xb6: {  	s30 =	sld [smem:$0x0];
	_ =	sdelay $0x2  }
0xb7: {  	s31 =	sshll.u32 s1, $0xD;
	s1 =	sshrl.u32 s1, $0x2  }
0xb8: {  	s3 =	sand.u32 $0x4000, s31;
	s1 =	sadd.s32 s1, s30  }
0xb9: {  	s0 =	sor.u32 s3, s0;
	s1 =	sshll.u32 s1, $0x11  }
0xba: {  	s0 =	sor.u32 s1, s0  }
0xbb: {  	s0 =	sadd.s32 $0x8F2B, s0  }
0xbc: {  	[sflag:s0] =	ssyncadd.remote.s32 $0x1  }
0xbd: {  	_ =	sfence.sel $0xFFFF  }
0xbe: {  	[dreg:$0x0] =	wrdreg $0xFFFFFFFF;
	(pc) =	sbr.abs _section_cstart, $3  }
0xbf: {  	[dreg:$0x1] =	wrdreg $0xFFFFFFFF  }
0xc0: {  	_ =	task.clear_ibuf [dreg:s6], $0x2FFFF;
	_ =	strace $0x9FFFFFFF  }
0xc1: {  	(tm) =	ssettm $0x7FFFFFFF  }
tec
execute0_lowered:
.L_overlay_start_1:
0x0: {  	(tag) =	ssettag $0x1  }
0x1: {  	s0 =	rddreg [dreg:$0x0];
	s2 =	simm.s32 $0x0  }
0x2: {  	s1 =	srdreg.scid;
	s3 =	stileid.u32;
	s14 =	simm.s32 $0x100  }
0x3: {  	s15 =	simm.s32 $0x1;
	s16 =	simm.s32 $0x80;
	s17 =	simm.s32 $0x180  }
0x4: {  	s18 =	simm.s32 $0x50;
	s19 =	simm.s32 $0x200;
	s20 =	simm.s32 $0x5200  }
0x5: {  	s21 =	simm.s32 $0x3;
	s22 =	simm.s32 $0x2;
	s23 =	simm.s32 $0x2A00  }
0x6: {  	s24 =	simm.s32 $0x7A00;
	s25 =	simm.s32 $0x4;
	s26 =	simm.s32 $0x5  }
0x7: {  	s28 =	simm.s32 $0x6;
	s1 =	sand.u32 $0x1, s1;
	s3 =	sshll.u32 s3, $0x1  }
0x8: {  	s29 =	simm.s32 $0x0;
	[smem:$0x7FF] =	sst s2;
	s5 =	sor.u32 s1, s3  }
0x9: {  	s4 =	sadd.s32 $0x18C00, s0;
	s6 =	sadd.s32 $0x17800, s0;
	s5 =	smul.u32 $0x500, s5  }
.Ltmp0:
0xa: {  	s7 =	sadd.s32 $0x12A000, s0;
	s1 =	ssub.s32 $0x2, s1;
	(pc) =	sbr.rel .LBB2_1-.Ltmp0, $4  }
0xb: {  	s8 =	sadd.s32 $0x1CA000, s0;
	_ =	strace $0x80000053;
	s30 =	sshrl.u32 s1, $0x1  }
0xc: {  	s3 =	sadd.s32 $0x1B400, s0;
	s0 =	ssub.s32 s1, s30;
	s10 =	sshrl.u32 s5, $0x3  }
0xd: {  	s11 =	sor.u32 $0x50, s5;
	s12 =	sor.u32 $0xA0, s5;
	s31 =	sadd.s32 s4, s10  }
0xe: {  	s13 =	smax.u32 s0, $0x1;
	s10 =	sadd.s32 s6, s10;
	[dreg:$0x2] =	wrdreg s31  }
.LBB2_8:
0xf: {  	s29 =	sadd.s32 $0x1, s29  }
0x10: {  	_ =	swait.ge [sflag:s28], $0x2800;
	p0 =	sne.s32 s29, s13  }
.Ltmp1:
0x11: {  	[sflag:s28] =	ssyncset.done $0x0;
	(pc) =	sbr.rel @!p0 .LBB2_9-.Ltmp1, $4  }
0x12: {  	[sflag:s28] =	ssyncadd.s32 $0xFFFFD800  }
0x13: {  	_ =	swait.ge [sflag:s28], $0x2800  }
0x14: {  	[sflag:s28] =	ssyncset.done $0x0  }
0x15: {  	[sflag:s28] =	ssyncadd.s32 $0xFFFFD800  }
.LBB2_1:
.Ltmp2:
0x16: {  	(pc) =	sbr.rel .LBB2_2-.Ltmp2, $4  }
0x17: {  	s0 =	rddreg [dreg:$0x2]  }
0x18: {  	[tilespmem:s2], [sflag:$0x1] =	stream.linear.gather [hbm4b:s0+s2], $0x50, $0x38;
	[tilespmem:$0xA200] =	vst v63  }
0x19: {  	s0 =	simm.s32 $0x0  }
0x1a: {  	[tilespmem:s14], [sflag:$0x1] =	stream.linear.gather [hbm4b:s10+s2], $0x50, $0x38;
	[tilespmem:$0xA200] =	vst v63  }
.LBB2_3:
0x1b: {  	[tilespmem:s23], [sflag:$0x4] =	stream.indirect.gather [hbm4b:s3+s18], $0x80, s16, s18, $0xb8;
	[tilespmem:$0xA200] =	vst v63  }
0x1c: {  	s1 =	simm.s32 $0x1  }
0x1d: {  	[tilespmem:s24], [sflag:$0x4] =	stream.indirect.gather [hbm4b:s3+s18], $0x80, s17, s18, $0xb8;
	[tilespmem:$0xA200] =	vst v63  }
.LBB2_6:
0x1e: {  	s0 =	sadd.s32 s31, s12  }
0x1f: {  	s0 =	sshrl.u32 s0, $0x3  }
0x20: {  	s9 =	sadd.s32 s4, s0  }
0x21: {  	[tilespmem:s2], [sflag:$0x1] =	stream.linear.gather [hbm4b:s9+s2], $0x50, $0x38;
	[tilespmem:$0xA200] =	vst v63  }
0x22: {  	s0 =	sadd.s32 s6, s0  }
0x23: {  	[tilespmem:s14], [sflag:$0x1] =	stream.linear.gather [hbm4b:s0+s2], $0x50, $0x38;
	[tilespmem:$0xA200] =	vst v63  }
.LBB2_7:
0x24: {  	_ =	swait.ge [sflag:s25], $0x2800  }
0x25: {  	[sflag:s25] =	ssyncset.done $0x0  }
0x26: {  	[sflag:s25] =	ssyncadd.s32 $0xFFFFD800  }
0x27: {  	_ =	swait.ge [sflag:s25], $0x2800  }
0x28: {  	s0 =	sshll.u32 s30, $0x4;
	[sflag:s25] =	ssyncset.done $0x0  }
0x29: {  	s9 =	sadd.s32 s7, s0;
	[sflag:s25] =	ssyncadd.s32 $0xFFFFD800  }
0x2a: {  	[hbm4b:s9+s2] =	stream.linear.scatter [tilespmem:s23], [sflag:$0x6], $0x2800, $0x38;
	[tilespmem:$0xA200] =	vst v63  }
0x2b: {  	s0 =	sadd.s32 s8, s0  }
0x2c: {  	[hbm4b:s0+s2] =	stream.linear.scatter [tilespmem:s24], [sflag:$0x6], $0x2800, $0x38;
	[tilespmem:$0xA200] =	vst v63  }
0x2d: {  	p0 =	slt.u32 s1, $0x8;
	_ =	swait.ge [sflag:s26], $0x2800  }
.Ltmp3:
0x2e: {  	[sflag:s26] =	ssyncset.done $0x0;
	(pc) =	sbr.rel @!p0 .LBB2_8-.Ltmp3, $4  }
0x2f: {  	[sflag:s26] =	ssyncadd.s32 $0xFFFFD800  }
0x30: {  	_ =	swait.ge [sflag:s26], $0x2800  }
0x31: {  	[sflag:s26] =	ssyncset.done $0x0  }
0x32: {  	s0 =	smov.u32 s1;
	[sflag:s26] =	ssyncadd.s32 $0xFFFFD800  }
.LBB2_2:
0x33: {  	_ =	swait.ge [sflag:s15], $0x50  }
0x34: {  	s31 =	smul.u32 $0xA0, s0;
	[sflag:s15] =	ssyncset.done $0x0  }
0x35: {  	[sflag:s15] =	ssyncadd.s32 $0xFFFFFFB0  }
0x36: {  	s30 =	sadd.s32 s31, s11;
	_ =	swait.ge [sflag:s15], $0x50  }
0x37: {  	s1 =	sshrl.u32 s30, $0x3;
	[sflag:s15] =	ssyncset.done $0x0  }
0x38: {  	s9 =	sadd.s32 s4, s1;
	[sflag:s15] =	ssyncadd.s32 $0xFFFFFFB0  }
0x39: {  	[tilespmem:s16], [sflag:$0x2] =	stream.linear.gather [hbm4b:s9+s2], $0x50, $0x38;
	[tilespmem:$0xA200] =	vst v63  }
0x3a: {  	s1 =	sadd.s32 s6, s1  }
0x3b: {  	[tilespmem:s17], [sflag:$0x2] =	stream.linear.gather [hbm4b:s1+s2], $0x50, $0x38;
	[tilespmem:$0xA200] =	vst v63  }
0x3c: {  	_ = 	snop  }
0x3d: {  	[tilespmem:s19], [sflag:$0x3] =	stream.indirect.gather [hbm4b:s3+s18], $0x80, s2, s18, $0xb8;
	[tilespmem:$0xA200] =	vst v63  }
0x3e: {  	_ = 	snop  }
0x3f: {  	[tilespmem:s20], [sflag:$0x3] =	stream.indirect.gather [hbm4b:s3+s18], $0x80, s14, s18, $0xb8;
	[tilespmem:$0xA200] =	vst v63  }
0x40: {  	_ =	swait.ge [sflag:s21], $0x2800  }
0x41: {  	[sflag:s21] =	ssyncset.done $0x0  }
0x42: {  	[sflag:s21] =	ssyncadd.s32 $0xFFFFD800  }
0x43: {  	s9 =	sadd.s32 s5, s31;
	_ =	swait.ge [sflag:s21], $0x2800  }
0x44: {  	s1 =	sshll.u32 s9, $0x4;
	[sflag:s21] =	ssyncset.done $0x0  }
0x45: {  	s9 =	sadd.s32 s7, s1;
	[sflag:s21] =	ssyncadd.s32 $0xFFFFD800  }
0x46: {  	[hbm4b:s9+s2] =	stream.linear.scatter [tilespmem:s19], [sflag:$0x5], $0x2800, $0x38;
	[tilespmem:$0xA200] =	vst v63  }
0x47: {  	s1 =	sadd.s32 s8, s1  }
0x48: {  	[hbm4b:s1+s2] =	stream.linear.scatter [tilespmem:s20], [sflag:$0x5], $0x2800, $0x38;
	[tilespmem:$0xA200] =	vst v63  }
0x49: {  	p0 =	sne.s32 s0, $0x0;
	_ =	swait.ge [sflag:s22], $0x50  }
.Ltmp4:
0x4a: {  	[sflag:s22] =	ssyncset.done $0x0;
	(pc) =	sbr.rel @!p0 .LBB2_3-.Ltmp4, $4  }
0x4b: {  	[sflag:s22] =	ssyncadd.s32 $0xFFFFFFB0  }
0x4c: {  	_ =	swait.ge [sflag:s22], $0x50  }
0x4d: {  	[sflag:s22] =	ssyncset.done $0x0  }
0x4e: {  	[sflag:s22] =	ssyncadd.s32 $0xFFFFFFB0  }
0x4f: {  	_ =	swait.ge [sflag:s28], $0x2800  }
0x50: {  	[sflag:s28] =	ssyncset.done $0x0  }
0x51: {  	[sflag:s28] =	ssyncadd.s32 $0xFFFFD800  }
0x52: {  	p0 =	seq.s32 s0, $0x7;
	_ =	swait.ge [sflag:s28], $0x2800  }
.Ltmp5:
0x53: {  	[sflag:s28] =	ssyncset.done $0x0;
	(pc) =	sbr.rel @p0 .LBB2_7-.Ltmp5, $4  }
0x54: {  	[sflag:s28] =	ssyncadd.s32 $0xFFFFD800  }
0x55: {  	[tilespmem:s23], [sflag:$0x4] =	stream.indirect.gather [hbm4b:s3+s18], $0x80, s16, s18, $0xb8;
	[tilespmem:$0xA200] =	vst v63  }
0x56: {  	s1 =	simm.s32 $0x8  }
0x57: {  	[tilespmem:s24], [sflag:$0x4] =	stream.indirect.gather [hbm4b:s3+s18], $0x80, s17, s18, $0xb8;
	[tilespmem:$0xA200] =	vst v63  }
.Ltmp6:
0x58: {  	(pc) =	sbr.rel .LBB2_6-.Ltmp6, $2  }
0x59: {  	_ =	sdelay $0x2  }
0x5a: {  	s1 =	sadd.s32 $0x1, s0  }
.LBB2_9:
0x5b: {  	_ =	sfence.sel $0x180000  }
0x5c: {  	[bflag:$0x0] =	sbarrier.arrive $0xFFFF  }
0x5d: {  	_ =	strace $0x90000053  }
0x5e: {  	s0 =	stileid.u32;
	[bflag:$0x2] =	sbarrier.arrive $0xFFFF  }
0x5f: {  	p0 =	sne.s32 s0, $0x0;
	s0 =	rddreg [dreg:$0x1]  }
0x60: {  	s0 =	sadd.s32 @!p0 $0x100000, s0  }
0x61: {  	[sflag:s0] =	ssyncadd.tile.s32 @!p0 $0x1;
	_ =	shalt  }
.Lfunc_end2:
_tile_overlayer_lowered:
.L_overlay_start_2:
0x62: {  	(tag) =	ssettag $0x2  }
0x63: {  	s0 =	rddreg [dreg:$0x0];
	s2 =	stileid.u32  }
0x64: {  	s1 =	rddreg [dreg:$0x1];
	p0 =	sne.s32 s2, $0x0  }
0x65: {  	s3 =	rddreg [dreg:$0x2];
	[bflag:$0x3] =	sbarrier.arrive $0xFFFF;
	s2 =	simm.s32 @!p0 $0x1C07  }
0x66: {  	[timem:s3], [sflag:s2] =	dma.local @!p0 [hbm:s0], s1  }
0x67: {  	s0 =	simm.s32 @!p0 $0x7  }
0x68: {  	_ =	swait.ge @!p0 [sflag:s0], s1  }
0x69: {  	s1 =	ssub.s32 @!p0 $0x0, s1;
	[sflag:s0] =	ssyncset.done @!p0 $0x0  }
0x6a: {  	[sflag:s0] =	ssyncadd.s32 @!p0 s1  }
0x6b: {  	[bflag:$0x3] =	sbarrier.arrive $0xFFFF  }
0x6c: {  	_ =	shalt  }

// kernel: closed_call.25.cloned.1.call-start
scs
__scs_entry_jumppad:
0x0: {  	(pc) =	sbr.rel $0x88, $3  }
0x1: {  	(tag) =	ssettag $0x0;
	lr =	simm.s32 $0x1  }
0x2: {  	[smem:$0x3F2E] =	sst lr;
	_ =	strace $0xD0000000  }
0x3: {  	_ = 	snop  }
0x4: {  	_ = 	snop  }
0x5: {  	_ = 	snop  }
0x6: {  	_ = 	snop  }
0x7: {  	_ = 	snop  }
__scs_overlays_trampoline_lowered:
0x8: {  	[smem:$0x3F3D] =	sst s0  }
0x9: {  	[smem:$0x3F3E] =	sst s1  }
0xa: {  	[smem:$0x3F3F] =	sst s2  }
0xb: {  	[smem:$0x3F40] =	sst s3  }
0xc: {  	[smem:$0x3F41] =	sst s4  }
0xd: {  	[smem:$0x3F42] =	sst s5  }
0xe: {  	[smem:$0x3F43] =	sst s6  }
0xf: {  	[smem:$0x3F44] =	sst s7  }
0x10: {  	[smem:$0x3F45] =	sst s8  }
0x11: {  	[smem:$0x3F46] =	sst s9;
	s0 =	simm.s32 @!p0 $0x0  }
0x12: {  	s1 =	sld [smem:$0x3F2C];
	s0 =	simm.s32 @p0 $0x1  }
0x13: {  	[smem:$0x3F47] =	sst s0;
	s0 =	simm.s32 @!p1 $0x0  }
0x14: {  	s2 =	sld [smem:$0x3F2B];
	s0 =	simm.s32 @p1 $0x1  }
0x15: {  	[smem:$0x3F48] =	sst s0;
	s0 =	simm.s32 @!p2 $0x0  }
0x16: {  	s3 =	sld [smem:$0x3FDB];
	s0 =	simm.s32 @p2 $0x1  }
0x17: {  	s4 =	simm.s32 $0x1BF5;
	[smem:$0x3F4A] =	sst s0  }
0x18: {  	s0 =	sld [smem:$0x3F2D];
	_ =	swait.ge [sflag:s4], $0x0  }
0x19: {  	s7 =	sld [smem:$0x3F2E]  }
0x1a: {  	s8 =	sadd.s32 $0xFFFFE003, lr  }
0x1b: {  	s9 =	sadd.s32 $0xFFFFFEF7, lr;
	s5 =	simm.s32 $0xFFFFFFFF;
	p2 =	slt.u32 s8, $0xFFFFF086  }
0x1c: {  	p1 =	slt.u32 s9, $0xF7A;
	s5 =	simm.s32 @!p2 $0x0  }
0x1d: {  	s5 =	simm.s32 @p1 $0x1;
	p0 =	seq.s32 s7, s2  }
0x1e: {  	s7 =	smul.u32 @!p0 $0xF7A, s2;
	p2 =	seq.s32 @!p0 s5, $0x0  }
0x1f: {  	s9 =	smul.u32 $0xF7A, s1;
	s8 =	simm.s32 @!p0 $0x1BF5;
	p2 =	por !p2, p0  }
0x20: {  	[sflag:s8] =	ssyncset.s32 @!p0 $0xFFFFF086;
	s6 =	sadd.s32 @!p0 s3, s7;
	s7 =	simm.s32 @!p0 $0x108  }
0x21: {  	s3 =	sadd.s32 s3, s9;
	s6 =	sadd.s32 @!p0 $0x88, s6;
	s7 =	simm.s32 @p2 $0x1082  }
0x22: {  	[simem:s7], [sflag:s8] =	dma.local @!p0 [hbm:s6], $0xF7A  }
0x23: {  	s9 =	sor.u32 $0xD0000000, s2;
	s6 =	simm.s32 $0x108;
	_ =	swait.ge @!p0 [sflag:s8], $0x0  }
0x24: {  	s3 =	sadd.s32 $0x88, s3;
	s6 =	simm.s32 @!p1 $0x1082;
	[sflag:s4] =	ssyncset.s32 $0xFFFFF086  }
0x25: {  	[simem:s6], [sflag:s4] =	dma.local [hbm:s3], $0xF7A  }
0x26: {  	[smem:$0x3F2E] =	sst s1;
	(tag) =	ssettag s2;
	_ =	strace s9  }
0x27: {  	s1 =	sld [smem:$0x3F3E]  }
0x28: {  	s2 =	sld [smem:$0x3F3F]  }
0x29: {  	s4 =	sld [smem:$0x3F41]  }
0x2a: {  	p0 =	seq.s32 s5, $0x0;
	s5 =	sld [smem:$0x3F42]  }
0x2b: {  	s6 =	sld [smem:$0x3F43]  }
0x2c: {  	s7 =	sld [smem:$0x3F44]  }
0x2d: {  	s3 =	simm.s32 $0x108;
	s8 =	sld [smem:$0x3F45]  }
0x2e: {  	s3 =	simm.s32 @!p0 $0x1082;
	s9 =	sld [smem:$0x3F46]  }
0x2f: {  	lr =	sadd.s32 s0, s3;
	s0 =	sld [smem:$0x3F3D]  }
0x30: {  	s3 =	sld [smem:$0x3F40]  }
0x31: {  	[smem:$0x3F49] =	sst s10  }
0x32: {  	s10 =	sld [smem:$0x3F47];
	_ =	sdelay $0x3  }
0x33: {  	p0 =	seq.s32 s10, $0x1;
	s10 =	sld [smem:$0x3F49];
	_ =	sdelay $0x3  }
0x34: {  	[smem:$0x3F49] =	sst s10  }
0x35: {  	s10 =	sld [smem:$0x3F48];
	_ =	sdelay $0x3  }
0x36: {  	p1 =	seq.s32 s10, $0x1;
	s10 =	sld [smem:$0x3F49];
	_ =	sdelay $0x3  }
0x37: {  	[smem:$0x3F49] =	sst s10  }
0x38: {  	s10 =	sld [smem:$0x3F4A]  }
0x39: {  	_ = 	snop;
	(pc) =	sbr.ind lr, $3  }
0x3a: {  	_ = 	snop  }
0x3b: {  	_ = 	snop  }
0x3c: {  	p2 =	seq.s32 s10, $0x1;
	s10 =	sld [smem:$0x3F49]  }
0x3d: {  	_ =	shalt  }
0x3e: {  	_ =	shalt  }
0x3f: {  	_ =	shalt  }
0x40: {  	_ =	shalt  }
0x41: {  	_ =	shalt  }
0x42: {  	_ =	shalt  }
0x43: {  	_ =	shalt  }
0x44: {  	_ =	shalt  }
0x45: {  	_ =	shalt  }
0x46: {  	_ =	shalt  }
0x47: {  	_ =	shalt  }
0x48: {  	_ =	shalt  }
0x49: {  	_ =	shalt  }
0x4a: {  	_ =	shalt  }
0x4b: {  	_ =	shalt  }
0x4c: {  	_ =	shalt  }
0x4d: {  	_ =	shalt  }
0x4e: {  	_ =	shalt  }
0x4f: {  	_ =	shalt  }
0x50: {  	_ =	shalt  }
0x51: {  	_ =	shalt  }
0x52: {  	_ =	shalt  }
0x53: {  	_ =	shalt  }
0x54: {  	_ =	shalt  }
0x55: {  	_ =	shalt  }
0x56: {  	_ =	shalt  }
0x57: {  	_ =	shalt  }
0x58: {  	_ =	shalt  }
0x59: {  	_ =	shalt  }
0x5a: {  	_ =	shalt  }
0x5b: {  	_ =	shalt  }
0x5c: {  	_ =	shalt  }
0x5d: {  	_ =	shalt  }
0x5e: {  	_ =	shalt  }
0x5f: {  	_ =	shalt  }
0x60: {  	_ =	shalt  }
0x61: {  	_ =	shalt  }
0x62: {  	_ =	shalt  }
0x63: {  	_ =	shalt  }
0x64: {  	_ =	shalt  }
0x65: {  	_ =	shalt  }
0x66: {  	_ =	shalt  }
0x67: {  	_ =	shalt  }
0x68: {  	_ =	shalt  }
0x69: {  	_ =	shalt  }
0x6a: {  	_ =	shalt  }
0x6b: {  	_ =	shalt  }
0x6c: {  	_ =	shalt  }
0x6d: {  	_ =	shalt  }
0x6e: {  	_ =	shalt  }
0x6f: {  	_ =	shalt  }
0x70: {  	_ =	shalt  }
0x71: {  	_ =	shalt  }
0x72: {  	_ =	shalt  }
0x73: {  	_ =	shalt  }
0x74: {  	_ =	shalt  }
0x75: {  	_ =	shalt  }
0x76: {  	_ =	shalt  }
0x77: {  	_ =	shalt  }
0x78: {  	_ =	shalt  }
0x79: {  	_ =	shalt  }
0x7a: {  	_ =	shalt  }
0x7b: {  	_ =	shalt  }
0x7c: {  	_ =	shalt  }
0x7d: {  	_ =	shalt  }
0x7e: {  	_ =	shalt  }
0x7f: {  	_ =	shalt  }
0x80: {  	_ =	shalt  }
0x81: {  	_ =	shalt  }
0x82: {  	_ =	shalt  }
0x83: {  	_ =	shalt  }
0x84: {  	_ =	shalt  }
0x85: {  	_ =	shalt  }
0x86: {  	_ =	shalt  }
0x87: {  	_ =	shalt  }
.Lfunc_end0:
.L_simem_size_0:
called_computation.1_lowered:
.L_overlay_start_0:
0x88: {  	s2 =	sld [smem:$0x3FD9]  }
0x89: {  	s3 =	sld [smem:$0x3FFE];
	_ =	sdelay $0x1  }
0x8a: {  	s1 =	srdreg.scid  }
0x8b: {  	s0 =	sand.u32 $0x1, s1  }
0x8c: {  	s17 =	sshll.u32 s0, $0xA;
	s2 =	sadd.s32 s3, s2  }
0x8d: {  	s2 =	sadd.s32 s2, s17  }
0x8e: {  	[smem:$0x3F55] =	sst s2  }
0x8f: {  	_ = 	snop  }
0x90: {  	s2 =	sld [smem:$0x3FD0];
	(tm) =	ssettm $0x1  }
0x91: {  	s18 =	sld [smem:$0x3FFB];
	_ =	sdelay $0x3  }
0x92: {  	_ =	strace s18  }
0x93: {  	s3 =	sld [smem:$0x3FFC];
	_ =	sdelay $0x3  }
0x94: {  	_ =	strace s3  }
0x95: {  	s3 =	sld [smem:$0x3FFD];
	_ =	sdelay $0x3  }
0x96: {  	_ =	strace s3  }
0x97: {  	_ =	strace $0x8FFFFFFF  }
0x98: {  	s19 =	sld [smem:$0x3FDB];
	_ =	sdelay $0x1  }
0x99: {  	s4 =	simm.s32 $_scs_section_size  }
0x9a: {  	s5 =	simm.s32 $_size__tile_overlayer_lowered;
	s6 =	simm.s32 $_tile_overlayer_lowered  }
0x9b: {  	s22 =	simm.s32 $0x1BFF;
	s21 =	sshll.u32 s6, $0x1;
	s3 =	sadd.s32 s4, s19  }
0x9c: {  	s7 =	simm.s32 $0x0;
	s20 =	sshll.u32 s5, $0x1;
	s5 =	sadd.s32 s21, s3  }
0x9d: {  	[timem:s7], [sflag:s22] =	dma.local [hbm:s5], s20  }
0x9e: {  	_ =	swait.ge [sflag:s22], s20  }
0x9f: {  	s4 =	ssub.s32 $0x0, s20;
	[sflag:s22] =	ssyncset.done $0x0  }
0xa0: {  	[sflag:s22] =	ssyncadd.s32 s4;
	_ =	sdelay $0x1  }
0xa1: {  	s23 =	simm.s32 $0x1B8B  }
0xa2: {  	_ =	swait.ge [sflag:s23], $0x1  }
0xa3: {  	[sflag:s23] =	ssyncset.done $0x0  }
0xa4: {  	s25 =	simm.s32 $0x1B8E;
	s24 =	sld [smem:$0x3FFE];
	[sflag:s23] =	ssyncadd.s32 $0xFFFFFFFF  }
0xa5: {  	s26 =	simm.s32 $execute0_lowered;
	[smem:$0x3FD2] =	sst s25  }
0xa6: {  	s5 =	sshll.u32 s26, $0x1;
	_ =	strace $0x80000055;
	[dreg:$0x1] =	wrdreg $0xFFFFFFFF  }
0xa7: {  	s28 =	simm.s32 $_size_execute0_lowered;
	s3 =	sadd.s32 s3, s5;
	[dreg:$0x0] =	wrdreg $0x0  }
0xa8: {  	s5 =	sshll.u32 s28, $0x1;
	[dreg:$0x2] =	wrdreg s3  }
0xa9: {  	[dreg:$0x3] =	wrdreg s5  }
0xaa: {  	[dreg:$0x4] =	wrdreg $0xC0  }
0xab: {  	_ =	task [dreg:s7], $0x5FFFF  }
0xac: {  	[dreg:$0x1] =	wrdreg $0xFFFFFFFF  }
0xad: {  	[dreg:$0x0] =	wrdreg $0x60  }
0xae: {  	[dreg:$0x2] =	wrdreg s24  }
0xaf: {  	[dreg:$0x3] =	wrdreg s2  }
0xb0: {  	[dreg:$0x4] =	wrdreg $0x79000  }
0xb1: {  	[dreg:$0x5] =	wrdreg $0x9  }
0xb2: {  	_ =	task.clear_ibuf [dreg:s7], $0x6FFFF;
	_ =	strace $0x90000055  }
0xb3: {  	s29 =	simm.s32 $0x9;
	_ =	strace $0x80000057  }
0xb4: {  	_ =	swait.ge [sflag:s29], $0x1  }
0xb5: {  	[sflag:s29] =	ssyncadd.s32 $0xFFFFFFFF  }
0xb6: {  	_ =	strace $0x90000057  }
0xb7: {  	_ =	sfence  }
0xb8: {  	s30 =	sld [smem:$0x0];
	_ =	sdelay $0x2  }
0xb9: {  	s31 =	sshll.u32 s1, $0xD;
	s1 =	sshrl.u32 s1, $0x2  }
0xba: {  	s3 =	sand.u32 $0x4000, s31;
	s1 =	sadd.s32 s1, s30  }
0xbb: {  	s0 =	sor.u32 s3, s0;
	s1 =	sshll.u32 s1, $0x11  }
0xbc: {  	s0 =	sor.u32 s1, s0  }
0xbd: {  	s0 =	sadd.s32 $0x8F2B, s0  }
0xbe: {  	[sflag:s0] =	ssyncadd.remote.s32 $0x1  }
0xbf: {  	_ =	sfence.sel $0xFFFF  }
0xc0: {  	[dreg:$0x0] =	wrdreg $0xFFFFFFFF;
	(pc) =	sbr.abs _section_cstart, $3  }
0xc1: {  	[dreg:$0x1] =	wrdreg $0xFFFFFFFF  }
0xc2: {  	_ =	task.clear_ibuf [dreg:s7], $0x2FFFF;
	_ =	strace $0x9FFFFFFF  }
0xc3: {  	(tm) =	ssettm $0x7FFFFFFF  }
tec
execute0_lowered:
.L_overlay_start_1:
0x0: {  	(tag) =	ssettag $0x1  }
0x1: {  	s6 =	rddreg [dreg:$0x0]  }
0x2: {  	s1 =	rddreg [dreg:$0x1]  }
0x3: {  	s2 =	rddreg [dreg:$0x2]  }
0x4: {  	s4 =	simm.s32 $0x0;
	s3 =	srdreg.scid;
	s0 =	stileid.u32  }
0x5: {  	s28 =	simm.s32 $0x4;
	s29 =	simm.s32 $0x0;
	s8 =	smul.u32 $0x5000, s0  }
0x6: {  	[smem:$0x7FF] =	sst s4;
	s12 =	sand.u32 $0x1, s3;
	s11 =	smul.u32 $0x14000, s0  }
0x7: {  	s5 =	sshll.u32 s0, $0x1;
	s13 =	sadd.s32 $0x12A000, s6;
	s24 =	smul.u32 $0xA000, s0  }
0x8: {  	s15 =	sadd.s32 $0x1A000, s6;
	s31 =	sshll.u32 s0, $0x6;
	s7 =	smul.u32 $0x50000, s12  }
0x9: {  	_ =	strace $0x80000056;
	s9 =	sor.u32 s12, s5;
	s23 =	smul.u32 $0x500, s12  }
0xa: {  	s5 =	sadd.s32 $0x25400, s6;
	s16 =	ssub.s32 $0x2, s12;
	s10 =	smul.u32 $0x500, s9  }
0xb: {  	s17 =	sshrl.u32 s16, $0x1;
	s18 =	smul.u32 $0x5000, s9;
	s20 =	sshrl.u32 s11, $0x2  }
0xc: {  	s7 =	sadd.s32 s8, s7;
	s16 =	ssub.s32 s16, s17;
	s19 =	sadd.s32 s20, s2  }
0xd: {  	s20 =	smul.u32 $0x5000, s12;
	s7 =	sshrl.u32 s7, $0x3;
	s21 =	sshrl.u32 s10, $0x3  }
0xe: {  	s17 =	sadd.s32 $0x4B0, s10;
	s10 =	smax.u32 s16, $0x1;
	s19 =	sshrl.u32 s19, $0x3  }
0xf: {  	s14 =	sadd.s32 s7, s6;
	s6 =	sadd.s32 s13, s18;
	s7 =	sadd.s32 s15, s21  }
0x10: {  	s18 =	smul.u32 $0xA00, s0;
	s22 =	sshll.u32 s17, $0x4;
	s17 =	sshrl.u32 s17, $0x3  }
0x11: {  	s21 =	simm.s32 $0x1;
	s8 =	sadd.s32 $0x4E400, s14;
	s9 =	sadd.s32 $0x62400, s14  }
0x12: {  	s11 =	sadd.s32 s13, s22;
	s12 =	sadd.s32 s15, s17;
	s13 =	sadd.s32 s24, s13  }
0x13: {  	s17 =	simm.s32 $0x5;
	s22 =	simm.s32 $0x2800;
	s24 =	simm.s32 $0x50  }
0x14: {  	s14 =	sadd.s32 s23, s18;
	s13 =	sadd.s32 s20, s13;
	s18 =	sor.u32 $0x1C05, s31  }
0x15: {  	s20 =	simm.s32 $0x5000;
	s23 =	simm.s32 $0x5080;
	s25 =	sor.u32 $0xA0, s14  }
0x16: {  	s26 =	sor.u32 $0x50, s14;
	s13 =	sadd.s32 $0xA00, s13;
	s16 =	sshrl.u32 s25, $0x3  }
0x17: {  	s30 =	sshrl.u32 s26, $0x3;
	s25 =	simm.s32 $0x2;
	s26 =	simm.s32 $0x3  }
0x18: {  	s14 =	sadd.s32 s16, s15;
	s15 =	sadd.s32 s30, s15;
	s16 =	simm.s32 $0x5100  }
.LBB2_1:
0x19: {  	[tilespmem:s16], [sflag:$0x5] =	stream.linear.gather [hbm4b:s5+s4], $0x2800, $0x38;
	[tilespmem:$0xC900] =	vst v63  }
0x1a: {  	_ =	swait.ge [sflag:s17], $0x2800  }
0x1b: {  	[sflag:s17] =	ssyncset.done $0x0  }
0x1c: {  	[sflag:s17] =	ssyncadd.s32 $0xFFFFD800  }
0x1d: {  	[spmem:s19], [sflag:s18] =	dma.local [hbm:s1], $0xA00  }
0x1e: {  	_ =	swait.ge [sflag:s17], $0xA00  }
0x1f: {  	[sflag:s17] =	ssyncset.done $0x0  }
0x20: {  	[sflag:s17] =	ssyncadd.s32 $0xFFFFF600  }
0x21: {  	[bflag:$0x0] =	sbarrier.arrive $0xFFFF  }
0x22: {  	[tilespmem:s4], [sflag:$0x1] =	stream.linear.gather [hbm4b:s6+s4], $0x2800, $0x38;
	[tilespmem:$0xC900] =	vst v63  }
0x23: {  	_ = 	snop  }
0x24: {  	[tilespmem:s20], [sflag:$0x1] =	stream.linear.gather [hbm4b:s7+s4], $0x50, $0x38;
	[tilespmem:$0xC900] =	vst v63  }
0x25: {  	_ =	swait.ge [sflag:s21], $0x2800  }
0x26: {  	[sflag:s21] =	ssyncset.done $0x0  }
0x27: {  	[sflag:s21] =	ssyncadd.s32 $0xFFFFD800  }
0x28: {  	_ =	swait.ge [sflag:s21], $0x50  }
0x29: {  	[sflag:s21] =	ssyncset.done $0x0  }
0x2a: {  	s30 =	sadd.s32 $0xFFFFFB00, s13;
	[sflag:s21] =	ssyncadd.s32 $0xFFFFFFB0  }
0x2b: {  	[tilespmem:s22], [sflag:$0x2] =	stream.linear.gather [hbm4b:s30+s4], $0x2800, $0x38;
	[tilespmem:$0xC900] =	vst v63  }
0x2c: {  	s30 =	sadd.s32 $0x0, s15  }
0x2d: {  	[tilespmem:s23], [sflag:$0x2] =	stream.linear.gather [hbm4b:s30+s4], $0x50, $0x38;
	[tilespmem:$0xC900] =	vst v63  }
0x2e: {  	_ = 	snop  }
0x2f: {  	[spmem:s2] =	stream.indirect.scatter.add.f32 [tilespmem:s4], [sflag:$0x3], $0x80, s20, s24, $0xb8;
	[tilespmem:$0xC900] =	vst v63  }
0x30: {  	_ =	swait.ge [sflag:s25], $0x2800  }
0x31: {  	[sflag:s25] =	ssyncset.done $0x0  }
0x32: {  	[sflag:s25] =	ssyncadd.s32 $0xFFFFD800  }
0x33: {  	_ =	swait.ge [sflag:s25], $0x50  }
0x34: {  	[sflag:s25] =	ssyncset.done $0x0  }
0x35: {  	[sflag:s25] =	ssyncadd.s32 $0xFFFFFFB0  }
0x36: {  	_ =	swait.ge [sflag:s26], $0x2800  }
0x37: {  	[sflag:s26] =	ssyncset.done $0x0  }
0x38: {  	[sflag:s26] =	ssyncadd.s32 $0xFFFFD800  }
0x39: {  	[tilespmem:s4], [sflag:$0x1] =	stream.linear.gather [hbm4b:s13+s4], $0x2800, $0x38;
	[tilespmem:$0xC900] =	vst v63  }
0x3a: {  	s30 =	sadd.s32 $0x0, s14  }
0x3b: {  	[tilespmem:s20], [sflag:$0x1] =	stream.linear.gather [hbm4b:s30+s4], $0x50, $0x38;
	[tilespmem:$0xC900] =	vst v63  }
0x3c: {  	_ = 	snop  }
0x3d: {  	[spmem:s2] =	stream.indirect.scatter.add.f32 [tilespmem:s22], [sflag:$0x4], $0x80, s23, s24, $0xb8;
	[tilespmem:$0xC900] =	vst v63  }
0x3e: {  	_ =	swait.ge [sflag:s28], $0x2800  }
0x3f: {  	s31 =	smov.u32 s13;
	s30 =	simm.s32 $0x14;
	[sflag:s28] =	ssyncset.done $0x0  }
.LBB2_2:
0x40: {  	p0 =	sne.s32 s30, $0x78;
	[sflag:s28] =	ssyncadd.s32 $0xFFFFD800;
	s31 =	sadd.s32 $0xA00, s31  }
0x41: {  	s0 =	smov.u32 s30;
	s30 =	sadd.s32 $0x14, s30  }
0x42: {  	_ =	swait.ge [sflag:s21], $0x2800  }
0x43: {  	[sflag:s21] =	ssyncset.done $0x0  }
0x44: {  	[sflag:s21] =	ssyncadd.s32 $0xFFFFD800  }
0x45: {  	_ =	swait.ge [sflag:s21], $0x50  }
0x46: {  	[sflag:s21] =	ssyncset.done $0x0  }
0x47: {  	s3 =	sadd.s32 $0xFFFFFB00, s31;
	[sflag:s21] =	ssyncadd.s32 $0xFFFFFFB0  }
0x48: {  	[tilespmem:s22], [sflag:$0x2] =	stream.linear.gather [hbm4b:s3+s4], $0x2800, $0x38;
	[tilespmem:$0xC900] =	vst v63  }
0x49: {  	s3 =	sadd.s32 s0, s15  }
0x4a: {  	[tilespmem:s23], [sflag:$0x2] =	stream.linear.gather [hbm4b:s3+s4], $0x50, $0x38;
	[tilespmem:$0xC900] =	vst v63  }
0x4b: {  	_ = 	snop  }
0x4c: {  	[spmem:s2] =	stream.indirect.scatter.add.f32 [tilespmem:s4], [sflag:$0x3], $0x80, s20, s24, $0xb8;
	[tilespmem:$0xC900] =	vst v63  }
0x4d: {  	_ =	swait.ge [sflag:s25], $0x2800  }
0x4e: {  	[sflag:s25] =	ssyncset.done $0x0  }
0x4f: {  	[sflag:s25] =	ssyncadd.s32 $0xFFFFD800  }
0x50: {  	_ =	swait.ge [sflag:s25], $0x50  }
0x51: {  	[sflag:s25] =	ssyncset.done $0x0  }
0x52: {  	[sflag:s25] =	ssyncadd.s32 $0xFFFFFFB0  }
0x53: {  	_ =	swait.ge [sflag:s26], $0x2800  }
0x54: {  	[sflag:s26] =	ssyncset.done $0x0  }
0x55: {  	[sflag:s26] =	ssyncadd.s32 $0xFFFFD800  }
0x56: {  	[tilespmem:s4], [sflag:$0x1] =	stream.linear.gather [hbm4b:s31+s4], $0x2800, $0x38;
	[tilespmem:$0xC900] =	vst v63  }
0x57: {  	s0 =	sadd.s32 s0, s14  }
0x58: {  	[tilespmem:s20], [sflag:$0x1] =	stream.linear.gather [hbm4b:s0+s4], $0x50, $0x38;
	[tilespmem:$0xC900] =	vst v63  }
.Ltmp0:
0x59: {  	_ = 	snop;
	(pc) =	sbr.rel @p0 .LBB2_2-.Ltmp0, $4  }
0x5a: {  	_ = 	snop  }
0x5b: {  	[spmem:s2] =	stream.indirect.scatter.add.f32 [tilespmem:s22], [sflag:$0x4], $0x80, s23, s24, $0xb8;
	[tilespmem:$0xC900] =	vst v63  }
0x5c: {  	_ =	swait.ge [sflag:s28], $0x2800  }
0x5d: {  	[sflag:s28] =	ssyncset.done $0x0  }
0x5e: {  	[sflag:s28] =	ssyncadd.s32 $0xFFFFD800  }
0x5f: {  	_ =	swait.ge [sflag:s21], $0x2800  }
0x60: {  	[sflag:s21] =	ssyncset.done $0x0  }
0x61: {  	[sflag:s21] =	ssyncadd.s32 $0xFFFFD800  }
0x62: {  	_ =	swait.ge [sflag:s21], $0x50  }
0x63: {  	[sflag:s21] =	ssyncset.done $0x0  }
0x64: {  	s0 =	simm.s32 $0x0;
	[sflag:s21] =	ssyncadd.s32 $0xFFFFFFB0  }
0x65: {  	[tilespmem:s22], [sflag:$0x2] =	stream.linear.gather [hbm4b:s11+s0], $0x2800, $0x38;
	[tilespmem:$0xC900] =	vst v63  }
0x66: {  	_ = 	snop  }
0x67: {  	[tilespmem:s23], [sflag:$0x2] =	stream.linear.gather [hbm4b:s12+s0], $0x50, $0x38;
	[tilespmem:$0xC900] =	vst v63  }
0x68: {  	_ = 	snop  }
0x69: {  	[spmem:s2] =	stream.indirect.scatter.add.f32 [tilespmem:s0], [sflag:$0x3], $0x80, s20, s24, $0xb8;
	[tilespmem:$0xC900] =	vst v63  }
0x6a: {  	_ =	swait.ge [sflag:s25], $0x2800  }
0x6b: {  	[sflag:s25] =	ssyncset.done $0x0  }
0x6c: {  	[sflag:s25] =	ssyncadd.s32 $0xFFFFD800  }
0x6d: {  	_ =	swait.ge [sflag:s25], $0x50  }
0x6e: {  	[sflag:s25] =	ssyncset.done $0x0  }
0x6f: {  	[sflag:s25] =	ssyncadd.s32 $0xFFFFFFB0  }
0x70: {  	_ =	swait.ge [sflag:s26], $0x2800  }
0x71: {  	[sflag:s26] =	ssyncset.done $0x0  }
0x72: {  	[sflag:s26] =	ssyncadd.s32 $0xFFFFD800  }
0x73: {  	[spmem:s2] =	stream.indirect.scatter.add.f32 [tilespmem:s22], [sflag:$0x4], $0x80, s23, s24, $0xb8;
	[tilespmem:$0xC900] =	vst v63  }
0x74: {  	_ =	swait.ge [sflag:s28], $0x2800  }
0x75: {  	[sflag:s28] =	ssyncset.done $0x0  }
0x76: {  	[sflag:s28] =	ssyncadd.s32 $0xFFFFD800  }
0x77: {  	[bflag:$0x0] =	sbarrier.arrive $0xFFFF  }
0x78: {  	[hbm:s8], [sflag:s18] =	dma.local [spmem:s19], $0xA00  }
0x79: {  	_ =	swait.ge [sflag:s17], $0xA00  }
0x7a: {  	[sflag:s17] =	ssyncset.done $0x0  }
0x7b: {  	[sflag:s17] =	ssyncadd.s32 $0xFFFFF600  }
0x7c: {  	[bflag:$0x0] =	sbarrier.arrive $0xFFFF  }
0x7d: {  	[spmem:s19], [sflag:s18] =	dma.local [hbm:s1], $0xA00  }
0x7e: {  	_ =	swait.ge [sflag:s17], $0xA00  }
0x7f: {  	[sflag:s17] =	ssyncset.done $0x0  }
0x80: {  	[sflag:s17] =	ssyncadd.s32 $0xFFFFF600  }
0x81: {  	[bflag:$0x0] =	sbarrier.arrive $0xFFFF  }
0x82: {  	[tilespmem:s20], [sflag:$0x1] =	stream.linear.gather [hbm4b:s7+s0], $0x50, $0x38;
	[tilespmem:$0xC900] =	vst v63  }
0x83: {  	_ =	swait.ge [sflag:s21], $0x50  }
0x84: {  	[sflag:s21] =	ssyncset.done $0x0  }
0x85: {  	s3 =	sadd.s32 $0x0, s15;
	[sflag:s21] =	ssyncadd.s32 $0xFFFFFFB0  }
0x86: {  	[tilespmem:s23], [sflag:$0x2] =	stream.linear.gather [hbm4b:s3+s4], $0x50, $0x38;
	[tilespmem:$0xC900] =	vst v63  }
0x87: {  	_ = 	snop  }
0x88: {  	[spmem:s2] =	stream.indirect.scatter.add.f32 [tilespmem:s16], [sflag:$0x3], $0x80, s20, s24, $0xb8;
	[tilespmem:$0xC900] =	vst v63  }
0x89: {  	_ =	swait.ge [sflag:s25], $0x50  }
0x8a: {  	[sflag:s25] =	ssyncset.done $0x0  }
0x8b: {  	[sflag:s25] =	ssyncadd.s32 $0xFFFFFFB0  }
0x8c: {  	_ =	swait.ge [sflag:s26], $0x2800  }
0x8d: {  	[sflag:s26] =	ssyncset.done $0x0  }
0x8e: {  	s31 =	sadd.s32 $0x0, s14;
	[sflag:s26] =	ssyncadd.s32 $0xFFFFD800  }
0x8f: {  	[tilespmem:s20], [sflag:$0x1] =	stream.linear.gather [hbm4b:s31+s4], $0x50, $0x38;
	[tilespmem:$0xC900] =	vst v63  }
0x90: {  	_ = 	snop  }
0x91: {  	[spmem:s2] =	stream.indirect.scatter.add.f32 [tilespmem:s16], [sflag:$0x4], $0x80, s23, s24, $0xb8;
	[tilespmem:$0xC900] =	vst v63  }
0x92: {  	_ =	swait.ge [sflag:s28], $0x2800  }
0x93: {  	s30 =	simm.s32 $0x14;
	[sflag:s28] =	ssyncset.done $0x0  }
.LBB2_4:
0x94: {  	p0 =	sne.s32 s30, $0x78  }
0x95: {  	[sflag:s28] =	ssyncadd.s32 $0xFFFFD800;
	s0 =	smov.u32 s30;
	s30 =	sadd.s32 $0x14, s30  }
0x96: {  	_ = 	snop  }
0x97: {  	_ =	swait.ge [sflag:s21], $0x50  }
0x98: {  	[sflag:s21] =	ssyncset.done $0x0  }
0x99: {  	s3 =	sadd.s32 s0, s15;
	[sflag:s21] =	ssyncadd.s32 $0xFFFFFFB0  }
0x9a: {  	[tilespmem:s23], [sflag:$0x2] =	stream.linear.gather [hbm4b:s3+s4], $0x50, $0x38;
	[tilespmem:$0xC900] =	vst v63  }
0x9b: {  	_ = 	snop  }
0x9c: {  	[spmem:s2] =	stream.indirect.scatter.add.f32 [tilespmem:s16], [sflag:$0x3], $0x80, s20, s24, $0xb8;
	[tilespmem:$0xC900] =	vst v63  }
0x9d: {  	_ =	swait.ge [sflag:s25], $0x50  }
0x9e: {  	[sflag:s25] =	ssyncset.done $0x0  }
0x9f: {  	[sflag:s25] =	ssyncadd.s32 $0xFFFFFFB0  }
0xa0: {  	_ =	swait.ge [sflag:s26], $0x2800  }
0xa1: {  	[sflag:s26] =	ssyncset.done $0x0  }
0xa2: {  	s0 =	sadd.s32 s0, s14;
	[sflag:s26] =	ssyncadd.s32 $0xFFFFD800  }
0xa3: {  	[tilespmem:s20], [sflag:$0x1] =	stream.linear.gather [hbm4b:s0+s4], $0x50, $0x38;
	[tilespmem:$0xC900] =	vst v63  }
.Ltmp1:
0xa4: {  	_ = 	snop;
	(pc) =	sbr.rel @p0 .LBB2_4-.Ltmp1, $4  }
0xa5: {  	_ = 	snop  }
0xa6: {  	[spmem:s2] =	stream.indirect.scatter.add.f32 [tilespmem:s16], [sflag:$0x4], $0x80, s23, s24, $0xb8;
	[tilespmem:$0xC900] =	vst v63  }
0xa7: {  	_ =	swait.ge [sflag:s28], $0x2800  }
0xa8: {  	[sflag:s28] =	ssyncset.done $0x0  }
0xa9: {  	[sflag:s28] =	ssyncadd.s32 $0xFFFFD800  }
0xaa: {  	_ =	swait.ge [sflag:s21], $0x50  }
0xab: {  	[sflag:s21] =	ssyncset.done $0x0  }
0xac: {  	[sflag:s21] =	ssyncadd.s32 $0xFFFFFFB0  }
0xad: {  	[tilespmem:s23], [sflag:$0x2] =	stream.linear.gather [hbm4b:s12+s4], $0x50, $0x38;
	[tilespmem:$0xC900] =	vst v63  }
0xae: {  	_ = 	snop  }
0xaf: {  	[spmem:s2] =	stream.indirect.scatter.add.f32 [tilespmem:s16], [sflag:$0x3], $0x80, s20, s24, $0xb8;
	[tilespmem:$0xC900] =	vst v63  }
0xb0: {  	_ =	swait.ge [sflag:s25], $0x50  }
0xb1: {  	[sflag:s25] =	ssyncset.done $0x0  }
0xb2: {  	[sflag:s25] =	ssyncadd.s32 $0xFFFFFFB0  }
0xb3: {  	_ =	swait.ge [sflag:s26], $0x2800  }
0xb4: {  	[sflag:s26] =	ssyncset.done $0x0  }
0xb5: {  	[sflag:s26] =	ssyncadd.s32 $0xFFFFD800  }
0xb6: {  	[spmem:s2] =	stream.indirect.scatter.add.f32 [tilespmem:s16], [sflag:$0x4], $0x80, s23, s24, $0xb8;
	[tilespmem:$0xC900] =	vst v63  }
0xb7: {  	_ =	swait.ge [sflag:s28], $0x2800  }
0xb8: {  	s29 =	sadd.s32 $0x1, s29;
	[sflag:s28] =	ssyncset.done $0x0  }
0xb9: {  	p0 =	sne.s32 s29, s10;
	[sflag:s28] =	ssyncadd.s32 $0xFFFFD800  }
.Ltmp2:
0xba: {  	[bflag:$0x0] =	sbarrier.arrive $0xFFFF;
	(pc) =	sbr.rel @p0 .LBB2_1-.Ltmp2, $4  }
0xbb: {  	[hbm:s9], [sflag:s18] =	dma.local [spmem:s19], $0xA00  }
0xbc: {  	_ =	swait.ge [sflag:s17], $0xA00  }
0xbd: {  	[sflag:s17] =	ssyncset.done $0x0  }
0xbe: {  	[sflag:s17] =	ssyncadd.s32 $0xFFFFF600  }
0xbf: {  	_ =	sfence.sel $0x180000  }
0xc0: {  	[bflag:$0x0] =	sbarrier.arrive $0xFFFF  }
0xc1: {  	_ =	strace $0x90000056  }
0xc2: {  	s0 =	stileid.u32;
	[bflag:$0x2] =	sbarrier.arrive $0xFFFF  }
0xc3: {  	p0 =	sne.s32 s0, $0x0;
	s0 =	rddreg [dreg:$0x3]  }
0xc4: {  	s0 =	sadd.s32 @!p0 $0x100000, s0  }
0xc5: {  	[sflag:s0] =	ssyncadd.tile.s32 @!p0 $0x1;
	_ =	shalt  }
.Lfunc_end2:
_tile_overlayer_lowered:
.L_overlay_start_2:
0xc6: {  	(tag) =	ssettag $0x2  }
0xc7: {  	s0 =	rddreg [dreg:$0x0];
	s2 =	stileid.u32  }
0xc8: {  	s1 =	rddreg [dreg:$0x1];
	p0 =	sne.s32 s2, $0x0  }
0xc9: {  	s3 =	rddreg [dreg:$0x2];
	[bflag:$0x3] =	sbarrier.arrive $0xFFFF;
	s2 =	simm.s32 @!p0 $0x1C05  }
0xca: {  	[timem:s3], [sflag:s2] =	dma.local @!p0 [hbm:s0], s1  }
0xcb: {  	s0 =	simm.s32 @!p0 $0x5  }
0xcc: {  	_ =	swait.ge @!p0 [sflag:s0], s1  }
0xcd: {  	s1 =	ssub.s32 @!p0 $0x0, s1;
	[sflag:s0] =	ssyncset.done @!p0 $0x0  }
0xce: {  	[sflag:s0] =	ssyncadd.s32 @!p0 s1  }
0xcf: {  	[bflag:$0x3] =	sbarrier.arrive $0xFFFF  }
0xd0: {  	_ =	shalt  }

// kernel: kernel.13.cloned.1.call-start
scs
__scs_entry_jumppad:
0x0: {  	(pc) =	sbr.rel $0x88, $3  }
0x1: {  	(tag) =	ssettag $0x0;
	lr =	simm.s32 $0x1  }
0x2: {  	[smem:$0x3F2E] =	sst lr;
	_ =	strace $0xD0000000  }
0x3: {  	_ = 	snop  }
0x4: {  	_ = 	snop  }
0x5: {  	_ = 	snop  }
0x6: {  	_ = 	snop  }
0x7: {  	_ = 	snop  }
__scs_overlays_trampoline_lowered:
0x8: {  	[smem:$0x3F3D] =	sst s0  }
0x9: {  	[smem:$0x3F3E] =	sst s1  }
0xa: {  	[smem:$0x3F3F] =	sst s2  }
0xb: {  	[smem:$0x3F40] =	sst s3  }
0xc: {  	[smem:$0x3F41] =	sst s4  }
0xd: {  	[smem:$0x3F42] =	sst s5  }
0xe: {  	[smem:$0x3F43] =	sst s6  }
0xf: {  	[smem:$0x3F44] =	sst s7  }
0x10: {  	[smem:$0x3F45] =	sst s8  }
0x11: {  	[smem:$0x3F46] =	sst s9;
	s0 =	simm.s32 @!p0 $0x0  }
0x12: {  	s1 =	sld [smem:$0x3F2C];
	s0 =	simm.s32 @p0 $0x1  }
0x13: {  	[smem:$0x3F47] =	sst s0;
	s0 =	simm.s32 @!p1 $0x0  }
0x14: {  	s2 =	sld [smem:$0x3F2B];
	s0 =	simm.s32 @p1 $0x1  }
0x15: {  	[smem:$0x3F48] =	sst s0;
	s0 =	simm.s32 @!p2 $0x0  }
0x16: {  	s3 =	sld [smem:$0x3FDB];
	s0 =	simm.s32 @p2 $0x1  }
0x17: {  	s4 =	simm.s32 $0x1BF5;
	[smem:$0x3F4A] =	sst s0  }
0x18: {  	s0 =	sld [smem:$0x3F2D];
	_ =	swait.ge [sflag:s4], $0x0  }
0x19: {  	s7 =	sld [smem:$0x3F2E]  }
0x1a: {  	s8 =	sadd.s32 $0xFFFFE003, lr  }
0x1b: {  	s9 =	sadd.s32 $0xFFFFFEF7, lr;
	s5 =	simm.s32 $0xFFFFFFFF;
	p2 =	slt.u32 s8, $0xFFFFF086  }
0x1c: {  	p1 =	slt.u32 s9, $0xF7A;
	s5 =	simm.s32 @!p2 $0x0  }
0x1d: {  	s5 =	simm.s32 @p1 $0x1;
	p0 =	seq.s32 s7, s2  }
0x1e: {  	s7 =	smul.u32 @!p0 $0xF7A, s2;
	p2 =	seq.s32 @!p0 s5, $0x0  }
0x1f: {  	s9 =	smul.u32 $0xF7A, s1;
	s8 =	simm.s32 @!p0 $0x1BF5;
	p2 =	por !p2, p0  }
0x20: {  	[sflag:s8] =	ssyncset.s32 @!p0 $0xFFFFF086;
	s6 =	sadd.s32 @!p0 s3, s7;
	s7 =	simm.s32 @!p0 $0x108  }
0x21: {  	s3 =	sadd.s32 s3, s9;
	s6 =	sadd.s32 @!p0 $0x88, s6;
	s7 =	simm.s32 @p2 $0x1082  }
0x22: {  	[simem:s7], [sflag:s8] =	dma.local @!p0 [hbm:s6], $0xF7A  }
0x23: {  	s9 =	sor.u32 $0xD0000000, s2;
	s6 =	simm.s32 $0x108;
	_ =	swait.ge @!p0 [sflag:s8], $0x0  }
0x24: {  	s3 =	sadd.s32 $0x88, s3;
	s6 =	simm.s32 @!p1 $0x1082;
	[sflag:s4] =	ssyncset.s32 $0xFFFFF086  }
0x25: {  	[simem:s6], [sflag:s4] =	dma.local [hbm:s3], $0xF7A  }
0x26: {  	[smem:$0x3F2E] =	sst s1;
	(tag) =	ssettag s2;
	_ =	strace s9  }
0x27: {  	s1 =	sld [smem:$0x3F3E]  }
0x28: {  	s2 =	sld [smem:$0x3F3F]  }
0x29: {  	s4 =	sld [smem:$0x3F41]  }
0x2a: {  	p0 =	seq.s32 s5, $0x0;
	s5 =	sld [smem:$0x3F42]  }
0x2b: {  	s6 =	sld [smem:$0x3F43]  }
0x2c: {  	s7 =	sld [smem:$0x3F44]  }
0x2d: {  	s3 =	simm.s32 $0x108;
	s8 =	sld [smem:$0x3F45]  }
0x2e: {  	s3 =	simm.s32 @!p0 $0x1082;
	s9 =	sld [smem:$0x3F46]  }
0x2f: {  	lr =	sadd.s32 s0, s3;
	s0 =	sld [smem:$0x3F3D]  }
0x30: {  	s3 =	sld [smem:$0x3F40]  }
0x31: {  	[smem:$0x3F49] =	sst s10  }
0x32: {  	s10 =	sld [smem:$0x3F47];
	_ =	sdelay $0x3  }
0x33: {  	p0 =	seq.s32 s10, $0x1;
	s10 =	sld [smem:$0x3F49];
	_ =	sdelay $0x3  }
0x34: {  	[smem:$0x3F49] =	sst s10  }
0x35: {  	s10 =	sld [smem:$0x3F48];
	_ =	sdelay $0x3  }
0x36: {  	p1 =	seq.s32 s10, $0x1;
	s10 =	sld [smem:$0x3F49];
	_ =	sdelay $0x3  }
0x37: {  	[smem:$0x3F49] =	sst s10  }
0x38: {  	s10 =	sld [smem:$0x3F4A]  }
0x39: {  	_ = 	snop;
	(pc) =	sbr.ind lr, $3  }
0x3a: {  	_ = 	snop  }
0x3b: {  	_ = 	snop  }
0x3c: {  	p2 =	seq.s32 s10, $0x1;
	s10 =	sld [smem:$0x3F49]  }
0x3d: {  	_ =	shalt  }
0x3e: {  	_ =	shalt  }
0x3f: {  	_ =	shalt  }
0x40: {  	_ =	shalt  }
0x41: {  	_ =	shalt  }
0x42: {  	_ =	shalt  }
0x43: {  	_ =	shalt  }
0x44: {  	_ =	shalt  }
0x45: {  	_ =	shalt  }
0x46: {  	_ =	shalt  }
0x47: {  	_ =	shalt  }
0x48: {  	_ =	shalt  }
0x49: {  	_ =	shalt  }
0x4a: {  	_ =	shalt  }
0x4b: {  	_ =	shalt  }
0x4c: {  	_ =	shalt  }
0x4d: {  	_ =	shalt  }
0x4e: {  	_ =	shalt  }
0x4f: {  	_ =	shalt  }
0x50: {  	_ =	shalt  }
0x51: {  	_ =	shalt  }
0x52: {  	_ =	shalt  }
0x53: {  	_ =	shalt  }
0x54: {  	_ =	shalt  }
0x55: {  	_ =	shalt  }
0x56: {  	_ =	shalt  }
0x57: {  	_ =	shalt  }
0x58: {  	_ =	shalt  }
0x59: {  	_ =	shalt  }
0x5a: {  	_ =	shalt  }
0x5b: {  	_ =	shalt  }
0x5c: {  	_ =	shalt  }
0x5d: {  	_ =	shalt  }
0x5e: {  	_ =	shalt  }
0x5f: {  	_ =	shalt  }
0x60: {  	_ =	shalt  }
0x61: {  	_ =	shalt  }
0x62: {  	_ =	shalt  }
0x63: {  	_ =	shalt  }
0x64: {  	_ =	shalt  }
0x65: {  	_ =	shalt  }
0x66: {  	_ =	shalt  }
0x67: {  	_ =	shalt  }
0x68: {  	_ =	shalt  }
0x69: {  	_ =	shalt  }
0x6a: {  	_ =	shalt  }
0x6b: {  	_ =	shalt  }
0x6c: {  	_ =	shalt  }
0x6d: {  	_ =	shalt  }
0x6e: {  	_ =	shalt  }
0x6f: {  	_ =	shalt  }
0x70: {  	_ =	shalt  }
0x71: {  	_ =	shalt  }
0x72: {  	_ =	shalt  }
0x73: {  	_ =	shalt  }
0x74: {  	_ =	shalt  }
0x75: {  	_ =	shalt  }
0x76: {  	_ =	shalt  }
0x77: {  	_ =	shalt  }
0x78: {  	_ =	shalt  }
0x79: {  	_ =	shalt  }
0x7a: {  	_ =	shalt  }
0x7b: {  	_ =	shalt  }
0x7c: {  	_ =	shalt  }
0x7d: {  	_ =	shalt  }
0x7e: {  	_ =	shalt  }
0x7f: {  	_ =	shalt  }
0x80: {  	_ =	shalt  }
0x81: {  	_ =	shalt  }
0x82: {  	_ =	shalt  }
0x83: {  	_ =	shalt  }
0x84: {  	_ =	shalt  }
0x85: {  	_ =	shalt  }
0x86: {  	_ =	shalt  }
0x87: {  	_ =	shalt  }
.Lfunc_end0:
.L_simem_size_0:
called_computation.2_lowered:
.L_overlay_start_0:
0x88: {  	s2 =	sld [smem:$0x3FD9]  }
0x89: {  	s3 =	sld [smem:$0x3FFE];
	_ =	sdelay $0x1  }
0x8a: {  	s1 =	srdreg.scid  }
0x8b: {  	s0 =	sand.u32 $0x1, s1  }
0x8c: {  	s16 =	sshll.u32 s0, $0xA;
	s2 =	sadd.s32 s3, s2  }
0x8d: {  	s2 =	sadd.s32 s2, s16  }
0x8e: {  	[smem:$0x3F55] =	sst s2  }
0x8f: {  	_ = 	snop  }
0x90: {  	(tm) =	ssettm $0x1  }
0x91: {  	s17 =	sld [smem:$0x3FFB];
	_ =	sdelay $0x3  }
0x92: {  	_ =	strace s17  }
0x93: {  	s2 =	sld [smem:$0x3FFC];
	_ =	sdelay $0x3  }
0x94: {  	_ =	strace s2  }
0x95: {  	s2 =	sld [smem:$0x3FFD];
	_ =	sdelay $0x3  }
0x96: {  	_ =	strace s2  }
0x97: {  	_ =	strace $0x8FFFFFFF  }
0x98: {  	s18 =	sld [smem:$0x3FDB];
	_ =	sdelay $0x1  }
0x99: {  	s19 =	simm.s32 $_scs_section_size  }
0x9a: {  	s4 =	simm.s32 $_size__tile_overlayer_lowered;
	s5 =	simm.s32 $_tile_overlayer_lowered  }
0x9b: {  	s22 =	simm.s32 $0x1BFF;
	s21 =	sshll.u32 s5, $0x1;
	s2 =	sadd.s32 s19, s18  }
0x9c: {  	s6 =	simm.s32 $0x0;
	s20 =	sshll.u32 s4, $0x1;
	s4 =	sadd.s32 s21, s2  }
0x9d: {  	[timem:s6], [sflag:s22] =	dma.local [hbm:s4], s20  }
0x9e: {  	_ =	swait.ge [sflag:s22], s20  }
0x9f: {  	s3 =	ssub.s32 $0x0, s20;
	[sflag:s22] =	ssyncset.done $0x0  }
0xa0: {  	[sflag:s22] =	ssyncadd.s32 s3;
	_ =	sdelay $0x1  }
0xa1: {  	s23 =	simm.s32 $0x1B8B  }
0xa2: {  	_ =	swait.ge [sflag:s23], $0x1  }
0xa3: {  	[sflag:s23] =	ssyncset.done $0x0  }
0xa4: {  	s25 =	simm.s32 $0x1B8E;
	s24 =	sld [smem:$0x3FFE];
	[sflag:s23] =	ssyncadd.s32 $0xFFFFFFFF  }
0xa5: {  	s26 =	simm.s32 $execute0_lowered;
	[smem:$0x3FD2] =	sst s25  }
0xa6: {  	s4 =	sshll.u32 s26, $0x1;
	_ =	strace $0x80000046;
	[dreg:$0x1] =	wrdreg $0xFFFFFFFF  }
0xa7: {  	s28 =	simm.s32 $_size_execute0_lowered;
	s2 =	sadd.s32 s2, s4;
	[dreg:$0x0] =	wrdreg $0x0  }
0xa8: {  	s4 =	sshll.u32 s28, $0x1;
	[dreg:$0x2] =	wrdreg s2  }
0xa9: {  	[dreg:$0x3] =	wrdreg s4  }
0xaa: {  	[dreg:$0x4] =	wrdreg $0xC0  }
0xab: {  	_ =	task [dreg:s6], $0x5FFFF  }
0xac: {  	[dreg:$0x1] =	wrdreg $0xFFFFFFFF  }
0xad: {  	[dreg:$0x0] =	wrdreg $0x60  }
0xae: {  	[dreg:$0x2] =	wrdreg s24  }
0xaf: {  	[dreg:$0x3] =	wrdreg $0x9  }
0xb0: {  	_ =	task.clear_ibuf [dreg:s6], $0x4FFFF;
	_ =	strace $0x90000046  }
0xb1: {  	s29 =	simm.s32 $0x9;
	_ =	strace $0x80000048  }
0xb2: {  	_ =	swait.ge [sflag:s29], $0x1  }
0xb3: {  	[sflag:s29] =	ssyncadd.s32 $0xFFFFFFFF  }
0xb4: {  	_ =	strace $0x90000048  }
0xb5: {  	_ =	sfence  }
0xb6: {  	s30 =	sld [smem:$0x0];
	_ =	sdelay $0x2  }
0xb7: {  	s31 =	sshll.u32 s1, $0xD;
	s1 =	sshrl.u32 s1, $0x2  }
0xb8: {  	s3 =	sand.u32 $0x4000, s31;
	s1 =	sadd.s32 s1, s30  }
0xb9: {  	s0 =	sor.u32 s3, s0;
	s1 =	sshll.u32 s1, $0x11  }
0xba: {  	s0 =	sor.u32 s1, s0  }
0xbb: {  	s0 =	sadd.s32 $0x8F2B, s0  }
0xbc: {  	[sflag:s0] =	ssyncadd.remote.s32 $0x1  }
0xbd: {  	_ =	sfence.sel $0xFFFF  }
0xbe: {  	[dreg:$0x0] =	wrdreg $0xFFFFFFFF;
	(pc) =	sbr.abs _section_cstart, $3  }
0xbf: {  	[dreg:$0x1] =	wrdreg $0xFFFFFFFF  }
0xc0: {  	_ =	task.clear_ibuf [dreg:s6], $0x2FFFF;
	_ =	strace $0x9FFFFFFF  }
0xc1: {  	(tm) =	ssettm $0x7FFFFFFF  }
tec
execute0_lowered:
.L_overlay_start_1:
0x0: {  	(tag) =	ssettag $0x1  }
0x1: {  	s0 =	rddreg [dreg:$0x0]  }
0x2: {  	s2 =	simm.s32 $0x0;
	s1 =	srdreg.scid;
	s3 =	stileid.u32  }
0x3: {  	s18 =	simm.s32 $0x100;
	s19 =	simm.s32 $0x1;
	s20 =	simm.s32 $0x80  }
0x4: {  	s28 =	simm.s32 $0x2A00;
	s29 =	simm.s32 $0x7A00;
	s30 =	simm.s32 $0x4  }
0x5: {  	s31 =	simm.s32 $0x5;
	[smem:$0x7FF] =	sst s2;
	s1 =	sand.u32 $0x1, s1  }
0x6: {  	s4 =	sshll.u32 s3, $0x1;
	s3 =	sadd.s32 $0x26C00, s0;
	s6 =	sadd.s32 $0x1CE00, s0  }
0x7: {  	s7 =	sadd.s32 $0x4E400, s0;
	s8 =	sadd.s32 $0x530400, s0;
	s5 =	sor.u32 s1, s4  }
0x8: {  	_ =	strace $0x80000047;
	s1 =	ssub.s32 $0x2, s1;
	s5 =	smul.u32 $0x2710, s5  }
0x9: {  	s4 =	sadd.s32 $0x13000, s0;
	s0 =	simm.s32 $0x6;
	s9 =	sshrl.u32 s1, $0x1  }
0xa: {  	s21 =	ssub.s32 s1, s9;
	s22 =	sshrl.u32 s5, $0x3;
	s24 =	sadd.s32 $0x26C0, s5  }
0xb: {  	s11 =	sadd.s32 $0x50, s5;
	s12 =	sadd.s32 $0xA0, s5;
	s17 =	smax.u32 s21, $0x1  }
0xc: {  	s21 =	simm.s32 $0x180;
	s23 =	sadd.s32 s4, s22;
	s1 =	sadd.s32 s6, s22  }
0xd: {  	s25 =	sshrl.u32 s24, $0x3;
	s22 =	simm.s32 $0x50;
	[dreg:$0x2] =	wrdreg s23  }
.Ltmp0:
0xe: {  	[dreg:$0x3] =	wrdreg s1;
	s10 =	sadd.s32 s4, s25;
	(pc) =	sbr.rel .LBB2_1-.Ltmp0, $4  }
0xf: {  	s9 =	sadd.s32 s6, s25;
	s1 =	sshll.u32 s24, $0x4;
	s23 =	simm.s32 $0x200  }
0x10: {  	s24 =	simm.s32 $0x5200;
	s25 =	simm.s32 $0x3;
	[dreg:$0x4] =	wrdreg s10  }
0x11: {  	[dreg:$0x5] =	wrdreg s9;
	s26 =	sadd.s32 s7, s1;
	s16 =	sadd.s32 s8, s1  }
0x12: {  	s1 =	simm.s32 $0x0;
	[dreg:$0x6] =	wrdreg s26;
	s26 =	simm.s32 $0x2  }
.LBB2_8:
0x13: {  	_ =	swait.ge [sflag:s0], $0x2800  }
0x14: {  	[sflag:s0] =	ssyncset.done $0x0  }
0x15: {  	[sflag:s0] =	ssyncadd.s32 $0xFFFFD800  }
0x16: {  	_ =	swait.ge [sflag:s0], $0x2800  }
0x17: {  	[sflag:s0] =	ssyncset.done $0x0  }
0x18: {  	s9 =	rddreg [dreg:$0x4];
	[sflag:s0] =	ssyncadd.s32 $0xFFFFD800  }
0x19: {  	[tilespmem:s2], [sflag:$0x1] =	stream.linear.gather [hbm4b:s9+s2], $0x50, $0x38;
	[tilespmem:$0xA200] =	vst v63  }
0x1a: {  	s14 =	rddreg [dreg:$0x5]  }
0x1b: {  	[tilespmem:s18], [sflag:$0x1] =	stream.linear.gather [hbm4b:s14+s2], $0x50, $0x38;
	[tilespmem:$0xA200] =	vst v63  }
0x1c: {  	_ =	swait.ge [sflag:s19], $0x50  }
0x1d: {  	[sflag:s19] =	ssyncset.done $0x0  }
0x1e: {  	[sflag:s19] =	ssyncadd.s32 $0xFFFFFFB0  }
0x1f: {  	_ =	swait.ge [sflag:s19], $0x50  }
0x20: {  	[sflag:s19] =	ssyncset.done $0x0  }
0x21: {  	[sflag:s19] =	ssyncadd.s32 $0xFFFFFFB0  }
0x22: {  	[tilespmem:s23], [sflag:$0x3] =	stream.indirect.gather [hbm4b:s3+s22], $0x80, s2, s22, $0xb8;
	[tilespmem:$0xA200] =	vst v63  }
0x23: {  	_ = 	snop  }
0x24: {  	[tilespmem:s24], [sflag:$0x3] =	stream.indirect.gather [hbm4b:s3+s22], $0x80, s18, s22, $0xb8;
	[tilespmem:$0xA200] =	vst v63  }
0x25: {  	_ =	swait.ge [sflag:s25], $0x2800  }
0x26: {  	[sflag:s25] =	ssyncset.done $0x0  }
0x27: {  	[sflag:s25] =	ssyncadd.s32 $0xFFFFD800  }
0x28: {  	_ =	swait.ge [sflag:s25], $0x2800  }
0x29: {  	[sflag:s25] =	ssyncset.done $0x0  }
0x2a: {  	s15 =	rddreg [dreg:$0x6];
	[sflag:s25] =	ssyncadd.s32 $0xFFFFD800  }
0x2b: {  	[hbm4b:s15+s2] =	stream.linear.scatter [tilespmem:s23], [sflag:$0x5], $0x2800, $0x38;
	[tilespmem:$0xA200] =	vst v63  }
0x2c: {  	s1 =	sadd.s32 $0x1, s1  }
0x2d: {  	[hbm4b:s16+s2] =	stream.linear.scatter [tilespmem:s24], [sflag:$0x5], $0x2800, $0x38;
	[tilespmem:$0xA200] =	vst v63  }
0x2e: {  	p0 =	sne.s32 s1, s17;
	_ =	swait.ge [sflag:s31], $0x2800  }
.Ltmp1:
0x2f: {  	[sflag:s31] =	ssyncset.done $0x0;
	(pc) =	sbr.rel @!p0 .LBB2_9-.Ltmp1, $4  }
0x30: {  	[sflag:s31] =	ssyncadd.s32 $0xFFFFD800  }
0x31: {  	_ =	swait.ge [sflag:s31], $0x2800  }
0x32: {  	[sflag:s31] =	ssyncset.done $0x0  }
0x33: {  	[sflag:s31] =	ssyncadd.s32 $0xFFFFD800  }
.LBB2_1:
.Ltmp2:
0x34: {  	(pc) =	sbr.rel .LBB2_2-.Ltmp2, $4  }
0x35: {  	s9 =	rddreg [dreg:$0x2]  }
0x36: {  	[tilespmem:s2], [sflag:$0x1] =	stream.linear.gather [hbm4b:s9+s2], $0x50, $0x38;
	[tilespmem:$0xA200] =	vst v63  }
0x37: {  	s15 =	rddreg [dreg:$0x3];
	s13 =	simm.s32 $0x0  }
0x38: {  	[tilespmem:s18], [sflag:$0x1] =	stream.linear.gather [hbm4b:s15+s2], $0x50, $0x38;
	[tilespmem:$0xA200] =	vst v63  }
.LBB2_3:
0x39: {  	[tilespmem:s28], [sflag:$0x4] =	stream.indirect.gather [hbm4b:s3+s22], $0x80, s20, s22, $0xb8;
	[tilespmem:$0xA200] =	vst v63  }
0x3a: {  	s14 =	simm.s32 $0x1  }
0x3b: {  	[tilespmem:s29], [sflag:$0x4] =	stream.indirect.gather [hbm4b:s3+s22], $0x80, s21, s22, $0xb8;
	[tilespmem:$0xA200] =	vst v63  }
.LBB2_6:
0x3c: {  	s10 =	sadd.s32 s10, s12  }
0x3d: {  	s10 =	sshrl.u32 s10, $0x3  }
0x3e: {  	s13 =	sadd.s32 s4, s10  }
0x3f: {  	[tilespmem:s2], [sflag:$0x1] =	stream.linear.gather [hbm4b:s13+s2], $0x50, $0x38;
	[tilespmem:$0xA200] =	vst v63  }
0x40: {  	s10 =	sadd.s32 s6, s10  }
0x41: {  	[tilespmem:s18], [sflag:$0x1] =	stream.linear.gather [hbm4b:s10+s2], $0x50, $0x38;
	[tilespmem:$0xA200] =	vst v63  }
.LBB2_7:
0x42: {  	_ =	swait.ge [sflag:s30], $0x2800  }
0x43: {  	[sflag:s30] =	ssyncset.done $0x0  }
0x44: {  	[sflag:s30] =	ssyncadd.s32 $0xFFFFD800  }
0x45: {  	_ =	swait.ge [sflag:s30], $0x2800  }
0x46: {  	s9 =	sshll.u32 s9, $0x4;
	[sflag:s30] =	ssyncset.done $0x0  }
0x47: {  	s10 =	sadd.s32 s7, s9;
	[sflag:s30] =	ssyncadd.s32 $0xFFFFD800  }
0x48: {  	[hbm4b:s10+s2] =	stream.linear.scatter [tilespmem:s28], [sflag:$0x6], $0x2800, $0x38;
	[tilespmem:$0xA200] =	vst v63  }
0x49: {  	s9 =	sadd.s32 s8, s9  }
0x4a: {  	[hbm4b:s9+s2] =	stream.linear.scatter [tilespmem:s29], [sflag:$0x6], $0x2800, $0x38;
	[tilespmem:$0xA200] =	vst v63  }
0x4b: {  	p0 =	slt.u32 s14, $0x3E;
	_ =	swait.ge [sflag:s31], $0x2800  }
.Ltmp3:
0x4c: {  	[sflag:s31] =	ssyncset.done $0x0;
	(pc) =	sbr.rel @!p0 .LBB2_8-.Ltmp3, $4  }
0x4d: {  	[sflag:s31] =	ssyncadd.s32 $0xFFFFD800  }
0x4e: {  	_ =	swait.ge [sflag:s31], $0x2800  }
0x4f: {  	[sflag:s31] =	ssyncset.done $0x0  }
0x50: {  	s13 =	smov.u32 s14;
	[sflag:s31] =	ssyncadd.s32 $0xFFFFD800  }
.LBB2_2:
0x51: {  	_ =	swait.ge [sflag:s19], $0x50  }
0x52: {  	s10 =	smul.u32 $0xA0, s13;
	[sflag:s19] =	ssyncset.done $0x0  }
0x53: {  	[sflag:s19] =	ssyncadd.s32 $0xFFFFFFB0  }
0x54: {  	s9 =	sadd.s32 s10, s11;
	_ =	swait.ge [sflag:s19], $0x50  }
0x55: {  	s14 =	sshrl.u32 s9, $0x3;
	[sflag:s19] =	ssyncset.done $0x0  }
0x56: {  	s15 =	sadd.s32 s4, s14;
	[sflag:s19] =	ssyncadd.s32 $0xFFFFFFB0  }
0x57: {  	[tilespmem:s20], [sflag:$0x2] =	stream.linear.gather [hbm4b:s15+s2], $0x50, $0x38;
	[tilespmem:$0xA200] =	vst v63  }
0x58: {  	s14 =	sadd.s32 s6, s14  }
0x59: {  	[tilespmem:s21], [sflag:$0x2] =	stream.linear.gather [hbm4b:s14+s2], $0x50, $0x38;
	[tilespmem:$0xA200] =	vst v63  }
0x5a: {  	_ = 	snop  }
0x5b: {  	[tilespmem:s23], [sflag:$0x3] =	stream.indirect.gather [hbm4b:s3+s22], $0x80, s2, s22, $0xb8;
	[tilespmem:$0xA200] =	vst v63  }
0x5c: {  	_ = 	snop  }
0x5d: {  	[tilespmem:s24], [sflag:$0x3] =	stream.indirect.gather [hbm4b:s3+s22], $0x80, s18, s22, $0xb8;
	[tilespmem:$0xA200] =	vst v63  }
0x5e: {  	_ =	swait.ge [sflag:s25], $0x2800  }
0x5f: {  	[sflag:s25] =	ssyncset.done $0x0  }
0x60: {  	[sflag:s25] =	ssyncadd.s32 $0xFFFFD800  }
0x61: {  	s15 =	sadd.s32 s5, s10;
	_ =	swait.ge [sflag:s25], $0x2800  }
0x62: {  	s14 =	sshll.u32 s15, $0x4;
	[sflag:s25] =	ssyncset.done $0x0  }
0x63: {  	s15 =	sadd.s32 s7, s14;
	[sflag:s25] =	ssyncadd.s32 $0xFFFFD800  }
0x64: {  	[hbm4b:s15+s2] =	stream.linear.scatter [tilespmem:s23], [sflag:$0x5], $0x2800, $0x38;
	[tilespmem:$0xA200] =	vst v63  }
0x65: {  	s14 =	sadd.s32 s8, s14  }
0x66: {  	[hbm4b:s14+s2] =	stream.linear.scatter [tilespmem:s24], [sflag:$0x5], $0x2800, $0x38;
	[tilespmem:$0xA200] =	vst v63  }
0x67: {  	p0 =	sne.s32 s13, $0x0;
	_ =	swait.ge [sflag:s26], $0x50  }
.Ltmp4:
0x68: {  	[sflag:s26] =	ssyncset.done $0x0;
	(pc) =	sbr.rel @!p0 .LBB2_3-.Ltmp4, $4  }
0x69: {  	[sflag:s26] =	ssyncadd.s32 $0xFFFFFFB0  }
0x6a: {  	_ =	swait.ge [sflag:s26], $0x50  }
0x6b: {  	[sflag:s26] =	ssyncset.done $0x0  }
0x6c: {  	[sflag:s26] =	ssyncadd.s32 $0xFFFFFFB0  }
0x6d: {  	_ =	swait.ge [sflag:s0], $0x2800  }
0x6e: {  	[sflag:s0] =	ssyncset.done $0x0  }
0x6f: {  	[sflag:s0] =	ssyncadd.s32 $0xFFFFD800  }
0x70: {  	p0 =	seq.s32 s13, $0x3D;
	_ =	swait.ge [sflag:s0], $0x2800  }
.Ltmp5:
0x71: {  	[sflag:s0] =	ssyncset.done $0x0;
	(pc) =	sbr.rel @p0 .LBB2_7-.Ltmp5, $4  }
0x72: {  	[sflag:s0] =	ssyncadd.s32 $0xFFFFD800  }
0x73: {  	[tilespmem:s28], [sflag:$0x4] =	stream.indirect.gather [hbm4b:s3+s22], $0x80, s20, s22, $0xb8;
	[tilespmem:$0xA200] =	vst v63  }
0x74: {  	s14 =	simm.s32 $0x3E  }
0x75: {  	[tilespmem:s29], [sflag:$0x4] =	stream.indirect.gather [hbm4b:s3+s22], $0x80, s21, s22, $0xb8;
	[tilespmem:$0xA200] =	vst v63  }
.Ltmp6:
0x76: {  	(pc) =	sbr.rel .LBB2_6-.Ltmp6, $2  }
0x77: {  	_ =	sdelay $0x2  }
0x78: {  	s14 =	sadd.s32 $0x1, s13  }
.LBB2_9:
0x79: {  	_ =	sfence.sel $0x180000  }
0x7a: {  	[bflag:$0x0] =	sbarrier.arrive $0xFFFF  }
0x7b: {  	_ =	strace $0x90000047  }
0x7c: {  	s0 =	stileid.u32;
	[bflag:$0x2] =	sbarrier.arrive $0xFFFF  }
0x7d: {  	p0 =	sne.s32 s0, $0x0;
	s0 =	rddreg [dreg:$0x1]  }
0x7e: {  	s0 =	sadd.s32 @!p0 $0x100000, s0  }
0x7f: {  	[sflag:s0] =	ssyncadd.tile.s32 @!p0 $0x1;
	_ =	shalt  }
.Lfunc_end2:
_tile_overlayer_lowered:
.L_overlay_start_2:
0x80: {  	(tag) =	ssettag $0x2  }
0x81: {  	s0 =	rddreg [dreg:$0x0];
	s2 =	stileid.u32  }
0x82: {  	s1 =	rddreg [dreg:$0x1];
	p0 =	sne.s32 s2, $0x0  }
0x83: {  	s3 =	rddreg [dreg:$0x2];
	[bflag:$0x3] =	sbarrier.arrive $0xFFFF;
	s2 =	simm.s32 @!p0 $0x1C07  }
0x84: {  	[timem:s3], [sflag:s2] =	dma.local @!p0 [hbm:s0], s1  }
0x85: {  	s0 =	simm.s32 @!p0 $0x7  }
0x86: {  	_ =	swait.ge @!p0 [sflag:s0], s1  }
0x87: {  	s1 =	ssub.s32 @!p0 $0x0, s1;
	[sflag:s0] =	ssyncset.done @!p0 $0x0  }
0x88: {  	[sflag:s0] =	ssyncadd.s32 @!p0 s1  }
0x89: {  	[bflag:$0x3] =	sbarrier.arrive $0xFFFF  }
0x8a: {  	_ =	shalt  }

// kernel: kernel.16.cloned.1.call-start
scs
__scs_entry_jumppad:
0x0: {  	(pc) =	sbr.rel $0x88, $3  }
0x1: {  	(tag) =	ssettag $0x0;
	lr =	simm.s32 $0x1  }
0x2: {  	[smem:$0x3F2E] =	sst lr;
	_ =	strace $0xD0000000  }
0x3: {  	_ = 	snop  }
0x4: {  	_ = 	snop  }
0x5: {  	_ = 	snop  }
0x6: {  	_ = 	snop  }
0x7: {  	_ = 	snop  }
__scs_overlays_trampoline_lowered:
0x8: {  	[smem:$0x3F3D] =	sst s0  }
0x9: {  	[smem:$0x3F3E] =	sst s1  }
0xa: {  	[smem:$0x3F3F] =	sst s2  }
0xb: {  	[smem:$0x3F40] =	sst s3  }
0xc: {  	[smem:$0x3F41] =	sst s4  }
0xd: {  	[smem:$0x3F42] =	sst s5  }
0xe: {  	[smem:$0x3F43] =	sst s6  }
0xf: {  	[smem:$0x3F44] =	sst s7  }
0x10: {  	[smem:$0x3F45] =	sst s8  }
0x11: {  	[smem:$0x3F46] =	sst s9;
	s0 =	simm.s32 @!p0 $0x0  }
0x12: {  	s1 =	sld [smem:$0x3F2C];
	s0 =	simm.s32 @p0 $0x1  }
0x13: {  	[smem:$0x3F47] =	sst s0;
	s0 =	simm.s32 @!p1 $0x0  }
0x14: {  	s2 =	sld [smem:$0x3F2B];
	s0 =	simm.s32 @p1 $0x1  }
0x15: {  	[smem:$0x3F48] =	sst s0;
	s0 =	simm.s32 @!p2 $0x0  }
0x16: {  	s3 =	sld [smem:$0x3FDB];
	s0 =	simm.s32 @p2 $0x1  }
0x17: {  	s4 =	simm.s32 $0x1BF5;
	[smem:$0x3F4A] =	sst s0  }
0x18: {  	s0 =	sld [smem:$0x3F2D];
	_ =	swait.ge [sflag:s4], $0x0  }
0x19: {  	s7 =	sld [smem:$0x3F2E]  }
0x1a: {  	s8 =	sadd.s32 $0xFFFFE003, lr  }
0x1b: {  	s9 =	sadd.s32 $0xFFFFFEF7, lr;
	s5 =	simm.s32 $0xFFFFFFFF;
	p2 =	slt.u32 s8, $0xFFFFF086  }
0x1c: {  	p1 =	slt.u32 s9, $0xF7A;
	s5 =	simm.s32 @!p2 $0x0  }
0x1d: {  	s5 =	simm.s32 @p1 $0x1;
	p0 =	seq.s32 s7, s2  }
0x1e: {  	s7 =	smul.u32 @!p0 $0xF7A, s2;
	p2 =	seq.s32 @!p0 s5, $0x0  }
0x1f: {  	s9 =	smul.u32 $0xF7A, s1;
	s8 =	simm.s32 @!p0 $0x1BF5;
	p2 =	por !p2, p0  }
0x20: {  	[sflag:s8] =	ssyncset.s32 @!p0 $0xFFFFF086;
	s6 =	sadd.s32 @!p0 s3, s7;
	s7 =	simm.s32 @!p0 $0x108  }
0x21: {  	s3 =	sadd.s32 s3, s9;
	s6 =	sadd.s32 @!p0 $0x88, s6;
	s7 =	simm.s32 @p2 $0x1082  }
0x22: {  	[simem:s7], [sflag:s8] =	dma.local @!p0 [hbm:s6], $0xF7A  }
0x23: {  	s9 =	sor.u32 $0xD0000000, s2;
	s6 =	simm.s32 $0x108;
	_ =	swait.ge @!p0 [sflag:s8], $0x0  }
0x24: {  	s3 =	sadd.s32 $0x88, s3;
	s6 =	simm.s32 @!p1 $0x1082;
	[sflag:s4] =	ssyncset.s32 $0xFFFFF086  }
0x25: {  	[simem:s6], [sflag:s4] =	dma.local [hbm:s3], $0xF7A  }
0x26: {  	[smem:$0x3F2E] =	sst s1;
	(tag) =	ssettag s2;
	_ =	strace s9  }
0x27: {  	s1 =	sld [smem:$0x3F3E]  }
0x28: {  	s2 =	sld [smem:$0x3F3F]  }
0x29: {  	s4 =	sld [smem:$0x3F41]  }
0x2a: {  	p0 =	seq.s32 s5, $0x0;
	s5 =	sld [smem:$0x3F42]  }
0x2b: {  	s6 =	sld [smem:$0x3F43]  }
0x2c: {  	s7 =	sld [smem:$0x3F44]  }
0x2d: {  	s3 =	simm.s32 $0x108;
	s8 =	sld [smem:$0x3F45]  }
0x2e: {  	s3 =	simm.s32 @!p0 $0x1082;
	s9 =	sld [smem:$0x3F46]  }
0x2f: {  	lr =	sadd.s32 s0, s3;
	s0 =	sld [smem:$0x3F3D]  }
0x30: {  	s3 =	sld [smem:$0x3F40]  }
0x31: {  	[smem:$0x3F49] =	sst s10  }
0x32: {  	s10 =	sld [smem:$0x3F47];
	_ =	sdelay $0x3  }
0x33: {  	p0 =	seq.s32 s10, $0x1;
	s10 =	sld [smem:$0x3F49];
	_ =	sdelay $0x3  }
0x34: {  	[smem:$0x3F49] =	sst s10  }
0x35: {  	s10 =	sld [smem:$0x3F48];
	_ =	sdelay $0x3  }
0x36: {  	p1 =	seq.s32 s10, $0x1;
	s10 =	sld [smem:$0x3F49];
	_ =	sdelay $0x3  }
0x37: {  	[smem:$0x3F49] =	sst s10  }
0x38: {  	s10 =	sld [smem:$0x3F4A]  }
0x39: {  	_ = 	snop;
	(pc) =	sbr.ind lr, $3  }
0x3a: {  	_ = 	snop  }
0x3b: {  	_ = 	snop  }
0x3c: {  	p2 =	seq.s32 s10, $0x1;
	s10 =	sld [smem:$0x3F49]  }
0x3d: {  	_ =	shalt  }
0x3e: {  	_ =	shalt  }
0x3f: {  	_ =	shalt  }
0x40: {  	_ =	shalt  }
0x41: {  	_ =	shalt  }
0x42: {  	_ =	shalt  }
0x43: {  	_ =	shalt  }
0x44: {  	_ =	shalt  }
0x45: {  	_ =	shalt  }
0x46: {  	_ =	shalt  }
0x47: {  	_ =	shalt  }
0x48: {  	_ =	shalt  }
0x49: {  	_ =	shalt  }
0x4a: {  	_ =	shalt  }
0x4b: {  	_ =	shalt  }
0x4c: {  	_ =	shalt  }
0x4d: {  	_ =	shalt  }
0x4e: {  	_ =	shalt  }
0x4f: {  	_ =	shalt  }
0x50: {  	_ =	shalt  }
0x51: {  	_ =	shalt  }
0x52: {  	_ =	shalt  }
0x53: {  	_ =	shalt  }
0x54: {  	_ =	shalt  }
0x55: {  	_ =	shalt  }
0x56: {  	_ =	shalt  }
0x57: {  	_ =	shalt  }
0x58: {  	_ =	shalt  }
0x59: {  	_ =	shalt  }
0x5a: {  	_ =	shalt  }
0x5b: {  	_ =	shalt  }
0x5c: {  	_ =	shalt  }
0x5d: {  	_ =	shalt  }
0x5e: {  	_ =	shalt  }
0x5f: {  	_ =	shalt  }
0x60: {  	_ =	shalt  }
0x61: {  	_ =	shalt  }
0x62: {  	_ =	shalt  }
0x63: {  	_ =	shalt  }
0x64: {  	_ =	shalt  }
0x65: {  	_ =	shalt  }
0x66: {  	_ =	shalt  }
0x67: {  	_ =	shalt  }
0x68: {  	_ =	shalt  }
0x69: {  	_ =	shalt  }
0x6a: {  	_ =	shalt  }
0x6b: {  	_ =	shalt  }
0x6c: {  	_ =	shalt  }
0x6d: {  	_ =	shalt  }
0x6e: {  	_ =	shalt  }
0x6f: {  	_ =	shalt  }
0x70: {  	_ =	shalt  }
0x71: {  	_ =	shalt  }
0x72: {  	_ =	shalt  }
0x73: {  	_ =	shalt  }
0x74: {  	_ =	shalt  }
0x75: {  	_ =	shalt  }
0x76: {  	_ =	shalt  }
0x77: {  	_ =	shalt  }
0x78: {  	_ =	shalt  }
0x79: {  	_ =	shalt  }
0x7a: {  	_ =	shalt  }
0x7b: {  	_ =	shalt  }
0x7c: {  	_ =	shalt  }
0x7d: {  	_ =	shalt  }
0x7e: {  	_ =	shalt  }
0x7f: {  	_ =	shalt  }
0x80: {  	_ =	shalt  }
0x81: {  	_ =	shalt  }
0x82: {  	_ =	shalt  }
0x83: {  	_ =	shalt  }
0x84: {  	_ =	shalt  }
0x85: {  	_ =	shalt  }
0x86: {  	_ =	shalt  }
0x87: {  	_ =	shalt  }
.Lfunc_end0:
.L_simem_size_0:
called_computation.3_lowered:
.L_overlay_start_0:
0x88: {  	s2 =	sld [smem:$0x3FD9]  }
0x89: {  	s3 =	sld [smem:$0x3FFE];
	_ =	sdelay $0x1  }
0x8a: {  	s1 =	srdreg.scid  }
0x8b: {  	s0 =	sand.u32 $0x1, s1  }
0x8c: {  	s17 =	sshll.u32 s0, $0xA;
	s2 =	sadd.s32 s3, s2  }
0x8d: {  	s2 =	sadd.s32 s2, s17  }
0x8e: {  	[smem:$0x3F55] =	sst s2  }
0x8f: {  	_ = 	snop  }
0x90: {  	s2 =	sld [smem:$0x3FD0];
	(tm) =	ssettm $0x1  }
0x91: {  	s18 =	sld [smem:$0x3FFB];
	_ =	sdelay $0x3  }
0x92: {  	_ =	strace s18  }
0x93: {  	s3 =	sld [smem:$0x3FFC];
	_ =	sdelay $0x3  }
0x94: {  	_ =	strace s3  }
0x95: {  	s3 =	sld [smem:$0x3FFD];
	_ =	sdelay $0x3  }
0x96: {  	_ =	strace s3  }
0x97: {  	_ =	strace $0x8FFFFFFF  }
0x98: {  	s19 =	sld [smem:$0x3FDB];
	_ =	sdelay $0x1  }
0x99: {  	s4 =	simm.s32 $_scs_section_size  }
0x9a: {  	s5 =	simm.s32 $_size__tile_overlayer_lowered;
	s6 =	simm.s32 $_tile_overlayer_lowered  }
0x9b: {  	s22 =	simm.s32 $0x1BFF;
	s21 =	sshll.u32 s6, $0x1;
	s3 =	sadd.s32 s4, s19  }
0x9c: {  	s7 =	simm.s32 $0x0;
	s20 =	sshll.u32 s5, $0x1;
	s5 =	sadd.s32 s21, s3  }
0x9d: {  	[timem:s7], [sflag:s22] =	dma.local [hbm:s5], s20  }
0x9e: {  	_ =	swait.ge [sflag:s22], s20  }
0x9f: {  	s4 =	ssub.s32 $0x0, s20;
	[sflag:s22] =	ssyncset.done $0x0  }
0xa0: {  	[sflag:s22] =	ssyncadd.s32 s4;
	_ =	sdelay $0x1  }
0xa1: {  	s23 =	simm.s32 $0x1B8B  }
0xa2: {  	_ =	swait.ge [sflag:s23], $0x1  }
0xa3: {  	[sflag:s23] =	ssyncset.done $0x0  }
0xa4: {  	s25 =	simm.s32 $0x1B8E;
	s24 =	sld [smem:$0x3FFE];
	[sflag:s23] =	ssyncadd.s32 $0xFFFFFFFF  }
0xa5: {  	s26 =	simm.s32 $execute0_lowered;
	[smem:$0x3FD2] =	sst s25  }
0xa6: {  	s5 =	sshll.u32 s26, $0x1;
	_ =	strace $0x80000049;
	[dreg:$0x1] =	wrdreg $0xFFFFFFFF  }
0xa7: {  	s28 =	simm.s32 $_size_execute0_lowered;
	s3 =	sadd.s32 s3, s5;
	[dreg:$0x0] =	wrdreg $0x0  }
0xa8: {  	s5 =	sshll.u32 s28, $0x1;
	[dreg:$0x2] =	wrdreg s3  }
0xa9: {  	[dreg:$0x3] =	wrdreg s5  }
0xaa: {  	[dreg:$0x4] =	wrdreg $0xC0  }
0xab: {  	_ =	task [dreg:s7], $0x5FFFF  }
0xac: {  	[dreg:$0x1] =	wrdreg $0xFFFFFFFF  }
0xad: {  	[dreg:$0x0] =	wrdreg $0x60  }
0xae: {  	[dreg:$0x2] =	wrdreg s24  }
0xaf: {  	[dreg:$0x3] =	wrdreg s2  }
0xb0: {  	[dreg:$0x4] =	wrdreg $0x79000  }
0xb1: {  	[dreg:$0x5] =	wrdreg $0x9  }
0xb2: {  	_ =	task.clear_ibuf [dreg:s7], $0x6FFFF;
	_ =	strace $0x90000049  }
0xb3: {  	s29 =	simm.s32 $0x9;
	_ =	strace $0x8000004B  }
0xb4: {  	_ =	swait.ge [sflag:s29], $0x1  }
0xb5: {  	[sflag:s29] =	ssyncadd.s32 $0xFFFFFFFF  }
0xb6: {  	_ =	strace $0x9000004B  }
0xb7: {  	_ =	sfence  }
0xb8: {  	s30 =	sld [smem:$0x0];
	_ =	sdelay $0x2  }
0xb9: {  	s31 =	sshll.u32 s1, $0xD;
	s1 =	sshrl.u32 s1, $0x2  }
0xba: {  	s3 =	sand.u32 $0x4000, s31;
	s1 =	sadd.s32 s1, s30  }
0xbb: {  	s0 =	sor.u32 s3, s0;
	s1 =	sshll.u32 s1, $0x11  }
0xbc: {  	s0 =	sor.u32 s1, s0  }
0xbd: {  	s0 =	sadd.s32 $0x8F2B, s0  }
0xbe: {  	[sflag:s0] =	ssyncadd.remote.s32 $0x1  }
0xbf: {  	_ =	sfence.sel $0xFFFF  }
0xc0: {  	[dreg:$0x0] =	wrdreg $0xFFFFFFFF;
	(pc) =	sbr.abs _section_cstart, $3  }
0xc1: {  	[dreg:$0x1] =	wrdreg $0xFFFFFFFF  }
0xc2: {  	_ =	task.clear_ibuf [dreg:s7], $0x2FFFF;
	_ =	strace $0x9FFFFFFF  }
0xc3: {  	(tm) =	ssettm $0x7FFFFFFF  }
tec
execute0_lowered:
.L_overlay_start_1:
0x0: {  	(tag) =	ssettag $0x1  }
0x1: {  	s0 =	rddreg [dreg:$0x0]  }
0x2: {  	s12 =	rddreg [dreg:$0x1]  }
0x3: {  	s2 =	rddreg [dreg:$0x2]  }
0x4: {  	s3 =	simm.s32 $0x0;
	s1 =	srdreg.scid;
	s14 =	stileid.u32  }
0x5: {  	s28 =	simm.s32 $0x2;
	s29 =	simm.s32 $0x3;
	s30 =	simm.s32 $0x4  }
0x6: {  	s31 =	simm.s32 $0x0;
	[smem:$0x7FF] =	sst s3;
	s7 =	smul.u32 $0x5000, s14  }
0x7: {  	s1 =	sand.u32 $0x1, s1;
	s6 =	sadd.s32 $0xEF4400, s0;
	s22 =	smul.u32 $0x14000, s14  }
0x8: {  	s5 =	sadd.s32 $0x1CE00, s0;
	s8 =	sadd.s32 $0x13000, s0;
	s16 =	smul.u32 $0x4E20, s14  }
0x9: {  	s20 =	sshll.u32 s14, $0x1;
	_ =	strace $0x8000004A;
	s4 =	smul.u32 $0x50000, s1  }
0xa: {  	s21 =	sor.u32 s1, s20;
	s9 =	ssub.s32 $0x2, s1;
	s17 =	smul.u32 $0x2710, s1  }
0xb: {  	[dreg:$0x4] =	wrdreg s8;
	s13 =	smul.u32 $0x2710, s21;
	s10 =	sshrl.u32 s9, $0x1  }
0xc: {  	s8 =	sshrl.u32 s22, $0x2;
	s4 =	sadd.s32 s7, s4;
	s7 =	smul.u32 $0x27100, s21  }
0xd: {  	s23 =	ssub.s32 s9, s10;
	s8 =	sadd.s32 s8, s2;
	s10 =	smul.u32 $0x4E200, s14  }
0xe: {  	s21 =	smul.u32 $0x27100, s1;
	s4 =	sshrl.u32 s4, $0x3;
	[dreg:$0x5] =	wrdreg s8  }
0xf: {  	s24 =	sshrl.u32 s13, $0x3;
	s25 =	sadd.s32 $0x26C0, s13;
	s19 =	sadd.s32 $0x2670, s13  }
0x10: {  	s14 =	smax.u32 s23, $0x1;
	s0 =	sadd.s32 s4, s0;
	s7 =	sadd.s32 s6, s7  }
0x11: {  	s9 =	sadd.s32 s5, s24;
	s26 =	sshll.u32 s25, $0x4;
	s8 =	sshrl.u32 s25, $0x3  }
0x12: {  	s20 =	sshll.u32 s19, $0x4;
	s22 =	sshrl.u32 s19, $0x3;
	s23 =	sadd.s32 s10, s6  }
0x13: {  	s24 =	sadd.s32 s17, s16;
	[dreg:$0x6] =	wrdreg s7;
	s7 =	sadd.s32 s6, s26  }
0x14: {  	s11 =	sadd.s32 s5, s8;
	s18 =	sadd.s32 $0x4E400, s0;
	s0 =	sadd.s32 $0x62400, s0  }
0x15: {  	s15 =	sadd.s32 s6, s20;
	s16 =	sadd.s32 s5, s22;
	s25 =	sadd.s32 $0x50, s24  }
0x16: {  	s8 =	sadd.s32 $0xA0, s24;
	s20 =	simm.s32 $0x5100;
	[dreg:$0x7] =	wrdreg s7  }
0x17: {  	s22 =	simm.s32 $0x5000;
	s24 =	simm.s32 $0x2800;
	[dreg:$0x8] =	wrdreg s18  }
0x18: {  	[dreg:$0x9] =	wrdreg s0;
	s0 =	sadd.s32 s21, s23;
	s26 =	sshrl.u32 s25, $0x3  }
0x19: {  	s21 =	simm.s32 $0x5;
	s23 =	simm.s32 $0x1;
	s25 =	simm.s32 $0x5080  }
0x1a: {  	s7 =	sadd.s32 $0xA00, s0;
	s19 =	sadd.s32 s26, s5;
	s26 =	simm.s32 $0x50  }
.LBB2_1:
0x1b: {  	s0 =	rddreg [dreg:$0x4]  }
0x1c: {  	[tilespmem:s20], [sflag:$0x5] =	stream.linear.gather [hbm4b:s0+s3], $0x2800, $0x38;
	[tilespmem:$0xC900] =	vst v63  }
0x1d: {  	s6 =	stileid.u32;
	_ =	swait.ge [sflag:s21], $0x2800  }
0x1e: {  	s0 =	sshll.u32 s6, $0x6;
	[sflag:s21] =	ssyncset.done $0x0;
	s1 =	rddreg [dreg:$0x5]  }
0x1f: {  	s0 =	sor.u32 $0x1C05, s0;
	[sflag:s21] =	ssyncadd.s32 $0xFFFFD800;
	s4 =	sshrl.u32 s1, $0x3  }
0x20: {  	[spmem:s4], [sflag:s0] =	dma.local [hbm:s12], $0xA00  }
0x21: {  	_ =	swait.ge [sflag:s21], $0xA00  }
0x22: {  	[sflag:s21] =	ssyncset.done $0x0  }
0x23: {  	[sflag:s21] =	ssyncadd.s32 $0xFFFFF600  }
0x24: {  	[bflag:$0x0] =	sbarrier.arrive $0xFFFF  }
0x25: {  	s10 =	rddreg [dreg:$0x6]  }
0x26: {  	[tilespmem:s3], [sflag:$0x1] =	stream.linear.gather [hbm4b:s10+s3], $0x2800, $0x38;
	[tilespmem:$0xC900] =	vst v63  }
0x27: {  	_ = 	snop  }
0x28: {  	[tilespmem:s22], [sflag:$0x1] =	stream.linear.gather [hbm4b:s9+s3], $0x50, $0x38;
	[tilespmem:$0xC900] =	vst v63  }
0x29: {  	_ =	swait.ge [sflag:s23], $0x2800  }
0x2a: {  	[sflag:s23] =	ssyncset.done $0x0  }
0x2b: {  	[sflag:s23] =	ssyncadd.s32 $0xFFFFD800  }
0x2c: {  	_ =	swait.ge [sflag:s23], $0x50  }
0x2d: {  	[sflag:s23] =	ssyncset.done $0x0  }
0x2e: {  	s13 =	smov.u32 s12;
	s12 =	sadd.s32 $0xFFFFFB00, s7;
	[sflag:s23] =	ssyncadd.s32 $0xFFFFFFB0  }
0x2f: {  	[tilespmem:s24], [sflag:$0x2] =	stream.linear.gather [hbm4b:s12+s3], $0x2800, $0x38;
	[tilespmem:$0xC900] =	vst v63  }
0x30: {  	s17 =	sadd.s32 $0x0, s19  }
0x31: {  	[tilespmem:s25], [sflag:$0x2] =	stream.linear.gather [hbm4b:s17+s3], $0x50, $0x38;
	[tilespmem:$0xC900] =	vst v63  }
0x32: {  	_ = 	snop  }
0x33: {  	[spmem:s2] =	stream.indirect.scatter.add.f32 [tilespmem:s3], [sflag:$0x3], $0x80, s22, s26, $0xb8;
	[tilespmem:$0xC900] =	vst v63  }
0x34: {  	_ =	swait.ge [sflag:s28], $0x2800  }
0x35: {  	[sflag:s28] =	ssyncset.done $0x0  }
0x36: {  	[sflag:s28] =	ssyncadd.s32 $0xFFFFD800  }
0x37: {  	_ =	swait.ge [sflag:s28], $0x50  }
0x38: {  	[sflag:s28] =	ssyncset.done $0x0  }
0x39: {  	[sflag:s28] =	ssyncadd.s32 $0xFFFFFFB0  }
0x3a: {  	_ =	swait.ge [sflag:s29], $0x2800  }
0x3b: {  	[sflag:s29] =	ssyncset.done $0x0  }
0x3c: {  	s18 =	sshrl.u32 s8, $0x3;
	[sflag:s29] =	ssyncadd.s32 $0xFFFFD800  }
0x3d: {  	[tilespmem:s3], [sflag:$0x1] =	stream.linear.gather [hbm4b:s7+s3], $0x2800, $0x38;
	[tilespmem:$0xC900] =	vst v63  }
0x3e: {  	s1 =	sadd.s32 s5, s18  }
0x3f: {  	[tilespmem:s22], [sflag:$0x1] =	stream.linear.gather [hbm4b:s1+s3], $0x50, $0x38;
	[tilespmem:$0xC900] =	vst v63  }
0x40: {  	_ = 	snop  }
0x41: {  	[spmem:s2] =	stream.indirect.scatter.add.f32 [tilespmem:s24], [sflag:$0x4], $0x80, s25, s26, $0xb8;
	[tilespmem:$0xC900] =	vst v63  }
0x42: {  	s6 =	simm.s32 $0x14;
	_ =	swait.ge [sflag:s30], $0x2800  }
0x43: {  	s18 =	smov.u32 s8;
	s17 =	smov.u32 s7;
	[sflag:s30] =	ssyncset.done $0x0  }
.LBB2_2:
0x44: {  	[sflag:s30] =	ssyncadd.s32 $0xFFFFD800;
	s17 =	sadd.s32 $0xA00, s17;
	s18 =	sadd.s32 $0xA0, s18  }
0x45: {  	p0 =	sne.s32 s6, $0x4B0;
	s10 =	smov.u32 s6;
	s6 =	sadd.s32 $0x14, s6  }
0x46: {  	_ =	swait.ge [sflag:s23], $0x2800  }
0x47: {  	[sflag:s23] =	ssyncset.done $0x0  }
0x48: {  	[sflag:s23] =	ssyncadd.s32 $0xFFFFD800  }
0x49: {  	_ =	swait.ge [sflag:s23], $0x50  }
0x4a: {  	[sflag:s23] =	ssyncset.done $0x0  }
0x4b: {  	s12 =	sadd.s32 $0xFFFFFB00, s17;
	[sflag:s23] =	ssyncadd.s32 $0xFFFFFFB0  }
0x4c: {  	[tilespmem:s24], [sflag:$0x2] =	stream.linear.gather [hbm4b:s12+s3], $0x2800, $0x38;
	[tilespmem:$0xC900] =	vst v63  }
0x4d: {  	s10 =	sadd.s32 s10, s19  }
0x4e: {  	[tilespmem:s25], [sflag:$0x2] =	stream.linear.gather [hbm4b:s10+s3], $0x50, $0x38;
	[tilespmem:$0xC900] =	vst v63  }
0x4f: {  	_ = 	snop  }
0x50: {  	[spmem:s2] =	stream.indirect.scatter.add.f32 [tilespmem:s3], [sflag:$0x3], $0x80, s22, s26, $0xb8;
	[tilespmem:$0xC900] =	vst v63  }
0x51: {  	_ =	swait.ge [sflag:s28], $0x2800  }
0x52: {  	[sflag:s28] =	ssyncset.done $0x0  }
0x53: {  	[sflag:s28] =	ssyncadd.s32 $0xFFFFD800  }
0x54: {  	_ =	swait.ge [sflag:s28], $0x50  }
0x55: {  	[sflag:s28] =	ssyncset.done $0x0  }
0x56: {  	[sflag:s28] =	ssyncadd.s32 $0xFFFFFFB0  }
0x57: {  	_ =	swait.ge [sflag:s29], $0x2800  }
0x58: {  	[sflag:s29] =	ssyncset.done $0x0  }
0x59: {  	s10 =	sshrl.u32 s18, $0x3;
	[sflag:s29] =	ssyncadd.s32 $0xFFFFD800  }
0x5a: {  	[tilespmem:s3], [sflag:$0x1] =	stream.linear.gather [hbm4b:s17+s3], $0x2800, $0x38;
	[tilespmem:$0xC900] =	vst v63  }
0x5b: {  	s10 =	sadd.s32 s5, s10  }
0x5c: {  	[tilespmem:s22], [sflag:$0x1] =	stream.linear.gather [hbm4b:s10+s3], $0x50, $0x38;
	[tilespmem:$0xC900] =	vst v63  }
.Ltmp0:
0x5d: {  	_ = 	snop;
	(pc) =	sbr.rel @p0 .LBB2_2-.Ltmp0, $4  }
0x5e: {  	_ = 	snop  }
0x5f: {  	[spmem:s2] =	stream.indirect.scatter.add.f32 [tilespmem:s24], [sflag:$0x4], $0x80, s25, s26, $0xb8;
	[tilespmem:$0xC900] =	vst v63  }
0x60: {  	_ =	swait.ge [sflag:s30], $0x2800  }
0x61: {  	[sflag:s30] =	ssyncset.done $0x0  }
0x62: {  	[sflag:s30] =	ssyncadd.s32 $0xFFFFD800  }
0x63: {  	_ =	swait.ge [sflag:s23], $0x2800  }
0x64: {  	[sflag:s23] =	ssyncset.done $0x0  }
0x65: {  	[sflag:s23] =	ssyncadd.s32 $0xFFFFD800  }
0x66: {  	_ =	swait.ge [sflag:s23], $0x50  }
0x67: {  	[sflag:s23] =	ssyncset.done $0x0  }
0x68: {  	s6 =	simm.s32 $0x0;
	[sflag:s23] =	ssyncadd.s32 $0xFFFFFFB0  }
0x69: {  	[tilespmem:s24], [sflag:$0x2] =	stream.linear.gather [hbm4b:s15+s6], $0x2800, $0x38;
	[tilespmem:$0xC900] =	vst v63  }
0x6a: {  	_ = 	snop  }
0x6b: {  	[tilespmem:s25], [sflag:$0x2] =	stream.linear.gather [hbm4b:s16+s6], $0x50, $0x38;
	[tilespmem:$0xC900] =	vst v63  }
0x6c: {  	_ = 	snop  }
0x6d: {  	[spmem:s2] =	stream.indirect.scatter.add.f32 [tilespmem:s6], [sflag:$0x3], $0x80, s22, s26, $0xb8;
	[tilespmem:$0xC900] =	vst v63  }
0x6e: {  	_ =	swait.ge [sflag:s28], $0x2800  }
0x6f: {  	[sflag:s28] =	ssyncset.done $0x0  }
0x70: {  	[sflag:s28] =	ssyncadd.s32 $0xFFFFD800  }
0x71: {  	_ =	swait.ge [sflag:s28], $0x50  }
0x72: {  	[sflag:s28] =	ssyncset.done $0x0  }
0x73: {  	[sflag:s28] =	ssyncadd.s32 $0xFFFFFFB0  }
0x74: {  	_ =	swait.ge [sflag:s29], $0x2800  }
0x75: {  	[sflag:s29] =	ssyncset.done $0x0  }
0x76: {  	[sflag:s29] =	ssyncadd.s32 $0xFFFFD800  }
0x77: {  	[spmem:s2] =	stream.indirect.scatter.add.f32 [tilespmem:s24], [sflag:$0x4], $0x80, s25, s26, $0xb8;
	[tilespmem:$0xC900] =	vst v63  }
0x78: {  	_ =	swait.ge [sflag:s30], $0x2800  }
0x79: {  	[sflag:s30] =	ssyncset.done $0x0  }
0x7a: {  	s10 =	rddreg [dreg:$0x7];
	[sflag:s30] =	ssyncadd.s32 $0xFFFFD800  }
0x7b: {  	[tilespmem:s6], [sflag:$0x1] =	stream.linear.gather [hbm4b:s10+s6], $0x2800, $0x38;
	[tilespmem:$0xC900] =	vst v63  }
0x7c: {  	_ = 	snop  }
0x7d: {  	[tilespmem:s22], [sflag:$0x1] =	stream.linear.gather [hbm4b:s11+s6], $0x50, $0x38;
	[tilespmem:$0xC900] =	vst v63  }
0x7e: {  	_ =	swait.ge [sflag:s23], $0x2800  }
0x7f: {  	[sflag:s23] =	ssyncset.done $0x0  }
0x80: {  	[sflag:s23] =	ssyncadd.s32 $0xFFFFD800  }
0x81: {  	_ =	swait.ge [sflag:s23], $0x50  }
0x82: {  	[sflag:s23] =	ssyncset.done $0x0  }
0x83: {  	[sflag:s23] =	ssyncadd.s32 $0xFFFFFFB0  }
0x84: {  	[spmem:s2] =	stream.indirect.scatter.add.f32 [tilespmem:s6], [sflag:$0x3], $0x80, s22, s26, $0xb8;
	[tilespmem:$0xC900] =	vst v63  }
0x85: {  	_ =	swait.ge [sflag:s29], $0x2800  }
0x86: {  	[sflag:s29] =	ssyncset.done $0x0  }
0x87: {  	[sflag:s29] =	ssyncadd.s32 $0xFFFFD800  }
0x88: {  	[bflag:$0x0] =	sbarrier.arrive $0xFFFF  }
0x89: {  	s17 =	rddreg [dreg:$0x8]  }
0x8a: {  	[hbm:s17], [sflag:s0] =	dma.local [spmem:s4], $0xA00  }
0x8b: {  	_ =	swait.ge [sflag:s21], $0xA00  }
0x8c: {  	[sflag:s21] =	ssyncset.done $0x0  }
0x8d: {  	[sflag:s21] =	ssyncadd.s32 $0xFFFFF600  }
0x8e: {  	[bflag:$0x0] =	sbarrier.arrive $0xFFFF  }
0x8f: {  	[spmem:s4], [sflag:s0] =	dma.local [hbm:s13], $0xA00  }
0x90: {  	_ =	swait.ge [sflag:s21], $0xA00  }
0x91: {  	[sflag:s21] =	ssyncset.done $0x0  }
0x92: {  	[sflag:s21] =	ssyncadd.s32 $0xFFFFF600  }
0x93: {  	[bflag:$0x0] =	sbarrier.arrive $0xFFFF  }
0x94: {  	[tilespmem:s22], [sflag:$0x1] =	stream.linear.gather [hbm4b:s9+s6], $0x50, $0x38;
	[tilespmem:$0xC900] =	vst v63  }
0x95: {  	_ =	swait.ge [sflag:s23], $0x50  }
0x96: {  	[sflag:s23] =	ssyncset.done $0x0  }
0x97: {  	s18 =	sadd.s32 $0x0, s19;
	[sflag:s23] =	ssyncadd.s32 $0xFFFFFFB0  }
0x98: {  	[tilespmem:s25], [sflag:$0x2] =	stream.linear.gather [hbm4b:s18+s3], $0x50, $0x38;
	[tilespmem:$0xC900] =	vst v63  }
0x99: {  	_ = 	snop  }
0x9a: {  	[spmem:s2] =	stream.indirect.scatter.add.f32 [tilespmem:s20], [sflag:$0x3], $0x80, s22, s26, $0xb8;
	[tilespmem:$0xC900] =	vst v63  }
0x9b: {  	_ =	swait.ge [sflag:s28], $0x50  }
0x9c: {  	[sflag:s28] =	ssyncset.done $0x0  }
0x9d: {  	[sflag:s28] =	ssyncadd.s32 $0xFFFFFFB0  }
0x9e: {  	_ =	swait.ge [sflag:s29], $0x2800  }
0x9f: {  	[sflag:s29] =	ssyncset.done $0x0  }
0xa0: {  	[sflag:s29] =	ssyncadd.s32 $0xFFFFD800  }
0xa1: {  	[tilespmem:s22], [sflag:$0x1] =	stream.linear.gather [hbm4b:s1+s3], $0x50, $0x38;
	[tilespmem:$0xC900] =	vst v63  }
0xa2: {  	_ = 	snop  }
0xa3: {  	[spmem:s2] =	stream.indirect.scatter.add.f32 [tilespmem:s20], [sflag:$0x4], $0x80, s25, s26, $0xb8;
	[tilespmem:$0xC900] =	vst v63  }
0xa4: {  	s12 =	smov.u32 s13;
	_ =	swait.ge [sflag:s30], $0x2800  }
0xa5: {  	s6 =	smov.u32 s8;
	s1 =	simm.s32 $0x14;
	[sflag:s30] =	ssyncset.done $0x0  }
.LBB2_4:
0xa6: {  	p0 =	sne.s32 s1, $0x4B0;
	[sflag:s30] =	ssyncadd.s32 $0xFFFFD800;
	s6 =	sadd.s32 $0xA0, s6  }
0xa7: {  	s10 =	smov.u32 s1;
	s1 =	sadd.s32 $0x14, s1  }
0xa8: {  	_ =	swait.ge [sflag:s23], $0x50  }
0xa9: {  	[sflag:s23] =	ssyncset.done $0x0  }
0xaa: {  	s10 =	sadd.s32 s10, s19;
	[sflag:s23] =	ssyncadd.s32 $0xFFFFFFB0  }
0xab: {  	[tilespmem:s25], [sflag:$0x2] =	stream.linear.gather [hbm4b:s10+s3], $0x50, $0x38;
	[tilespmem:$0xC900] =	vst v63  }
0xac: {  	_ = 	snop  }
0xad: {  	[spmem:s2] =	stream.indirect.scatter.add.f32 [tilespmem:s20], [sflag:$0x3], $0x80, s22, s26, $0xb8;
	[tilespmem:$0xC900] =	vst v63  }
0xae: {  	_ =	swait.ge [sflag:s28], $0x50  }
0xaf: {  	[sflag:s28] =	ssyncset.done $0x0  }
0xb0: {  	[sflag:s28] =	ssyncadd.s32 $0xFFFFFFB0  }
0xb1: {  	_ =	swait.ge [sflag:s29], $0x2800  }
0xb2: {  	s10 =	sshrl.u32 s6, $0x3;
	[sflag:s29] =	ssyncset.done $0x0  }
0xb3: {  	s10 =	sadd.s32 s5, s10;
	[sflag:s29] =	ssyncadd.s32 $0xFFFFD800  }
0xb4: {  	[tilespmem:s22], [sflag:$0x1] =	stream.linear.gather [hbm4b:s10+s3], $0x50, $0x38;
	[tilespmem:$0xC900] =	vst v63  }
.Ltmp1:
0xb5: {  	_ = 	snop;
	(pc) =	sbr.rel @p0 .LBB2_4-.Ltmp1, $4  }
0xb6: {  	_ = 	snop  }
0xb7: {  	[spmem:s2] =	stream.indirect.scatter.add.f32 [tilespmem:s20], [sflag:$0x4], $0x80, s25, s26, $0xb8;
	[tilespmem:$0xC900] =	vst v63  }
0xb8: {  	_ =	swait.ge [sflag:s30], $0x2800  }
0xb9: {  	[sflag:s30] =	ssyncset.done $0x0  }
0xba: {  	[sflag:s30] =	ssyncadd.s32 $0xFFFFD800  }
0xbb: {  	_ =	swait.ge [sflag:s23], $0x50  }
0xbc: {  	[sflag:s23] =	ssyncset.done $0x0  }
0xbd: {  	[sflag:s23] =	ssyncadd.s32 $0xFFFFFFB0  }
0xbe: {  	[tilespmem:s25], [sflag:$0x2] =	stream.linear.gather [hbm4b:s16+s3], $0x50, $0x38;
	[tilespmem:$0xC900] =	vst v63  }
0xbf: {  	_ = 	snop  }
0xc0: {  	[spmem:s2] =	stream.indirect.scatter.add.f32 [tilespmem:s20], [sflag:$0x3], $0x80, s22, s26, $0xb8;
	[tilespmem:$0xC900] =	vst v63  }
0xc1: {  	_ =	swait.ge [sflag:s28], $0x50  }
0xc2: {  	[sflag:s28] =	ssyncset.done $0x0  }
0xc3: {  	[sflag:s28] =	ssyncadd.s32 $0xFFFFFFB0  }
0xc4: {  	_ =	swait.ge [sflag:s29], $0x2800  }
0xc5: {  	[sflag:s29] =	ssyncset.done $0x0  }
0xc6: {  	[sflag:s29] =	ssyncadd.s32 $0xFFFFD800  }
0xc7: {  	[spmem:s2] =	stream.indirect.scatter.add.f32 [tilespmem:s20], [sflag:$0x4], $0x80, s25, s26, $0xb8;
	[tilespmem:$0xC900] =	vst v63  }
0xc8: {  	_ =	swait.ge [sflag:s30], $0x2800  }
0xc9: {  	[sflag:s30] =	ssyncset.done $0x0  }
0xca: {  	[sflag:s30] =	ssyncadd.s32 $0xFFFFD800  }
0xcb: {  	[tilespmem:s22], [sflag:$0x1] =	stream.linear.gather [hbm4b:s11+s3], $0x50, $0x38;
	[tilespmem:$0xC900] =	vst v63  }
0xcc: {  	_ =	swait.ge [sflag:s23], $0x50  }
0xcd: {  	[sflag:s23] =	ssyncset.done $0x0  }
0xce: {  	[sflag:s23] =	ssyncadd.s32 $0xFFFFFFB0  }
0xcf: {  	[spmem:s2] =	stream.indirect.scatter.add.f32 [tilespmem:s20], [sflag:$0x3], $0x80, s22, s26, $0xb8;
	[tilespmem:$0xC900] =	vst v63  }
0xd0: {  	_ =	swait.ge [sflag:s29], $0x2800  }
0xd1: {  	[sflag:s29] =	ssyncset.done $0x0  }
0xd2: {  	s31 =	sadd.s32 $0x1, s31;
	[sflag:s29] =	ssyncadd.s32 $0xFFFFD800  }
0xd3: {  	p0 =	sne.s32 s31, s14;
	[bflag:$0x0] =	sbarrier.arrive $0xFFFF  }
.Ltmp2:
0xd4: {  	s1 =	rddreg [dreg:$0x9];
	(pc) =	sbr.rel @p0 .LBB2_1-.Ltmp2, $4  }
0xd5: {  	[hbm:s1], [sflag:s0] =	dma.local [spmem:s4], $0xA00  }
0xd6: {  	_ =	swait.ge [sflag:s21], $0xA00  }
0xd7: {  	[sflag:s21] =	ssyncset.done $0x0  }
0xd8: {  	[sflag:s21] =	ssyncadd.s32 $0xFFFFF600  }
0xd9: {  	_ =	sfence.sel $0x180000  }
0xda: {  	[bflag:$0x0] =	sbarrier.arrive $0xFFFF  }
0xdb: {  	_ =	strace $0x9000004A  }
0xdc: {  	s0 =	stileid.u32;
	[bflag:$0x2] =	sbarrier.arrive $0xFFFF  }
0xdd: {  	p0 =	sne.s32 s0, $0x0;
	s0 =	rddreg [dreg:$0x3]  }
0xde: {  	s0 =	sadd.s32 @!p0 $0x100000, s0  }
0xdf: {  	[sflag:s0] =	ssyncadd.tile.s32 @!p0 $0x1;
	_ =	shalt  }
.Lfunc_end2:
_tile_overlayer_lowered:
.L_overlay_start_2:
0xe0: {  	(tag) =	ssettag $0x2  }
0xe1: {  	s0 =	rddreg [dreg:$0x0];
	s2 =	stileid.u32  }
0xe2: {  	s1 =	rddreg [dreg:$0x1];
	p0 =	sne.s32 s2, $0x0  }
0xe3: {  	s3 =	rddreg [dreg:$0x2];
	[bflag:$0x3] =	sbarrier.arrive $0xFFFF;
	s2 =	simm.s32 @!p0 $0x1C05  }
0xe4: {  	[timem:s3], [sflag:s2] =	dma.local @!p0 [hbm:s0], s1  }
0xe5: {  	s0 =	simm.s32 @!p0 $0x5  }
0xe6: {  	_ =	swait.ge @!p0 [sflag:s0], s1  }
0xe7: {  	s1 =	ssub.s32 @!p0 $0x0, s1;
	[sflag:s0] =	ssyncset.done @!p0 $0x0  }
0xe8: {  	[sflag:s0] =	ssyncadd.s32 @!p0 s1  }
0xe9: {  	[bflag:$0x3] =	sbarrier.arrive $0xFFFF  }
0xea: {  	_ =	shalt  }

// kernel: kernel.19.cloned.1.call-start
scs
__scs_entry_jumppad:
0x0: {  	(pc) =	sbr.rel $0x88, $3  }
0x1: {  	(tag) =	ssettag $0x0;
	lr =	simm.s32 $0x1  }
0x2: {  	[smem:$0x3F2E] =	sst lr;
	_ =	strace $0xD0000000  }
0x3: {  	_ = 	snop  }
0x4: {  	_ = 	snop  }
0x5: {  	_ = 	snop  }
0x6: {  	_ = 	snop  }
0x7: {  	_ = 	snop  }
__scs_overlays_trampoline_lowered:
0x8: {  	[smem:$0x3F3D] =	sst s0  }
0x9: {  	[smem:$0x3F3E] =	sst s1  }
0xa: {  	[smem:$0x3F3F] =	sst s2  }
0xb: {  	[smem:$0x3F40] =	sst s3  }
0xc: {  	[smem:$0x3F41] =	sst s4  }
0xd: {  	[smem:$0x3F42] =	sst s5  }
0xe: {  	[smem:$0x3F43] =	sst s6  }
0xf: {  	[smem:$0x3F44] =	sst s7  }
0x10: {  	[smem:$0x3F45] =	sst s8  }
0x11: {  	[smem:$0x3F46] =	sst s9;
	s0 =	simm.s32 @!p0 $0x0  }
0x12: {  	s1 =	sld [smem:$0x3F2C];
	s0 =	simm.s32 @p0 $0x1  }
0x13: {  	[smem:$0x3F47] =	sst s0;
	s0 =	simm.s32 @!p1 $0x0  }
0x14: {  	s2 =	sld [smem:$0x3F2B];
	s0 =	simm.s32 @p1 $0x1  }
0x15: {  	[smem:$0x3F48] =	sst s0;
	s0 =	simm.s32 @!p2 $0x0  }
0x16: {  	s3 =	sld [smem:$0x3FDB];
	s0 =	simm.s32 @p2 $0x1  }
0x17: {  	s4 =	simm.s32 $0x1BF5;
	[smem:$0x3F4A] =	sst s0  }
0x18: {  	s0 =	sld [smem:$0x3F2D];
	_ =	swait.ge [sflag:s4], $0x0  }
0x19: {  	s7 =	sld [smem:$0x3F2E]  }
0x1a: {  	s8 =	sadd.s32 $0xFFFFE003, lr  }
0x1b: {  	s9 =	sadd.s32 $0xFFFFFEF7, lr;
	s5 =	simm.s32 $0xFFFFFFFF;
	p2 =	slt.u32 s8, $0xFFFFF086  }
0x1c: {  	p1 =	slt.u32 s9, $0xF7A;
	s5 =	simm.s32 @!p2 $0x0  }
0x1d: {  	s5 =	simm.s32 @p1 $0x1;
	p0 =	seq.s32 s7, s2  }
0x1e: {  	s7 =	smul.u32 @!p0 $0xF7A, s2;
	p2 =	seq.s32 @!p0 s5, $0x0  }
0x1f: {  	s9 =	smul.u32 $0xF7A, s1;
	s8 =	simm.s32 @!p0 $0x1BF5;
	p2 =	por !p2, p0  }
0x20: {  	[sflag:s8] =	ssyncset.s32 @!p0 $0xFFFFF086;
	s6 =	sadd.s32 @!p0 s3, s7;
	s7 =	simm.s32 @!p0 $0x108  }
0x21: {  	s3 =	sadd.s32 s3, s9;
	s6 =	sadd.s32 @!p0 $0x88, s6;
	s7 =	simm.s32 @p2 $0x1082  }
0x22: {  	[simem:s7], [sflag:s8] =	dma.local @!p0 [hbm:s6], $0xF7A  }
0x23: {  	s9 =	sor.u32 $0xD0000000, s2;
	s6 =	simm.s32 $0x108;
	_ =	swait.ge @!p0 [sflag:s8], $0x0  }
0x24: {  	s3 =	sadd.s32 $0x88, s3;
	s6 =	simm.s32 @!p1 $0x1082;
	[sflag:s4] =	ssyncset.s32 $0xFFFFF086  }
0x25: {  	[simem:s6], [sflag:s4] =	dma.local [hbm:s3], $0xF7A  }
0x26: {  	[smem:$0x3F2E] =	sst s1;
	(tag) =	ssettag s2;
	_ =	strace s9  }
0x27: {  	s1 =	sld [smem:$0x3F3E]  }
0x28: {  	s2 =	sld [smem:$0x3F3F]  }
0x29: {  	s4 =	sld [smem:$0x3F41]  }
0x2a: {  	p0 =	seq.s32 s5, $0x0;
	s5 =	sld [smem:$0x3F42]  }
0x2b: {  	s6 =	sld [smem:$0x3F43]  }
0x2c: {  	s7 =	sld [smem:$0x3F44]  }
0x2d: {  	s3 =	simm.s32 $0x108;
	s8 =	sld [smem:$0x3F45]  }
0x2e: {  	s3 =	simm.s32 @!p0 $0x1082;
	s9 =	sld [smem:$0x3F46]  }
0x2f: {  	lr =	sadd.s32 s0, s3;
	s0 =	sld [smem:$0x3F3D]  }
0x30: {  	s3 =	sld [smem:$0x3F40]  }
0x31: {  	[smem:$0x3F49] =	sst s10  }
0x32: {  	s10 =	sld [smem:$0x3F47];
	_ =	sdelay $0x3  }
0x33: {  	p0 =	seq.s32 s10, $0x1;
	s10 =	sld [smem:$0x3F49];
	_ =	sdelay $0x3  }
0x34: {  	[smem:$0x3F49] =	sst s10  }
0x35: {  	s10 =	sld [smem:$0x3F48];
	_ =	sdelay $0x3  }
0x36: {  	p1 =	seq.s32 s10, $0x1;
	s10 =	sld [smem:$0x3F49];
	_ =	sdelay $0x3  }
0x37: {  	[smem:$0x3F49] =	sst s10  }
0x38: {  	s10 =	sld [smem:$0x3F4A]  }
0x39: {  	_ = 	snop;
	(pc) =	sbr.ind lr, $3  }
0x3a: {  	_ = 	snop  }
0x3b: {  	_ = 	snop  }
0x3c: {  	p2 =	seq.s32 s10, $0x1;
	s10 =	sld [smem:$0x3F49]  }
0x3d: {  	_ =	shalt  }
0x3e: {  	_ =	shalt  }
0x3f: {  	_ =	shalt  }
0x40: {  	_ =	shalt  }
0x41: {  	_ =	shalt  }
0x42: {  	_ =	shalt  }
0x43: {  	_ =	shalt  }
0x44: {  	_ =	shalt  }
0x45: {  	_ =	shalt  }
0x46: {  	_ =	shalt  }
0x47: {  	_ =	shalt  }
0x48: {  	_ =	shalt  }
0x49: {  	_ =	shalt  }
0x4a: {  	_ =	shalt  }
0x4b: {  	_ =	shalt  }
0x4c: {  	_ =	shalt  }
0x4d: {  	_ =	shalt  }
0x4e: {  	_ =	shalt  }
0x4f: {  	_ =	shalt  }
0x50: {  	_ =	shalt  }
0x51: {  	_ =	shalt  }
0x52: {  	_ =	shalt  }
0x53: {  	_ =	shalt  }
0x54: {  	_ =	shalt  }
0x55: {  	_ =	shalt  }
0x56: {  	_ =	shalt  }
0x57: {  	_ =	shalt  }
0x58: {  	_ =	shalt  }
0x59: {  	_ =	shalt  }
0x5a: {  	_ =	shalt  }
0x5b: {  	_ =	shalt  }
0x5c: {  	_ =	shalt  }
0x5d: {  	_ =	shalt  }
0x5e: {  	_ =	shalt  }
0x5f: {  	_ =	shalt  }
0x60: {  	_ =	shalt  }
0x61: {  	_ =	shalt  }
0x62: {  	_ =	shalt  }
0x63: {  	_ =	shalt  }
0x64: {  	_ =	shalt  }
0x65: {  	_ =	shalt  }
0x66: {  	_ =	shalt  }
0x67: {  	_ =	shalt  }
0x68: {  	_ =	shalt  }
0x69: {  	_ =	shalt  }
0x6a: {  	_ =	shalt  }
0x6b: {  	_ =	shalt  }
0x6c: {  	_ =	shalt  }
0x6d: {  	_ =	shalt  }
0x6e: {  	_ =	shalt  }
0x6f: {  	_ =	shalt  }
0x70: {  	_ =	shalt  }
0x71: {  	_ =	shalt  }
0x72: {  	_ =	shalt  }
0x73: {  	_ =	shalt  }
0x74: {  	_ =	shalt  }
0x75: {  	_ =	shalt  }
0x76: {  	_ =	shalt  }
0x77: {  	_ =	shalt  }
0x78: {  	_ =	shalt  }
0x79: {  	_ =	shalt  }
0x7a: {  	_ =	shalt  }
0x7b: {  	_ =	shalt  }
0x7c: {  	_ =	shalt  }
0x7d: {  	_ =	shalt  }
0x7e: {  	_ =	shalt  }
0x7f: {  	_ =	shalt  }
0x80: {  	_ =	shalt  }
0x81: {  	_ =	shalt  }
0x82: {  	_ =	shalt  }
0x83: {  	_ =	shalt  }
0x84: {  	_ =	shalt  }
0x85: {  	_ =	shalt  }
0x86: {  	_ =	shalt  }
0x87: {  	_ =	shalt  }
.Lfunc_end0:
.L_simem_size_0:
called_computation.4_lowered:
.L_overlay_start_0:
0x88: {  	s2 =	sld [smem:$0x3FD9]  }
0x89: {  	s3 =	sld [smem:$0x3FFE];
	_ =	sdelay $0x1  }
0x8a: {  	s1 =	srdreg.scid  }
0x8b: {  	s0 =	sand.u32 $0x1, s1  }
0x8c: {  	s16 =	sshll.u32 s0, $0xA;
	s2 =	sadd.s32 s3, s2  }
0x8d: {  	s2 =	sadd.s32 s2, s16  }
0x8e: {  	[smem:$0x3F55] =	sst s2  }
0x8f: {  	_ = 	snop  }
0x90: {  	(tm) =	ssettm $0x1  }
0x91: {  	s17 =	sld [smem:$0x3FFB];
	_ =	sdelay $0x3  }
0x92: {  	_ =	strace s17  }
0x93: {  	s2 =	sld [smem:$0x3FFC];
	_ =	sdelay $0x3  }
0x94: {  	_ =	strace s2  }
0x95: {  	s2 =	sld [smem:$0x3FFD];
	_ =	sdelay $0x3  }
0x96: {  	_ =	strace s2  }
0x97: {  	_ =	strace $0x8FFFFFFF  }
0x98: {  	s18 =	sld [smem:$0x3FDB];
	_ =	sdelay $0x1  }
0x99: {  	s19 =	simm.s32 $_scs_section_size  }
0x9a: {  	s4 =	simm.s32 $_size__tile_overlayer_lowered;
	s5 =	simm.s32 $_tile_overlayer_lowered  }
0x9b: {  	s22 =	simm.s32 $0x1BFF;
	s21 =	sshll.u32 s5, $0x1;
	s2 =	sadd.s32 s19, s18  }
0x9c: {  	s6 =	simm.s32 $0x0;
	s20 =	sshll.u32 s4, $0x1;
	s4 =	sadd.s32 s21, s2  }
0x9d: {  	[timem:s6], [sflag:s22] =	dma.local [hbm:s4], s20  }
0x9e: {  	_ =	swait.ge [sflag:s22], s20  }
0x9f: {  	s3 =	ssub.s32 $0x0, s20;
	[sflag:s22] =	ssyncset.done $0x0  }
0xa0: {  	[sflag:s22] =	ssyncadd.s32 s3;
	_ =	sdelay $0x1  }
0xa1: {  	s23 =	simm.s32 $0x1B8B  }
0xa2: {  	_ =	swait.ge [sflag:s23], $0x1  }
0xa3: {  	[sflag:s23] =	ssyncset.done $0x0  }
0xa4: {  	s25 =	simm.s32 $0x1B8E;
	s24 =	sld [smem:$0x3FFE];
	[sflag:s23] =	ssyncadd.s32 $0xFFFFFFFF  }
0xa5: {  	s26 =	simm.s32 $execute0_lowered;
	[smem:$0x3FD2] =	sst s25  }
0xa6: {  	s4 =	sshll.u32 s26, $0x1;
	_ =	strace $0x8000004C;
	[dreg:$0x1] =	wrdreg $0xFFFFFFFF  }
0xa7: {  	s28 =	simm.s32 $_size_execute0_lowered;
	s2 =	sadd.s32 s2, s4;
	[dreg:$0x0] =	wrdreg $0x0  }
0xa8: {  	s4 =	sshll.u32 s28, $0x1;
	[dreg:$0x2] =	wrdreg s2  }
0xa9: {  	[dreg:$0x3] =	wrdreg s4  }
0xaa: {  	[dreg:$0x4] =	wrdreg $0xC0  }
0xab: {  	_ =	task [dreg:s6], $0x5FFFF  }
0xac: {  	[dreg:$0x1] =	wrdreg $0xFFFFFFFF  }
0xad: {  	[dreg:$0x0] =	wrdreg $0x60  }
0xae: {  	[dreg:$0x2] =	wrdreg s24  }
0xaf: {  	[dreg:$0x3] =	wrdreg $0x9  }
0xb0: {  	_ =	task.clear_ibuf [dreg:s6], $0x4FFFF;
	_ =	strace $0x9000004C  }
0xb1: {  	s29 =	simm.s32 $0x9;
	_ =	strace $0x8000004E  }
0xb2: {  	_ =	swait.ge [sflag:s29], $0x1  }
0xb3: {  	[sflag:s29] =	ssyncadd.s32 $0xFFFFFFFF  }
0xb4: {  	_ =	strace $0x9000004E  }
0xb5: {  	_ =	sfence  }
0xb6: {  	s30 =	sld [smem:$0x0];
	_ =	sdelay $0x2  }
0xb7: {  	s31 =	sshll.u32 s1, $0xD;
	s1 =	sshrl.u32 s1, $0x2  }
0xb8: {  	s3 =	sand.u32 $0x4000, s31;
	s1 =	sadd.s32 s1, s30  }
0xb9: {  	s0 =	sor.u32 s3, s0;
	s1 =	sshll.u32 s1, $0x11  }
0xba: {  	s0 =	sor.u32 s1, s0  }
0xbb: {  	s0 =	sadd.s32 $0x8F2B, s0  }
0xbc: {  	[sflag:s0] =	ssyncadd.remote.s32 $0x1  }
0xbd: {  	_ =	sfence.sel $0xFFFF  }
0xbe: {  	[dreg:$0x0] =	wrdreg $0xFFFFFFFF;
	(pc) =	sbr.abs _section_cstart, $3  }
0xbf: {  	[dreg:$0x1] =	wrdreg $0xFFFFFFFF  }
0xc0: {  	_ =	task.clear_ibuf [dreg:s6], $0x2FFFF;
	_ =	strace $0x9FFFFFFF  }
0xc1: {  	(tm) =	ssettm $0x7FFFFFFF  }
tec
execute0_lowered:
.L_overlay_start_1:
0x0: {  	(tag) =	ssettag $0x1  }
0x1: {  	s0 =	rddreg [dreg:$0x0];
	s2 =	simm.s32 $0x0;
	s1 =	srdreg.scid  }
0x2: {  	s3 =	stileid.u32;
	s19 =	simm.s32 $0x100;
	s20 =	simm.s32 $0x1  }
0x3: {  	s28 =	simm.s32 $0x2;
	s29 =	simm.s32 $0x2A00;
	s30 =	simm.s32 $0x7A00  }
0x4: {  	s31 =	simm.s32 $0x4;
	[smem:$0x7FF] =	sst s2;
	s1 =	sand.u32 $0x1, s1  }
0x5: {  	s5 =	sshll.u32 s3, $0x1;
	s3 =	sadd.s32 $0x13600, s0;
	s4 =	sadd.s32 $0x116400, s0  }
0x6: {  	s7 =	sadd.s32 $0x120200, s0;
	s8 =	sadd.s32 $0x12A000, s0;
	s6 =	sor.u32 s1, s5  }
0x7: {  	s9 =	sadd.s32 $0x60C000, s0;
	s1 =	ssub.s32 $0x2, s1;
	s6 =	smul.u32 $0x2710, s6  }
0x8: {  	_ =	strace $0x8000004D;
	s5 =	sadd.s32 $0x26C00, s0;
	s10 =	sshrl.u32 s1, $0x1  }
0x9: {  	s0 =	simm.s32 $0x5;
	s21 =	ssub.s32 s1, s10;
	s22 =	sshrl.u32 s6, $0x3  }
0xa: {  	s24 =	sadd.s32 $0x26C0, s6;
	s12 =	sadd.s32 $0x50, s6;
	s13 =	sadd.s32 $0xA0, s6  }
0xb: {  	s18 =	smax.u32 s21, $0x1;
	s21 =	simm.s32 $0x80;
	s23 =	sadd.s32 s4, s22  }
0xc: {  	s1 =	sadd.s32 s7, s22;
	s25 =	sshrl.u32 s24, $0x3;
	[dreg:$0x2] =	wrdreg s23  }
0xd: {  	s22 =	simm.s32 $0x180;
	[dreg:$0x3] =	wrdreg s1;
	s11 =	sadd.s32 s4, s25  }
.Ltmp0:
0xe: {  	s10 =	sadd.s32 s7, s25;
	s1 =	sshll.u32 s24, $0x4;
	(pc) =	sbr.rel .LBB2_1-.Ltmp0, $4  }
0xf: {  	s23 =	simm.s32 $0x50;
	s24 =	simm.s32 $0x200;
	[dreg:$0x4] =	wrdreg s11  }
0x10: {  	s25 =	simm.s32 $0x5200;
	[dreg:$0x5] =	wrdreg s10;
	s26 =	sadd.s32 s8, s1  }
0x11: {  	s1 =	sadd.s32 s9, s1;
	s10 =	simm.s32 $0x0;
	[dreg:$0x6] =	wrdreg s26  }
0x12: {  	[dreg:$0x7] =	wrdreg s1;
	s26 =	simm.s32 $0x3;
	s1 =	simm.s32 $0x6  }
.LBB2_8:
0x13: {  	_ =	swait.ge [sflag:s1], $0x2800  }
0x14: {  	[sflag:s1] =	ssyncset.done $0x0  }
0x15: {  	[sflag:s1] =	ssyncadd.s32 $0xFFFFD800  }
0x16: {  	_ =	swait.ge [sflag:s1], $0x2800  }
0x17: {  	[sflag:s1] =	ssyncset.done $0x0  }
0x18: {  	s11 =	rddreg [dreg:$0x4];
	[sflag:s1] =	ssyncadd.s32 $0xFFFFD800  }
0x19: {  	[tilespmem:s2], [sflag:$0x1] =	stream.linear.gather [hbm4b:s11+s2], $0x50, $0x38;
	[tilespmem:$0xA200] =	vst v63  }
0x1a: {  	s15 =	rddreg [dreg:$0x5]  }
0x1b: {  	[tilespmem:s19], [sflag:$0x1] =	stream.linear.gather [hbm4b:s15+s2], $0x50, $0x38;
	[tilespmem:$0xA200] =	vst v63  }
0x1c: {  	_ =	swait.ge [sflag:s20], $0x50  }
0x1d: {  	[sflag:s20] =	ssyncset.done $0x0  }
0x1e: {  	[sflag:s20] =	ssyncadd.s32 $0xFFFFFFB0  }
0x1f: {  	_ =	swait.ge [sflag:s20], $0x50  }
0x20: {  	[sflag:s20] =	ssyncset.done $0x0  }
0x21: {  	[sflag:s20] =	ssyncadd.s32 $0xFFFFFFB0  }
0x22: {  	[tilespmem:s24], [sflag:$0x3] =	stream.indirect.gather [hbm4b:s3+s23], $0x80, s2, s23, $0xb8;
	[tilespmem:$0xA200] =	vst v63  }
0x23: {  	_ = 	snop  }
0x24: {  	[tilespmem:s25], [sflag:$0x3] =	stream.indirect.gather [hbm4b:s5+s23], $0x80, s19, s23, $0xb8;
	[tilespmem:$0xA200] =	vst v63  }
0x25: {  	_ =	swait.ge [sflag:s26], $0x2800  }
0x26: {  	[sflag:s26] =	ssyncset.done $0x0  }
0x27: {  	[sflag:s26] =	ssyncadd.s32 $0xFFFFD800  }
0x28: {  	_ =	swait.ge [sflag:s26], $0x2800  }
0x29: {  	[sflag:s26] =	ssyncset.done $0x0  }
0x2a: {  	s16 =	rddreg [dreg:$0x6];
	[sflag:s26] =	ssyncadd.s32 $0xFFFFD800  }
0x2b: {  	[hbm4b:s16+s2] =	stream.linear.scatter [tilespmem:s24], [sflag:$0x5], $0x2800, $0x38;
	[tilespmem:$0xA200] =	vst v63  }
0x2c: {  	s10 =	sadd.s32 $0x1, s10;
	s17 =	rddreg [dreg:$0x7]  }
0x2d: {  	[hbm4b:s17+s2] =	stream.linear.scatter [tilespmem:s25], [sflag:$0x5], $0x2800, $0x38;
	[tilespmem:$0xA200] =	vst v63  }
0x2e: {  	p0 =	sne.s32 s10, s18;
	_ =	swait.ge [sflag:s0], $0x2800  }
.Ltmp1:
0x2f: {  	[sflag:s0] =	ssyncset.done $0x0;
	(pc) =	sbr.rel @!p0 .LBB2_9-.Ltmp1, $4  }
0x30: {  	[sflag:s0] =	ssyncadd.s32 $0xFFFFD800  }
0x31: {  	_ =	swait.ge [sflag:s0], $0x2800  }
0x32: {  	[sflag:s0] =	ssyncset.done $0x0  }
0x33: {  	[sflag:s0] =	ssyncadd.s32 $0xFFFFD800  }
.LBB2_1:
.Ltmp2:
0x34: {  	(pc) =	sbr.rel .LBB2_2-.Ltmp2, $4  }
0x35: {  	s11 =	rddreg [dreg:$0x2]  }
0x36: {  	[tilespmem:s2], [sflag:$0x1] =	stream.linear.gather [hbm4b:s11+s2], $0x50, $0x38;
	[tilespmem:$0xA200] =	vst v63  }
0x37: {  	s17 =	rddreg [dreg:$0x3];
	s15 =	simm.s32 $0x0  }
0x38: {  	[tilespmem:s19], [sflag:$0x1] =	stream.linear.gather [hbm4b:s17+s2], $0x50, $0x38;
	[tilespmem:$0xA200] =	vst v63  }
.LBB2_3:
0x39: {  	[tilespmem:s29], [sflag:$0x4] =	stream.indirect.gather [hbm4b:s3+s23], $0x80, s21, s23, $0xb8;
	[tilespmem:$0xA200] =	vst v63  }
0x3a: {  	s16 =	simm.s32 $0x1  }
0x3b: {  	[tilespmem:s30], [sflag:$0x4] =	stream.indirect.gather [hbm4b:s5+s23], $0x80, s22, s23, $0xb8;
	[tilespmem:$0xA200] =	vst v63  }
.LBB2_6:
0x3c: {  	s14 =	sadd.s32 s14, s13  }
0x3d: {  	s14 =	sshrl.u32 s14, $0x3  }
0x3e: {  	s15 =	sadd.s32 s4, s14  }
0x3f: {  	[tilespmem:s2], [sflag:$0x1] =	stream.linear.gather [hbm4b:s15+s2], $0x50, $0x38;
	[tilespmem:$0xA200] =	vst v63  }
0x40: {  	s14 =	sadd.s32 s7, s14  }
0x41: {  	[tilespmem:s19], [sflag:$0x1] =	stream.linear.gather [hbm4b:s14+s2], $0x50, $0x38;
	[tilespmem:$0xA200] =	vst v63  }
.LBB2_7:
0x42: {  	_ =	swait.ge [sflag:s31], $0x2800  }
0x43: {  	[sflag:s31] =	ssyncset.done $0x0  }
0x44: {  	[sflag:s31] =	ssyncadd.s32 $0xFFFFD800  }
0x45: {  	_ =	swait.ge [sflag:s31], $0x2800  }
0x46: {  	s11 =	sshll.u32 s11, $0x4;
	[sflag:s31] =	ssyncset.done $0x0  }
0x47: {  	s14 =	sadd.s32 s8, s11;
	[sflag:s31] =	ssyncadd.s32 $0xFFFFD800  }
0x48: {  	[hbm4b:s14+s2] =	stream.linear.scatter [tilespmem:s29], [sflag:$0x6], $0x2800, $0x38;
	[tilespmem:$0xA200] =	vst v63  }
0x49: {  	s11 =	sadd.s32 s9, s11  }
0x4a: {  	[hbm4b:s11+s2] =	stream.linear.scatter [tilespmem:s30], [sflag:$0x6], $0x2800, $0x38;
	[tilespmem:$0xA200] =	vst v63  }
0x4b: {  	p0 =	slt.u32 s16, $0x3E;
	_ =	swait.ge [sflag:s0], $0x2800  }
.Ltmp3:
0x4c: {  	[sflag:s0] =	ssyncset.done $0x0;
	(pc) =	sbr.rel @!p0 .LBB2_8-.Ltmp3, $4  }
0x4d: {  	[sflag:s0] =	ssyncadd.s32 $0xFFFFD800  }
0x4e: {  	_ =	swait.ge [sflag:s0], $0x2800  }
0x4f: {  	[sflag:s0] =	ssyncset.done $0x0  }
0x50: {  	s15 =	smov.u32 s16;
	[sflag:s0] =	ssyncadd.s32 $0xFFFFD800  }
.LBB2_2:
0x51: {  	_ =	swait.ge [sflag:s20], $0x50  }
0x52: {  	s14 =	smul.u32 $0xA0, s15;
	[sflag:s20] =	ssyncset.done $0x0  }
0x53: {  	[sflag:s20] =	ssyncadd.s32 $0xFFFFFFB0  }
0x54: {  	s11 =	sadd.s32 s14, s12;
	_ =	swait.ge [sflag:s20], $0x50  }
0x55: {  	s16 =	sshrl.u32 s11, $0x3;
	[sflag:s20] =	ssyncset.done $0x0  }
0x56: {  	s17 =	sadd.s32 s4, s16;
	[sflag:s20] =	ssyncadd.s32 $0xFFFFFFB0  }
0x57: {  	[tilespmem:s21], [sflag:$0x2] =	stream.linear.gather [hbm4b:s17+s2], $0x50, $0x38;
	[tilespmem:$0xA200] =	vst v63  }
0x58: {  	s16 =	sadd.s32 s7, s16  }
0x59: {  	[tilespmem:s22], [sflag:$0x2] =	stream.linear.gather [hbm4b:s16+s2], $0x50, $0x38;
	[tilespmem:$0xA200] =	vst v63  }
0x5a: {  	_ = 	snop  }
0x5b: {  	[tilespmem:s24], [sflag:$0x3] =	stream.indirect.gather [hbm4b:s3+s23], $0x80, s2, s23, $0xb8;
	[tilespmem:$0xA200] =	vst v63  }
0x5c: {  	_ = 	snop  }
0x5d: {  	[tilespmem:s25], [sflag:$0x3] =	stream.indirect.gather [hbm4b:s5+s23], $0x80, s19, s23, $0xb8;
	[tilespmem:$0xA200] =	vst v63  }
0x5e: {  	_ =	swait.ge [sflag:s26], $0x2800  }
0x5f: {  	[sflag:s26] =	ssyncset.done $0x0  }
0x60: {  	[sflag:s26] =	ssyncadd.s32 $0xFFFFD800  }
0x61: {  	s17 =	sadd.s32 s6, s14;
	_ =	swait.ge [sflag:s26], $0x2800  }
0x62: {  	s16 =	sshll.u32 s17, $0x4;
	[sflag:s26] =	ssyncset.done $0x0  }
0x63: {  	s17 =	sadd.s32 s8, s16;
	[sflag:s26] =	ssyncadd.s32 $0xFFFFD800  }
0x64: {  	[hbm4b:s17+s2] =	stream.linear.scatter [tilespmem:s24], [sflag:$0x5], $0x2800, $0x38;
	[tilespmem:$0xA200] =	vst v63  }
0x65: {  	s16 =	sadd.s32 s9, s16  }
0x66: {  	[hbm4b:s16+s2] =	stream.linear.scatter [tilespmem:s25], [sflag:$0x5], $0x2800, $0x38;
	[tilespmem:$0xA200] =	vst v63  }
0x67: {  	p0 =	sne.s32 s15, $0x0;
	_ =	swait.ge [sflag:s28], $0x50  }
.Ltmp4:
0x68: {  	[sflag:s28] =	ssyncset.done $0x0;
	(pc) =	sbr.rel @!p0 .LBB2_3-.Ltmp4, $4  }
0x69: {  	[sflag:s28] =	ssyncadd.s32 $0xFFFFFFB0  }
0x6a: {  	_ =	swait.ge [sflag:s28], $0x50  }
0x6b: {  	[sflag:s28] =	ssyncset.done $0x0  }
0x6c: {  	[sflag:s28] =	ssyncadd.s32 $0xFFFFFFB0  }
0x6d: {  	_ =	swait.ge [sflag:s1], $0x2800  }
0x6e: {  	[sflag:s1] =	ssyncset.done $0x0  }
0x6f: {  	[sflag:s1] =	ssyncadd.s32 $0xFFFFD800  }
0x70: {  	p0 =	seq.s32 s15, $0x3D;
	_ =	swait.ge [sflag:s1], $0x2800  }
.Ltmp5:
0x71: {  	[sflag:s1] =	ssyncset.done $0x0;
	(pc) =	sbr.rel @p0 .LBB2_7-.Ltmp5, $4  }
0x72: {  	[sflag:s1] =	ssyncadd.s32 $0xFFFFD800  }
0x73: {  	[tilespmem:s29], [sflag:$0x4] =	stream.indirect.gather [hbm4b:s3+s23], $0x80, s21, s23, $0xb8;
	[tilespmem:$0xA200] =	vst v63  }
0x74: {  	s16 =	simm.s32 $0x3E  }
0x75: {  	[tilespmem:s30], [sflag:$0x4] =	stream.indirect.gather [hbm4b:s5+s23], $0x80, s22, s23, $0xb8;
	[tilespmem:$0xA200] =	vst v63  }
.Ltmp6:
0x76: {  	(pc) =	sbr.rel .LBB2_6-.Ltmp6, $2  }
0x77: {  	_ =	sdelay $0x2  }
0x78: {  	s16 =	sadd.s32 $0x1, s15  }
.LBB2_9:
0x79: {  	_ =	sfence.sel $0x180000  }
0x7a: {  	[bflag:$0x0] =	sbarrier.arrive $0xFFFF  }
0x7b: {  	_ =	strace $0x9000004D  }
0x7c: {  	s0 =	stileid.u32;
	[bflag:$0x2] =	sbarrier.arrive $0xFFFF  }
0x7d: {  	p0 =	sne.s32 s0, $0x0;
	s0 =	rddreg [dreg:$0x1]  }
0x7e: {  	s0 =	sadd.s32 @!p0 $0x100000, s0  }
0x7f: {  	[sflag:s0] =	ssyncadd.tile.s32 @!p0 $0x1;
	_ =	shalt  }
.Lfunc_end2:
_tile_overlayer_lowered:
.L_overlay_start_2:
0x80: {  	(tag) =	ssettag $0x2  }
0x81: {  	s0 =	rddreg [dreg:$0x0];
	s2 =	stileid.u32  }
0x82: {  	s1 =	rddreg [dreg:$0x1];
	p0 =	sne.s32 s2, $0x0  }
0x83: {  	s3 =	rddreg [dreg:$0x2];
	[bflag:$0x3] =	sbarrier.arrive $0xFFFF;
	s2 =	simm.s32 @!p0 $0x1C07  }
0x84: {  	[timem:s3], [sflag:s2] =	dma.local @!p0 [hbm:s0], s1  }
0x85: {  	s0 =	simm.s32 @!p0 $0x7  }
0x86: {  	_ =	swait.ge @!p0 [sflag:s0], s1  }
0x87: {  	s1 =	ssub.s32 @!p0 $0x0, s1;
	[sflag:s0] =	ssyncset.done @!p0 $0x0  }
0x88: {  	[sflag:s0] =	ssyncadd.s32 @!p0 s1  }
0x89: {  	[bflag:$0x3] =	sbarrier.arrive $0xFFFF  }
0x8a: {  	_ =	shalt  }

// kernel: kernel.22.cloned.1.call-start
scs
__scs_entry_jumppad:
0x0: {  	(pc) =	sbr.rel $0x88, $3  }
0x1: {  	(tag) =	ssettag $0x0;
	lr =	simm.s32 $0x1  }
0x2: {  	[smem:$0x3F2E] =	sst lr;
	_ =	strace $0xD0000000  }
0x3: {  	_ = 	snop  }
0x4: {  	_ = 	snop  }
0x5: {  	_ = 	snop  }
0x6: {  	_ = 	snop  }
0x7: {  	_ = 	snop  }
__scs_overlays_trampoline_lowered:
0x8: {  	[smem:$0x3F3D] =	sst s0  }
0x9: {  	[smem:$0x3F3E] =	sst s1  }
0xa: {  	[smem:$0x3F3F] =	sst s2  }
0xb: {  	[smem:$0x3F40] =	sst s3  }
0xc: {  	[smem:$0x3F41] =	sst s4  }
0xd: {  	[smem:$0x3F42] =	sst s5  }
0xe: {  	[smem:$0x3F43] =	sst s6  }
0xf: {  	[smem:$0x3F44] =	sst s7  }
0x10: {  	[smem:$0x3F45] =	sst s8  }
0x11: {  	[smem:$0x3F46] =	sst s9;
	s0 =	simm.s32 @!p0 $0x0  }
0x12: {  	s1 =	sld [smem:$0x3F2C];
	s0 =	simm.s32 @p0 $0x1  }
0x13: {  	[smem:$0x3F47] =	sst s0;
	s0 =	simm.s32 @!p1 $0x0  }
0x14: {  	s2 =	sld [smem:$0x3F2B];
	s0 =	simm.s32 @p1 $0x1  }
0x15: {  	[smem:$0x3F48] =	sst s0;
	s0 =	simm.s32 @!p2 $0x0  }
0x16: {  	s3 =	sld [smem:$0x3FDB];
	s0 =	simm.s32 @p2 $0x1  }
0x17: {  	s4 =	simm.s32 $0x1BF5;
	[smem:$0x3F4A] =	sst s0  }
0x18: {  	s0 =	sld [smem:$0x3F2D];
	_ =	swait.ge [sflag:s4], $0x0  }
0x19: {  	s7 =	sld [smem:$0x3F2E]  }
0x1a: {  	s8 =	sadd.s32 $0xFFFFE003, lr  }
0x1b: {  	s9 =	sadd.s32 $0xFFFFFEF7, lr;
	s5 =	simm.s32 $0xFFFFFFFF;
	p2 =	slt.u32 s8, $0xFFFFF086  }
0x1c: {  	p1 =	slt.u32 s9, $0xF7A;
	s5 =	simm.s32 @!p2 $0x0  }
0x1d: {  	s5 =	simm.s32 @p1 $0x1;
	p0 =	seq.s32 s7, s2  }
0x1e: {  	s7 =	smul.u32 @!p0 $0xF7A, s2;
	p2 =	seq.s32 @!p0 s5, $0x0  }
0x1f: {  	s9 =	smul.u32 $0xF7A, s1;
	s8 =	simm.s32 @!p0 $0x1BF5;
	p2 =	por !p2, p0  }
0x20: {  	[sflag:s8] =	ssyncset.s32 @!p0 $0xFFFFF086;
	s6 =	sadd.s32 @!p0 s3, s7;
	s7 =	simm.s32 @!p0 $0x108  }
0x21: {  	s3 =	sadd.s32 s3, s9;
	s6 =	sadd.s32 @!p0 $0x88, s6;
	s7 =	simm.s32 @p2 $0x1082  }
0x22: {  	[simem:s7], [sflag:s8] =	dma.local @!p0 [hbm:s6], $0xF7A  }
0x23: {  	s9 =	sor.u32 $0xD0000000, s2;
	s6 =	simm.s32 $0x108;
	_ =	swait.ge @!p0 [sflag:s8], $0x0  }
0x24: {  	s3 =	sadd.s32 $0x88, s3;
	s6 =	simm.s32 @!p1 $0x1082;
	[sflag:s4] =	ssyncset.s32 $0xFFFFF086  }
0x25: {  	[simem:s6], [sflag:s4] =	dma.local [hbm:s3], $0xF7A  }
0x26: {  	[smem:$0x3F2E] =	sst s1;
	(tag) =	ssettag s2;
	_ =	strace s9  }
0x27: {  	s1 =	sld [smem:$0x3F3E]  }
0x28: {  	s2 =	sld [smem:$0x3F3F]  }
0x29: {  	s4 =	sld [smem:$0x3F41]  }
0x2a: {  	p0 =	seq.s32 s5, $0x0;
	s5 =	sld [smem:$0x3F42]  }
0x2b: {  	s6 =	sld [smem:$0x3F43]  }
0x2c: {  	s7 =	sld [smem:$0x3F44]  }
0x2d: {  	s3 =	simm.s32 $0x108;
	s8 =	sld [smem:$0x3F45]  }
0x2e: {  	s3 =	simm.s32 @!p0 $0x1082;
	s9 =	sld [smem:$0x3F46]  }
0x2f: {  	lr =	sadd.s32 s0, s3;
	s0 =	sld [smem:$0x3F3D]  }
0x30: {  	s3 =	sld [smem:$0x3F40]  }
0x31: {  	[smem:$0x3F49] =	sst s10  }
0x32: {  	s10 =	sld [smem:$0x3F47];
	_ =	sdelay $0x3  }
0x33: {  	p0 =	seq.s32 s10, $0x1;
	s10 =	sld [smem:$0x3F49];
	_ =	sdelay $0x3  }
0x34: {  	[smem:$0x3F49] =	sst s10  }
0x35: {  	s10 =	sld [smem:$0x3F48];
	_ =	sdelay $0x3  }
0x36: {  	p1 =	seq.s32 s10, $0x1;
	s10 =	sld [smem:$0x3F49];
	_ =	sdelay $0x3  }
0x37: {  	[smem:$0x3F49] =	sst s10  }
0x38: {  	s10 =	sld [smem:$0x3F4A]  }
0x39: {  	_ = 	snop;
	(pc) =	sbr.ind lr, $3  }
0x3a: {  	_ = 	snop  }
0x3b: {  	_ = 	snop  }
0x3c: {  	p2 =	seq.s32 s10, $0x1;
	s10 =	sld [smem:$0x3F49]  }
0x3d: {  	_ =	shalt  }
0x3e: {  	_ =	shalt  }
0x3f: {  	_ =	shalt  }
0x40: {  	_ =	shalt  }
0x41: {  	_ =	shalt  }
0x42: {  	_ =	shalt  }
0x43: {  	_ =	shalt  }
0x44: {  	_ =	shalt  }
0x45: {  	_ =	shalt  }
0x46: {  	_ =	shalt  }
0x47: {  	_ =	shalt  }
0x48: {  	_ =	shalt  }
0x49: {  	_ =	shalt  }
0x4a: {  	_ =	shalt  }
0x4b: {  	_ =	shalt  }
0x4c: {  	_ =	shalt  }
0x4d: {  	_ =	shalt  }
0x4e: {  	_ =	shalt  }
0x4f: {  	_ =	shalt  }
0x50: {  	_ =	shalt  }
0x51: {  	_ =	shalt  }
0x52: {  	_ =	shalt  }
0x53: {  	_ =	shalt  }
0x54: {  	_ =	shalt  }
0x55: {  	_ =	shalt  }
0x56: {  	_ =	shalt  }
0x57: {  	_ =	shalt  }
0x58: {  	_ =	shalt  }
0x59: {  	_ =	shalt  }
0x5a: {  	_ =	shalt  }
0x5b: {  	_ =	shalt  }
0x5c: {  	_ =	shalt  }
0x5d: {  	_ =	shalt  }
0x5e: {  	_ =	shalt  }
0x5f: {  	_ =	shalt  }
0x60: {  	_ =	shalt  }
0x61: {  	_ =	shalt  }
0x62: {  	_ =	shalt  }
0x63: {  	_ =	shalt  }
0x64: {  	_ =	shalt  }
0x65: {  	_ =	shalt  }
0x66: {  	_ =	shalt  }
0x67: {  	_ =	shalt  }
0x68: {  	_ =	shalt  }
0x69: {  	_ =	shalt  }
0x6a: {  	_ =	shalt  }
0x6b: {  	_ =	shalt  }
0x6c: {  	_ =	shalt  }
0x6d: {  	_ =	shalt  }
0x6e: {  	_ =	shalt  }
0x6f: {  	_ =	shalt  }
0x70: {  	_ =	shalt  }
0x71: {  	_ =	shalt  }
0x72: {  	_ =	shalt  }
0x73: {  	_ =	shalt  }
0x74: {  	_ =	shalt  }
0x75: {  	_ =	shalt  }
0x76: {  	_ =	shalt  }
0x77: {  	_ =	shalt  }
0x78: {  	_ =	shalt  }
0x79: {  	_ =	shalt  }
0x7a: {  	_ =	shalt  }
0x7b: {  	_ =	shalt  }
0x7c: {  	_ =	shalt  }
0x7d: {  	_ =	shalt  }
0x7e: {  	_ =	shalt  }
0x7f: {  	_ =	shalt  }
0x80: {  	_ =	shalt  }
0x81: {  	_ =	shalt  }
0x82: {  	_ =	shalt  }
0x83: {  	_ =	shalt  }
0x84: {  	_ =	shalt  }
0x85: {  	_ =	shalt  }
0x86: {  	_ =	shalt  }
0x87: {  	_ =	shalt  }
.Lfunc_end0:
.L_simem_size_0:
called_computation.5_lowered:
.L_overlay_start_0:
0x88: {  	s2 =	sld [smem:$0x3FD9]  }
0x89: {  	s3 =	sld [smem:$0x3FFE];
	_ =	sdelay $0x1  }
0x8a: {  	s1 =	srdreg.scid  }
0x8b: {  	s0 =	sand.u32 $0x1, s1  }
0x8c: {  	s16 =	sshll.u32 s0, $0xA;
	s2 =	sadd.s32 s3, s2  }
0x8d: {  	s2 =	sadd.s32 s2, s16  }
0x8e: {  	[smem:$0x3F55] =	sst s2  }
0x8f: {  	_ = 	snop  }
0x90: {  	(tm) =	ssettm $0x1  }
0x91: {  	s17 =	sld [smem:$0x3FFB];
	_ =	sdelay $0x3  }
0x92: {  	_ =	strace s17  }
0x93: {  	s2 =	sld [smem:$0x3FFC];
	_ =	sdelay $0x3  }
0x94: {  	_ =	strace s2  }
0x95: {  	s2 =	sld [smem:$0x3FFD];
	_ =	sdelay $0x3  }
0x96: {  	_ =	strace s2  }
0x97: {  	_ =	strace $0x8FFFFFFF  }
0x98: {  	s18 =	sld [smem:$0x3FDB];
	_ =	sdelay $0x1  }
0x99: {  	s19 =	simm.s32 $_scs_section_size  }
0x9a: {  	s4 =	simm.s32 $_size__tile_overlayer_lowered;
	s5 =	simm.s32 $_tile_overlayer_lowered  }
0x9b: {  	s22 =	simm.s32 $0x1BFF;
	s21 =	sshll.u32 s5, $0x1;
	s2 =	sadd.s32 s19, s18  }
0x9c: {  	s6 =	simm.s32 $0x0;
	s20 =	sshll.u32 s4, $0x1;
	s4 =	sadd.s32 s21, s2  }
0x9d: {  	[timem:s6], [sflag:s22] =	dma.local [hbm:s4], s20  }
0x9e: {  	_ =	swait.ge [sflag:s22], s20  }
0x9f: {  	s3 =	ssub.s32 $0x0, s20;
	[sflag:s22] =	ssyncset.done $0x0  }
0xa0: {  	[sflag:s22] =	ssyncadd.s32 s3;
	_ =	sdelay $0x1  }
0xa1: {  	s23 =	simm.s32 $0x1B8B  }
0xa2: {  	_ =	swait.ge [sflag:s23], $0x1  }
0xa3: {  	[sflag:s23] =	ssyncset.done $0x0  }
0xa4: {  	s25 =	simm.s32 $0x1B8E;
	s24 =	sld [smem:$0x3FFE];
	[sflag:s23] =	ssyncadd.s32 $0xFFFFFFFF  }
0xa5: {  	s26 =	simm.s32 $execute0_lowered;
	[smem:$0x3FD2] =	sst s25  }
0xa6: {  	s4 =	sshll.u32 s26, $0x1;
	_ =	strace $0x8000004F;
	[dreg:$0x1] =	wrdreg $0xFFFFFFFF  }
0xa7: {  	s28 =	simm.s32 $_size_execute0_lowered;
	s2 =	sadd.s32 s2, s4;
	[dreg:$0x0] =	wrdreg $0x0  }
0xa8: {  	s4 =	sshll.u32 s28, $0x1;
	[dreg:$0x2] =	wrdreg s2  }
0xa9: {  	[dreg:$0x3] =	wrdreg s4  }
0xaa: {  	[dreg:$0x4] =	wrdreg $0xC0  }
0xab: {  	_ =	task [dreg:s6], $0x5FFFF  }
0xac: {  	[dreg:$0x1] =	wrdreg $0xFFFFFFFF  }
0xad: {  	[dreg:$0x0] =	wrdreg $0x60  }
0xae: {  	[dreg:$0x2] =	wrdreg s24  }
0xaf: {  	[dreg:$0x3] =	wrdreg $0x79000  }
0xb0: {  	[dreg:$0x4] =	wrdreg $0x9  }
0xb1: {  	_ =	task.clear_ibuf [dreg:s6], $0x5FFFF;
	_ =	strace $0x9000004F  }
0xb2: {  	s29 =	simm.s32 $0x9;
	_ =	strace $0x80000051  }
0xb3: {  	_ =	swait.ge [sflag:s29], $0x1  }
0xb4: {  	[sflag:s29] =	ssyncadd.s32 $0xFFFFFFFF  }
0xb5: {  	_ =	strace $0x90000051  }
0xb6: {  	_ =	sfence  }
0xb7: {  	s30 =	sld [smem:$0x0];
	_ =	sdelay $0x2  }
0xb8: {  	s31 =	sshll.u32 s1, $0xD;
	s1 =	sshrl.u32 s1, $0x2  }
0xb9: {  	s3 =	sand.u32 $0x4000, s31;
	s1 =	sadd.s32 s1, s30  }
0xba: {  	s0 =	sor.u32 s3, s0;
	s1 =	sshll.u32 s1, $0x11  }
0xbb: {  	s0 =	sor.u32 s1, s0  }
0xbc: {  	s0 =	sadd.s32 $0x8F2B, s0  }
0xbd: {  	[sflag:s0] =	ssyncadd.remote.s32 $0x1  }
0xbe: {  	_ =	sfence.sel $0xFFFF  }
0xbf: {  	[dreg:$0x0] =	wrdreg $0xFFFFFFFF;
	(pc) =	sbr.abs _section_cstart, $3  }
0xc0: {  	[dreg:$0x1] =	wrdreg $0xFFFFFFFF  }
0xc1: {  	_ =	task.clear_ibuf [dreg:s6], $0x2FFFF;
	_ =	strace $0x9FFFFFFF  }
0xc2: {  	(tm) =	ssettm $0x7FFFFFFF  }
0xc3: {  	_ =	shalt  }
tec
execute0_lowered:
.L_overlay_start_1:
0x0: {  	(tag) =	ssettag $0x1  }
0x1: {  	s0 =	rddreg [dreg:$0x0]  }
0x2: {  	s1 =	rddreg [dreg:$0x1];
	s2 =	simm.s32 $0x0  }
0x3: {  	s3 =	srdreg.scid;
	s12 =	stileid.u32;
	s28 =	simm.s32 $0x2  }
0x4: {  	s29 =	simm.s32 $0x3;
	s30 =	simm.s32 $0x4;
	s8 =	smul.u32 $0x13C00, s12  }
0x5: {  	s31 =	simm.s32 $0x0;
	[smem:$0x7FF] =	sst s2;
	s21 =	smul.u32 $0x4F000, s12  }
0x6: {  	s3 =	sand.u32 $0x1, s3;
	s7 =	sadd.s32 $0xFD0000, s0;
	s26 =	smul.u32 $0x4E200, s12  }
0x7: {  	s4 =	sadd.s32 $0x120200, s0;
	s5 =	sadd.s32 $0x13600, s0;
	s16 =	smul.u32 $0x4E20, s12  }
0x8: {  	s9 =	sadd.s32 $0x13000, s0;
	s19 =	sshll.u32 s12, $0x1;
	s6 =	smul.u32 $0x13C000, s3  }
0x9: {  	_ =	strace $0x80000050;
	s20 =	sor.u32 s3, s19;
	s17 =	smul.u32 $0x2710, s3  }
0xa: {  	[dreg:$0x3] =	wrdreg s9;
	s10 =	ssub.s32 $0x2, s3;
	s13 =	smul.u32 $0x2710, s20  }
0xb: {  	s11 =	sshrl.u32 s10, $0x1;
	s9 =	sshrl.u32 s21, $0x2;
	s21 =	smul.u32 $0x27100, s3  }
0xc: {  	s6 =	sadd.s32 s8, s6;
	s8 =	smul.u32 $0x27100, s20;
	s9 =	sadd.s32 s9, s1  }
0xd: {  	s22 =	ssub.s32 s10, s11;
	s6 =	sshrl.u32 s6, $0x3;
	[dreg:$0x4] =	wrdreg s9  }
0xe: {  	s23 =	sshrl.u32 s13, $0x3;
	s24 =	sadd.s32 $0x26C0, s13;
	s19 =	sadd.s32 $0x2670, s13  }
0xf: {  	s14 =	smax.u32 s22, $0x1;
	s0 =	sadd.s32 s6, s0;
	s8 =	sadd.s32 s7, s8  }
0x10: {  	s9 =	sadd.s32 s4, s23;
	s25 =	sshll.u32 s24, $0x4;
	s10 =	sshrl.u32 s24, $0x3  }
0x11: {  	s20 =	sshll.u32 s19, $0x4;
	s22 =	sshrl.u32 s19, $0x3;
	s23 =	sadd.s32 s26, s7  }
0x12: {  	s24 =	sadd.s32 s17, s16;
	[dreg:$0x5] =	wrdreg s8;
	s8 =	sadd.s32 s7, s25  }
0x13: {  	s11 =	sadd.s32 s4, s10;
	s18 =	sadd.s32 $0x4E400, s0;
	s0 =	sadd.s32 $0x9D400, s0  }
0x14: {  	s15 =	sadd.s32 s7, s20;
	s16 =	sadd.s32 s4, s22;
	s25 =	sadd.s32 $0x50, s24  }
0x15: {  	s10 =	sadd.s32 $0xA0, s24;
	s20 =	simm.s32 $0x5100;
	[dreg:$0x6] =	wrdreg s8  }
0x16: {  	s22 =	simm.s32 $0x5000;
	s24 =	simm.s32 $0x2800;
	[dreg:$0x7] =	wrdreg s18  }
0x17: {  	[dreg:$0x8] =	wrdreg s0;
	s0 =	sadd.s32 s21, s23;
	s26 =	sshrl.u32 s25, $0x3  }
0x18: {  	s21 =	simm.s32 $0x5;
	s23 =	simm.s32 $0x1;
	s25 =	simm.s32 $0x5080  }
0x19: {  	s8 =	sadd.s32 $0xA00, s0;
	s19 =	sadd.s32 s26, s4;
	s26 =	simm.s32 $0x50  }
.LBB2_1:
0x1a: {  	s0 =	rddreg [dreg:$0x3]  }
0x1b: {  	[tilespmem:s20], [sflag:$0x5] =	stream.linear.gather [hbm4b:s0+s2], $0x2800, $0x38;
	[tilespmem:$0x1B500] =	vst v63  }
0x1c: {  	s12 =	stileid.u32;
	_ =	swait.ge [sflag:s21], $0x2800  }
0x1d: {  	s0 =	sshll.u32 s12, $0x6;
	[sflag:s21] =	ssyncset.done $0x0;
	s3 =	rddreg [dreg:$0x4]  }
0x1e: {  	s0 =	sor.u32 $0x1C05, s0;
	[sflag:s21] =	ssyncadd.s32 $0xFFFFD800;
	s3 =	sshrl.u32 s3, $0x3  }
0x1f: {  	[spmem:s3], [sflag:s0] =	dma.local [hbm:s5], $0x2780  }
0x20: {  	_ =	swait.ge [sflag:s21], $0x2780  }
0x21: {  	[sflag:s21] =	ssyncset.done $0x0  }
0x22: {  	[sflag:s21] =	ssyncadd.s32 $0xFFFFD880  }
0x23: {  	[bflag:$0x0] =	sbarrier.arrive $0xFFFF  }
0x24: {  	s6 =	rddreg [dreg:$0x5]  }
0x25: {  	[tilespmem:s2], [sflag:$0x1] =	stream.linear.gather [hbm4b:s6+s2], $0x2800, $0x38;
	[tilespmem:$0x1B500] =	vst v63  }
0x26: {  	_ = 	snop  }
0x27: {  	[tilespmem:s22], [sflag:$0x1] =	stream.linear.gather [hbm4b:s9+s2], $0x50, $0x38;
	[tilespmem:$0x1B500] =	vst v63  }
0x28: {  	_ =	swait.ge [sflag:s23], $0x2800  }
0x29: {  	[sflag:s23] =	ssyncset.done $0x0  }
0x2a: {  	[sflag:s23] =	ssyncadd.s32 $0xFFFFD800  }
0x2b: {  	_ =	swait.ge [sflag:s23], $0x50  }
0x2c: {  	[sflag:s23] =	ssyncset.done $0x0  }
0x2d: {  	s13 =	sadd.s32 $0xFFFFFB00, s8;
	[sflag:s23] =	ssyncadd.s32 $0xFFFFFFB0  }
0x2e: {  	[tilespmem:s24], [sflag:$0x2] =	stream.linear.gather [hbm4b:s13+s2], $0x2800, $0x38;
	[tilespmem:$0x1B500] =	vst v63  }
0x2f: {  	s17 =	sadd.s32 $0x0, s19  }
0x30: {  	[tilespmem:s25], [sflag:$0x2] =	stream.linear.gather [hbm4b:s17+s2], $0x50, $0x38;
	[tilespmem:$0x1B500] =	vst v63  }
0x31: {  	_ = 	snop  }
0x32: {  	[spmem:s1] =	stream.indirect.scatter.add.f32 [tilespmem:s2], [sflag:$0x3], $0x80, s22, s26, $0xb8;
	[tilespmem:$0x1B500] =	vst v63  }
0x33: {  	_ =	swait.ge [sflag:s28], $0x2800  }
0x34: {  	[sflag:s28] =	ssyncset.done $0x0  }
0x35: {  	[sflag:s28] =	ssyncadd.s32 $0xFFFFD800  }
0x36: {  	_ =	swait.ge [sflag:s28], $0x50  }
0x37: {  	[sflag:s28] =	ssyncset.done $0x0  }
0x38: {  	[sflag:s28] =	ssyncadd.s32 $0xFFFFFFB0  }
0x39: {  	_ =	swait.ge [sflag:s29], $0x2800  }
0x3a: {  	[sflag:s29] =	ssyncset.done $0x0  }
0x3b: {  	s18 =	sshrl.u32 s10, $0x3;
	[sflag:s29] =	ssyncadd.s32 $0xFFFFD800  }
0x3c: {  	[tilespmem:s2], [sflag:$0x1] =	stream.linear.gather [hbm4b:s8+s2], $0x2800, $0x38;
	[tilespmem:$0x1B500] =	vst v63  }
0x3d: {  	s6 =	sadd.s32 s4, s18  }
0x3e: {  	[tilespmem:s22], [sflag:$0x1] =	stream.linear.gather [hbm4b:s6+s2], $0x50, $0x38;
	[tilespmem:$0x1B500] =	vst v63  }
0x3f: {  	_ = 	snop  }
0x40: {  	[spmem:s1] =	stream.indirect.scatter.add.f32 [tilespmem:s24], [sflag:$0x4], $0x80, s25, s26, $0xb8;
	[tilespmem:$0x1B500] =	vst v63  }
0x41: {  	s7 =	simm.s32 $0x14;
	_ =	swait.ge [sflag:s30], $0x2800  }
0x42: {  	s18 =	smov.u32 s10;
	s17 =	smov.u32 s8;
	[sflag:s30] =	ssyncset.done $0x0  }
.LBB2_2:
0x43: {  	[sflag:s30] =	ssyncadd.s32 $0xFFFFD800;
	s17 =	sadd.s32 $0xA00, s17;
	s18 =	sadd.s32 $0xA0, s18  }
0x44: {  	p0 =	sne.s32 s7, $0x4B0;
	s12 =	smov.u32 s7;
	s7 =	sadd.s32 $0x14, s7  }
0x45: {  	_ =	swait.ge [sflag:s23], $0x2800  }
0x46: {  	[sflag:s23] =	ssyncset.done $0x0  }
0x47: {  	[sflag:s23] =	ssyncadd.s32 $0xFFFFD800  }
0x48: {  	_ =	swait.ge [sflag:s23], $0x50  }
0x49: {  	[sflag:s23] =	ssyncset.done $0x0  }
0x4a: {  	s13 =	sadd.s32 $0xFFFFFB00, s17;
	[sflag:s23] =	ssyncadd.s32 $0xFFFFFFB0  }
0x4b: {  	[tilespmem:s24], [sflag:$0x2] =	stream.linear.gather [hbm4b:s13+s2], $0x2800, $0x38;
	[tilespmem:$0x1B500] =	vst v63  }
0x4c: {  	s12 =	sadd.s32 s12, s19  }
0x4d: {  	[tilespmem:s25], [sflag:$0x2] =	stream.linear.gather [hbm4b:s12+s2], $0x50, $0x38;
	[tilespmem:$0x1B500] =	vst v63  }
0x4e: {  	_ = 	snop  }
0x4f: {  	[spmem:s1] =	stream.indirect.scatter.add.f32 [tilespmem:s2], [sflag:$0x3], $0x80, s22, s26, $0xb8;
	[tilespmem:$0x1B500] =	vst v63  }
0x50: {  	_ =	swait.ge [sflag:s28], $0x2800  }
0x51: {  	[sflag:s28] =	ssyncset.done $0x0  }
0x52: {  	[sflag:s28] =	ssyncadd.s32 $0xFFFFD800  }
0x53: {  	_ =	swait.ge [sflag:s28], $0x50  }
0x54: {  	[sflag:s28] =	ssyncset.done $0x0  }
0x55: {  	[sflag:s28] =	ssyncadd.s32 $0xFFFFFFB0  }
0x56: {  	_ =	swait.ge [sflag:s29], $0x2800  }
0x57: {  	[sflag:s29] =	ssyncset.done $0x0  }
0x58: {  	s12 =	sshrl.u32 s18, $0x3;
	[sflag:s29] =	ssyncadd.s32 $0xFFFFD800  }
0x59: {  	[tilespmem:s2], [sflag:$0x1] =	stream.linear.gather [hbm4b:s17+s2], $0x2800, $0x38;
	[tilespmem:$0x1B500] =	vst v63  }
0x5a: {  	s12 =	sadd.s32 s4, s12  }
0x5b: {  	[tilespmem:s22], [sflag:$0x1] =	stream.linear.gather [hbm4b:s12+s2], $0x50, $0x38;
	[tilespmem:$0x1B500] =	vst v63  }
.Ltmp0:
0x5c: {  	_ = 	snop;
	(pc) =	sbr.rel @p0 .LBB2_2-.Ltmp0, $4  }
0x5d: {  	_ = 	snop  }
0x5e: {  	[spmem:s1] =	stream.indirect.scatter.add.f32 [tilespmem:s24], [sflag:$0x4], $0x80, s25, s26, $0xb8;
	[tilespmem:$0x1B500] =	vst v63  }
0x5f: {  	_ =	swait.ge [sflag:s30], $0x2800  }
0x60: {  	[sflag:s30] =	ssyncset.done $0x0  }
0x61: {  	[sflag:s30] =	ssyncadd.s32 $0xFFFFD800  }
0x62: {  	_ =	swait.ge [sflag:s23], $0x2800  }
0x63: {  	[sflag:s23] =	ssyncset.done $0x0  }
0x64: {  	[sflag:s23] =	ssyncadd.s32 $0xFFFFD800  }
0x65: {  	_ =	swait.ge [sflag:s23], $0x50  }
0x66: {  	[sflag:s23] =	ssyncset.done $0x0  }
0x67: {  	s7 =	simm.s32 $0x0;
	[sflag:s23] =	ssyncadd.s32 $0xFFFFFFB0  }
0x68: {  	[tilespmem:s24], [sflag:$0x2] =	stream.linear.gather [hbm4b:s15+s7], $0x2800, $0x38;
	[tilespmem:$0x1B500] =	vst v63  }
0x69: {  	_ = 	snop  }
0x6a: {  	[tilespmem:s25], [sflag:$0x2] =	stream.linear.gather [hbm4b:s16+s7], $0x50, $0x38;
	[tilespmem:$0x1B500] =	vst v63  }
0x6b: {  	_ = 	snop  }
0x6c: {  	[spmem:s1] =	stream.indirect.scatter.add.f32 [tilespmem:s7], [sflag:$0x3], $0x80, s22, s26, $0xb8;
	[tilespmem:$0x1B500] =	vst v63  }
0x6d: {  	_ =	swait.ge [sflag:s28], $0x2800  }
0x6e: {  	[sflag:s28] =	ssyncset.done $0x0  }
0x6f: {  	[sflag:s28] =	ssyncadd.s32 $0xFFFFD800  }
0x70: {  	_ =	swait.ge [sflag:s28], $0x50  }
0x71: {  	[sflag:s28] =	ssyncset.done $0x0  }
0x72: {  	[sflag:s28] =	ssyncadd.s32 $0xFFFFFFB0  }
0x73: {  	_ =	swait.ge [sflag:s29], $0x2800  }
0x74: {  	[sflag:s29] =	ssyncset.done $0x0  }
0x75: {  	[sflag:s29] =	ssyncadd.s32 $0xFFFFD800  }
0x76: {  	[spmem:s1] =	stream.indirect.scatter.add.f32 [tilespmem:s24], [sflag:$0x4], $0x80, s25, s26, $0xb8;
	[tilespmem:$0x1B500] =	vst v63  }
0x77: {  	_ =	swait.ge [sflag:s30], $0x2800  }
0x78: {  	[sflag:s30] =	ssyncset.done $0x0  }
0x79: {  	s12 =	rddreg [dreg:$0x6];
	[sflag:s30] =	ssyncadd.s32 $0xFFFFD800  }
0x7a: {  	[tilespmem:s7], [sflag:$0x1] =	stream.linear.gather [hbm4b:s12+s7], $0x2800, $0x38;
	[tilespmem:$0x1B500] =	vst v63  }
0x7b: {  	_ = 	snop  }
0x7c: {  	[tilespmem:s22], [sflag:$0x1] =	stream.linear.gather [hbm4b:s11+s7], $0x50, $0x38;
	[tilespmem:$0x1B500] =	vst v63  }
0x7d: {  	_ =	swait.ge [sflag:s23], $0x2800  }
0x7e: {  	[sflag:s23] =	ssyncset.done $0x0  }
0x7f: {  	[sflag:s23] =	ssyncadd.s32 $0xFFFFD800  }
0x80: {  	_ =	swait.ge [sflag:s23], $0x50  }
0x81: {  	[sflag:s23] =	ssyncset.done $0x0  }
0x82: {  	[sflag:s23] =	ssyncadd.s32 $0xFFFFFFB0  }
0x83: {  	[spmem:s1] =	stream.indirect.scatter.add.f32 [tilespmem:s7], [sflag:$0x3], $0x80, s22, s26, $0xb8;
	[tilespmem:$0x1B500] =	vst v63  }
0x84: {  	_ =	swait.ge [sflag:s29], $0x2800  }
0x85: {  	[sflag:s29] =	ssyncset.done $0x0  }
0x86: {  	[sflag:s29] =	ssyncadd.s32 $0xFFFFD800  }
0x87: {  	[bflag:$0x0] =	sbarrier.arrive $0xFFFF  }
0x88: {  	s17 =	rddreg [dreg:$0x7]  }
0x89: {  	[hbm:s17], [sflag:s0] =	dma.local [spmem:s3], $0x2780  }
0x8a: {  	_ =	swait.ge [sflag:s21], $0x2780  }
0x8b: {  	[sflag:s21] =	ssyncset.done $0x0  }
0x8c: {  	[sflag:s21] =	ssyncadd.s32 $0xFFFFD880  }
0x8d: {  	[bflag:$0x0] =	sbarrier.arrive $0xFFFF  }
0x8e: {  	[spmem:s3], [sflag:s0] =	dma.local [hbm:s5], $0x2780  }
0x8f: {  	_ =	swait.ge [sflag:s21], $0x2780  }
0x90: {  	[sflag:s21] =	ssyncset.done $0x0  }
0x91: {  	[sflag:s21] =	ssyncadd.s32 $0xFFFFD880  }
0x92: {  	[bflag:$0x0] =	sbarrier.arrive $0xFFFF  }
0x93: {  	[tilespmem:s22], [sflag:$0x1] =	stream.linear.gather [hbm4b:s9+s7], $0x50, $0x38;
	[tilespmem:$0x1B500] =	vst v63  }
0x94: {  	_ =	swait.ge [sflag:s23], $0x50  }
0x95: {  	[sflag:s23] =	ssyncset.done $0x0  }
0x96: {  	s18 =	sadd.s32 $0x0, s19;
	[sflag:s23] =	ssyncadd.s32 $0xFFFFFFB0  }
0x97: {  	[tilespmem:s25], [sflag:$0x2] =	stream.linear.gather [hbm4b:s18+s2], $0x50, $0x38;
	[tilespmem:$0x1B500] =	vst v63  }
0x98: {  	_ = 	snop  }
0x99: {  	[spmem:s1] =	stream.indirect.scatter.add.f32 [tilespmem:s20], [sflag:$0x3], $0x80, s22, s26, $0xb8;
	[tilespmem:$0x1B500] =	vst v63  }
0x9a: {  	_ =	swait.ge [sflag:s28], $0x50  }
0x9b: {  	[sflag:s28] =	ssyncset.done $0x0  }
0x9c: {  	[sflag:s28] =	ssyncadd.s32 $0xFFFFFFB0  }
0x9d: {  	_ =	swait.ge [sflag:s29], $0x2800  }
0x9e: {  	[sflag:s29] =	ssyncset.done $0x0  }
0x9f: {  	[sflag:s29] =	ssyncadd.s32 $0xFFFFD800  }
0xa0: {  	[tilespmem:s22], [sflag:$0x1] =	stream.linear.gather [hbm4b:s6+s2], $0x50, $0x38;
	[tilespmem:$0x1B500] =	vst v63  }
0xa1: {  	_ = 	snop  }
0xa2: {  	[spmem:s1] =	stream.indirect.scatter.add.f32 [tilespmem:s20], [sflag:$0x4], $0x80, s25, s26, $0xb8;
	[tilespmem:$0x1B500] =	vst v63  }
0xa3: {  	_ =	swait.ge [sflag:s30], $0x2800  }
0xa4: {  	s7 =	smov.u32 s10;
	s6 =	simm.s32 $0x14;
	[sflag:s30] =	ssyncset.done $0x0  }
.LBB2_4:
0xa5: {  	p0 =	sne.s32 s6, $0x4B0;
	[sflag:s30] =	ssyncadd.s32 $0xFFFFD800;
	s7 =	sadd.s32 $0xA0, s7  }
0xa6: {  	s12 =	smov.u32 s6;
	s6 =	sadd.s32 $0x14, s6  }
0xa7: {  	_ =	swait.ge [sflag:s23], $0x50  }
0xa8: {  	[sflag:s23] =	ssyncset.done $0x0  }
0xa9: {  	s12 =	sadd.s32 s12, s19;
	[sflag:s23] =	ssyncadd.s32 $0xFFFFFFB0  }
0xaa: {  	[tilespmem:s25], [sflag:$0x2] =	stream.linear.gather [hbm4b:s12+s2], $0x50, $0x38;
	[tilespmem:$0x1B500] =	vst v63  }
0xab: {  	_ = 	snop  }
0xac: {  	[spmem:s1] =	stream.indirect.scatter.add.f32 [tilespmem:s20], [sflag:$0x3], $0x80, s22, s26, $0xb8;
	[tilespmem:$0x1B500] =	vst v63  }
0xad: {  	_ =	swait.ge [sflag:s28], $0x50  }
0xae: {  	[sflag:s28] =	ssyncset.done $0x0  }
0xaf: {  	[sflag:s28] =	ssyncadd.s32 $0xFFFFFFB0  }
0xb0: {  	_ =	swait.ge [sflag:s29], $0x2800  }
0xb1: {  	s12 =	sshrl.u32 s7, $0x3;
	[sflag:s29] =	ssyncset.done $0x0  }
0xb2: {  	s12 =	sadd.s32 s4, s12;
	[sflag:s29] =	ssyncadd.s32 $0xFFFFD800  }
0xb3: {  	[tilespmem:s22], [sflag:$0x1] =	stream.linear.gather [hbm4b:s12+s2], $0x50, $0x38;
	[tilespmem:$0x1B500] =	vst v63  }
.Ltmp1:
0xb4: {  	_ = 	snop;
	(pc) =	sbr.rel @p0 .LBB2_4-.Ltmp1, $4  }
0xb5: {  	_ = 	snop  }
0xb6: {  	[spmem:s1] =	stream.indirect.scatter.add.f32 [tilespmem:s20], [sflag:$0x4], $0x80, s25, s26, $0xb8;
	[tilespmem:$0x1B500] =	vst v63  }
0xb7: {  	_ =	swait.ge [sflag:s30], $0x2800  }
0xb8: {  	[sflag:s30] =	ssyncset.done $0x0  }
0xb9: {  	[sflag:s30] =	ssyncadd.s32 $0xFFFFD800  }
0xba: {  	_ =	swait.ge [sflag:s23], $0x50  }
0xbb: {  	[sflag:s23] =	ssyncset.done $0x0  }
0xbc: {  	[sflag:s23] =	ssyncadd.s32 $0xFFFFFFB0  }
0xbd: {  	[tilespmem:s25], [sflag:$0x2] =	stream.linear.gather [hbm4b:s16+s2], $0x50, $0x38;
	[tilespmem:$0x1B500] =	vst v63  }
0xbe: {  	_ = 	snop  }
0xbf: {  	[spmem:s1] =	stream.indirect.scatter.add.f32 [tilespmem:s20], [sflag:$0x3], $0x80, s22, s26, $0xb8;
	[tilespmem:$0x1B500] =	vst v63  }
0xc0: {  	_ =	swait.ge [sflag:s28], $0x50  }
0xc1: {  	[sflag:s28] =	ssyncset.done $0x0  }
0xc2: {  	[sflag:s28] =	ssyncadd.s32 $0xFFFFFFB0  }
0xc3: {  	_ =	swait.ge [sflag:s29], $0x2800  }
0xc4: {  	[sflag:s29] =	ssyncset.done $0x0  }
0xc5: {  	[sflag:s29] =	ssyncadd.s32 $0xFFFFD800  }
0xc6: {  	[spmem:s1] =	stream.indirect.scatter.add.f32 [tilespmem:s20], [sflag:$0x4], $0x80, s25, s26, $0xb8;
	[tilespmem:$0x1B500] =	vst v63  }
0xc7: {  	_ =	swait.ge [sflag:s30], $0x2800  }
0xc8: {  	[sflag:s30] =	ssyncset.done $0x0  }
0xc9: {  	[sflag:s30] =	ssyncadd.s32 $0xFFFFD800  }
0xca: {  	[tilespmem:s22], [sflag:$0x1] =	stream.linear.gather [hbm4b:s11+s2], $0x50, $0x38;
	[tilespmem:$0x1B500] =	vst v63  }
0xcb: {  	_ =	swait.ge [sflag:s23], $0x50  }
0xcc: {  	[sflag:s23] =	ssyncset.done $0x0  }
0xcd: {  	[sflag:s23] =	ssyncadd.s32 $0xFFFFFFB0  }
0xce: {  	[spmem:s1] =	stream.indirect.scatter.add.f32 [tilespmem:s20], [sflag:$0x3], $0x80, s22, s26, $0xb8;
	[tilespmem:$0x1B500] =	vst v63  }
0xcf: {  	_ =	swait.ge [sflag:s29], $0x2800  }
0xd0: {  	[sflag:s29] =	ssyncset.done $0x0  }
0xd1: {  	s31 =	sadd.s32 $0x1, s31;
	[sflag:s29] =	ssyncadd.s32 $0xFFFFD800  }
0xd2: {  	p0 =	sne.s32 s31, s14;
	[bflag:$0x0] =	sbarrier.arrive $0xFFFF  }
.Ltmp2:
0xd3: {  	s6 =	rddreg [dreg:$0x8];
	(pc) =	sbr.rel @p0 .LBB2_1-.Ltmp2, $4  }
0xd4: {  	[hbm:s6], [sflag:s0] =	dma.local [spmem:s3], $0x2780  }
0xd5: {  	_ =	swait.ge [sflag:s21], $0x2780  }
0xd6: {  	[sflag:s21] =	ssyncset.done $0x0  }
0xd7: {  	[sflag:s21] =	ssyncadd.s32 $0xFFFFD880  }
0xd8: {  	_ =	sfence.sel $0x180000  }
0xd9: {  	[bflag:$0x0] =	sbarrier.arrive $0xFFFF  }
0xda: {  	_ =	strace $0x90000050  }
0xdb: {  	s0 =	stileid.u32;
	[bflag:$0x2] =	sbarrier.arrive $0xFFFF  }
0xdc: {  	p0 =	sne.s32 s0, $0x0;
	s0 =	rddreg [dreg:$0x2]  }
0xdd: {  	s0 =	sadd.s32 @!p0 $0x100000, s0  }
0xde: {  	[sflag:s0] =	ssyncadd.tile.s32 @!p0 $0x1;
	_ =	shalt  }
.Lfunc_end2:
_tile_overlayer_lowered:
.L_overlay_start_2:
0xdf: {  	(tag) =	ssettag $0x2  }
0xe0: {  	s0 =	rddreg [dreg:$0x0];
	s2 =	stileid.u32  }
0xe1: {  	s1 =	rddreg [dreg:$0x1];
	p0 =	sne.s32 s2, $0x0  }
0xe2: {  	s3 =	rddreg [dreg:$0x2];
	[bflag:$0x3] =	sbarrier.arrive $0xFFFF;
	s2 =	simm.s32 @!p0 $0x1C05  }
0xe3: {  	[timem:s3], [sflag:s2] =	dma.local @!p0 [hbm:s0], s1  }
0xe4: {  	s0 =	simm.s32 @!p0 $0x5  }
0xe5: {  	_ =	swait.ge @!p0 [sflag:s0], s1  }
0xe6: {  	s1 =	ssub.s32 @!p0 $0x0, s1;
	[sflag:s0] =	ssyncset.done @!p0 $0x0  }
0xe7: {  	[sflag:s0] =	ssyncadd.s32 @!p0 s1  }
0xe8: {  	[bflag:$0x3] =	sbarrier.arrive $0xFFFF  }
0xe9: {  	_ =	shalt  }

</sc_bundles>
